<compile_context>
chip_gen: v7x
topology: tpu7x:2x2x1
jax: 0.10.2.dev20260603
libtpu: 0.0.44.dev20260713+nightly
codegen_flags: <defaults>
</compile_context>

<pallas_src>
import functools

import jax
import jax.numpy as jnp
from jax import lax
from jax.experimental import pallas as pl
from jax.experimental.pallas import tpu as pltpu
from jax.experimental.pallas import tpu_sc as plsc

N = 5000
TOPK = 50
IOU_THRESH = 0.5

L = 16
NTILES = 16
NPAD = 5120
CHUNK = NPAD // NTILES
NVREG = CHUNK // L
LAST = N - (NTILES - 1) * CHUNK
NEG = float("-inf")
BIG = 1 << 30


def _nms_body(bxh, sch, outh, bb, scl, pub, loc, outv, sh, sem):
    cid = lax.axis_index("c")
    tid = lax.axis_index("s")

    @pl.when(cid == 0)
    def _():
        base = tid * CHUNK
        lanes = jnp.arange(L, dtype=jnp.int32)
        negs = jnp.full((L,), NEG, jnp.float32)

        cp = pltpu.async_copy(bxh, bb.at[pl.ds(0, 4 * N)], sem)

        @pl.when(tid < NTILES - 1)
        def _():
            pltpu.sync_copy(sch.at[pl.ds(base, CHUNK)], scl)

        @pl.when(tid == NTILES - 1)
        def _():
            pltpu.sync_copy(sch.at[pl.ds((NTILES - 1) * CHUNK, LAST)],
                            scl.at[pl.ds(0, LAST)])

        @pl.when(tid == 0)
        def _():
            zeros = jnp.zeros((L,), jnp.float32)
            for r in range(64):
                outv[pl.ds(r * L, L)] = zeros

        def top3_reduce(b1v, b1i, b2v, b2i, b3v, b3i):
            mv1 = jnp.max(b1v, axis=0)
            li1 = jnp.min(jnp.where(b1v == mv1, b1i, BIG), axis=0)
            w1 = (b1v == mv1) & (b1i == li1)
            c2v = jnp.where(w1, b2v, b1v)
            c2i = jnp.where(w1, b2i, b1i)
            mv2 = jnp.max(c2v, axis=0)
            li2 = jnp.min(jnp.where(c2v == mv2, c2i, BIG), axis=0)
            w2 = (c2v == mv2) & (c2i == li2)
            c3v = jnp.where(w2, jnp.where(w1, b3v, b2v), c2v)
            c3i = jnp.where(w2, jnp.where(w1, b3i, b2i), c2i)
            mv3 = jnp.max(c3v, axis=0)
            li3 = jnp.min(jnp.where(c3v == mv3, c3i, BIG), axis=0)
            return mv1, li1, mv2, li2, mv3, li3

        def publish(mv1, li1, mv2, li2, mv3, li3, slot):
            li2c = jnp.minimum(li2, NPAD - 1)
            li3c = jnp.minimum(li3, NPAD - 1)
            pub[...] = jnp.where(
                lanes == 0, jnp.full((L,), mv1, jnp.float32),
                jnp.where(lanes == 1,
                          jnp.full((L,), li1.astype(jnp.float32), jnp.float32),
                jnp.where(lanes == 2, jnp.full((L,), mv2, jnp.float32),
                jnp.where(lanes == 3,
                          jnp.full((L,), li2c.astype(jnp.float32), jnp.float32),
                jnp.where(lanes == 4, jnp.full((L,), mv3, jnp.float32),
                jnp.where(lanes == 5,
                          jnp.full((L,), li3c.astype(jnp.float32), jnp.float32),
                          jnp.zeros((L,), jnp.float32)))))))
            pltpu.sync_copy(pub.at[pl.ds(0, 8)],
                            sh.at[pl.ds(slot * (NTILES * 8) + tid * 8, 8)])

        def coords(idx_splat4):
            x1 = plsc.load_gather(bb, [idx_splat4])
            y1 = plsc.load_gather(bb, [idx_splat4 + 1])
            x2 = plsc.load_gather(bb, [idx_splat4 + 2])
            y2 = plsc.load_gather(bb, [idx_splat4 + 3])
            return x1, y1, x2, y2, (x2 - x1) * (y2 - y1)

        def iou_vs(ax1, ay1, ax2, ay2, aarea, x1, y1, x2, y2):
            a = (x2 - x1) * (y2 - y1)
            w = jnp.maximum(jnp.minimum(ax2, x2) - jnp.maximum(ax1, x1), 0.0)
            h = jnp.maximum(jnp.minimum(ay2, y2) - jnp.maximum(ay1, y1), 0.0)
            inter = w * h
            return inter / (aarea + a - inter + jnp.float32(1e-8))

        svs = []
        for j in range(NVREG):
            v = scl[pl.ds(j * L, L)]
            svs.append(jnp.where(lanes + (base + j * L) < N, v, negs))

        def top3_update(v, ci, b1v, b1i, b2v, b2i, b3v, b3i):
            u1 = v > b1v
            nb1v = jnp.where(u1, v, b1v)
            nb1i = jnp.where(u1, ci, b1i)
            dv = jnp.where(u1, b1v, v)
            di = jnp.where(u1, b1i, ci)
            u2 = dv > b2v
            nb2v = jnp.where(u2, dv, b2v)
            nb2i = jnp.where(u2, di, b2i)
            ev = jnp.where(u2, b2v, dv)
            ei = jnp.where(u2, b2i, di)
            u3 = ev > b3v
            nb3v = jnp.where(u3, ev, b3v)
            nb3i = jnp.where(u3, ei, b3i)
            return nb1v, nb1i, nb2v, nb2i, nb3v, nb3i

        def local_top3(svs):
            b1v = b2v = b3v = negs
            b1i = b2i = b3i = lanes + base
            for j in range(NVREG):
                ci = lanes + (base + j * L)
                b1v, b1i, b2v, b2i, b3v, b3i = top3_update(
                    svs[j], ci, b1v, b1i, b2v, b2i, b3v, b3i)
            return b1v, b1i, b2v, b2i, b3v, b3i

        publish(*(top3_reduce(*local_top3(svs)) + (0,)))
        cp.wait()
        plsc.subcore_barrier()

        def round_body(carry):
            steps, rnd = carry[0], carry[1]
            svs = list(carry[2:])
            slot = lax.rem(rnd, 2)
            nslot = lax.rem(rnd + 1, 2)

            pltpu.sync_copy(sh.at[pl.ds(slot * (NTILES * 8), NTILES * 8)], loc)
            v1s = plsc.load_gather(loc, [lanes * 8])
            i1s = plsc.load_gather(loc, [lanes * 8 + 1]).astype(jnp.int32)
            v2s = plsc.load_gather(loc, [lanes * 8 + 2])
            i2s = plsc.load_gather(loc, [lanes * 8 + 3]).astype(jnp.int32)
            v3s = plsc.load_gather(loc, [lanes * 8 + 4])
            i3s = plsc.load_gather(loc, [lanes * 8 + 5]).astype(jnp.int32)

            mA = jnp.max(v1s, axis=0)
            liA = jnp.min(jnp.where(v1s == mA, i1s, BIG), axis=0)
            validA = mA > NEG
            Ax1, Ay1, Ax2, Ay2, Aar = coords(jnp.full((L,), liA * 4, jnp.int32))

            liAs = jnp.full((L,), liA, jnp.int32)
            c1x1, c1y1, c1x2, c1y2, _ = coords(i1s * 4)
            c2x1, c2y1, c2x2, c2y2, _ = coords(i2s * 4)
            c3x1, c3y1, c3x2, c3y2, _ = coords(i3s * 4)
            k1 = (iou_vs(Ax1, Ay1, Ax2, Ay2, Aar, c1x1, c1y1, c1x2, c1y2)
                  >= IOU_THRESH) | (i1s == liAs)
            k2 = (iou_vs(Ax1, Ay1, Ax2, Ay2, Aar, c2x1, c2y1, c2x2, c2y2)
                  >= IOU_THRESH) | (i2s == liAs)
            k3 = (iou_vs(Ax1, Ay1, Ax2, Ay2, Aar, c3x1, c3y1, c3x2, c3y2)
                  >= IOU_THRESH) | (i3s == liAs)
            candv = jnp.where(~k1, v1s,
                              jnp.where(~k2, v2s, jnp.where(~k3, v3s, negs)))
            candi = jnp.where(~k1, i1s, jnp.where(~k2, i2s, i3s))
            unres = k1 & k2 & k3
            mB = jnp.max(candv, axis=0)
            bound = jnp.max(jnp.where(unres, v3s, negs), axis=0)
            liB = jnp.min(jnp.where(candv == mB, candi, BIG), axis=0)
            doB = mB > bound
            liBs = jnp.where(doB, liB, 0)
            Bx1, By1, Bx2, By2, Bar = coords(jnp.full((L,), liBs * 4,
                                                      jnp.int32))
            doBv = jnp.full((L,), doB, jnp.bool_)

            liBsv = jnp.full((L,), liBs, jnp.int32)
            k1B = (iou_vs(Bx1, By1, Bx2, By2, Bar, c1x1, c1y1, c1x2, c1y2)
                   >= IOU_THRESH) | (i1s == liBsv)
            k2B = (iou_vs(Bx1, By1, Bx2, By2, Bar, c2x1, c2y1, c2x2, c2y2)
                   >= IOU_THRESH) | (i2s == liBsv)
            k3B = (iou_vs(Bx1, By1, Bx2, By2, Bar, c3x1, c3y1, c3x2, c3y2)
                   >= IOU_THRESH) | (i3s == liBsv)
            a1 = ~k1 & ~k1B
            a2 = ~k2 & ~k2B
            a3 = ~k3 & ~k3B
            cCv = jnp.where(a1, v1s, jnp.where(a2, v2s,
                                               jnp.where(a3, v3s, negs)))
            cCi = jnp.where(a1, i1s, jnp.where(a2, i2s, i3s))
            unresC = (~a1) & (~a2) & (~a3)
            mC = jnp.max(cCv, axis=0)
            boundC = jnp.max(jnp.where(unresC, v3s, negs), axis=0)
            liC = jnp.min(jnp.where(cCv == mC, cCi, BIG), axis=0)
            doC = doB & (mC > boundC)
            liCs = jnp.where(doC, liC, 0)
            Cx1, Cy1, Cx2, Cy2, Car = coords(jnp.full((L,), liCs * 4,
                                                      jnp.int32))
            doCv = jnp.full((L,), doC, jnp.bool_)

            b1v = b2v = b3v = negs
            b1i = b2i = b3i = lanes + base
            for j in range(NVREG):
                ci = lanes + (base + j * L)
                c4 = ci * 4
                x1 = plsc.load_gather(bb, [c4])
                y1 = plsc.load_gather(bb, [c4 + 1])
                x2 = plsc.load_gather(bb, [c4 + 2])
                y2 = plsc.load_gather(bb, [c4 + 3])
                killA = (iou_vs(Ax1, Ay1, Ax2, Ay2, Aar, x1, y1, x2, y2)
                         >= IOU_THRESH) | (ci == liAs)
                killB = (iou_vs(Bx1, By1, Bx2, By2, Bar, x1, y1, x2, y2)
                         >= IOU_THRESH) | (ci == liBsv)
                killC = (iou_vs(Cx1, Cy1, Cx2, Cy2, Car, x1, y1, x2, y2)
                         >= IOU_THRESH) | (ci == jnp.full((L,), liCs,
                                                          jnp.int32))
                kill = killA | (doBv & killB) | (doCv & killC)
                v = jnp.where(kill, negs, svs[j])
                svs[j] = v
                b1v, b1i, b2v, b2i, b3v, b3i = top3_update(
                    v, ci, b1v, b1i, b2v, b2i, b3v, b3i)

            publish(*(top3_reduce(b1v, b1i, b2v, b2i, b3v, b3i) + (nslot,)))

            @pl.when(validA & (tid == 0))
            def _():
                zero = jnp.zeros((L,), jnp.float32)
                rowA = jnp.where(
                    lanes == 0, Ax1,
                    jnp.where(lanes == 1, Ay1,
                              jnp.where(lanes == 2, Ax2,
                                        jnp.where(lanes == 3, Ay2,
                                                  jnp.where(lanes == 4,
                                                            jnp.full((L,), mA,
                                                                     jnp.float32),
                                                            zero)))))
                outv[pl.ds(steps * L, L)] = rowA

                @pl.when(doB)
                def _():
                    rowB = jnp.where(
                        lanes == 0, Bx1,
                        jnp.where(lanes == 1, By1,
                                  jnp.where(lanes == 2, Bx2,
                                            jnp.where(lanes == 3, By2,
                                                      jnp.where(lanes == 4,
                                                                jnp.full((L,), mB,
                                                                         jnp.float32),
                                                                zero)))))
                    outv[pl.ds((steps + 1) * L, L)] = rowB

                @pl.when(doC)
                def _():
                    rowC = jnp.where(
                        lanes == 0, Cx1,
                        jnp.where(lanes == 1, Cy1,
                                  jnp.where(lanes == 2, Cx2,
                                            jnp.where(lanes == 3, Cy2,
                                                      jnp.where(lanes == 4,
                                                                jnp.full((L,), mC,
                                                                         jnp.float32),
                                                                zero)))))
                    outv[pl.ds((steps + 2) * L, L)] = rowC

            plsc.subcore_barrier()
            nsteps = steps + jnp.where(doC, 3, jnp.where(doB, 2, 1)).astype(jnp.int32)
            return tuple([nsteps, rnd + 1] + svs)

        def round_cond(carry):
            return carry[0] < TOPK

        init = tuple([jnp.int32(0), jnp.int32(0)] + svs)
        lax.while_loop(round_cond, round_body, init)

        @pl.when(tid == 0)
        def _():
            pltpu.sync_copy(outv, outh)


_nms_call = pl.kernel(
    _nms_body,
    out_type=jax.ShapeDtypeStruct((64 * L,), jnp.float32),
    mesh=plsc.VectorSubcoreMesh(core_axis_name="c", subcore_axis_name="s"),
    compiler_params=pltpu.CompilerParams(needs_layout_passes=False),
    scratch_types=[
        pltpu.VMEM((4 * NPAD,), jnp.float32),
        pltpu.VMEM((CHUNK,), jnp.float32),
        pltpu.VMEM((L,), jnp.float32),
        pltpu.VMEM((NTILES * 8,), jnp.float32),
        pltpu.VMEM((64 * L,), jnp.float32),
        pltpu.VMEM_SHARED((2 * NTILES * 8,), jnp.float32),
        pltpu.SemaphoreType.DMA,
    ],
)


@jax.jit
def kernel(boxes, scores):
    out = _nms_call(boxes.reshape(-1), scores)
    return out.reshape(64, L)[:TOPK, :5]

# --- scband reference (transcript-rebuilt; emitter-appended) ---
"""Pipeline reference for scband-model-6605659701443 (READ-ONLY COPY).

The authoritative reference and input builder live on the scoring server;
editing this copy changes nothing except your own understanding.
"""

import jax, jax.numpy as jnp
import numpy as np

N = 5000
TOPK = 50          # post_nms_topN from the original module
IOU_THRESH = 0.5   # connection/suppression threshold


def setup_inputs(seed: int = 0) -> dict:
    key = jax.random.key(seed)
    k1, k2, k3 = jax.random.split(key, 3)
    # build valid boxes (x1, y1, x2, y2) inside a 512x512 frame
    cxcy = jax.random.uniform(k1, (N, 2), minval=16.0, maxval=496.0)
    wh = jax.random.uniform(k2, (N, 2), minval=8.0, maxval=128.0)
    boxes = jnp.concatenate([cxcy - wh / 2.0, cxcy + wh / 2.0], axis=1).astype(jnp.float32)
    scores = jax.random.uniform(k3, (N,), dtype=jnp.float32)
    return {"boxes": boxes, "scores": scores}


def _pairwise_iou(a, b):
    area_a = (a[:, 2] - a[:, 0]) * (a[:, 3] - a[:, 1])
    area_b = (b[:, 2] - b[:, 0]) * (b[:, 3] - b[:, 1])
    lt = jnp.maximum(a[:, None, :2], b[None, :, :2])
    rb = jnp.minimum(a[:, None, 2:], b[None, :, 2:])
    wh = jnp.clip(rb - lt, 0.0)
    inter = wh[..., 0] * wh[..., 1]
    return inter / (area_a[:, None] + area_b[None, :] - inter + 1e-8)


def reference(boxes, scores):
    n = boxes.shape[0]
    # sort proposals by actioness/score descending (selection is non-differentiable)
    order = jnp.argsort(-jax.lax.stop_gradient(scores))
    b = jnp.take(boxes, order, axis=0)
    s = jnp.take(scores, order, axis=0)

    iou = _pairwise_iou(b, b)
    s_sg = jax.lax.stop_gradient(s)
    iou_sg = jax.lax.stop_gradient(iou)

    def step(suppressed, _):
        masked = jnp.where(suppressed, -jnp.inf, s_sg)
        idx = jnp.argmax(masked)
        valid = jnp.logical_not(suppressed[idx])
        kept_idx = jnp.where(valid, idx.astype(jnp.int32), jnp.int32(-1))
        new_sup = jnp.logical_or(suppressed, iou_sg[idx] >= IOU_THRESH)
        new_sup = new_sup.at[idx].set(True)
        suppressed = jnp.where(valid, new_sup, suppressed)
        return suppressed, kept_idx

    suppressed0 = jnp.zeros((n,), dtype=bool)
    _, keep = jax.lax.scan(step, suppressed0, jnp.arange(TOPK))

    safe = jnp.maximum(keep, 0)
    mask = (keep >= 0)[:, None].astype(b.dtype)
    kept_boxes = jnp.take(b, safe, axis=0)
    kept_scores = jnp.take(s, safe, axis=0)[:, None]
    out = jnp.concatenate([kept_boxes, kept_scores], axis=1) * mask  # [TOPK, 5]
    return out

if __name__ == "__main__":
    import jax
    _d = setup_inputs()
    print(jax.jit(kernel)(*tuple(_d.values())))

</pallas_src>

<mosaic_0001>
#map = affine_map<(d0, d1) -> (0)>
module attributes {stable_mosaic.version = 14 : i64} {
  func.func @_nms_body(%arg0: i32, %arg1: i32, %arg2: memref<20000xf32, #tpu.memory_space<hbm>>, %arg3: memref<5000xf32, #tpu.memory_space<hbm>>, %arg4: memref<1024xf32, #tpu.memory_space<hbm>>, %arg5: memref<20480xf32, #tpu.memory_space<vmem>>, %arg6: memref<320xf32, #tpu.memory_space<vmem>>, %arg7: memref<16xf32, #tpu.memory_space<vmem>>, %arg8: memref<128xf32, #tpu.memory_space<vmem>>, %arg9: memref<1024xf32, #tpu.memory_space<vmem>>, %arg10: memref<256xf32, #tpu.memory_space<vmem_shared>>, %arg11: memref<!tpu.dma_semaphore, #tpu.memory_space<semaphore_mem>>) attributes {dimension_semantics = [#tpu.dimension_semantics<core_parallel>, #tpu.dimension_semantics<subcore_parallel>], iteration_bounds = array<i64: 2, 16>, scalar_prefetch = 0 : i64, scratch_operands = 7 : i64, tpu.core_type = #tpu.core_type<sc_vector_subcore>, window_params = [{transform_indices = #map}, {transform_indices = #map}, {transform_indices = #map}]} {
    %eq3A = arith.constant 0 : i32
    %eq3A_0 = arith.cmpi eq, %arg0, %eq3A : i32
    %convert_element_type3A = arith.extui %eq3A_0 : i1 to i32
    %cond3A = arith.constant 0 : i32
    %cond3A_1 = arith.cmpi ne, %convert_element_type3A, %cond3A : i32
    scf.if %cond3A_1 {
      %mul3A = arith.constant 320 : i32
      %mul3A_2 = arith.muli %arg1, %mul3A : i32
      %iota3A = tpu.iota {dimensions = array<i32: 0>} : vector<16xi32>
      %broadcast_in_dim3A = arith.constant 0xFF800000 : f32
      %broadcast_in_dim3A_3 = vector.broadcast %broadcast_in_dim3A : f32 to vector<16xf32>
      %dma_start3A = arith.constant 0 : i32
      %dma_start3A_4 = tpu.memref_slice %arg5[%dma_start3A] : memref<20480xf32, #tpu.memory_space<vmem>> -> memref<20000xf32, #tpu.memory_space<vmem>>
      %dma_start3A_5 = arith.constant 0 : i32
      %dma_start3A_6 = tpu.memref_slice %arg5[%dma_start3A_5] : memref<20480xf32, #tpu.memory_space<vmem>> -> memref<20000xf32, #tpu.memory_space<vmem>>
      tpu.enqueue_dma source(%arg2 : memref<20000xf32, #tpu.memory_space<hbm>>) target(%dma_start3A_6 : memref<20000xf32, #tpu.memory_space<vmem>>) target_semaphore(%arg11 : memref<!tpu.dma_semaphore, #tpu.memory_space<semaphore_mem>>)
      %lt3A = arith.constant 15 : i32
      %lt3A_7 = arith.cmpi slt, %arg1, %lt3A : i32
      %convert_element_type3A_8 = arith.extui %lt3A_7 : i1 to i32
      %cond3A_9 = arith.constant 0 : i32
      %cond3A_10 = arith.cmpi ne, %convert_element_type3A_8, %cond3A_9 : i32
      scf.if %cond3A_10 {
        "tpu.region"() ({
          %run_scoped3A = tpu.sem_alloc : memref<!tpu.dma_semaphore, #tpu.memory_space<semaphore_mem>>
          %dma_start3A_675 = tpu.memref_slice %arg3[%mul3A_2] : memref<5000xf32, #tpu.memory_space<hbm>> -> memref<320xf32, #tpu.memory_space<hbm>>
          %dma_start3A_676 = tpu.memref_slice %arg3[%mul3A_2] : memref<5000xf32, #tpu.memory_space<hbm>> -> memref<320xf32, #tpu.memory_space<hbm>>
          tpu.enqueue_dma source(%dma_start3A_676 : memref<320xf32, #tpu.memory_space<hbm>>) target(%arg6 : memref<320xf32, #tpu.memory_space<vmem>>) target_semaphore(%run_scoped3A : memref<!tpu.dma_semaphore, #tpu.memory_space<semaphore_mem>>)
          %dma_wait3A_677 = tpu.memref_slice %arg3[%mul3A_2] : memref<5000xf32, #tpu.memory_space<hbm>> -> memref<320xf32, #tpu.memory_space<hbm>>
          %dma_wait3A_678 = tpu.memref_slice %arg3[%mul3A_2] : memref<5000xf32, #tpu.memory_space<hbm>> -> memref<320xf32, #tpu.memory_space<hbm>>
          tpu.wait_dma2 semaphore(%run_scoped3A : memref<!tpu.dma_semaphore, #tpu.memory_space<semaphore_mem>>) src(%dma_wait3A_678 : memref<320xf32, #tpu.memory_space<hbm>>) dst(%arg6 : memref<320xf32, #tpu.memory_space<vmem>>)
          tpu.yield
        }) : () -> ()
      } else {
      }
      %eq3A_11 = arith.constant 15 : i32
      %eq3A_12 = arith.cmpi eq, %arg1, %eq3A_11 : i32
      %convert_element_type3A_13 = arith.extui %eq3A_12 : i1 to i32
      %cond3A_14 = arith.constant 0 : i32
      %cond3A_15 = arith.cmpi ne, %convert_element_type3A_13, %cond3A_14 : i32
      scf.if %cond3A_15 {
        "tpu.region"() ({
          %run_scoped3A = tpu.sem_alloc : memref<!tpu.dma_semaphore, #tpu.memory_space<semaphore_mem>>
          %dma_start3A_675 = arith.constant 0 : i32
          %dma_start3A_676 = tpu.memref_slice %arg6[%dma_start3A_675] : memref<320xf32, #tpu.memory_space<vmem>> -> memref<200xf32, #tpu.memory_space<vmem>>
          %dma_start3A_677 = arith.constant 4800 : i32
          %dma_start3A_678 = tpu.memref_slice %arg3[%dma_start3A_677] : memref<5000xf32, #tpu.memory_space<hbm>> -> memref<200xf32, #tpu.memory_space<hbm>>
          %dma_start3A_679 = arith.constant 0 : i32
          %dma_start3A_680 = tpu.memref_slice %arg6[%dma_start3A_679] : memref<320xf32, #tpu.memory_space<vmem>> -> memref<200xf32, #tpu.memory_space<vmem>>
          %dma_start3A_681 = arith.constant 4800 : i32
          %dma_start3A_682 = tpu.memref_slice %arg3[%dma_start3A_681] : memref<5000xf32, #tpu.memory_space<hbm>> -> memref<200xf32, #tpu.memory_space<hbm>>
          tpu.enqueue_dma source(%dma_start3A_682 : memref<200xf32, #tpu.memory_space<hbm>>) target(%dma_start3A_680 : memref<200xf32, #tpu.memory_space<vmem>>) target_semaphore(%run_scoped3A : memref<!tpu.dma_semaphore, #tpu.memory_space<semaphore_mem>>)
          %dma_wait3A_683 = arith.constant 0 : i32
          %dma_wait3A_684 = tpu.memref_slice %arg6[%dma_wait3A_683] : memref<320xf32, #tpu.memory_space<vmem>> -> memref<200xf32, #tpu.memory_space<vmem>>
          %dma_wait3A_685 = arith.constant 4800 : i32
          %dma_wait3A_686 = tpu.memref_slice %arg3[%dma_wait3A_685] : memref<5000xf32, #tpu.memory_space<hbm>> -> memref<200xf32, #tpu.memory_space<hbm>>
          %dma_wait3A_687 = arith.constant 0 : i32
          %dma_wait3A_688 = tpu.memref_slice %arg6[%dma_wait3A_687] : memref<320xf32, #tpu.memory_space<vmem>> -> memref<200xf32, #tpu.memory_space<vmem>>
          %dma_wait3A_689 = arith.constant 4800 : i32
          %dma_wait3A_690 = tpu.memref_slice %arg3[%dma_wait3A_689] : memref<5000xf32, #tpu.memory_space<hbm>> -> memref<200xf32, #tpu.memory_space<hbm>>
          tpu.wait_dma2 semaphore(%run_scoped3A : memref<!tpu.dma_semaphore, #tpu.memory_space<semaphore_mem>>) src(%dma_wait3A_690 : memref<200xf32, #tpu.memory_space<hbm>>) dst(%dma_wait3A_688 : memref<200xf32, #tpu.memory_space<vmem>>)
          tpu.yield
        }) : () -> ()
      } else {
      }
      %eq3A_16 = arith.constant 0 : i32
      %eq3A_17 = arith.cmpi eq, %arg1, %eq3A_16 : i32
      %convert_element_type3A_18 = arith.extui %eq3A_17 : i1 to i32
      %cond3A_19 = arith.constant 0 : i32
      %cond3A_20 = arith.cmpi ne, %convert_element_type3A_18, %cond3A_19 : i32
      scf.if %cond3A_20 {
        %broadcast_in_dim3A_675 = arith.constant 0.000000e+00 : f32
        %broadcast_in_dim3A_676 = vector.broadcast %broadcast_in_dim3A_675 : f32 to vector<16xf32>
        %swap3A_677 = arith.constant 0 : index
        %swap3A_678 = tpu.vector_load %arg9[%swap3A_677] {strides = array<i32>} : memref<1024xf32, #tpu.memory_space<vmem>>, vector<16xf32>,
        tpu.vector_store %arg9[%swap3A_677], %broadcast_in_dim3A_676 {strides = array<i32>} : memref<1024xf32, #tpu.memory_space<vmem>>, vector<16xf32>,
        %swap3A_679 = arith.constant 16 : index
        %swap3A_680 = tpu.vector_load %arg9[%swap3A_679] {strides = array<i32>} : memref<1024xf32, #tpu.memory_space<vmem>>, vector<16xf32>,
        tpu.vector_store %arg9[%swap3A_679], %broadcast_in_dim3A_676 {strides = array<i32>} : memref<1024xf32, #tpu.memory_space<vmem>>, vector<16xf32>,
        %swap3A_681 = arith.constant 32 : index
        %swap3A_682 = tpu.vector_load %arg9[%swap3A_681] {strides = array<i32>} : memref<1024xf32, #tpu.memory_space<vmem>>, vector<16xf32>,
        tpu.vector_store %arg9[%swap3A_681], %broadcast_in_dim3A_676 {strides = array<i32>} : memref<1024xf32, #tpu.memory_space<vmem>>, vector<16xf32>,
        %swap3A_683 = arith.constant 48 : index
        %swap3A_684 = tpu.vector_load %arg9[%swap3A_683] {strides = array<i32>} : memref<1024xf32, #tpu.memory_space<vmem>>, vector<16xf32>,
        tpu.vector_store %arg9[%swap3A_683], %broadcast_in_dim3A_676 {strides = array<i32>} : memref<1024xf32, #tpu.memory_space<vmem>>, vector<16xf32>,
        %swap3A_685 = arith.constant 64 : index
        %swap3A_686 = tpu.vector_load %arg9[%swap3A_685] {strides = array<i32>} : memref<1024xf32, #tpu.memory_space<vmem>>, vector<16xf32>,
        tpu.vector_store %arg9[%swap3A_685], %broadcast_in_dim3A_676 {strides = array<i32>} : memref<1024xf32, #tpu.memory_space<vmem>>, vector<16xf32>,
        %swap3A_687 = arith.constant 80 : index
        %swap3A_688 = tpu.vector_load %arg9[%swap3A_687] {strides = array<i32>} : memref<1024xf32, #tpu.memory_space<vmem>>, vector<16xf32>,
        tpu.vector_store %arg9[%swap3A_687], %broadcast_in_dim3A_676 {strides = array<i32>} : memref<1024xf32, #tpu.memory_space<vmem>>, vector<16xf32>,
        %swap3A_689 = arith.constant 96 : index
        %swap3A_690 = tpu.vector_load %arg9[%swap3A_689] {strides = array<i32>} : memref<1024xf32, #tpu.memory_space<vmem>>, vector<16xf32>,
        tpu.vector_store %arg9[%swap3A_689], %broadcast_in_dim3A_676 {strides = array<i32>} : memref<1024xf32, #tpu.memory_space<vmem>>, vector<16xf32>,
        %swap3A_691 = arith.constant 112 : index
        %swap3A_692 = tpu.vector_load %arg9[%swap3A_691] {strides = array<i32>} : memref<1024xf32, #tpu.memory_space<vmem>>, vector<16xf32>,
        tpu.vector_store %arg9[%swap3A_691], %broadcast_in_dim3A_676 {strides = array<i32>} : memref<1024xf32, #tpu.memory_space<vmem>>, vector<16xf32>,
        %swap3A_693 = arith.constant 128 : index
        %swap3A_694 = tpu.vector_load %arg9[%swap3A_693] {strides = array<i32>} : memref<1024xf32, #tpu.memory_space<vmem>>, vector<16xf32>,
        tpu.vector_store %arg9[%swap3A_693], %broadcast_in_dim3A_676 {strides = array<i32>} : memref<1024xf32, #tpu.memory_space<vmem>>, vector<16xf32>,
        %swap3A_695 = arith.constant 144 : index
        %swap3A_696 = tpu.vector_load %arg9[%swap3A_695] {strides = array<i32>} : memref<1024xf32, #tpu.memory_space<vmem>>, vector<16xf32>,
        tpu.vector_store %arg9[%swap3A_695], %broadcast_in_dim3A_676 {strides = array<i32>} : memref<1024xf32, #tpu.memory_space<vmem>>, vector<16xf32>,
        %swap3A_697 = arith.constant 160 : index
        %swap3A_698 = tpu.vector_load %arg9[%swap3A_697] {strides = array<i32>} : memref<1024xf32, #tpu.memory_space<vmem>>, vector<16xf32>,
        tpu.vector_store %arg9[%swap3A_697], %broadcast_in_dim3A_676 {strides = array<i32>} : memref<1024xf32, #tpu.memory_space<vmem>>, vector<16xf32>,
        %swap3A_699 = arith.constant 176 : index
        %swap3A_700 = tpu.vector_load %arg9[%swap3A_699] {strides = array<i32>} : memref<1024xf32, #tpu.memory_space<vmem>>, vector<16xf32>,
        tpu.vector_store %arg9[%swap3A_699], %broadcast_in_dim3A_676 {strides = array<i32>} : memref<1024xf32, #tpu.memory_space<vmem>>, vector<16xf32>,
        %swap3A_701 = arith.constant 192 : index
        %swap3A_702 = tpu.vector_load %arg9[%swap3A_701] {strides = array<i32>} : memref<1024xf32, #tpu.memory_space<vmem>>, vector<16xf32>,
        tpu.vector_store %arg9[%swap3A_701], %broadcast_in_dim3A_676 {strides = array<i32>} : memref<1024xf32, #tpu.memory_space<vmem>>, vector<16xf32>,
        %swap3A_703 = arith.constant 208 : index
        %swap3A_704 = tpu.vector_load %arg9[%swap3A_703] {strides = array<i32>} : memref<1024xf32, #tpu.memory_space<vmem>>, vector<16xf32>,
        tpu.vector_store %arg9[%swap3A_703], %broadcast_in_dim3A_676 {strides = array<i32>} : memref<1024xf32, #tpu.memory_space<vmem>>, vector<16xf32>,
        %swap3A_705 = arith.constant 224 : index
        %swap3A_706 = tpu.vector_load %arg9[%swap3A_705] {strides = array<i32>} : memref<1024xf32, #tpu.memory_space<vmem>>, vector<16xf32>,
        tpu.vector_store %arg9[%swap3A_705], %broadcast_in_dim3A_676 {strides = array<i32>} : memref<1024xf32, #tpu.memory_space<vmem>>, vector<16xf32>,
        %swap3A_707 = arith.constant 240 : index
        %swap3A_708 = tpu.vector_load %arg9[%swap3A_707] {strides = array<i32>} : memref<1024xf32, #tpu.memory_space<vmem>>, vector<16xf32>,
        tpu.vector_store %arg9[%swap3A_707], %broadcast_in_dim3A_676 {strides = array<i32>} : memref<1024xf32, #tpu.memory_space<vmem>>, vector<16xf32>,
        %swap3A_709 = arith.constant 256 : index
        %swap3A_710 = tpu.vector_load %arg9[%swap3A_709] {strides = array<i32>} : memref<1024xf32, #tpu.memory_space<vmem>>, vector<16xf32>,
        tpu.vector_store %arg9[%swap3A_709], %broadcast_in_dim3A_676 {strides = array<i32>} : memref<1024xf32, #tpu.memory_space<vmem>>, vector<16xf32>,
        %swap3A_711 = arith.constant 272 : index
        %swap3A_712 = tpu.vector_load %arg9[%swap3A_711] {strides = array<i32>} : memref<1024xf32, #tpu.memory_space<vmem>>, vector<16xf32>,
        tpu.vector_store %arg9[%swap3A_711], %broadcast_in_dim3A_676 {strides = array<i32>} : memref<1024xf32, #tpu.memory_space<vmem>>, vector<16xf32>,
        %swap3A_713 = arith.constant 288 : index
        %swap3A_714 = tpu.vector_load %arg9[%swap3A_713] {strides = array<i32>} : memref<1024xf32, #tpu.memory_space<vmem>>, vector<16xf32>,
        tpu.vector_store %arg9[%swap3A_713], %broadcast_in_dim3A_676 {strides = array<i32>} : memref<1024xf32, #tpu.memory_space<vmem>>, vector<16xf32>,
        %swap3A_715 = arith.constant 304 : index
        %swap3A_716 = tpu.vector_load %arg9[%swap3A_715] {strides = array<i32>} : memref<1024xf32, #tpu.memory_space<vmem>>, vector<16xf32>,
        tpu.vector_store %arg9[%swap3A_715], %broadcast_in_dim3A_676 {strides = array<i32>} : memref<1024xf32, #tpu.memory_space<vmem>>, vector<16xf32>,
        %swap3A_717 = arith.constant 320 : index
        %swap3A_718 = tpu.vector_load %arg9[%swap3A_717] {strides = array<i32>} : memref<1024xf32, #tpu.memory_space<vmem>>, vector<16xf32>,
        tpu.vector_store %arg9[%swap3A_717], %broadcast_in_dim3A_676 {strides = array<i32>} : memref<1024xf32, #tpu.memory_space<vmem>>, vector<16xf32>,
        %swap3A_719 = arith.constant 336 : index
        %swap3A_720 = tpu.vector_load %arg9[%swap3A_719] {strides = array<i32>} : memref<1024xf32, #tpu.memory_space<vmem>>, vector<16xf32>,
        tpu.vector_store %arg9[%swap3A_719], %broadcast_in_dim3A_676 {strides = array<i32>} : memref<1024xf32, #tpu.memory_space<vmem>>, vector<16xf32>,
        %swap3A_721 = arith.constant 352 : index
        %swap3A_722 = tpu.vector_load %arg9[%swap3A_721] {strides = array<i32>} : memref<1024xf32, #tpu.memory_space<vmem>>, vector<16xf32>,
        tpu.vector_store %arg9[%swap3A_721], %broadcast_in_dim3A_676 {strides = array<i32>} : memref<1024xf32, #tpu.memory_space<vmem>>, vector<16xf32>,
        %swap3A_723 = arith.constant 368 : index
        %swap3A_724 = tpu.vector_load %arg9[%swap3A_723] {strides = array<i32>} : memref<1024xf32, #tpu.memory_space<vmem>>, vector<16xf32>,
        tpu.vector_store %arg9[%swap3A_723], %broadcast_in_dim3A_676 {strides = array<i32>} : memref<1024xf32, #tpu.memory_space<vmem>>, vector<16xf32>,
        %swap3A_725 = arith.constant 384 : index
        %swap3A_726 = tpu.vector_load %arg9[%swap3A_725] {strides = array<i32>} : memref<1024xf32, #tpu.memory_space<vmem>>, vector<16xf32>,
        tpu.vector_store %arg9[%swap3A_725], %broadcast_in_dim3A_676 {strides = array<i32>} : memref<1024xf32, #tpu.memory_space<vmem>>, vector<16xf32>,
        %swap3A_727 = arith.constant 400 : index
        %swap3A_728 = tpu.vector_load %arg9[%swap3A_727] {strides = array<i32>} : memref<1024xf32, #tpu.memory_space<vmem>>, vector<16xf32>,
        tpu.vector_store %arg9[%swap3A_727], %broadcast_in_dim3A_676 {strides = array<i32>} : memref<1024xf32, #tpu.memory_space<vmem>>, vector<16xf32>,
        %swap3A_729 = arith.constant 416 : index
        %swap3A_730 = tpu.vector_load %arg9[%swap3A_729] {strides = array<i32>} : memref<1024xf32, #tpu.memory_space<vmem>>, vector<16xf32>,
        tpu.vector_store %arg9[%swap3A_729], %broadcast_in_dim3A_676 {strides = array<i32>} : memref<1024xf32, #tpu.memory_space<vmem>>, vector<16xf32>,
        %swap3A_731 = arith.constant 432 : index
        %swap3A_732 = tpu.vector_load %arg9[%swap3A_731] {strides = array<i32>} : memref<1024xf32, #tpu.memory_space<vmem>>, vector<16xf32>,
        tpu.vector_store %arg9[%swap3A_731], %broadcast_in_dim3A_676 {strides = array<i32>} : memref<1024xf32, #tpu.memory_space<vmem>>, vector<16xf32>,
        %swap3A_733 = arith.constant 448 : index
        %swap3A_734 = tpu.vector_load %arg9[%swap3A_733] {strides = array<i32>} : memref<1024xf32, #tpu.memory_space<vmem>>, vector<16xf32>,
        tpu.vector_store %arg9[%swap3A_733], %broadcast_in_dim3A_676 {strides = array<i32>} : memref<1024xf32, #tpu.memory_space<vmem>>, vector<16xf32>,
        %swap3A_735 = arith.constant 464 : index
        %swap3A_736 = tpu.vector_load %arg9[%swap3A_735] {strides = array<i32>} : memref<1024xf32, #tpu.memory_space<vmem>>, vector<16xf32>,
        tpu.vector_store %arg9[%swap3A_735], %broadcast_in_dim3A_676 {strides = array<i32>} : memref<1024xf32, #tpu.memory_space<vmem>>, vector<16xf32>,
        %swap3A_737 = arith.constant 480 : index
        %swap3A_738 = tpu.vector_load %arg9[%swap3A_737] {strides = array<i32>} : memref<1024xf32, #tpu.memory_space<vmem>>, vector<16xf32>,
        tpu.vector_store %arg9[%swap3A_737], %broadcast_in_dim3A_676 {strides = array<i32>} : memref<1024xf32, #tpu.memory_space<vmem>>, vector<16xf32>,
        %swap3A_739 = arith.constant 496 : index
        %swap3A_740 = tpu.vector_load %arg9[%swap3A_739] {strides = array<i32>} : memref<1024xf32, #tpu.memory_space<vmem>>, vector<16xf32>,
        tpu.vector_store %arg9[%swap3A_739], %broadcast_in_dim3A_676 {strides = array<i32>} : memref<1024xf32, #tpu.memory_space<vmem>>, vector<16xf32>,
        %swap3A_741 = arith.constant 512 : index
        %swap3A_742 = tpu.vector_load %arg9[%swap3A_741] {strides = array<i32>} : memref<1024xf32, #tpu.memory_space<vmem>>, vector<16xf32>,
        tpu.vector_store %arg9[%swap3A_741], %broadcast_in_dim3A_676 {strides = array<i32>} : memref<1024xf32, #tpu.memory_space<vmem>>, vector<16xf32>,
        %swap3A_743 = arith.constant 528 : index
        %swap3A_744 = tpu.vector_load %arg9[%swap3A_743] {strides = array<i32>} : memref<1024xf32, #tpu.memory_space<vmem>>, vector<16xf32>,
        tpu.vector_store %arg9[%swap3A_743], %broadcast_in_dim3A_676 {strides = array<i32>} : memref<1024xf32, #tpu.memory_space<vmem>>, vector<16xf32>,
        %swap3A_745 = arith.constant 544 : index
        %swap3A_746 = tpu.vector_load %arg9[%swap3A_745] {strides = array<i32>} : memref<1024xf32, #tpu.memory_space<vmem>>, vector<16xf32>,
        tpu.vector_store %arg9[%swap3A_745], %broadcast_in_dim3A_676 {strides = array<i32>} : memref<1024xf32, #tpu.memory_space<vmem>>, vector<16xf32>,
        %swap3A_747 = arith.constant 560 : index
        %swap3A_748 = tpu.vector_load %arg9[%swap3A_747] {strides = array<i32>} : memref<1024xf32, #tpu.memory_space<vmem>>, vector<16xf32>,
        tpu.vector_store %arg9[%swap3A_747], %broadcast_in_dim3A_676 {strides = array<i32>} : memref<1024xf32, #tpu.memory_space<vmem>>, vector<16xf32>,
        %swap3A_749 = arith.constant 576 : index
        %swap3A_750 = tpu.vector_load %arg9[%swap3A_749] {strides = array<i32>} : memref<1024xf32, #tpu.memory_space<vmem>>, vector<16xf32>,
        tpu.vector_store %arg9[%swap3A_749], %broadcast_in_dim3A_676 {strides = array<i32>} : memref<1024xf32, #tpu.memory_space<vmem>>, vector<16xf32>,
        %swap3A_751 = arith.constant 592 : index
        %swap3A_752 = tpu.vector_load %arg9[%swap3A_751] {strides = array<i32>} : memref<1024xf32, #tpu.memory_space<vmem>>, vector<16xf32>,
        tpu.vector_store %arg9[%swap3A_751], %broadcast_in_dim3A_676 {strides = array<i32>} : memref<1024xf32, #tpu.memory_space<vmem>>, vector<16xf32>,
        %swap3A_753 = arith.constant 608 : index
        %swap3A_754 = tpu.vector_load %arg9[%swap3A_753] {strides = array<i32>} : memref<1024xf32, #tpu.memory_space<vmem>>, vector<16xf32>,
        tpu.vector_store %arg9[%swap3A_753], %broadcast_in_dim3A_676 {strides = array<i32>} : memref<1024xf32, #tpu.memory_space<vmem>>, vector<16xf32>,
        %swap3A_755 = arith.constant 624 : index
        %swap3A_756 = tpu.vector_load %arg9[%swap3A_755] {strides = array<i32>} : memref<1024xf32, #tpu.memory_space<vmem>>, vector<16xf32>,
        tpu.vector_store %arg9[%swap3A_755], %broadcast_in_dim3A_676 {strides = array<i32>} : memref<1024xf32, #tpu.memory_space<vmem>>, vector<16xf32>,
        %swap3A_757 = arith.constant 640 : index
        %swap3A_758 = tpu.vector_load %arg9[%swap3A_757] {strides = array<i32>} : memref<1024xf32, #tpu.memory_space<vmem>>, vector<16xf32>,
        tpu.vector_store %arg9[%swap3A_757], %broadcast_in_dim3A_676 {strides = array<i32>} : memref<1024xf32, #tpu.memory_space<vmem>>, vector<16xf32>,
        %swap3A_759 = arith.constant 656 : index
        %swap3A_760 = tpu.vector_load %arg9[%swap3A_759] {strides = array<i32>} : memref<1024xf32, #tpu.memory_space<vmem>>, vector<16xf32>,
        tpu.vector_store %arg9[%swap3A_759], %broadcast_in_dim3A_676 {strides = array<i32>} : memref<1024xf32, #tpu.memory_space<vmem>>, vector<16xf32>,
        %swap3A_761 = arith.constant 672 : index
        %swap3A_762 = tpu.vector_load %arg9[%swap3A_761] {strides = array<i32>} : memref<1024xf32, #tpu.memory_space<vmem>>, vector<16xf32>,
        tpu.vector_store %arg9[%swap3A_761], %broadcast_in_dim3A_676 {strides = array<i32>} : memref<1024xf32, #tpu.memory_space<vmem>>, vector<16xf32>,
        %swap3A_763 = arith.constant 688 : index
        %swap3A_764 = tpu.vector_load %arg9[%swap3A_763] {strides = array<i32>} : memref<1024xf32, #tpu.memory_space<vmem>>, vector<16xf32>,
        tpu.vector_store %arg9[%swap3A_763], %broadcast_in_dim3A_676 {strides = array<i32>} : memref<1024xf32, #tpu.memory_space<vmem>>, vector<16xf32>,
        %swap3A_765 = arith.constant 704 : index
        %swap3A_766 = tpu.vector_load %arg9[%swap3A_765] {strides = array<i32>} : memref<1024xf32, #tpu.memory_space<vmem>>, vector<16xf32>,
        tpu.vector_store %arg9[%swap3A_765], %broadcast_in_dim3A_676 {strides = array<i32>} : memref<1024xf32, #tpu.memory_space<vmem>>, vector<16xf32>,
        %swap3A_767 = arith.constant 720 : index
        %swap3A_768 = tpu.vector_load %arg9[%swap3A_767] {strides = array<i32>} : memref<1024xf32, #tpu.memory_space<vmem>>, vector<16xf32>,
        tpu.vector_store %arg9[%swap3A_767], %broadcast_in_dim3A_676 {strides = array<i32>} : memref<1024xf32, #tpu.memory_space<vmem>>, vector<16xf32>,
        %swap3A_769 = arith.constant 736 : index
        %swap3A_770 = tpu.vector_load %arg9[%swap3A_769] {strides = array<i32>} : memref<1024xf32, #tpu.memory_space<vmem>>, vector<16xf32>,
        tpu.vector_store %arg9[%swap3A_769], %broadcast_in_dim3A_676 {strides = array<i32>} : memref<1024xf32, #tpu.memory_space<vmem>>, vector<16xf32>,
        %swap3A_771 = arith.constant 752 : index
        %swap3A_772 = tpu.vector_load %arg9[%swap3A_771] {strides = array<i32>} : memref<1024xf32, #tpu.memory_space<vmem>>, vector<16xf32>,
        tpu.vector_store %arg9[%swap3A_771], %broadcast_in_dim3A_676 {strides = array<i32>} : memref<1024xf32, #tpu.memory_space<vmem>>, vector<16xf32>,
        %swap3A_773 = arith.constant 768 : index
        %swap3A_774 = tpu.vector_load %arg9[%swap3A_773] {strides = array<i32>} : memref<1024xf32, #tpu.memory_space<vmem>>, vector<16xf32>,
        tpu.vector_store %arg9[%swap3A_773], %broadcast_in_dim3A_676 {strides = array<i32>} : memref<1024xf32, #tpu.memory_space<vmem>>, vector<16xf32>,
        %swap3A_775 = arith.constant 784 : index
        %swap3A_776 = tpu.vector_load %arg9[%swap3A_775] {strides = array<i32>} : memref<1024xf32, #tpu.memory_space<vmem>>, vector<16xf32>,
        tpu.vector_store %arg9[%swap3A_775], %broadcast_in_dim3A_676 {strides = array<i32>} : memref<1024xf32, #tpu.memory_space<vmem>>, vector<16xf32>,
        %swap3A_777 = arith.constant 800 : index
        %swap3A_778 = tpu.vector_load %arg9[%swap3A_777] {strides = array<i32>} : memref<1024xf32, #tpu.memory_space<vmem>>, vector<16xf32>,
        tpu.vector_store %arg9[%swap3A_777], %broadcast_in_dim3A_676 {strides = array<i32>} : memref<1024xf32, #tpu.memory_space<vmem>>, vector<16xf32>,
        %swap3A_779 = arith.constant 816 : index
        %swap3A_780 = tpu.vector_load %arg9[%swap3A_779] {strides = array<i32>} : memref<1024xf32, #tpu.memory_space<vmem>>, vector<16xf32>,
        tpu.vector_store %arg9[%swap3A_779], %broadcast_in_dim3A_676 {strides = array<i32>} : memref<1024xf32, #tpu.memory_space<vmem>>, vector<16xf32>,
        %swap3A_781 = arith.constant 832 : index
        %swap3A_782 = tpu.vector_load %arg9[%swap3A_781] {strides = array<i32>} : memref<1024xf32, #tpu.memory_space<vmem>>, vector<16xf32>,
        tpu.vector_store %arg9[%swap3A_781], %broadcast_in_dim3A_676 {strides = array<i32>} : memref<1024xf32, #tpu.memory_space<vmem>>, vector<16xf32>,
        %swap3A_783 = arith.constant 848 : index
        %swap3A_784 = tpu.vector_load %arg9[%swap3A_783] {strides = array<i32>} : memref<1024xf32, #tpu.memory_space<vmem>>, vector<16xf32>,
        tpu.vector_store %arg9[%swap3A_783], %broadcast_in_dim3A_676 {strides = array<i32>} : memref<1024xf32, #tpu.memory_space<vmem>>, vector<16xf32>,
        %swap3A_785 = arith.constant 864 : index
        %swap3A_786 = tpu.vector_load %arg9[%swap3A_785] {strides = array<i32>} : memref<1024xf32, #tpu.memory_space<vmem>>, vector<16xf32>,
        tpu.vector_store %arg9[%swap3A_785], %broadcast_in_dim3A_676 {strides = array<i32>} : memref<1024xf32, #tpu.memory_space<vmem>>, vector<16xf32>,
        %swap3A_787 = arith.constant 880 : index
        %swap3A_788 = tpu.vector_load %arg9[%swap3A_787] {strides = array<i32>} : memref<1024xf32, #tpu.memory_space<vmem>>, vector<16xf32>,
        tpu.vector_store %arg9[%swap3A_787], %broadcast_in_dim3A_676 {strides = array<i32>} : memref<1024xf32, #tpu.memory_space<vmem>>, vector<16xf32>,
        %swap3A_789 = arith.constant 896 : index
        %swap3A_790 = tpu.vector_load %arg9[%swap3A_789] {strides = array<i32>} : memref<1024xf32, #tpu.memory_space<vmem>>, vector<16xf32>,
        tpu.vector_store %arg9[%swap3A_789], %broadcast_in_dim3A_676 {strides = array<i32>} : memref<1024xf32, #tpu.memory_space<vmem>>, vector<16xf32>,
        %swap3A_791 = arith.constant 912 : index
        %swap3A_792 = tpu.vector_load %arg9[%swap3A_791] {strides = array<i32>} : memref<1024xf32, #tpu.memory_space<vmem>>, vector<16xf32>,
        tpu.vector_store %arg9[%swap3A_791], %broadcast_in_dim3A_676 {strides = array<i32>} : memref<1024xf32, #tpu.memory_space<vmem>>, vector<16xf32>,
        %swap3A_793 = arith.constant 928 : index
        %swap3A_794 = tpu.vector_load %arg9[%swap3A_793] {strides = array<i32>} : memref<1024xf32, #tpu.memory_space<vmem>>, vector<16xf32>,
        tpu.vector_store %arg9[%swap3A_793], %broadcast_in_dim3A_676 {strides = array<i32>} : memref<1024xf32, #tpu.memory_space<vmem>>, vector<16xf32>,
        %swap3A_795 = arith.constant 944 : index
        %swap3A_796 = tpu.vector_load %arg9[%swap3A_795] {strides = array<i32>} : memref<1024xf32, #tpu.memory_space<vmem>>, vector<16xf32>,
        tpu.vector_store %arg9[%swap3A_795], %broadcast_in_dim3A_676 {strides = array<i32>} : memref<1024xf32, #tpu.memory_space<vmem>>, vector<16xf32>,
        %swap3A_797 = arith.constant 960 : index
        %swap3A_798 = tpu.vector_load %arg9[%swap3A_797] {strides = array<i32>} : memref<1024xf32, #tpu.memory_space<vmem>>, vector<16xf32>,
        tpu.vector_store %arg9[%swap3A_797], %broadcast_in_dim3A_676 {strides = array<i32>} : memref<1024xf32, #tpu.memory_space<vmem>>, vector<16xf32>,
        %swap3A_799 = arith.constant 976 : index
        %swap3A_800 = tpu.vector_load %arg9[%swap3A_799] {strides = array<i32>} : memref<1024xf32, #tpu.memory_space<vmem>>, vector<16xf32>,
        tpu.vector_store %arg9[%swap3A_799], %broadcast_in_dim3A_676 {strides = array<i32>} : memref<1024xf32, #tpu.memory_space<vmem>>, vector<16xf32>,
        %swap3A_801 = arith.constant 992 : index
        %swap3A_802 = tpu.vector_load %arg9[%swap3A_801] {strides = array<i32>} : memref<1024xf32, #tpu.memory_space<vmem>>, vector<16xf32>,
        tpu.vector_store %arg9[%swap3A_801], %broadcast_in_dim3A_676 {strides = array<i32>} : memref<1024xf32, #tpu.memory_space<vmem>>, vector<16xf32>,
        %swap3A_803 = arith.constant 1008 : index
        %swap3A_804 = tpu.vector_load %arg9[%swap3A_803] {strides = array<i32>} : memref<1024xf32, #tpu.memory_space<vmem>>, vector<16xf32>,
        tpu.vector_store %arg9[%swap3A_803], %broadcast_in_dim3A_676 {strides = array<i32>} : memref<1024xf32, #tpu.memory_space<vmem>>, vector<16xf32>,
      } else {
      }
      %get3A = arith.constant 0 : index
      %get3A_21 = tpu.vector_load %arg6[%get3A] {strides = array<i32>} : memref<320xf32, #tpu.memory_space<vmem>>, vector<16xf32>,
      %add3A = arith.constant 0 : i32
      %add3A_22 = arith.addi %mul3A_2, %add3A : i32
      %add3A_23 = vector.broadcast %add3A_22 : i32 to vector<16xi32>
      %add3A_24 = arith.addi %iota3A, %add3A_23 : vector<16xi32>
      %lt3A_25 = arith.constant 5000 : i32
      %lt3A_26 = vector.broadcast %lt3A_25 : i32 to vector<16xi32>
      %lt3A_27 = arith.cmpi slt, %add3A_24, %lt3A_26 : vector<16xi32>
      %select_n3A = arith.select %lt3A_27, %get3A_21, %broadcast_in_dim3A_3 : vector<16xi1>, vector<16xf32>
      %get3A_28 = arith.constant 16 : index
      %get3A_29 = tpu.vector_load %arg6[%get3A_28] {strides = array<i32>} : memref<320xf32, #tpu.memory_space<vmem>>, vector<16xf32>,
      %add3A_30 = arith.constant 16 : i32
      %add3A_31 = arith.addi %mul3A_2, %add3A_30 : i32
      %add3A_32 = vector.broadcast %add3A_31 : i32 to vector<16xi32>
      %add3A_33 = arith.addi %iota3A, %add3A_32 : vector<16xi32>
      %lt3A_34 = arith.constant 5000 : i32
      %lt3A_35 = vector.broadcast %lt3A_34 : i32 to vector<16xi32>
      %lt3A_36 = arith.cmpi slt, %add3A_33, %lt3A_35 : vector<16xi32>
      %select_n3A_37 = arith.select %lt3A_36, %get3A_29, %broadcast_in_dim3A_3 : vector<16xi1>, vector<16xf32>
      %get3A_38 = arith.constant 32 : index
      %get3A_39 = tpu.vector_load %arg6[%get3A_38] {strides = array<i32>} : memref<320xf32, #tpu.memory_space<vmem>>, vector<16xf32>,
      %add3A_40 = arith.constant 32 : i32
      %add3A_41 = arith.addi %mul3A_2, %add3A_40 : i32
      %add3A_42 = vector.broadcast %add3A_41 : i32 to vector<16xi32>
      %add3A_43 = arith.addi %iota3A, %add3A_42 : vector<16xi32>
      %lt3A_44 = arith.constant 5000 : i32
      %lt3A_45 = vector.broadcast %lt3A_44 : i32 to vector<16xi32>
      %lt3A_46 = arith.cmpi slt, %add3A_43, %lt3A_45 : vector<16xi32>
      %select_n3A_47 = arith.select %lt3A_46, %get3A_39, %broadcast_in_dim3A_3 : vector<16xi1>, vector<16xf32>
      %get3A_48 = arith.constant 48 : index
      %get3A_49 = tpu.vector_load %arg6[%get3A_48] {strides = array<i32>} : memref<320xf32, #tpu.memory_space<vmem>>, vector<16xf32>,
      %add3A_50 = arith.constant 48 : i32
      %add3A_51 = arith.addi %mul3A_2, %add3A_50 : i32
      %add3A_52 = vector.broadcast %add3A_51 : i32 to vector<16xi32>
      %add3A_53 = arith.addi %iota3A, %add3A_52 : vector<16xi32>
      %lt3A_54 = arith.constant 5000 : i32
      %lt3A_55 = vector.broadcast %lt3A_54 : i32 to vector<16xi32>
      %lt3A_56 = arith.cmpi slt, %add3A_53, %lt3A_55 : vector<16xi32>
      %select_n3A_57 = arith.select %lt3A_56, %get3A_49, %broadcast_in_dim3A_3 : vector<16xi1>, vector<16xf32>
      %get3A_58 = arith.constant 64 : index
      %get3A_59 = tpu.vector_load %arg6[%get3A_58] {strides = array<i32>} : memref<320xf32, #tpu.memory_space<vmem>>, vector<16xf32>,
      %add3A_60 = arith.constant 64 : i32
      %add3A_61 = arith.addi %mul3A_2, %add3A_60 : i32
      %add3A_62 = vector.broadcast %add3A_61 : i32 to vector<16xi32>
      %add3A_63 = arith.addi %iota3A, %add3A_62 : vector<16xi32>
      %lt3A_64 = arith.constant 5000 : i32
      %lt3A_65 = vector.broadcast %lt3A_64 : i32 to vector<16xi32>
      %lt3A_66 = arith.cmpi slt, %add3A_63, %lt3A_65 : vector<16xi32>
      %select_n3A_67 = arith.select %lt3A_66, %get3A_59, %broadcast_in_dim3A_3 : vector<16xi1>, vector<16xf32>
      %get3A_68 = arith.constant 80 : index
      %get3A_69 = tpu.vector_load %arg6[%get3A_68] {strides = array<i32>} : memref<320xf32, #tpu.memory_space<vmem>>, vector<16xf32>,
      %add3A_70 = arith.constant 80 : i32
      %add3A_71 = arith.addi %mul3A_2, %add3A_70 : i32
      %add3A_72 = vector.broadcast %add3A_71 : i32 to vector<16xi32>
      %add3A_73 = arith.addi %iota3A, %add3A_72 : vector<16xi32>
      %lt3A_74 = arith.constant 5000 : i32
      %lt3A_75 = vector.broadcast %lt3A_74 : i32 to vector<16xi32>
      %lt3A_76 = arith.cmpi slt, %add3A_73, %lt3A_75 : vector<16xi32>
      %select_n3A_77 = arith.select %lt3A_76, %get3A_69, %broadcast_in_dim3A_3 : vector<16xi1>, vector<16xf32>
      %get3A_78 = arith.constant 96 : index
      %get3A_79 = tpu.vector_load %arg6[%get3A_78] {strides = array<i32>} : memref<320xf32, #tpu.memory_space<vmem>>, vector<16xf32>,
      %add3A_80 = arith.constant 96 : i32
      %add3A_81 = arith.addi %mul3A_2, %add3A_80 : i32
      %add3A_82 = vector.broadcast %add3A_81 : i32 to vector<16xi32>
      %add3A_83 = arith.addi %iota3A, %add3A_82 : vector<16xi32>
      %lt3A_84 = arith.constant 5000 : i32
      %lt3A_85 = vector.broadcast %lt3A_84 : i32 to vector<16xi32>
      %lt3A_86 = arith.cmpi slt, %add3A_83, %lt3A_85 : vector<16xi32>
      %select_n3A_87 = arith.select %lt3A_86, %get3A_79, %broadcast_in_dim3A_3 : vector<16xi1>, vector<16xf32>
      %get3A_88 = arith.constant 112 : index
      %get3A_89 = tpu.vector_load %arg6[%get3A_88] {strides = array<i32>} : memref<320xf32, #tpu.memory_space<vmem>>, vector<16xf32>,
      %add3A_90 = arith.constant 112 : i32
      %add3A_91 = arith.addi %mul3A_2, %add3A_90 : i32
      %add3A_92 = vector.broadcast %add3A_91 : i32 to vector<16xi32>
      %add3A_93 = arith.addi %iota3A, %add3A_92 : vector<16xi32>
      %lt3A_94 = arith.constant 5000 : i32
      %lt3A_95 = vector.broadcast %lt3A_94 : i32 to vector<16xi32>
      %lt3A_96 = arith.cmpi slt, %add3A_93, %lt3A_95 : vector<16xi32>
      %select_n3A_97 = arith.select %lt3A_96, %get3A_89, %broadcast_in_dim3A_3 : vector<16xi1>, vector<16xf32>
      %get3A_98 = arith.constant 128 : index
      %get3A_99 = tpu.vector_load %arg6[%get3A_98] {strides = array<i32>} : memref<320xf32, #tpu.memory_space<vmem>>, vector<16xf32>,
      %add3A_100 = arith.constant 128 : i32
      %add3A_101 = arith.addi %mul3A_2, %add3A_100 : i32
      %add3A_102 = vector.broadcast %add3A_101 : i32 to vector<16xi32>
      %add3A_103 = arith.addi %iota3A, %add3A_102 : vector<16xi32>
      %lt3A_104 = arith.constant 5000 : i32
      %lt3A_105 = vector.broadcast %lt3A_104 : i32 to vector<16xi32>
      %lt3A_106 = arith.cmpi slt, %add3A_103, %lt3A_105 : vector<16xi32>
      %select_n3A_107 = arith.select %lt3A_106, %get3A_99, %broadcast_in_dim3A_3 : vector<16xi1>, vector<16xf32>
      %get3A_108 = arith.constant 144 : index
      %get3A_109 = tpu.vector_load %arg6[%get3A_108] {strides = array<i32>} : memref<320xf32, #tpu.memory_space<vmem>>, vector<16xf32>,
      %add3A_110 = arith.constant 144 : i32
      %add3A_111 = arith.addi %mul3A_2, %add3A_110 : i32
      %add3A_112 = vector.broadcast %add3A_111 : i32 to vector<16xi32>
      %add3A_113 = arith.addi %iota3A, %add3A_112 : vector<16xi32>
      %lt3A_114 = arith.constant 5000 : i32
      %lt3A_115 = vector.broadcast %lt3A_114 : i32 to vector<16xi32>
      %lt3A_116 = arith.cmpi slt, %add3A_113, %lt3A_115 : vector<16xi32>
      %select_n3A_117 = arith.select %lt3A_116, %get3A_109, %broadcast_in_dim3A_3 : vector<16xi1>, vector<16xf32>
      %get3A_118 = arith.constant 160 : index
      %get3A_119 = tpu.vector_load %arg6[%get3A_118] {strides = array<i32>} : memref<320xf32, #tpu.memory_space<vmem>>, vector<16xf32>,
      %add3A_120 = arith.constant 160 : i32
      %add3A_121 = arith.addi %mul3A_2, %add3A_120 : i32
      %add3A_122 = vector.broadcast %add3A_121 : i32 to vector<16xi32>
      %add3A_123 = arith.addi %iota3A, %add3A_122 : vector<16xi32>
      %lt3A_124 = arith.constant 5000 : i32
      %lt3A_125 = vector.broadcast %lt3A_124 : i32 to vector<16xi32>
      %lt3A_126 = arith.cmpi slt, %add3A_123, %lt3A_125 : vector<16xi32>
      %select_n3A_127 = arith.select %lt3A_126, %get3A_119, %broadcast_in_dim3A_3 : vector<16xi1>, vector<16xf32>
      %get3A_128 = arith.constant 176 : index
      %get3A_129 = tpu.vector_load %arg6[%get3A_128] {strides = array<i32>} : memref<320xf32, #tpu.memory_space<vmem>>, vector<16xf32>,
      %add3A_130 = arith.constant 176 : i32
      %add3A_131 = arith.addi %mul3A_2, %add3A_130 : i32
      %add3A_132 = vector.broadcast %add3A_131 : i32 to vector<16xi32>
      %add3A_133 = arith.addi %iota3A, %add3A_132 : vector<16xi32>
      %lt3A_134 = arith.constant 5000 : i32
      %lt3A_135 = vector.broadcast %lt3A_134 : i32 to vector<16xi32>
      %lt3A_136 = arith.cmpi slt, %add3A_133, %lt3A_135 : vector<16xi32>
      %select_n3A_137 = arith.select %lt3A_136, %get3A_129, %broadcast_in_dim3A_3 : vector<16xi1>, vector<16xf32>
      %get3A_138 = arith.constant 192 : index
      %get3A_139 = tpu.vector_load %arg6[%get3A_138] {strides = array<i32>} : memref<320xf32, #tpu.memory_space<vmem>>, vector<16xf32>,
      %add3A_140 = arith.constant 192 : i32
      %add3A_141 = arith.addi %mul3A_2, %add3A_140 : i32
      %add3A_142 = vector.broadcast %add3A_141 : i32 to vector<16xi32>
      %add3A_143 = arith.addi %iota3A, %add3A_142 : vector<16xi32>
      %lt3A_144 = arith.constant 5000 : i32
      %lt3A_145 = vector.broadcast %lt3A_144 : i32 to vector<16xi32>
      %lt3A_146 = arith.cmpi slt, %add3A_143, %lt3A_145 : vector<16xi32>
      %select_n3A_147 = arith.select %lt3A_146, %get3A_139, %broadcast_in_dim3A_3 : vector<16xi1>, vector<16xf32>
      %get3A_148 = arith.constant 208 : index
      %get3A_149 = tpu.vector_load %arg6[%get3A_148] {strides = array<i32>} : memref<320xf32, #tpu.memory_space<vmem>>, vector<16xf32>,
      %add3A_150 = arith.constant 208 : i32
      %add3A_151 = arith.addi %mul3A_2, %add3A_150 : i32
      %add3A_152 = vector.broadcast %add3A_151 : i32 to vector<16xi32>
      %add3A_153 = arith.addi %iota3A, %add3A_152 : vector<16xi32>
      %lt3A_154 = arith.constant 5000 : i32
      %lt3A_155 = vector.broadcast %lt3A_154 : i32 to vector<16xi32>
      %lt3A_156 = arith.cmpi slt, %add3A_153, %lt3A_155 : vector<16xi32>
      %select_n3A_157 = arith.select %lt3A_156, %get3A_149, %broadcast_in_dim3A_3 : vector<16xi1>, vector<16xf32>
      %get3A_158 = arith.constant 224 : index
      %get3A_159 = tpu.vector_load %arg6[%get3A_158] {strides = array<i32>} : memref<320xf32, #tpu.memory_space<vmem>>, vector<16xf32>,
      %add3A_160 = arith.constant 224 : i32
      %add3A_161 = arith.addi %mul3A_2, %add3A_160 : i32
      %add3A_162 = vector.broadcast %add3A_161 : i32 to vector<16xi32>
      %add3A_163 = arith.addi %iota3A, %add3A_162 : vector<16xi32>
      %lt3A_164 = arith.constant 5000 : i32
      %lt3A_165 = vector.broadcast %lt3A_164 : i32 to vector<16xi32>
      %lt3A_166 = arith.cmpi slt, %add3A_163, %lt3A_165 : vector<16xi32>
      %select_n3A_167 = arith.select %lt3A_166, %get3A_159, %broadcast_in_dim3A_3 : vector<16xi1>, vector<16xf32>
      %get3A_168 = arith.constant 240 : index
      %get3A_169 = tpu.vector_load %arg6[%get3A_168] {strides = array<i32>} : memref<320xf32, #tpu.memory_space<vmem>>, vector<16xf32>,
      %add3A_170 = arith.constant 240 : i32
      %add3A_171 = arith.addi %mul3A_2, %add3A_170 : i32
      %add3A_172 = vector.broadcast %add3A_171 : i32 to vector<16xi32>
      %add3A_173 = arith.addi %iota3A, %add3A_172 : vector<16xi32>
      %lt3A_174 = arith.constant 5000 : i32
      %lt3A_175 = vector.broadcast %lt3A_174 : i32 to vector<16xi32>
      %lt3A_176 = arith.cmpi slt, %add3A_173, %lt3A_175 : vector<16xi32>
      %select_n3A_177 = arith.select %lt3A_176, %get3A_169, %broadcast_in_dim3A_3 : vector<16xi1>, vector<16xf32>
      %get3A_178 = arith.constant 256 : index
      %get3A_179 = tpu.vector_load %arg6[%get3A_178] {strides = array<i32>} : memref<320xf32, #tpu.memory_space<vmem>>, vector<16xf32>,
      %add3A_180 = arith.constant 256 : i32
      %add3A_181 = arith.addi %mul3A_2, %add3A_180 : i32
      %add3A_182 = vector.broadcast %add3A_181 : i32 to vector<16xi32>
      %add3A_183 = arith.addi %iota3A, %add3A_182 : vector<16xi32>
      %lt3A_184 = arith.constant 5000 : i32
      %lt3A_185 = vector.broadcast %lt3A_184 : i32 to vector<16xi32>
      %lt3A_186 = arith.cmpi slt, %add3A_183, %lt3A_185 : vector<16xi32>
      %select_n3A_187 = arith.select %lt3A_186, %get3A_179, %broadcast_in_dim3A_3 : vector<16xi1>, vector<16xf32>
      %get3A_188 = arith.constant 272 : index
      %get3A_189 = tpu.vector_load %arg6[%get3A_188] {strides = array<i32>} : memref<320xf32, #tpu.memory_space<vmem>>, vector<16xf32>,
      %add3A_190 = arith.constant 272 : i32
      %add3A_191 = arith.addi %mul3A_2, %add3A_190 : i32
      %add3A_192 = vector.broadcast %add3A_191 : i32 to vector<16xi32>
      %add3A_193 = arith.addi %iota3A, %add3A_192 : vector<16xi32>
      %lt3A_194 = arith.constant 5000 : i32
      %lt3A_195 = vector.broadcast %lt3A_194 : i32 to vector<16xi32>
      %lt3A_196 = arith.cmpi slt, %add3A_193, %lt3A_195 : vector<16xi32>
      %select_n3A_197 = arith.select %lt3A_196, %get3A_189, %broadcast_in_dim3A_3 : vector<16xi1>, vector<16xf32>
      %get3A_198 = arith.constant 288 : index
      %get3A_199 = tpu.vector_load %arg6[%get3A_198] {strides = array<i32>} : memref<320xf32, #tpu.memory_space<vmem>>, vector<16xf32>,
      %add3A_200 = arith.constant 288 : i32
      %add3A_201 = arith.addi %mul3A_2, %add3A_200 : i32
      %add3A_202 = vector.broadcast %add3A_201 : i32 to vector<16xi32>
      %add3A_203 = arith.addi %iota3A, %add3A_202 : vector<16xi32>
      %lt3A_204 = arith.constant 5000 : i32
      %lt3A_205 = vector.broadcast %lt3A_204 : i32 to vector<16xi32>
      %lt3A_206 = arith.cmpi slt, %add3A_203, %lt3A_205 : vector<16xi32>
      %select_n3A_207 = arith.select %lt3A_206, %get3A_199, %broadcast_in_dim3A_3 : vector<16xi1>, vector<16xf32>
      %get3A_208 = arith.constant 304 : index
      %get3A_209 = tpu.vector_load %arg6[%get3A_208] {strides = array<i32>} : memref<320xf32, #tpu.memory_space<vmem>>, vector<16xf32>,
      %add3A_210 = arith.constant 304 : i32
      %add3A_211 = arith.addi %mul3A_2, %add3A_210 : i32
      %add3A_212 = vector.broadcast %add3A_211 : i32 to vector<16xi32>
      %add3A_213 = arith.addi %iota3A, %add3A_212 : vector<16xi32>
      %lt3A_214 = arith.constant 5000 : i32
      %lt3A_215 = vector.broadcast %lt3A_214 : i32 to vector<16xi32>
      %lt3A_216 = arith.cmpi slt, %add3A_213, %lt3A_215 : vector<16xi32>
      %select_n3A_217 = arith.select %lt3A_216, %get3A_209, %broadcast_in_dim3A_3 : vector<16xi1>, vector<16xf32>
      %add3A_218 = vector.broadcast %mul3A_2 : i32 to vector<16xi32>
      %add3A_219 = arith.addi %iota3A, %add3A_218 : vector<16xi32>
      %add3A_220 = arith.constant 0 : i32
      %add3A_221 = arith.addi %mul3A_2, %add3A_220 : i32
      %add3A_222 = vector.broadcast %add3A_221 : i32 to vector<16xi32>
      %add3A_223 = arith.addi %iota3A, %add3A_222 : vector<16xi32>
      %gt3A = arith.cmpf ogt, %select_n3A, %broadcast_in_dim3A_3 : vector<16xf32>
      %select_n3A_224 = arith.select %gt3A, %select_n3A, %broadcast_in_dim3A_3 : vector<16xi1>, vector<16xf32>
      %select_n3A_225 = arith.select %gt3A, %add3A_223, %add3A_219 : vector<16xi1>, vector<16xi32>
      %select_n3A_226 = arith.select %gt3A, %broadcast_in_dim3A_3, %select_n3A : vector<16xi1>, vector<16xf32>
      %select_n3A_227 = arith.select %gt3A, %add3A_219, %add3A_223 : vector<16xi1>, vector<16xi32>
      %gt3A_228 = arith.cmpf ogt, %select_n3A_226, %broadcast_in_dim3A_3 : vector<16xf32>
      %select_n3A_229 = arith.select %gt3A_228, %select_n3A_226, %broadcast_in_dim3A_3 : vector<16xi1>, vector<16xf32>
      %select_n3A_230 = arith.select %gt3A_228, %select_n3A_227, %add3A_219 : vector<16xi1>, vector<16xi32>
      %select_n3A_231 = arith.select %gt3A_228, %broadcast_in_dim3A_3, %select_n3A_226 : vector<16xi1>, vector<16xf32>
      %select_n3A_232 = arith.select %gt3A_228, %add3A_219, %select_n3A_227 : vector<16xi1>, vector<16xi32>
      %gt3A_233 = arith.cmpf ogt, %select_n3A_231, %broadcast_in_dim3A_3 : vector<16xf32>
      %select_n3A_234 = arith.select %gt3A_233, %select_n3A_231, %broadcast_in_dim3A_3 : vector<16xi1>, vector<16xf32>
      %select_n3A_235 = arith.select %gt3A_233, %select_n3A_232, %add3A_219 : vector<16xi1>, vector<16xi32>
      %add3A_236 = arith.constant 16 : i32
      %add3A_237 = arith.addi %mul3A_2, %add3A_236 : i32
      %add3A_238 = vector.broadcast %add3A_237 : i32 to vector<16xi32>
      %add3A_239 = arith.addi %iota3A, %add3A_238 : vector<16xi32>
      %gt3A_240 = arith.cmpf ogt, %select_n3A_37, %select_n3A_224 : vector<16xf32>
      %select_n3A_241 = arith.select %gt3A_240, %select_n3A_37, %select_n3A_224 : vector<16xi1>, vector<16xf32>
      %select_n3A_242 = arith.select %gt3A_240, %add3A_239, %select_n3A_225 : vector<16xi1>, vector<16xi32>
      %select_n3A_243 = arith.select %gt3A_240, %select_n3A_224, %select_n3A_37 : vector<16xi1>, vector<16xf32>
      %select_n3A_244 = arith.select %gt3A_240, %select_n3A_225, %add3A_239 : vector<16xi1>, vector<16xi32>
      %gt3A_245 = arith.cmpf ogt, %select_n3A_243, %select_n3A_229 : vector<16xf32>
      %select_n3A_246 = arith.select %gt3A_245, %select_n3A_243, %select_n3A_229 : vector<16xi1>, vector<16xf32>
      %select_n3A_247 = arith.select %gt3A_245, %select_n3A_244, %select_n3A_230 : vector<16xi1>, vector<16xi32>
      %select_n3A_248 = arith.select %gt3A_245, %select_n3A_229, %select_n3A_243 : vector<16xi1>, vector<16xf32>
      %select_n3A_249 = arith.select %gt3A_245, %select_n3A_230, %select_n3A_244 : vector<16xi1>, vector<16xi32>
      %gt3A_250 = arith.cmpf ogt, %select_n3A_248, %select_n3A_234 : vector<16xf32>
      %select_n3A_251 = arith.select %gt3A_250, %select_n3A_248, %select_n3A_234 : vector<16xi1>, vector<16xf32>
      %select_n3A_252 = arith.select %gt3A_250, %select_n3A_249, %select_n3A_235 : vector<16xi1>, vector<16xi32>
      %add3A_253 = arith.constant 32 : i32
      %add3A_254 = arith.addi %mul3A_2, %add3A_253 : i32
      %add3A_255 = vector.broadcast %add3A_254 : i32 to vector<16xi32>
      %add3A_256 = arith.addi %iota3A, %add3A_255 : vector<16xi32>
      %gt3A_257 = arith.cmpf ogt, %select_n3A_47, %select_n3A_241 : vector<16xf32>
      %select_n3A_258 = arith.select %gt3A_257, %select_n3A_47, %select_n3A_241 : vector<16xi1>, vector<16xf32>
      %select_n3A_259 = arith.select %gt3A_257, %add3A_256, %select_n3A_242 : vector<16xi1>, vector<16xi32>
      %select_n3A_260 = arith.select %gt3A_257, %select_n3A_241, %select_n3A_47 : vector<16xi1>, vector<16xf32>
      %select_n3A_261 = arith.select %gt3A_257, %select_n3A_242, %add3A_256 : vector<16xi1>, vector<16xi32>
      %gt3A_262 = arith.cmpf ogt, %select_n3A_260, %select_n3A_246 : vector<16xf32>
      %select_n3A_263 = arith.select %gt3A_262, %select_n3A_260, %select_n3A_246 : vector<16xi1>, vector<16xf32>
      %select_n3A_264 = arith.select %gt3A_262, %select_n3A_261, %select_n3A_247 : vector<16xi1>, vector<16xi32>
      %select_n3A_265 = arith.select %gt3A_262, %select_n3A_246, %select_n3A_260 : vector<16xi1>, vector<16xf32>
      %select_n3A_266 = arith.select %gt3A_262, %select_n3A_247, %select_n3A_261 : vector<16xi1>, vector<16xi32>
      %gt3A_267 = arith.cmpf ogt, %select_n3A_265, %select_n3A_251 : vector<16xf32>
      %select_n3A_268 = arith.select %gt3A_267, %select_n3A_265, %select_n3A_251 : vector<16xi1>, vector<16xf32>
      %select_n3A_269 = arith.select %gt3A_267, %select_n3A_266, %select_n3A_252 : vector<16xi1>, vector<16xi32>
      %add3A_270 = arith.constant 48 : i32
      %add3A_271 = arith.addi %mul3A_2, %add3A_270 : i32
      %add3A_272 = vector.broadcast %add3A_271 : i32 to vector<16xi32>
      %add3A_273 = arith.addi %iota3A, %add3A_272 : vector<16xi32>
      %gt3A_274 = arith.cmpf ogt, %select_n3A_57, %select_n3A_258 : vector<16xf32>
      %select_n3A_275 = arith.select %gt3A_274, %select_n3A_57, %select_n3A_258 : vector<16xi1>, vector<16xf32>
      %select_n3A_276 = arith.select %gt3A_274, %add3A_273, %select_n3A_259 : vector<16xi1>, vector<16xi32>
      %select_n3A_277 = arith.select %gt3A_274, %select_n3A_258, %select_n3A_57 : vector<16xi1>, vector<16xf32>
      %select_n3A_278 = arith.select %gt3A_274, %select_n3A_259, %add3A_273 : vector<16xi1>, vector<16xi32>
      %gt3A_279 = arith.cmpf ogt, %select_n3A_277, %select_n3A_263 : vector<16xf32>
      %select_n3A_280 = arith.select %gt3A_279, %select_n3A_277, %select_n3A_263 : vector<16xi1>, vector<16xf32>
      %select_n3A_281 = arith.select %gt3A_279, %select_n3A_278, %select_n3A_264 : vector<16xi1>, vector<16xi32>
      %select_n3A_282 = arith.select %gt3A_279, %select_n3A_263, %select_n3A_277 : vector<16xi1>, vector<16xf32>
      %select_n3A_283 = arith.select %gt3A_279, %select_n3A_264, %select_n3A_278 : vector<16xi1>, vector<16xi32>
      %gt3A_284 = arith.cmpf ogt, %select_n3A_282, %select_n3A_268 : vector<16xf32>
      %select_n3A_285 = arith.select %gt3A_284, %select_n3A_282, %select_n3A_268 : vector<16xi1>, vector<16xf32>
      %select_n3A_286 = arith.select %gt3A_284, %select_n3A_283, %select_n3A_269 : vector<16xi1>, vector<16xi32>
      %add3A_287 = arith.constant 64 : i32
      %add3A_288 = arith.addi %mul3A_2, %add3A_287 : i32
      %add3A_289 = vector.broadcast %add3A_288 : i32 to vector<16xi32>
      %add3A_290 = arith.addi %iota3A, %add3A_289 : vector<16xi32>
      %gt3A_291 = arith.cmpf ogt, %select_n3A_67, %select_n3A_275 : vector<16xf32>
      %select_n3A_292 = arith.select %gt3A_291, %select_n3A_67, %select_n3A_275 : vector<16xi1>, vector<16xf32>
      %select_n3A_293 = arith.select %gt3A_291, %add3A_290, %select_n3A_276 : vector<16xi1>, vector<16xi32>
      %select_n3A_294 = arith.select %gt3A_291, %select_n3A_275, %select_n3A_67 : vector<16xi1>, vector<16xf32>
      %select_n3A_295 = arith.select %gt3A_291, %select_n3A_276, %add3A_290 : vector<16xi1>, vector<16xi32>
      %gt3A_296 = arith.cmpf ogt, %select_n3A_294, %select_n3A_280 : vector<16xf32>
      %select_n3A_297 = arith.select %gt3A_296, %select_n3A_294, %select_n3A_280 : vector<16xi1>, vector<16xf32>
      %select_n3A_298 = arith.select %gt3A_296, %select_n3A_295, %select_n3A_281 : vector<16xi1>, vector<16xi32>
      %select_n3A_299 = arith.select %gt3A_296, %select_n3A_280, %select_n3A_294 : vector<16xi1>, vector<16xf32>
      %select_n3A_300 = arith.select %gt3A_296, %select_n3A_281, %select_n3A_295 : vector<16xi1>, vector<16xi32>
      %gt3A_301 = arith.cmpf ogt, %select_n3A_299, %select_n3A_285 : vector<16xf32>
      %select_n3A_302 = arith.select %gt3A_301, %select_n3A_299, %select_n3A_285 : vector<16xi1>, vector<16xf32>
      %select_n3A_303 = arith.select %gt3A_301, %select_n3A_300, %select_n3A_286 : vector<16xi1>, vector<16xi32>
      %add3A_304 = arith.constant 80 : i32
      %add3A_305 = arith.addi %mul3A_2, %add3A_304 : i32
      %add3A_306 = vector.broadcast %add3A_305 : i32 to vector<16xi32>
      %add3A_307 = arith.addi %iota3A, %add3A_306 : vector<16xi32>
      %gt3A_308 = arith.cmpf ogt, %select_n3A_77, %select_n3A_292 : vector<16xf32>
      %select_n3A_309 = arith.select %gt3A_308, %select_n3A_77, %select_n3A_292 : vector<16xi1>, vector<16xf32>
      %select_n3A_310 = arith.select %gt3A_308, %add3A_307, %select_n3A_293 : vector<16xi1>, vector<16xi32>
      %select_n3A_311 = arith.select %gt3A_308, %select_n3A_292, %select_n3A_77 : vector<16xi1>, vector<16xf32>
      %select_n3A_312 = arith.select %gt3A_308, %select_n3A_293, %add3A_307 : vector<16xi1>, vector<16xi32>
      %gt3A_313 = arith.cmpf ogt, %select_n3A_311, %select_n3A_297 : vector<16xf32>
      %select_n3A_314 = arith.select %gt3A_313, %select_n3A_311, %select_n3A_297 : vector<16xi1>, vector<16xf32>
      %select_n3A_315 = arith.select %gt3A_313, %select_n3A_312, %select_n3A_298 : vector<16xi1>, vector<16xi32>
      %select_n3A_316 = arith.select %gt3A_313, %select_n3A_297, %select_n3A_311 : vector<16xi1>, vector<16xf32>
      %select_n3A_317 = arith.select %gt3A_313, %select_n3A_298, %select_n3A_312 : vector<16xi1>, vector<16xi32>
      %gt3A_318 = arith.cmpf ogt, %select_n3A_316, %select_n3A_302 : vector<16xf32>
      %select_n3A_319 = arith.select %gt3A_318, %select_n3A_316, %select_n3A_302 : vector<16xi1>, vector<16xf32>
      %select_n3A_320 = arith.select %gt3A_318, %select_n3A_317, %select_n3A_303 : vector<16xi1>, vector<16xi32>
      %add3A_321 = arith.constant 96 : i32
      %add3A_322 = arith.addi %mul3A_2, %add3A_321 : i32
      %add3A_323 = vector.broadcast %add3A_322 : i32 to vector<16xi32>
      %add3A_324 = arith.addi %iota3A, %add3A_323 : vector<16xi32>
      %gt3A_325 = arith.cmpf ogt, %select_n3A_87, %select_n3A_309 : vector<16xf32>
      %select_n3A_326 = arith.select %gt3A_325, %select_n3A_87, %select_n3A_309 : vector<16xi1>, vector<16xf32>
      %select_n3A_327 = arith.select %gt3A_325, %add3A_324, %select_n3A_310 : vector<16xi1>, vector<16xi32>
      %select_n3A_328 = arith.select %gt3A_325, %select_n3A_309, %select_n3A_87 : vector<16xi1>, vector<16xf32>
      %select_n3A_329 = arith.select %gt3A_325, %select_n3A_310, %add3A_324 : vector<16xi1>, vector<16xi32>
      %gt3A_330 = arith.cmpf ogt, %select_n3A_328, %select_n3A_314 : vector<16xf32>
      %select_n3A_331 = arith.select %gt3A_330, %select_n3A_328, %select_n3A_314 : vector<16xi1>, vector<16xf32>
      %select_n3A_332 = arith.select %gt3A_330, %select_n3A_329, %select_n3A_315 : vector<16xi1>, vector<16xi32>
      %select_n3A_333 = arith.select %gt3A_330, %select_n3A_314, %select_n3A_328 : vector<16xi1>, vector<16xf32>
      %select_n3A_334 = arith.select %gt3A_330, %select_n3A_315, %select_n3A_329 : vector<16xi1>, vector<16xi32>
      %gt3A_335 = arith.cmpf ogt, %select_n3A_333, %select_n3A_319 : vector<16xf32>
      %select_n3A_336 = arith.select %gt3A_335, %select_n3A_333, %select_n3A_319 : vector<16xi1>, vector<16xf32>
      %select_n3A_337 = arith.select %gt3A_335, %select_n3A_334, %select_n3A_320 : vector<16xi1>, vector<16xi32>
      %add3A_338 = arith.constant 112 : i32
      %add3A_339 = arith.addi %mul3A_2, %add3A_338 : i32
      %add3A_340 = vector.broadcast %add3A_339 : i32 to vector<16xi32>
      %add3A_341 = arith.addi %iota3A, %add3A_340 : vector<16xi32>
      %gt3A_342 = arith.cmpf ogt, %select_n3A_97, %select_n3A_326 : vector<16xf32>
      %select_n3A_343 = arith.select %gt3A_342, %select_n3A_97, %select_n3A_326 : vector<16xi1>, vector<16xf32>
      %select_n3A_344 = arith.select %gt3A_342, %add3A_341, %select_n3A_327 : vector<16xi1>, vector<16xi32>
      %select_n3A_345 = arith.select %gt3A_342, %select_n3A_326, %select_n3A_97 : vector<16xi1>, vector<16xf32>
      %select_n3A_346 = arith.select %gt3A_342, %select_n3A_327, %add3A_341 : vector<16xi1>, vector<16xi32>
      %gt3A_347 = arith.cmpf ogt, %select_n3A_345, %select_n3A_331 : vector<16xf32>
      %select_n3A_348 = arith.select %gt3A_347, %select_n3A_345, %select_n3A_331 : vector<16xi1>, vector<16xf32>
      %select_n3A_349 = arith.select %gt3A_347, %select_n3A_346, %select_n3A_332 : vector<16xi1>, vector<16xi32>
      %select_n3A_350 = arith.select %gt3A_347, %select_n3A_331, %select_n3A_345 : vector<16xi1>, vector<16xf32>
      %select_n3A_351 = arith.select %gt3A_347, %select_n3A_332, %select_n3A_346 : vector<16xi1>, vector<16xi32>
      %gt3A_352 = arith.cmpf ogt, %select_n3A_350, %select_n3A_336 : vector<16xf32>
      %select_n3A_353 = arith.select %gt3A_352, %select_n3A_350, %select_n3A_336 : vector<16xi1>, vector<16xf32>
      %select_n3A_354 = arith.select %gt3A_352, %select_n3A_351, %select_n3A_337 : vector<16xi1>, vector<16xi32>
      %add3A_355 = arith.constant 128 : i32
      %add3A_356 = arith.addi %mul3A_2, %add3A_355 : i32
      %add3A_357 = vector.broadcast %add3A_356 : i32 to vector<16xi32>
      %add3A_358 = arith.addi %iota3A, %add3A_357 : vector<16xi32>
      %gt3A_359 = arith.cmpf ogt, %select_n3A_107, %select_n3A_343 : vector<16xf32>
      %select_n3A_360 = arith.select %gt3A_359, %select_n3A_107, %select_n3A_343 : vector<16xi1>, vector<16xf32>
      %select_n3A_361 = arith.select %gt3A_359, %add3A_358, %select_n3A_344 : vector<16xi1>, vector<16xi32>
      %select_n3A_362 = arith.select %gt3A_359, %select_n3A_343, %select_n3A_107 : vector<16xi1>, vector<16xf32>
      %select_n3A_363 = arith.select %gt3A_359, %select_n3A_344, %add3A_358 : vector<16xi1>, vector<16xi32>
      %gt3A_364 = arith.cmpf ogt, %select_n3A_362, %select_n3A_348 : vector<16xf32>
      %select_n3A_365 = arith.select %gt3A_364, %select_n3A_362, %select_n3A_348 : vector<16xi1>, vector<16xf32>
      %select_n3A_366 = arith.select %gt3A_364, %select_n3A_363, %select_n3A_349 : vector<16xi1>, vector<16xi32>
      %select_n3A_367 = arith.select %gt3A_364, %select_n3A_348, %select_n3A_362 : vector<16xi1>, vector<16xf32>
      %select_n3A_368 = arith.select %gt3A_364, %select_n3A_349, %select_n3A_363 : vector<16xi1>, vector<16xi32>
      %gt3A_369 = arith.cmpf ogt, %select_n3A_367, %select_n3A_353 : vector<16xf32>
      %select_n3A_370 = arith.select %gt3A_369, %select_n3A_367, %select_n3A_353 : vector<16xi1>, vector<16xf32>
      %select_n3A_371 = arith.select %gt3A_369, %select_n3A_368, %select_n3A_354 : vector<16xi1>, vector<16xi32>
      %add3A_372 = arith.constant 144 : i32
      %add3A_373 = arith.addi %mul3A_2, %add3A_372 : i32
      %add3A_374 = vector.broadcast %add3A_373 : i32 to vector<16xi32>
      %add3A_375 = arith.addi %iota3A, %add3A_374 : vector<16xi32>
      %gt3A_376 = arith.cmpf ogt, %select_n3A_117, %select_n3A_360 : vector<16xf32>
      %select_n3A_377 = arith.select %gt3A_376, %select_n3A_117, %select_n3A_360 : vector<16xi1>, vector<16xf32>
      %select_n3A_378 = arith.select %gt3A_376, %add3A_375, %select_n3A_361 : vector<16xi1>, vector<16xi32>
      %select_n3A_379 = arith.select %gt3A_376, %select_n3A_360, %select_n3A_117 : vector<16xi1>, vector<16xf32>
      %select_n3A_380 = arith.select %gt3A_376, %select_n3A_361, %add3A_375 : vector<16xi1>, vector<16xi32>
      %gt3A_381 = arith.cmpf ogt, %select_n3A_379, %select_n3A_365 : vector<16xf32>
      %select_n3A_382 = arith.select %gt3A_381, %select_n3A_379, %select_n3A_365 : vector<16xi1>, vector<16xf32>
      %select_n3A_383 = arith.select %gt3A_381, %select_n3A_380, %select_n3A_366 : vector<16xi1>, vector<16xi32>
      %select_n3A_384 = arith.select %gt3A_381, %select_n3A_365, %select_n3A_379 : vector<16xi1>, vector<16xf32>
      %select_n3A_385 = arith.select %gt3A_381, %select_n3A_366, %select_n3A_380 : vector<16xi1>, vector<16xi32>
      %gt3A_386 = arith.cmpf ogt, %select_n3A_384, %select_n3A_370 : vector<16xf32>
      %select_n3A_387 = arith.select %gt3A_386, %select_n3A_384, %select_n3A_370 : vector<16xi1>, vector<16xf32>
      %select_n3A_388 = arith.select %gt3A_386, %select_n3A_385, %select_n3A_371 : vector<16xi1>, vector<16xi32>
      %add3A_389 = arith.constant 160 : i32
      %add3A_390 = arith.addi %mul3A_2, %add3A_389 : i32
      %add3A_391 = vector.broadcast %add3A_390 : i32 to vector<16xi32>
      %add3A_392 = arith.addi %iota3A, %add3A_391 : vector<16xi32>
      %gt3A_393 = arith.cmpf ogt, %select_n3A_127, %select_n3A_377 : vector<16xf32>
      %select_n3A_394 = arith.select %gt3A_393, %select_n3A_127, %select_n3A_377 : vector<16xi1>, vector<16xf32>
      %select_n3A_395 = arith.select %gt3A_393, %add3A_392, %select_n3A_378 : vector<16xi1>, vector<16xi32>
      %select_n3A_396 = arith.select %gt3A_393, %select_n3A_377, %select_n3A_127 : vector<16xi1>, vector<16xf32>
      %select_n3A_397 = arith.select %gt3A_393, %select_n3A_378, %add3A_392 : vector<16xi1>, vector<16xi32>
      %gt3A_398 = arith.cmpf ogt, %select_n3A_396, %select_n3A_382 : vector<16xf32>
      %select_n3A_399 = arith.select %gt3A_398, %select_n3A_396, %select_n3A_382 : vector<16xi1>, vector<16xf32>
      %select_n3A_400 = arith.select %gt3A_398, %select_n3A_397, %select_n3A_383 : vector<16xi1>, vector<16xi32>
      %select_n3A_401 = arith.select %gt3A_398, %select_n3A_382, %select_n3A_396 : vector<16xi1>, vector<16xf32>
      %select_n3A_402 = arith.select %gt3A_398, %select_n3A_383, %select_n3A_397 : vector<16xi1>, vector<16xi32>
      %gt3A_403 = arith.cmpf ogt, %select_n3A_401, %select_n3A_387 : vector<16xf32>
      %select_n3A_404 = arith.select %gt3A_403, %select_n3A_401, %select_n3A_387 : vector<16xi1>, vector<16xf32>
      %select_n3A_405 = arith.select %gt3A_403, %select_n3A_402, %select_n3A_388 : vector<16xi1>, vector<16xi32>
      %add3A_406 = arith.constant 176 : i32
      %add3A_407 = arith.addi %mul3A_2, %add3A_406 : i32
      %add3A_408 = vector.broadcast %add3A_407 : i32 to vector<16xi32>
      %add3A_409 = arith.addi %iota3A, %add3A_408 : vector<16xi32>
      %gt3A_410 = arith.cmpf ogt, %select_n3A_137, %select_n3A_394 : vector<16xf32>
      %select_n3A_411 = arith.select %gt3A_410, %select_n3A_137, %select_n3A_394 : vector<16xi1>, vector<16xf32>
      %select_n3A_412 = arith.select %gt3A_410, %add3A_409, %select_n3A_395 : vector<16xi1>, vector<16xi32>
      %select_n3A_413 = arith.select %gt3A_410, %select_n3A_394, %select_n3A_137 : vector<16xi1>, vector<16xf32>
      %select_n3A_414 = arith.select %gt3A_410, %select_n3A_395, %add3A_409 : vector<16xi1>, vector<16xi32>
      %gt3A_415 = arith.cmpf ogt, %select_n3A_413, %select_n3A_399 : vector<16xf32>
      %select_n3A_416 = arith.select %gt3A_415, %select_n3A_413, %select_n3A_399 : vector<16xi1>, vector<16xf32>
      %select_n3A_417 = arith.select %gt3A_415, %select_n3A_414, %select_n3A_400 : vector<16xi1>, vector<16xi32>
      %select_n3A_418 = arith.select %gt3A_415, %select_n3A_399, %select_n3A_413 : vector<16xi1>, vector<16xf32>
      %select_n3A_419 = arith.select %gt3A_415, %select_n3A_400, %select_n3A_414 : vector<16xi1>, vector<16xi32>
      %gt3A_420 = arith.cmpf ogt, %select_n3A_418, %select_n3A_404 : vector<16xf32>
      %select_n3A_421 = arith.select %gt3A_420, %select_n3A_418, %select_n3A_404 : vector<16xi1>, vector<16xf32>
      %select_n3A_422 = arith.select %gt3A_420, %select_n3A_419, %select_n3A_405 : vector<16xi1>, vector<16xi32>
      %add3A_423 = arith.constant 192 : i32
      %add3A_424 = arith.addi %mul3A_2, %add3A_423 : i32
      %add3A_425 = vector.broadcast %add3A_424 : i32 to vector<16xi32>
      %add3A_426 = arith.addi %iota3A, %add3A_425 : vector<16xi32>
      %gt3A_427 = arith.cmpf ogt, %select_n3A_147, %select_n3A_411 : vector<16xf32>
      %select_n3A_428 = arith.select %gt3A_427, %select_n3A_147, %select_n3A_411 : vector<16xi1>, vector<16xf32>
      %select_n3A_429 = arith.select %gt3A_427, %add3A_426, %select_n3A_412 : vector<16xi1>, vector<16xi32>
      %select_n3A_430 = arith.select %gt3A_427, %select_n3A_411, %select_n3A_147 : vector<16xi1>, vector<16xf32>
      %select_n3A_431 = arith.select %gt3A_427, %select_n3A_412, %add3A_426 : vector<16xi1>, vector<16xi32>
      %gt3A_432 = arith.cmpf ogt, %select_n3A_430, %select_n3A_416 : vector<16xf32>
      %select_n3A_433 = arith.select %gt3A_432, %select_n3A_430, %select_n3A_416 : vector<16xi1>, vector<16xf32>
      %select_n3A_434 = arith.select %gt3A_432, %select_n3A_431, %select_n3A_417 : vector<16xi1>, vector<16xi32>
      %select_n3A_435 = arith.select %gt3A_432, %select_n3A_416, %select_n3A_430 : vector<16xi1>, vector<16xf32>
      %select_n3A_436 = arith.select %gt3A_432, %select_n3A_417, %select_n3A_431 : vector<16xi1>, vector<16xi32>
      %gt3A_437 = arith.cmpf ogt, %select_n3A_435, %select_n3A_421 : vector<16xf32>
      %select_n3A_438 = arith.select %gt3A_437, %select_n3A_435, %select_n3A_421 : vector<16xi1>, vector<16xf32>
      %select_n3A_439 = arith.select %gt3A_437, %select_n3A_436, %select_n3A_422 : vector<16xi1>, vector<16xi32>
      %add3A_440 = arith.constant 208 : i32
      %add3A_441 = arith.addi %mul3A_2, %add3A_440 : i32
      %add3A_442 = vector.broadcast %add3A_441 : i32 to vector<16xi32>
      %add3A_443 = arith.addi %iota3A, %add3A_442 : vector<16xi32>
      %gt3A_444 = arith.cmpf ogt, %select_n3A_157, %select_n3A_428 : vector<16xf32>
      %select_n3A_445 = arith.select %gt3A_444, %select_n3A_157, %select_n3A_428 : vector<16xi1>, vector<16xf32>
      %select_n3A_446 = arith.select %gt3A_444, %add3A_443, %select_n3A_429 : vector<16xi1>, vector<16xi32>
      %select_n3A_447 = arith.select %gt3A_444, %select_n3A_428, %select_n3A_157 : vector<16xi1>, vector<16xf32>
      %select_n3A_448 = arith.select %gt3A_444, %select_n3A_429, %add3A_443 : vector<16xi1>, vector<16xi32>
      %gt3A_449 = arith.cmpf ogt, %select_n3A_447, %select_n3A_433 : vector<16xf32>
      %select_n3A_450 = arith.select %gt3A_449, %select_n3A_447, %select_n3A_433 : vector<16xi1>, vector<16xf32>
      %select_n3A_451 = arith.select %gt3A_449, %select_n3A_448, %select_n3A_434 : vector<16xi1>, vector<16xi32>
      %select_n3A_452 = arith.select %gt3A_449, %select_n3A_433, %select_n3A_447 : vector<16xi1>, vector<16xf32>
      %select_n3A_453 = arith.select %gt3A_449, %select_n3A_434, %select_n3A_448 : vector<16xi1>, vector<16xi32>
      %gt3A_454 = arith.cmpf ogt, %select_n3A_452, %select_n3A_438 : vector<16xf32>
      %select_n3A_455 = arith.select %gt3A_454, %select_n3A_452, %select_n3A_438 : vector<16xi1>, vector<16xf32>
      %select_n3A_456 = arith.select %gt3A_454, %select_n3A_453, %select_n3A_439 : vector<16xi1>, vector<16xi32>
      %add3A_457 = arith.constant 224 : i32
      %add3A_458 = arith.addi %mul3A_2, %add3A_457 : i32
      %add3A_459 = vector.broadcast %add3A_458 : i32 to vector<16xi32>
      %add3A_460 = arith.addi %iota3A, %add3A_459 : vector<16xi32>
      %gt3A_461 = arith.cmpf ogt, %select_n3A_167, %select_n3A_445 : vector<16xf32>
      %select_n3A_462 = arith.select %gt3A_461, %select_n3A_167, %select_n3A_445 : vector<16xi1>, vector<16xf32>
      %select_n3A_463 = arith.select %gt3A_461, %add3A_460, %select_n3A_446 : vector<16xi1>, vector<16xi32>
      %select_n3A_464 = arith.select %gt3A_461, %select_n3A_445, %select_n3A_167 : vector<16xi1>, vector<16xf32>
      %select_n3A_465 = arith.select %gt3A_461, %select_n3A_446, %add3A_460 : vector<16xi1>, vector<16xi32>
      %gt3A_466 = arith.cmpf ogt, %select_n3A_464, %select_n3A_450 : vector<16xf32>
      %select_n3A_467 = arith.select %gt3A_466, %select_n3A_464, %select_n3A_450 : vector<16xi1>, vector<16xf32>
      %select_n3A_468 = arith.select %gt3A_466, %select_n3A_465, %select_n3A_451 : vector<16xi1>, vector<16xi32>
      %select_n3A_469 = arith.select %gt3A_466, %select_n3A_450, %select_n3A_464 : vector<16xi1>, vector<16xf32>
      %select_n3A_470 = arith.select %gt3A_466, %select_n3A_451, %select_n3A_465 : vector<16xi1>, vector<16xi32>
      %gt3A_471 = arith.cmpf ogt, %select_n3A_469, %select_n3A_455 : vector<16xf32>
      %select_n3A_472 = arith.select %gt3A_471, %select_n3A_469, %select_n3A_455 : vector<16xi1>, vector<16xf32>
      %select_n3A_473 = arith.select %gt3A_471, %select_n3A_470, %select_n3A_456 : vector<16xi1>, vector<16xi32>
      %add3A_474 = arith.constant 240 : i32
      %add3A_475 = arith.addi %mul3A_2, %add3A_474 : i32
      %add3A_476 = vector.broadcast %add3A_475 : i32 to vector<16xi32>
      %add3A_477 = arith.addi %iota3A, %add3A_476 : vector<16xi32>
      %gt3A_478 = arith.cmpf ogt, %select_n3A_177, %select_n3A_462 : vector<16xf32>
      %select_n3A_479 = arith.select %gt3A_478, %select_n3A_177, %select_n3A_462 : vector<16xi1>, vector<16xf32>
      %select_n3A_480 = arith.select %gt3A_478, %add3A_477, %select_n3A_463 : vector<16xi1>, vector<16xi32>
      %select_n3A_481 = arith.select %gt3A_478, %select_n3A_462, %select_n3A_177 : vector<16xi1>, vector<16xf32>
      %select_n3A_482 = arith.select %gt3A_478, %select_n3A_463, %add3A_477 : vector<16xi1>, vector<16xi32>
      %gt3A_483 = arith.cmpf ogt, %select_n3A_481, %select_n3A_467 : vector<16xf32>
      %select_n3A_484 = arith.select %gt3A_483, %select_n3A_481, %select_n3A_467 : vector<16xi1>, vector<16xf32>
      %select_n3A_485 = arith.select %gt3A_483, %select_n3A_482, %select_n3A_468 : vector<16xi1>, vector<16xi32>
      %select_n3A_486 = arith.select %gt3A_483, %select_n3A_467, %select_n3A_481 : vector<16xi1>, vector<16xf32>
      %select_n3A_487 = arith.select %gt3A_483, %select_n3A_468, %select_n3A_482 : vector<16xi1>, vector<16xi32>
      %gt3A_488 = arith.cmpf ogt, %select_n3A_486, %select_n3A_472 : vector<16xf32>
      %select_n3A_489 = arith.select %gt3A_488, %select_n3A_486, %select_n3A_472 : vector<16xi1>, vector<16xf32>
      %select_n3A_490 = arith.select %gt3A_488, %select_n3A_487, %select_n3A_473 : vector<16xi1>, vector<16xi32>
      %add3A_491 = arith.constant 256 : i32
      %add3A_492 = arith.addi %mul3A_2, %add3A_491 : i32
      %add3A_493 = vector.broadcast %add3A_492 : i32 to vector<16xi32>
      %add3A_494 = arith.addi %iota3A, %add3A_493 : vector<16xi32>
      %gt3A_495 = arith.cmpf ogt, %select_n3A_187, %select_n3A_479 : vector<16xf32>
      %select_n3A_496 = arith.select %gt3A_495, %select_n3A_187, %select_n3A_479 : vector<16xi1>, vector<16xf32>
      %select_n3A_497 = arith.select %gt3A_495, %add3A_494, %select_n3A_480 : vector<16xi1>, vector<16xi32>
      %select_n3A_498 = arith.select %gt3A_495, %select_n3A_479, %select_n3A_187 : vector<16xi1>, vector<16xf32>
      %select_n3A_499 = arith.select %gt3A_495, %select_n3A_480, %add3A_494 : vector<16xi1>, vector<16xi32>
      %gt3A_500 = arith.cmpf ogt, %select_n3A_498, %select_n3A_484 : vector<16xf32>
      %select_n3A_501 = arith.select %gt3A_500, %select_n3A_498, %select_n3A_484 : vector<16xi1>, vector<16xf32>
      %select_n3A_502 = arith.select %gt3A_500, %select_n3A_499, %select_n3A_485 : vector<16xi1>, vector<16xi32>
      %select_n3A_503 = arith.select %gt3A_500, %select_n3A_484, %select_n3A_498 : vector<16xi1>, vector<16xf32>
      %select_n3A_504 = arith.select %gt3A_500, %select_n3A_485, %select_n3A_499 : vector<16xi1>, vector<16xi32>
      %gt3A_505 = arith.cmpf ogt, %select_n3A_503, %select_n3A_489 : vector<16xf32>
      %select_n3A_506 = arith.select %gt3A_505, %select_n3A_503, %select_n3A_489 : vector<16xi1>, vector<16xf32>
      %select_n3A_507 = arith.select %gt3A_505, %select_n3A_504, %select_n3A_490 : vector<16xi1>, vector<16xi32>
      %add3A_508 = arith.constant 272 : i32
      %add3A_509 = arith.addi %mul3A_2, %add3A_508 : i32
      %add3A_510 = vector.broadcast %add3A_509 : i32 to vector<16xi32>
      %add3A_511 = arith.addi %iota3A, %add3A_510 : vector<16xi32>
      %gt3A_512 = arith.cmpf ogt, %select_n3A_197, %select_n3A_496 : vector<16xf32>
      %select_n3A_513 = arith.select %gt3A_512, %select_n3A_197, %select_n3A_496 : vector<16xi1>, vector<16xf32>
      %select_n3A_514 = arith.select %gt3A_512, %add3A_511, %select_n3A_497 : vector<16xi1>, vector<16xi32>
      %select_n3A_515 = arith.select %gt3A_512, %select_n3A_496, %select_n3A_197 : vector<16xi1>, vector<16xf32>
      %select_n3A_516 = arith.select %gt3A_512, %select_n3A_497, %add3A_511 : vector<16xi1>, vector<16xi32>
      %gt3A_517 = arith.cmpf ogt, %select_n3A_515, %select_n3A_501 : vector<16xf32>
      %select_n3A_518 = arith.select %gt3A_517, %select_n3A_515, %select_n3A_501 : vector<16xi1>, vector<16xf32>
      %select_n3A_519 = arith.select %gt3A_517, %select_n3A_516, %select_n3A_502 : vector<16xi1>, vector<16xi32>
      %select_n3A_520 = arith.select %gt3A_517, %select_n3A_501, %select_n3A_515 : vector<16xi1>, vector<16xf32>
      %select_n3A_521 = arith.select %gt3A_517, %select_n3A_502, %select_n3A_516 : vector<16xi1>, vector<16xi32>
      %gt3A_522 = arith.cmpf ogt, %select_n3A_520, %select_n3A_506 : vector<16xf32>
      %select_n3A_523 = arith.select %gt3A_522, %select_n3A_520, %select_n3A_506 : vector<16xi1>, vector<16xf32>
      %select_n3A_524 = arith.select %gt3A_522, %select_n3A_521, %select_n3A_507 : vector<16xi1>, vector<16xi32>
      %add3A_525 = arith.constant 288 : i32
      %add3A_526 = arith.addi %mul3A_2, %add3A_525 : i32
      %add3A_527 = vector.broadcast %add3A_526 : i32 to vector<16xi32>
      %add3A_528 = arith.addi %iota3A, %add3A_527 : vector<16xi32>
      %gt3A_529 = arith.cmpf ogt, %select_n3A_207, %select_n3A_513 : vector<16xf32>
      %select_n3A_530 = arith.select %gt3A_529, %select_n3A_207, %select_n3A_513 : vector<16xi1>, vector<16xf32>
      %select_n3A_531 = arith.select %gt3A_529, %add3A_528, %select_n3A_514 : vector<16xi1>, vector<16xi32>
      %select_n3A_532 = arith.select %gt3A_529, %select_n3A_513, %select_n3A_207 : vector<16xi1>, vector<16xf32>
      %select_n3A_533 = arith.select %gt3A_529, %select_n3A_514, %add3A_528 : vector<16xi1>, vector<16xi32>
      %gt3A_534 = arith.cmpf ogt, %select_n3A_532, %select_n3A_518 : vector<16xf32>
      %select_n3A_535 = arith.select %gt3A_534, %select_n3A_532, %select_n3A_518 : vector<16xi1>, vector<16xf32>
      %select_n3A_536 = arith.select %gt3A_534, %select_n3A_533, %select_n3A_519 : vector<16xi1>, vector<16xi32>
      %select_n3A_537 = arith.select %gt3A_534, %select_n3A_518, %select_n3A_532 : vector<16xi1>, vector<16xf32>
      %select_n3A_538 = arith.select %gt3A_534, %select_n3A_519, %select_n3A_533 : vector<16xi1>, vector<16xi32>
      %gt3A_539 = arith.cmpf ogt, %select_n3A_537, %select_n3A_523 : vector<16xf32>
      %select_n3A_540 = arith.select %gt3A_539, %select_n3A_537, %select_n3A_523 : vector<16xi1>, vector<16xf32>
      %select_n3A_541 = arith.select %gt3A_539, %select_n3A_538, %select_n3A_524 : vector<16xi1>, vector<16xi32>
      %add3A_542 = arith.constant 304 : i32
      %add3A_543 = arith.addi %mul3A_2, %add3A_542 : i32
      %add3A_544 = vector.broadcast %add3A_543 : i32 to vector<16xi32>
      %add3A_545 = arith.addi %iota3A, %add3A_544 : vector<16xi32>
      %gt3A_546 = arith.cmpf ogt, %select_n3A_217, %select_n3A_530 : vector<16xf32>
      %select_n3A_547 = arith.select %gt3A_546, %select_n3A_217, %select_n3A_530 : vector<16xi1>, vector<16xf32>
      %select_n3A_548 = arith.select %gt3A_546, %add3A_545, %select_n3A_531 : vector<16xi1>, vector<16xi32>
      %select_n3A_549 = arith.select %gt3A_546, %select_n3A_530, %select_n3A_217 : vector<16xi1>, vector<16xf32>
      %select_n3A_550 = arith.select %gt3A_546, %select_n3A_531, %add3A_545 : vector<16xi1>, vector<16xi32>
      %gt3A_551 = arith.cmpf ogt, %select_n3A_549, %select_n3A_535 : vector<16xf32>
      %select_n3A_552 = arith.select %gt3A_551, %select_n3A_549, %select_n3A_535 : vector<16xi1>, vector<16xf32>
      %select_n3A_553 = arith.select %gt3A_551, %select_n3A_550, %select_n3A_536 : vector<16xi1>, vector<16xi32>
      %select_n3A_554 = arith.select %gt3A_551, %select_n3A_535, %select_n3A_549 : vector<16xi1>, vector<16xf32>
      %select_n3A_555 = arith.select %gt3A_551, %select_n3A_536, %select_n3A_550 : vector<16xi1>, vector<16xi32>
      %gt3A_556 = arith.cmpf ogt, %select_n3A_554, %select_n3A_540 : vector<16xf32>
      %select_n3A_557 = arith.select %gt3A_556, %select_n3A_554, %select_n3A_540 : vector<16xi1>, vector<16xf32>
      %select_n3A_558 = arith.select %gt3A_556, %select_n3A_555, %select_n3A_541 : vector<16xi1>, vector<16xi32>
      %reduce_max3A = arith.constant true
      %reduce_max3A_559 = vector.broadcast %reduce_max3A : i1 to vector<16xi1>
      %reduce_max3A_560 = tpu.scan <max>, %select_n3A_547 masked %reduce_max3A_559 : vector<16xf32>, vector<16xi1> -> vector<16xf32>
      %reduce_max3A_561 = vector.extract %reduce_max3A_560[15] : f32 from vector<16xf32>
      %eq3A_562 = vector.broadcast %reduce_max3A_561 : f32 to vector<16xf32>
      %eq3A_563 = arith.cmpf oeq, %select_n3A_547, %eq3A_562 : vector<16xf32>
      %jit3A = arith.constant 1073741824 : i32
      %broadcast_in_dim3A_564 = vector.broadcast %jit3A : i32 to vector<16xi32>
      %select_n3A_565 = arith.select %eq3A_563, %select_n3A_548, %broadcast_in_dim3A_564 : vector<16xi1>, vector<16xi32>
      %reduce_min3A = arith.constant true
      %reduce_min3A_566 = vector.broadcast %reduce_min3A : i1 to vector<16xi1>
      %reduce_min3A_567 = arith.constant -2147483648 : i32
      %reduce_min3A_568 = vector.broadcast %reduce_min3A_567 : i32 to vector<16xi32>
      %reduce_min3A_569 = arith.xori %select_n3A_565, %reduce_min3A_568 : vector<16xi32>
      %reduce_min3A_570 = tpu.scan <min>, %reduce_min3A_569 masked %reduce_min3A_566 : vector<16xi32>, vector<16xi1> -> vector<16xi32>
      %reduce_min3A_571 = arith.xori %reduce_min3A_570, %reduce_min3A_568 : vector<16xi32>
      %reduce_min3A_572 = vector.extract %reduce_min3A_571[15] : i32 from vector<16xi32>
      %eq3A_573 = vector.broadcast %reduce_max3A_561 : f32 to vector<16xf32>
      %eq3A_574 = arith.cmpf oeq, %select_n3A_547, %eq3A_573 : vector<16xf32>
      %eq3A_575 = vector.broadcast %reduce_min3A_572 : i32 to vector<16xi32>
      %eq3A_576 = arith.cmpi eq, %select_n3A_548, %eq3A_575 : vector<16xi32>
      %and3A = arith.andi %eq3A_574, %eq3A_576 : vector<16xi1>
      %select_n3A_577 = arith.select %and3A, %select_n3A_552, %select_n3A_547 : vector<16xi1>, vector<16xf32>
      %select_n3A_578 = arith.select %and3A, %select_n3A_553, %select_n3A_548 : vector<16xi1>, vector<16xi32>
      %reduce_max3A_579 = arith.constant true
      %reduce_max3A_580 = vector.broadcast %reduce_max3A_579 : i1 to vector<16xi1>
      %reduce_max3A_581 = tpu.scan <max>, %select_n3A_577 masked %reduce_max3A_580 : vector<16xf32>, vector<16xi1> -> vector<16xf32>
      %reduce_max3A_582 = vector.extract %reduce_max3A_581[15] : f32 from vector<16xf32>
      %eq3A_583 = vector.broadcast %reduce_max3A_582 : f32 to vector<16xf32>
      %eq3A_584 = arith.cmpf oeq, %select_n3A_577, %eq3A_583 : vector<16xf32>
      %jit3A_585 = arith.constant 1073741824 : i32
      %broadcast_in_dim3A_586 = vector.broadcast %jit3A_585 : i32 to vector<16xi32>
      %select_n3A_587 = arith.select %eq3A_584, %select_n3A_578, %broadcast_in_dim3A_586 : vector<16xi1>, vector<16xi32>
      %reduce_min3A_588 = arith.constant true
      %reduce_min3A_589 = vector.broadcast %reduce_min3A_588 : i1 to vector<16xi1>
      %reduce_min3A_590 = arith.constant -2147483648 : i32
      %reduce_min3A_591 = vector.broadcast %reduce_min3A_590 : i32 to vector<16xi32>
      %reduce_min3A_592 = arith.xori %select_n3A_587, %reduce_min3A_591 : vector<16xi32>
      %reduce_min3A_593 = tpu.scan <min>, %reduce_min3A_592 masked %reduce_min3A_589 : vector<16xi32>, vector<16xi1> -> vector<16xi32>
      %reduce_min3A_594 = arith.xori %reduce_min3A_593, %reduce_min3A_591 : vector<16xi32>
      %reduce_min3A_595 = vector.extract %reduce_min3A_594[15] : i32 from vector<16xi32>
      %eq3A_596 = vector.broadcast %reduce_max3A_582 : f32 to vector<16xf32>
      %eq3A_597 = arith.cmpf oeq, %select_n3A_577, %eq3A_596 : vector<16xf32>
      %eq3A_598 = vector.broadcast %reduce_min3A_595 : i32 to vector<16xi32>
      %eq3A_599 = arith.cmpi eq, %select_n3A_578, %eq3A_598 : vector<16xi32>
      %and3A_600 = arith.andi %eq3A_597, %eq3A_599 : vector<16xi1>
      %select_n3A_601 = arith.select %and3A, %select_n3A_557, %select_n3A_552 : vector<16xi1>, vector<16xf32>
      %select_n3A_602 = arith.select %and3A_600, %select_n3A_601, %select_n3A_577 : vector<16xi1>, vector<16xf32>
      %select_n3A_603 = arith.select %and3A, %select_n3A_558, %select_n3A_553 : vector<16xi1>, vector<16xi32>
      %select_n3A_604 = arith.select %and3A_600, %select_n3A_603, %select_n3A_578 : vector<16xi1>, vector<16xi32>
      %reduce_max3A_605 = arith.constant true
      %reduce_max3A_606 = vector.broadcast %reduce_max3A_605 : i1 to vector<16xi1>
      %reduce_max3A_607 = tpu.scan <max>, %select_n3A_602 masked %reduce_max3A_606 : vector<16xf32>, vector<16xi1> -> vector<16xf32>
      %reduce_max3A_608 = vector.extract %reduce_max3A_607[15] : f32 from vector<16xf32>
      %eq3A_609 = vector.broadcast %reduce_max3A_608 : f32 to vector<16xf32>
      %eq3A_610 = arith.cmpf oeq, %select_n3A_602, %eq3A_609 : vector<16xf32>
      %jit3A_611 = arith.constant 1073741824 : i32
      %broadcast_in_dim3A_612 = vector.broadcast %jit3A_611 : i32 to vector<16xi32>
      %select_n3A_613 = arith.select %eq3A_610, %select_n3A_604, %broadcast_in_dim3A_612 : vector<16xi1>, vector<16xi32>
      %reduce_min3A_614 = arith.constant true
      %reduce_min3A_615 = vector.broadcast %reduce_min3A_614 : i1 to vector<16xi1>
      %reduce_min3A_616 = arith.constant -2147483648 : i32
      %reduce_min3A_617 = vector.broadcast %reduce_min3A_616 : i32 to vector<16xi32>
      %reduce_min3A_618 = arith.xori %select_n3A_613, %reduce_min3A_617 : vector<16xi32>
      %reduce_min3A_619 = tpu.scan <min>, %reduce_min3A_618 masked %reduce_min3A_615 : vector<16xi32>, vector<16xi1> -> vector<16xi32>
      %reduce_min3A_620 = arith.xori %reduce_min3A_619, %reduce_min3A_617 : vector<16xi32>
      %reduce_min3A_621 = vector.extract %reduce_min3A_620[15] : i32 from vector<16xi32>
      %min3A = arith.constant 5119 : i32
      %min3A_622 = arith.minsi %reduce_min3A_595, %min3A : i32
      %min3A_623 = arith.constant 5119 : i32
      %min3A_624 = arith.minsi %reduce_min3A_621, %min3A_623 : i32
      %eq3A_625 = arith.constant 0 : i32
      %eq3A_626 = vector.broadcast %eq3A_625 : i32 to vector<16xi32>
      %eq3A_627 = arith.cmpi eq, %iota3A, %eq3A_626 : vector<16xi32>
      %broadcast_in_dim3A_628 = vector.broadcast %reduce_max3A_561 : f32 to vector<16xf32>
      %eq3A_629 = arith.constant 1 : i32
      %eq3A_630 = vector.broadcast %eq3A_629 : i32 to vector<16xi32>
      %eq3A_631 = arith.cmpi eq, %iota3A, %eq3A_630 : vector<16xi32>
      %convert_element_type3A_632 = arith.sitofp %reduce_min3A_572 : i32 to f32
      %broadcast_in_dim3A_633 = vector.broadcast %convert_element_type3A_632 : f32 to vector<16xf32>
      %eq3A_634 = arith.constant 2 : i32
      %eq3A_635 = vector.broadcast %eq3A_634 : i32 to vector<16xi32>
      %eq3A_636 = arith.cmpi eq, %iota3A, %eq3A_635 : vector<16xi32>
      %broadcast_in_dim3A_637 = vector.broadcast %reduce_max3A_582 : f32 to vector<16xf32>
      %eq3A_638 = arith.constant 3 : i32
      %eq3A_639 = vector.broadcast %eq3A_638 : i32 to vector<16xi32>
      %eq3A_640 = arith.cmpi eq, %iota3A, %eq3A_639 : vector<16xi32>
      %convert_element_type3A_641 = arith.sitofp %min3A_622 : i32 to f32
      %broadcast_in_dim3A_642 = vector.broadcast %convert_element_type3A_641 : f32 to vector<16xf32>
      %eq3A_643 = arith.constant 4 : i32
      %eq3A_644 = vector.broadcast %eq3A_643 : i32 to vector<16xi32>
      %eq3A_645 = arith.cmpi eq, %iota3A, %eq3A_644 : vector<16xi32>
      %broadcast_in_dim3A_646 = vector.broadcast %reduce_max3A_608 : f32 to vector<16xf32>
      %eq3A_647 = arith.constant 5 : i32
      %eq3A_648 = vector.broadcast %eq3A_647 : i32 to vector<16xi32>
      %eq3A_649 = arith.cmpi eq, %iota3A, %eq3A_648 : vector<16xi32>
      %convert_element_type3A_650 = arith.sitofp %min3A_624 : i32 to f32
      %broadcast_in_dim3A_651 = vector.broadcast %convert_element_type3A_650 : f32 to vector<16xf32>
      %broadcast_in_dim3A_652 = arith.constant 0.000000e+00 : f32
      %broadcast_in_dim3A_653 = vector.broadcast %broadcast_in_dim3A_652 : f32 to vector<16xf32>
      %select_n3A_654 = arith.select %eq3A_649, %broadcast_in_dim3A_651, %broadcast_in_dim3A_653 : vector<16xi1>, vector<16xf32>
      %select_n3A_655 = arith.select %eq3A_645, %broadcast_in_dim3A_646, %select_n3A_654 : vector<16xi1>, vector<16xf32>
      %select_n3A_656 = arith.select %eq3A_640, %broadcast_in_dim3A_642, %select_n3A_655 : vector<16xi1>, vector<16xf32>
      %select_n3A_657 = arith.select %eq3A_636, %broadcast_in_dim3A_637, %select_n3A_656 : vector<16xi1>, vector<16xf32>
      %select_n3A_658 = arith.select %eq3A_631, %broadcast_in_dim3A_633, %select_n3A_657 : vector<16xi1>, vector<16xf32>
      %select_n3A_659 = arith.select %eq3A_627, %broadcast_in_dim3A_628, %select_n3A_658 : vector<16xi1>, vector<16xf32>
      %swap3A = arith.constant 0 : index
      %swap3A_660 = tpu.vector_load %arg7[%swap3A] {strides = array<i32>} : memref<16xf32, #tpu.memory_space<vmem>>, vector<16xf32>,
      tpu.vector_store %arg7[%swap3A], %select_n3A_659 {strides = array<i32>} : memref<16xf32, #tpu.memory_space<vmem>>, vector<16xf32>,
      %mul3A_661 = arith.constant 8 : i32
      %mul3A_662 = arith.muli %arg1, %mul3A_661 : i32
      %add3A_663 = arith.constant 0 : i32
      %add3A_664 = arith.addi %add3A_663, %mul3A_662 : i32
      "tpu.region"() ({
        %run_scoped3A = tpu.sem_alloc : memref<!tpu.dma_semaphore, #tpu.memory_space<semaphore_mem>>
        %dma_start3A_675 = arith.constant 0 : i32
        %dma_start3A_676 = tpu.memref_slice %arg7[%dma_start3A_675] : memref<16xf32, #tpu.memory_space<vmem>> -> memref<8xf32, #tpu.memory_space<vmem>>
        %dma_start3A_677 = tpu.memref_slice %arg10[%add3A_664] : memref<256xf32, #tpu.memory_space<vmem_shared>> -> memref<8xf32, #tpu.memory_space<vmem_shared>>
        %dma_start3A_678 = tpu.memref_slice %arg10[%add3A_664] : memref<256xf32, #tpu.memory_space<vmem_shared>> -> memref<8xf32, #tpu.memory_space<vmem_shared>>
        %dma_start3A_679 = arith.constant 0 : i32
        %dma_start3A_680 = tpu.memref_slice %arg7[%dma_start3A_679] : memref<16xf32, #tpu.memory_space<vmem>> -> memref<8xf32, #tpu.memory_space<vmem>>
        tpu.enqueue_dma source(%dma_start3A_680 : memref<8xf32, #tpu.memory_space<vmem>>) target(%dma_start3A_678 : memref<8xf32, #tpu.memory_space<vmem_shared>>) target_semaphore(%run_scoped3A : memref<!tpu.dma_semaphore, #tpu.memory_space<semaphore_mem>>)
        %dma_wait3A_681 = arith.constant 0 : i32
        %dma_wait3A_682 = tpu.memref_slice %arg7[%dma_wait3A_681] : memref<16xf32, #tpu.memory_space<vmem>> -> memref<8xf32, #tpu.memory_space<vmem>>
        %dma_wait3A_683 = tpu.memref_slice %arg10[%add3A_664] : memref<256xf32, #tpu.memory_space<vmem_shared>> -> memref<8xf32, #tpu.memory_space<vmem_shared>>
        %dma_wait3A_684 = tpu.memref_slice %arg10[%add3A_664] : memref<256xf32, #tpu.memory_space<vmem_shared>> -> memref<8xf32, #tpu.memory_space<vmem_shared>>
        %dma_wait3A_685 = arith.constant 0 : i32
        %dma_wait3A_686 = tpu.memref_slice %arg7[%dma_wait3A_685] : memref<16xf32, #tpu.memory_space<vmem>> -> memref<8xf32, #tpu.memory_space<vmem>>
        tpu.wait_dma2 semaphore(%run_scoped3A : memref<!tpu.dma_semaphore, #tpu.memory_space<semaphore_mem>>) src(%dma_wait3A_686 : memref<8xf32, #tpu.memory_space<vmem>>) dst(%dma_wait3A_684 : memref<8xf32, #tpu.memory_space<vmem_shared>>)
        tpu.yield
      }) : () -> ()
      %dma_wait3A = arith.constant 0 : i32
      %dma_wait3A_665 = tpu.memref_slice %arg5[%dma_wait3A] : memref<20480xf32, #tpu.memory_space<vmem>> -> memref<20000xf32, #tpu.memory_space<vmem>>
      %dma_wait3A_666 = arith.constant 0 : i32
      %dma_wait3A_667 = tpu.memref_slice %arg5[%dma_wait3A_666] : memref<20480xf32, #tpu.memory_space<vmem>> -> memref<20000xf32, #tpu.memory_space<vmem>>
      tpu.wait_dma2 semaphore(%arg11 : memref<!tpu.dma_semaphore, #tpu.memory_space<semaphore_mem>>) src(%arg2 : memref<20000xf32, #tpu.memory_space<hbm>>) dst(%dma_wait3A_667 : memref<20000xf32, #tpu.memory_space<vmem>>)
      %barrier3A = arith.constant 0 : index
      tpu.barrier barrier_id(%barrier3A)
      %while3A = arith.constant 0 : i32
      %while3A_668 = arith.constant 0 : i32
      %while3A_669:22 = scf.while (%while3A_675 = %while3A, %while3A_676 = %while3A_668, %while3A_677 = %select_n3A, %while3A_678 = %select_n3A_37, %while3A_679 = %select_n3A_47, %while3A_680 = %select_n3A_57, %while3A_681 = %select_n3A_67, %while3A_682 = %select_n3A_77, %while3A_683 = %select_n3A_87, %while3A_684 = %select_n3A_97, %while3A_685 = %select_n3A_107, %while3A_686 = %select_n3A_117, %while3A_687 = %select_n3A_127, %while3A_688 = %select_n3A_137, %while3A_689 = %select_n3A_147, %while3A_690 = %select_n3A_157, %while3A_691 = %select_n3A_167, %while3A_692 = %select_n3A_177, %while3A_693 = %select_n3A_187, %while3A_694 = %select_n3A_197, %while3A_695 = %select_n3A_207, %while3A_696 = %select_n3A_217) : (i32, i32, vector<16xf32>, vector<16xf32>, vector<16xf32>, vector<16xf32>, vector<16xf32>, vector<16xf32>, vector<16xf32>, vector<16xf32>, vector<16xf32>, vector<16xf32>, vector<16xf32>, vector<16xf32>, vector<16xf32>, vector<16xf32>, vector<16xf32>, vector<16xf32>, vector<16xf32>, vector<16xf32>, vector<16xf32>, vector<16xf32>) -> (i32, i32, vector<16xf32>, vector<16xf32>, vector<16xf32>, vector<16xf32>, vector<16xf32>, vector<16xf32>, vector<16xf32>, vector<16xf32>, vector<16xf32>, vector<16xf32>, vector<16xf32>, vector<16xf32>, vector<16xf32>, vector<16xf32>, vector<16xf32>, vector<16xf32>, vector<16xf32>, vector<16xf32>, vector<16xf32>, vector<16xf32>) {
        %lt3A_697 = arith.constant 50 : i32
        %lt3A_698 = arith.cmpi slt, %while3A_675, %lt3A_697 : i32
        scf.condition(%lt3A_698) %while3A_675, %while3A_676, %while3A_677, %while3A_678, %while3A_679, %while3A_680, %while3A_681, %while3A_682, %while3A_683, %while3A_684, %while3A_685, %while3A_686, %while3A_687, %while3A_688, %while3A_689, %while3A_690, %while3A_691, %while3A_692, %while3A_693, %while3A_694, %while3A_695, %while3A_696 : i32, i32, vector<16xf32>, vector<16xf32>, vector<16xf32>, vector<16xf32>, vector<16xf32>, vector<16xf32>, vector<16xf32>, vector<16xf32>, vector<16xf32>, vector<16xf32>, vector<16xf32>, vector<16xf32>, vector<16xf32>, vector<16xf32>, vector<16xf32>, vector<16xf32>, vector<16xf32>, vector<16xf32>, vector<16xf32>, vector<16xf32>
      } do {
      ^bb0(%while3A_675: i32, %while3A_676: i32, %while3A_677: vector<16xf32>, %while3A_678: vector<16xf32>, %while3A_679: vector<16xf32>, %while3A_680: vector<16xf32>, %while3A_681: vector<16xf32>, %while3A_682: vector<16xf32>, %while3A_683: vector<16xf32>, %while3A_684: vector<16xf32>, %while3A_685: vector<16xf32>, %while3A_686: vector<16xf32>, %while3A_687: vector<16xf32>, %while3A_688: vector<16xf32>, %while3A_689: vector<16xf32>, %while3A_690: vector<16xf32>, %while3A_691: vector<16xf32>, %while3A_692: vector<16xf32>, %while3A_693: vector<16xf32>, %while3A_694: vector<16xf32>, %while3A_695: vector<16xf32>, %while3A_696: vector<16xf32>):
        %rem3A = arith.constant 2 : i32
        %rem3A_697 = arith.remsi %while3A_676, %rem3A : i32
        %add3A_698 = arith.constant 1 : i32
        %add3A_699 = arith.addi %while3A_676, %add3A_698 : i32
        %rem3A_700 = arith.constant 2 : i32
        %rem3A_701 = arith.remsi %add3A_699, %rem3A_700 : i32
        %mul3A_702 = arith.constant 128 : i32
        %mul3A_703 = arith.muli %rem3A_697, %mul3A_702 : i32
        "tpu.region"() ({
          %run_scoped3A = tpu.sem_alloc : memref<!tpu.dma_semaphore, #tpu.memory_space<semaphore_mem>>
          %dma_start3A_3664 = tpu.memref_slice %arg10[%mul3A_703] : memref<256xf32, #tpu.memory_space<vmem_shared>> -> memref<128xf32, #tpu.memory_space<vmem_shared>>
          %dma_start3A_3665 = tpu.memref_slice %arg10[%mul3A_703] : memref<256xf32, #tpu.memory_space<vmem_shared>> -> memref<128xf32, #tpu.memory_space<vmem_shared>>
          tpu.enqueue_dma source(%dma_start3A_3665 : memref<128xf32, #tpu.memory_space<vmem_shared>>) target(%arg8 : memref<128xf32, #tpu.memory_space<vmem>>) target_semaphore(%run_scoped3A : memref<!tpu.dma_semaphore, #tpu.memory_space<semaphore_mem>>)
          %dma_wait3A_3666 = tpu.memref_slice %arg10[%mul3A_703] : memref<256xf32, #tpu.memory_space<vmem_shared>> -> memref<128xf32, #tpu.memory_space<vmem_shared>>
          %dma_wait3A_3667 = tpu.memref_slice %arg10[%mul3A_703] : memref<256xf32, #tpu.memory_space<vmem_shared>> -> memref<128xf32, #tpu.memory_space<vmem_shared>>
          tpu.wait_dma2 semaphore(%run_scoped3A : memref<!tpu.dma_semaphore, #tpu.memory_space<semaphore_mem>>) src(%dma_wait3A_3667 : memref<128xf32, #tpu.memory_space<vmem_shared>>) dst(%arg8 : memref<128xf32, #tpu.memory_space<vmem>>)
          tpu.yield
        }) : () -> ()
        %mul3A_704 = arith.constant 8 : i32
        %mul3A_705 = vector.broadcast %mul3A_704 : i32 to vector<16xi32>
        %mul3A_706 = arith.muli %iota3A, %mul3A_705 : vector<16xi32>
        %gather3A = tpu.vector_load_idx %arg8[%mul3A_706] : memref<128xf32, #tpu.memory_space<vmem>>[vector<16xi32>], vector<16xf32>,
        %mul3A_707 = arith.constant 8 : i32
        %mul3A_708 = vector.broadcast %mul3A_707 : i32 to vector<16xi32>
        %mul3A_709 = arith.muli %iota3A, %mul3A_708 : vector<16xi32>
        %add3A_710 = arith.constant 1 : i32
        %add3A_711 = vector.broadcast %add3A_710 : i32 to vector<16xi32>
        %add3A_712 = arith.addi %mul3A_709, %add3A_711 : vector<16xi32>
        %gather3A_713 = tpu.vector_load_idx %arg8[%add3A_712] : memref<128xf32, #tpu.memory_space<vmem>>[vector<16xi32>], vector<16xf32>,
        %convert_element_type3A_714 = arith.fptosi %gather3A_713 : vector<16xf32> to vector<16xi32>
        %mul3A_715 = arith.constant 8 : i32
        %mul3A_716 = vector.broadcast %mul3A_715 : i32 to vector<16xi32>
        %mul3A_717 = arith.muli %iota3A, %mul3A_716 : vector<16xi32>
        %add3A_718 = arith.constant 2 : i32
        %add3A_719 = vector.broadcast %add3A_718 : i32 to vector<16xi32>
        %add3A_720 = arith.addi %mul3A_717, %add3A_719 : vector<16xi32>
        %gather3A_721 = tpu.vector_load_idx %arg8[%add3A_720] : memref<128xf32, #tpu.memory_space<vmem>>[vector<16xi32>], vector<16xf32>,
        %mul3A_722 = arith.constant 8 : i32
        %mul3A_723 = vector.broadcast %mul3A_722 : i32 to vector<16xi32>
        %mul3A_724 = arith.muli %iota3A, %mul3A_723 : vector<16xi32>
        %add3A_725 = arith.constant 3 : i32
        %add3A_726 = vector.broadcast %add3A_725 : i32 to vector<16xi32>
        %add3A_727 = arith.addi %mul3A_724, %add3A_726 : vector<16xi32>
        %gather3A_728 = tpu.vector_load_idx %arg8[%add3A_727] : memref<128xf32, #tpu.memory_space<vmem>>[vector<16xi32>], vector<16xf32>,
        %convert_element_type3A_729 = arith.fptosi %gather3A_728 : vector<16xf32> to vector<16xi32>
        %mul3A_730 = arith.constant 8 : i32
        %mul3A_731 = vector.broadcast %mul3A_730 : i32 to vector<16xi32>
        %mul3A_732 = arith.muli %iota3A, %mul3A_731 : vector<16xi32>
        %add3A_733 = arith.constant 4 : i32
        %add3A_734 = vector.broadcast %add3A_733 : i32 to vector<16xi32>
        %add3A_735 = arith.addi %mul3A_732, %add3A_734 : vector<16xi32>
        %gather3A_736 = tpu.vector_load_idx %arg8[%add3A_735] : memref<128xf32, #tpu.memory_space<vmem>>[vector<16xi32>], vector<16xf32>,
        %mul3A_737 = arith.constant 8 : i32
        %mul3A_738 = vector.broadcast %mul3A_737 : i32 to vector<16xi32>
        %mul3A_739 = arith.muli %iota3A, %mul3A_738 : vector<16xi32>
        %add3A_740 = arith.constant 5 : i32
        %add3A_741 = vector.broadcast %add3A_740 : i32 to vector<16xi32>
        %add3A_742 = arith.addi %mul3A_739, %add3A_741 : vector<16xi32>
        %gather3A_743 = tpu.vector_load_idx %arg8[%add3A_742] : memref<128xf32, #tpu.memory_space<vmem>>[vector<16xi32>], vector<16xf32>,
        %convert_element_type3A_744 = arith.fptosi %gather3A_743 : vector<16xf32> to vector<16xi32>
        %reduce_max3A_745 = arith.constant true
        %reduce_max3A_746 = vector.broadcast %reduce_max3A_745 : i1 to vector<16xi1>
        %reduce_max3A_747 = tpu.scan <max>, %gather3A masked %reduce_max3A_746 : vector<16xf32>, vector<16xi1> -> vector<16xf32>
        %reduce_max3A_748 = vector.extract %reduce_max3A_747[15] : f32 from vector<16xf32>
        %eq3A_749 = vector.broadcast %reduce_max3A_748 : f32 to vector<16xf32>
        %eq3A_750 = arith.cmpf oeq, %gather3A, %eq3A_749 : vector<16xf32>
        %jit3A_751 = arith.constant 1073741824 : i32
        %broadcast_in_dim3A_752 = vector.broadcast %jit3A_751 : i32 to vector<16xi32>
        %select_n3A_753 = arith.select %eq3A_750, %convert_element_type3A_714, %broadcast_in_dim3A_752 : vector<16xi1>, vector<16xi32>
        %reduce_min3A_754 = arith.constant true
        %reduce_min3A_755 = vector.broadcast %reduce_min3A_754 : i1 to vector<16xi1>
        %reduce_min3A_756 = arith.constant -2147483648 : i32
        %reduce_min3A_757 = vector.broadcast %reduce_min3A_756 : i32 to vector<16xi32>
        %reduce_min3A_758 = arith.xori %select_n3A_753, %reduce_min3A_757 : vector<16xi32>
        %reduce_min3A_759 = tpu.scan <min>, %reduce_min3A_758 masked %reduce_min3A_755 : vector<16xi32>, vector<16xi1> -> vector<16xi32>
        %reduce_min3A_760 = arith.xori %reduce_min3A_759, %reduce_min3A_757 : vector<16xi32>
        %reduce_min3A_761 = vector.extract %reduce_min3A_760[15] : i32 from vector<16xi32>
        %gt3A_762 = arith.constant 0xFF800000 : f32
        %gt3A_763 = arith.cmpf ogt, %reduce_max3A_748, %gt3A_762 : f32
        %mul3A_764 = arith.constant 4 : i32
        %mul3A_765 = arith.muli %reduce_min3A_761, %mul3A_764 : i32
        %broadcast_in_dim3A_766 = vector.broadcast %mul3A_765 : i32 to vector<16xi32>
        %gather3A_767 = tpu.vector_load_idx %arg5[%broadcast_in_dim3A_766] : memref<20480xf32, #tpu.memory_space<vmem>>[vector<16xi32>], vector<16xf32>,
        %add3A_768 = arith.constant 1 : i32
        %add3A_769 = vector.broadcast %add3A_768 : i32 to vector<16xi32>
        %add3A_770 = arith.addi %broadcast_in_dim3A_766, %add3A_769 : vector<16xi32>
        %gather3A_771 = tpu.vector_load_idx %arg5[%add3A_770] : memref<20480xf32, #tpu.memory_space<vmem>>[vector<16xi32>], vector<16xf32>,
        %add3A_772 = arith.constant 2 : i32
        %add3A_773 = vector.broadcast %add3A_772 : i32 to vector<16xi32>
        %add3A_774 = arith.addi %broadcast_in_dim3A_766, %add3A_773 : vector<16xi32>
        %gather3A_775 = tpu.vector_load_idx %arg5[%add3A_774] : memref<20480xf32, #tpu.memory_space<vmem>>[vector<16xi32>], vector<16xf32>,
        %add3A_776 = arith.constant 3 : i32
        %add3A_777 = vector.broadcast %add3A_776 : i32 to vector<16xi32>
        %add3A_778 = arith.addi %broadcast_in_dim3A_766, %add3A_777 : vector<16xi32>
        %gather3A_779 = tpu.vector_load_idx %arg5[%add3A_778] : memref<20480xf32, #tpu.memory_space<vmem>>[vector<16xi32>], vector<16xf32>,
        %sub3A = arith.subf %gather3A_775, %gather3A_767 : vector<16xf32>
        %sub3A_780 = arith.subf %gather3A_779, %gather3A_771 : vector<16xf32>
        %mul3A_781 = arith.mulf %sub3A, %sub3A_780 : vector<16xf32>
        %broadcast_in_dim3A_782 = vector.broadcast %reduce_min3A_761 : i32 to vector<16xi32>
        %mul3A_783 = arith.constant 4 : i32
        %mul3A_784 = vector.broadcast %mul3A_783 : i32 to vector<16xi32>
        %mul3A_785 = arith.muli %convert_element_type3A_714, %mul3A_784 : vector<16xi32>
        %gather3A_786 = tpu.vector_load_idx %arg5[%mul3A_785] : memref<20480xf32, #tpu.memory_space<vmem>>[vector<16xi32>], vector<16xf32>,
        %add3A_787 = arith.constant 1 : i32
        %add3A_788 = vector.broadcast %add3A_787 : i32 to vector<16xi32>
        %add3A_789 = arith.addi %mul3A_785, %add3A_788 : vector<16xi32>
        %gather3A_790 = tpu.vector_load_idx %arg5[%add3A_789] : memref<20480xf32, #tpu.memory_space<vmem>>[vector<16xi32>], vector<16xf32>,
        %add3A_791 = arith.constant 2 : i32
        %add3A_792 = vector.broadcast %add3A_791 : i32 to vector<16xi32>
        %add3A_793 = arith.addi %mul3A_785, %add3A_792 : vector<16xi32>
        %gather3A_794 = tpu.vector_load_idx %arg5[%add3A_793] : memref<20480xf32, #tpu.memory_space<vmem>>[vector<16xi32>], vector<16xf32>,
        %add3A_795 = arith.constant 3 : i32
        %add3A_796 = vector.broadcast %add3A_795 : i32 to vector<16xi32>
        %add3A_797 = arith.addi %mul3A_785, %add3A_796 : vector<16xi32>
        %gather3A_798 = tpu.vector_load_idx %arg5[%add3A_797] : memref<20480xf32, #tpu.memory_space<vmem>>[vector<16xi32>], vector<16xf32>,
        %sub3A_799 = arith.subf %gather3A_794, %gather3A_786 : vector<16xf32>
        %sub3A_800 = arith.subf %gather3A_798, %gather3A_790 : vector<16xf32>
        %mul3A_801 = arith.mulf %sub3A_799, %sub3A_800 : vector<16xf32>
        %mul3A_802 = arith.constant 4 : i32
        %mul3A_803 = vector.broadcast %mul3A_802 : i32 to vector<16xi32>
        %mul3A_804 = arith.muli %convert_element_type3A_729, %mul3A_803 : vector<16xi32>
        %gather3A_805 = tpu.vector_load_idx %arg5[%mul3A_804] : memref<20480xf32, #tpu.memory_space<vmem>>[vector<16xi32>], vector<16xf32>,
        %add3A_806 = arith.constant 1 : i32
        %add3A_807 = vector.broadcast %add3A_806 : i32 to vector<16xi32>
        %add3A_808 = arith.addi %mul3A_804, %add3A_807 : vector<16xi32>
        %gather3A_809 = tpu.vector_load_idx %arg5[%add3A_808] : memref<20480xf32, #tpu.memory_space<vmem>>[vector<16xi32>], vector<16xf32>,
        %add3A_810 = arith.constant 2 : i32
        %add3A_811 = vector.broadcast %add3A_810 : i32 to vector<16xi32>
        %add3A_812 = arith.addi %mul3A_804, %add3A_811 : vector<16xi32>
        %gather3A_813 = tpu.vector_load_idx %arg5[%add3A_812] : memref<20480xf32, #tpu.memory_space<vmem>>[vector<16xi32>], vector<16xf32>,
        %add3A_814 = arith.constant 3 : i32
        %add3A_815 = vector.broadcast %add3A_814 : i32 to vector<16xi32>
        %add3A_816 = arith.addi %mul3A_804, %add3A_815 : vector<16xi32>
        %gather3A_817 = tpu.vector_load_idx %arg5[%add3A_816] : memref<20480xf32, #tpu.memory_space<vmem>>[vector<16xi32>], vector<16xf32>,
        %sub3A_818 = arith.subf %gather3A_813, %gather3A_805 : vector<16xf32>
        %sub3A_819 = arith.subf %gather3A_817, %gather3A_809 : vector<16xf32>
        %mul3A_820 = arith.mulf %sub3A_818, %sub3A_819 : vector<16xf32>
        %mul3A_821 = arith.constant 4 : i32
        %mul3A_822 = vector.broadcast %mul3A_821 : i32 to vector<16xi32>
        %mul3A_823 = arith.muli %convert_element_type3A_744, %mul3A_822 : vector<16xi32>
        %gather3A_824 = tpu.vector_load_idx %arg5[%mul3A_823] : memref<20480xf32, #tpu.memory_space<vmem>>[vector<16xi32>], vector<16xf32>,
        %add3A_825 = arith.constant 1 : i32
        %add3A_826 = vector.broadcast %add3A_825 : i32 to vector<16xi32>
        %add3A_827 = arith.addi %mul3A_823, %add3A_826 : vector<16xi32>
        %gather3A_828 = tpu.vector_load_idx %arg5[%add3A_827] : memref<20480xf32, #tpu.memory_space<vmem>>[vector<16xi32>], vector<16xf32>,
        %add3A_829 = arith.constant 2 : i32
        %add3A_830 = vector.broadcast %add3A_829 : i32 to vector<16xi32>
        %add3A_831 = arith.addi %mul3A_823, %add3A_830 : vector<16xi32>
        %gather3A_832 = tpu.vector_load_idx %arg5[%add3A_831] : memref<20480xf32, #tpu.memory_space<vmem>>[vector<16xi32>], vector<16xf32>,
        %add3A_833 = arith.constant 3 : i32
        %add3A_834 = vector.broadcast %add3A_833 : i32 to vector<16xi32>
        %add3A_835 = arith.addi %mul3A_823, %add3A_834 : vector<16xi32>
        %gather3A_836 = tpu.vector_load_idx %arg5[%add3A_835] : memref<20480xf32, #tpu.memory_space<vmem>>[vector<16xi32>], vector<16xf32>,
        %sub3A_837 = arith.subf %gather3A_832, %gather3A_824 : vector<16xf32>
        %sub3A_838 = arith.subf %gather3A_836, %gather3A_828 : vector<16xf32>
        %mul3A_839 = arith.mulf %sub3A_837, %sub3A_838 : vector<16xf32>
        %sub3A_840 = arith.subf %gather3A_794, %gather3A_786 : vector<16xf32>
        %sub3A_841 = arith.subf %gather3A_798, %gather3A_790 : vector<16xf32>
        %mul3A_842 = arith.mulf %sub3A_840, %sub3A_841 : vector<16xf32>
        %min3A_843 = arith.minimumf %gather3A_775, %gather3A_794 : vector<16xf32>
        %max3A = arith.maximumf %gather3A_767, %gather3A_786 : vector<16xf32>
        %sub3A_844 = arith.subf %min3A_843, %max3A : vector<16xf32>
        %max3A_845 = arith.constant 0.000000e+00 : f32
        %max3A_846 = vector.broadcast %max3A_845 : f32 to vector<16xf32>
        %max3A_847 = arith.maximumf %sub3A_844, %max3A_846 : vector<16xf32>
        %min3A_848 = arith.minimumf %gather3A_779, %gather3A_798 : vector<16xf32>
        %max3A_849 = arith.maximumf %gather3A_771, %gather3A_790 : vector<16xf32>
        %sub3A_850 = arith.subf %min3A_848, %max3A_849 : vector<16xf32>
        %max3A_851 = arith.constant 0.000000e+00 : f32
        %max3A_852 = vector.broadcast %max3A_851 : f32 to vector<16xf32>
        %max3A_853 = arith.maximumf %sub3A_850, %max3A_852 : vector<16xf32>
        %mul3A_854 = arith.mulf %max3A_847, %max3A_853 : vector<16xf32>
        %add3A_855 = arith.addf %mul3A_781, %mul3A_842 : vector<16xf32>
        %sub3A_856 = arith.subf %add3A_855, %mul3A_854 : vector<16xf32>
        %add3A_857 = arith.constant 9.99999993E-9 : f32
        %add3A_858 = vector.broadcast %add3A_857 : f32 to vector<16xf32>
        %add3A_859 = arith.addf %sub3A_856, %add3A_858 : vector<16xf32>
        %div3A = arith.divf %mul3A_854, %add3A_859 : vector<16xf32>
        %ge3A = arith.constant 5.000000e-01 : f32
        %ge3A_860 = vector.broadcast %ge3A : f32 to vector<16xf32>
        %ge3A_861 = arith.cmpf oge, %div3A, %ge3A_860 : vector<16xf32>
        %eq3A_862 = arith.cmpi eq, %convert_element_type3A_714, %broadcast_in_dim3A_782 : vector<16xi32>
        %or3A = arith.ori %ge3A_861, %eq3A_862 : vector<16xi1>
        %sub3A_863 = arith.subf %gather3A_813, %gather3A_805 : vector<16xf32>
        %sub3A_864 = arith.subf %gather3A_817, %gather3A_809 : vector<16xf32>
        %mul3A_865 = arith.mulf %sub3A_863, %sub3A_864 : vector<16xf32>
        %min3A_866 = arith.minimumf %gather3A_775, %gather3A_813 : vector<16xf32>
        %max3A_867 = arith.maximumf %gather3A_767, %gather3A_805 : vector<16xf32>
        %sub3A_868 = arith.subf %min3A_866, %max3A_867 : vector<16xf32>
        %max3A_869 = arith.constant 0.000000e+00 : f32
        %max3A_870 = vector.broadcast %max3A_869 : f32 to vector<16xf32>
        %max3A_871 = arith.maximumf %sub3A_868, %max3A_870 : vector<16xf32>
        %min3A_872 = arith.minimumf %gather3A_779, %gather3A_817 : vector<16xf32>
        %max3A_873 = arith.maximumf %gather3A_771, %gather3A_809 : vector<16xf32>
        %sub3A_874 = arith.subf %min3A_872, %max3A_873 : vector<16xf32>
        %max3A_875 = arith.constant 0.000000e+00 : f32
        %max3A_876 = vector.broadcast %max3A_875 : f32 to vector<16xf32>
        %max3A_877 = arith.maximumf %sub3A_874, %max3A_876 : vector<16xf32>
        %mul3A_878 = arith.mulf %max3A_871, %max3A_877 : vector<16xf32>
        %add3A_879 = arith.addf %mul3A_781, %mul3A_865 : vector<16xf32>
        %sub3A_880 = arith.subf %add3A_879, %mul3A_878 : vector<16xf32>
        %add3A_881 = arith.constant 9.99999993E-9 : f32
        %add3A_882 = vector.broadcast %add3A_881 : f32 to vector<16xf32>
        %add3A_883 = arith.addf %sub3A_880, %add3A_882 : vector<16xf32>
        %div3A_884 = arith.divf %mul3A_878, %add3A_883 : vector<16xf32>
        %ge3A_885 = arith.constant 5.000000e-01 : f32
        %ge3A_886 = vector.broadcast %ge3A_885 : f32 to vector<16xf32>
        %ge3A_887 = arith.cmpf oge, %div3A_884, %ge3A_886 : vector<16xf32>
        %eq3A_888 = arith.cmpi eq, %convert_element_type3A_729, %broadcast_in_dim3A_782 : vector<16xi32>
        %or3A_889 = arith.ori %ge3A_887, %eq3A_888 : vector<16xi1>
        %sub3A_890 = arith.subf %gather3A_832, %gather3A_824 : vector<16xf32>
        %sub3A_891 = arith.subf %gather3A_836, %gather3A_828 : vector<16xf32>
        %mul3A_892 = arith.mulf %sub3A_890, %sub3A_891 : vector<16xf32>
        %min3A_893 = arith.minimumf %gather3A_775, %gather3A_832 : vector<16xf32>
        %max3A_894 = arith.maximumf %gather3A_767, %gather3A_824 : vector<16xf32>
        %sub3A_895 = arith.subf %min3A_893, %max3A_894 : vector<16xf32>
        %max3A_896 = arith.constant 0.000000e+00 : f32
        %max3A_897 = vector.broadcast %max3A_896 : f32 to vector<16xf32>
        %max3A_898 = arith.maximumf %sub3A_895, %max3A_897 : vector<16xf32>
        %min3A_899 = arith.minimumf %gather3A_779, %gather3A_836 : vector<16xf32>
        %max3A_900 = arith.maximumf %gather3A_771, %gather3A_828 : vector<16xf32>
        %sub3A_901 = arith.subf %min3A_899, %max3A_900 : vector<16xf32>
        %max3A_902 = arith.constant 0.000000e+00 : f32
        %max3A_903 = vector.broadcast %max3A_902 : f32 to vector<16xf32>
        %max3A_904 = arith.maximumf %sub3A_901, %max3A_903 : vector<16xf32>
        %mul3A_905 = arith.mulf %max3A_898, %max3A_904 : vector<16xf32>
        %add3A_906 = arith.addf %mul3A_781, %mul3A_892 : vector<16xf32>
        %sub3A_907 = arith.subf %add3A_906, %mul3A_905 : vector<16xf32>
        %add3A_908 = arith.constant 9.99999993E-9 : f32
        %add3A_909 = vector.broadcast %add3A_908 : f32 to vector<16xf32>
        %add3A_910 = arith.addf %sub3A_907, %add3A_909 : vector<16xf32>
        %div3A_911 = arith.divf %mul3A_905, %add3A_910 : vector<16xf32>
        %ge3A_912 = arith.constant 5.000000e-01 : f32
        %ge3A_913 = vector.broadcast %ge3A_912 : f32 to vector<16xf32>
        %ge3A_914 = arith.cmpf oge, %div3A_911, %ge3A_913 : vector<16xf32>
        %eq3A_915 = arith.cmpi eq, %convert_element_type3A_744, %broadcast_in_dim3A_782 : vector<16xi32>
        %or3A_916 = arith.ori %ge3A_914, %eq3A_915 : vector<16xi1>
        %not3A = arith.constant dense<true> : vector<16xi1>
        %not3A_917 = arith.xori %or3A, %not3A : vector<16xi1>
        %not3A_918 = arith.constant dense<true> : vector<16xi1>
        %not3A_919 = arith.xori %or3A_889, %not3A_918 : vector<16xi1>
        %not3A_920 = arith.constant dense<true> : vector<16xi1>
        %not3A_921 = arith.xori %or3A_916, %not3A_920 : vector<16xi1>
        %select_n3A_922 = arith.select %not3A_921, %gather3A_736, %broadcast_in_dim3A_3 : vector<16xi1>, vector<16xf32>
        %select_n3A_923 = arith.select %not3A_919, %gather3A_721, %select_n3A_922 : vector<16xi1>, vector<16xf32>
        %select_n3A_924 = arith.select %not3A_917, %gather3A, %select_n3A_923 : vector<16xi1>, vector<16xf32>
        %not3A_925 = arith.constant dense<true> : vector<16xi1>
        %not3A_926 = arith.xori %or3A, %not3A_925 : vector<16xi1>
        %not3A_927 = arith.constant dense<true> : vector<16xi1>
        %not3A_928 = arith.xori %or3A_889, %not3A_927 : vector<16xi1>
        %select_n3A_929 = arith.select %not3A_928, %convert_element_type3A_729, %convert_element_type3A_744 : vector<16xi1>, vector<16xi32>
        %select_n3A_930 = arith.select %not3A_926, %convert_element_type3A_714, %select_n3A_929 : vector<16xi1>, vector<16xi32>
        %and3A_931 = arith.andi %or3A, %or3A_889 : vector<16xi1>
        %and3A_932 = arith.andi %and3A_931, %or3A_916 : vector<16xi1>
        %reduce_max3A_933 = arith.constant true
        %reduce_max3A_934 = vector.broadcast %reduce_max3A_933 : i1 to vector<16xi1>
        %reduce_max3A_935 = tpu.scan <max>, %select_n3A_924 masked %reduce_max3A_934 : vector<16xf32>, vector<16xi1> -> vector<16xf32>
        %reduce_max3A_936 = vector.extract %reduce_max3A_935[15] : f32 from vector<16xf32>
        %select_n3A_937 = arith.select %and3A_932, %gather3A_736, %broadcast_in_dim3A_3 : vector<16xi1>, vector<16xf32>
        %reduce_max3A_938 = arith.constant true
        %reduce_max3A_939 = vector.broadcast %reduce_max3A_938 : i1 to vector<16xi1>
        %reduce_max3A_940 = tpu.scan <max>, %select_n3A_937 masked %reduce_max3A_939 : vector<16xf32>, vector<16xi1> -> vector<16xf32>
        %reduce_max3A_941 = vector.extract %reduce_max3A_940[15] : f32 from vector<16xf32>
        %eq3A_942 = vector.broadcast %reduce_max3A_936 : f32 to vector<16xf32>
        %eq3A_943 = arith.cmpf oeq, %select_n3A_924, %eq3A_942 : vector<16xf32>
        %jit3A_944 = arith.constant 1073741824 : i32
        %broadcast_in_dim3A_945 = vector.broadcast %jit3A_944 : i32 to vector<16xi32>
        %select_n3A_946 = arith.select %eq3A_943, %select_n3A_930, %broadcast_in_dim3A_945 : vector<16xi1>, vector<16xi32>
        %reduce_min3A_947 = arith.constant true
        %reduce_min3A_948 = vector.broadcast %reduce_min3A_947 : i1 to vector<16xi1>
        %reduce_min3A_949 = arith.constant -2147483648 : i32
        %reduce_min3A_950 = vector.broadcast %reduce_min3A_949 : i32 to vector<16xi32>
        %reduce_min3A_951 = arith.xori %select_n3A_946, %reduce_min3A_950 : vector<16xi32>
        %reduce_min3A_952 = tpu.scan <min>, %reduce_min3A_951 masked %reduce_min3A_948 : vector<16xi32>, vector<16xi1> -> vector<16xi32>
        %reduce_min3A_953 = arith.xori %reduce_min3A_952, %reduce_min3A_950 : vector<16xi32>
        %reduce_min3A_954 = vector.extract %reduce_min3A_953[15] : i32 from vector<16xi32>
        %gt3A_955 = arith.cmpf ogt, %reduce_max3A_936, %reduce_max3A_941 : f32
        %jit3A_956 = arith.constant 0 : i32
        %select_n3A_957 = arith.select %gt3A_955, %reduce_min3A_954, %jit3A_956 : i32
        %mul3A_958 = arith.constant 4 : i32
        %mul3A_959 = arith.muli %select_n3A_957, %mul3A_958 : i32
        %broadcast_in_dim3A_960 = vector.broadcast %mul3A_959 : i32 to vector<16xi32>
        %gather3A_961 = tpu.vector_load_idx %arg5[%broadcast_in_dim3A_960] : memref<20480xf32, #tpu.memory_space<vmem>>[vector<16xi32>], vector<16xf32>,
        %add3A_962 = arith.constant 1 : i32
        %add3A_963 = vector.broadcast %add3A_962 : i32 to vector<16xi32>
        %add3A_964 = arith.addi %broadcast_in_dim3A_960, %add3A_963 : vector<16xi32>
        %gather3A_965 = tpu.vector_load_idx %arg5[%add3A_964] : memref<20480xf32, #tpu.memory_space<vmem>>[vector<16xi32>], vector<16xf32>,
        %add3A_966 = arith.constant 2 : i32
        %add3A_967 = vector.broadcast %add3A_966 : i32 to vector<16xi32>
        %add3A_968 = arith.addi %broadcast_in_dim3A_960, %add3A_967 : vector<16xi32>
        %gather3A_969 = tpu.vector_load_idx %arg5[%add3A_968] : memref<20480xf32, #tpu.memory_space<vmem>>[vector<16xi32>], vector<16xf32>,
        %add3A_970 = arith.constant 3 : i32
        %add3A_971 = vector.broadcast %add3A_970 : i32 to vector<16xi32>
        %add3A_972 = arith.addi %broadcast_in_dim3A_960, %add3A_971 : vector<16xi32>
        %gather3A_973 = tpu.vector_load_idx %arg5[%add3A_972] : memref<20480xf32, #tpu.memory_space<vmem>>[vector<16xi32>], vector<16xf32>,
        %sub3A_974 = arith.subf %gather3A_969, %gather3A_961 : vector<16xf32>
        %sub3A_975 = arith.subf %gather3A_973, %gather3A_965 : vector<16xf32>
        %mul3A_976 = arith.mulf %sub3A_974, %sub3A_975 : vector<16xf32>
        %broadcast_in_dim3A_977 = vector.broadcast %gt3A_955 : i1 to vector<16xi1>
        %broadcast_in_dim3A_978 = vector.broadcast %select_n3A_957 : i32 to vector<16xi32>
        %sub3A_979 = arith.subf %gather3A_794, %gather3A_786 : vector<16xf32>
        %sub3A_980 = arith.subf %gather3A_798, %gather3A_790 : vector<16xf32>
        %mul3A_981 = arith.mulf %sub3A_979, %sub3A_980 : vector<16xf32>
        %min3A_982 = arith.minimumf %gather3A_969, %gather3A_794 : vector<16xf32>
        %max3A_983 = arith.maximumf %gather3A_961, %gather3A_786 : vector<16xf32>
        %sub3A_984 = arith.subf %min3A_982, %max3A_983 : vector<16xf32>
        %max3A_985 = arith.constant 0.000000e+00 : f32
        %max3A_986 = vector.broadcast %max3A_985 : f32 to vector<16xf32>
        %max3A_987 = arith.maximumf %sub3A_984, %max3A_986 : vector<16xf32>
        %min3A_988 = arith.minimumf %gather3A_973, %gather3A_798 : vector<16xf32>
        %max3A_989 = arith.maximumf %gather3A_965, %gather3A_790 : vector<16xf32>
        %sub3A_990 = arith.subf %min3A_988, %max3A_989 : vector<16xf32>
        %max3A_991 = arith.constant 0.000000e+00 : f32
        %max3A_992 = vector.broadcast %max3A_991 : f32 to vector<16xf32>
        %max3A_993 = arith.maximumf %sub3A_990, %max3A_992 : vector<16xf32>
        %mul3A_994 = arith.mulf %max3A_987, %max3A_993 : vector<16xf32>
        %add3A_995 = arith.addf %mul3A_976, %mul3A_981 : vector<16xf32>
        %sub3A_996 = arith.subf %add3A_995, %mul3A_994 : vector<16xf32>
        %add3A_997 = arith.constant 9.99999993E-9 : f32
        %add3A_998 = vector.broadcast %add3A_997 : f32 to vector<16xf32>
        %add3A_999 = arith.addf %sub3A_996, %add3A_998 : vector<16xf32>
        %div3A_1000 = arith.divf %mul3A_994, %add3A_999 : vector<16xf32>
        %ge3A_1001 = arith.constant 5.000000e-01 : f32
        %ge3A_1002 = vector.broadcast %ge3A_1001 : f32 to vector<16xf32>
        %ge3A_1003 = arith.cmpf oge, %div3A_1000, %ge3A_1002 : vector<16xf32>
        %eq3A_1004 = arith.cmpi eq, %convert_element_type3A_714, %broadcast_in_dim3A_978 : vector<16xi32>
        %or3A_1005 = arith.ori %ge3A_1003, %eq3A_1004 : vector<16xi1>
        %sub3A_1006 = arith.subf %gather3A_813, %gather3A_805 : vector<16xf32>
        %sub3A_1007 = arith.subf %gather3A_817, %gather3A_809 : vector<16xf32>
        %mul3A_1008 = arith.mulf %sub3A_1006, %sub3A_1007 : vector<16xf32>
        %min3A_1009 = arith.minimumf %gather3A_969, %gather3A_813 : vector<16xf32>
        %max3A_1010 = arith.maximumf %gather3A_961, %gather3A_805 : vector<16xf32>
        %sub3A_1011 = arith.subf %min3A_1009, %max3A_1010 : vector<16xf32>
        %max3A_1012 = arith.constant 0.000000e+00 : f32
        %max3A_1013 = vector.broadcast %max3A_1012 : f32 to vector<16xf32>
        %max3A_1014 = arith.maximumf %sub3A_1011, %max3A_1013 : vector<16xf32>
        %min3A_1015 = arith.minimumf %gather3A_973, %gather3A_817 : vector<16xf32>
        %max3A_1016 = arith.maximumf %gather3A_965, %gather3A_809 : vector<16xf32>
        %sub3A_1017 = arith.subf %min3A_1015, %max3A_1016 : vector<16xf32>
        %max3A_1018 = arith.constant 0.000000e+00 : f32
        %max3A_1019 = vector.broadcast %max3A_1018 : f32 to vector<16xf32>
        %max3A_1020 = arith.maximumf %sub3A_1017, %max3A_1019 : vector<16xf32>
        %mul3A_1021 = arith.mulf %max3A_1014, %max3A_1020 : vector<16xf32>
        %add3A_1022 = arith.addf %mul3A_976, %mul3A_1008 : vector<16xf32>
        %sub3A_1023 = arith.subf %add3A_1022, %mul3A_1021 : vector<16xf32>
        %add3A_1024 = arith.constant 9.99999993E-9 : f32
        %add3A_1025 = vector.broadcast %add3A_1024 : f32 to vector<16xf32>
        %add3A_1026 = arith.addf %sub3A_1023, %add3A_1025 : vector<16xf32>
        %div3A_1027 = arith.divf %mul3A_1021, %add3A_1026 : vector<16xf32>
        %ge3A_1028 = arith.constant 5.000000e-01 : f32
        %ge3A_1029 = vector.broadcast %ge3A_1028 : f32 to vector<16xf32>
        %ge3A_1030 = arith.cmpf oge, %div3A_1027, %ge3A_1029 : vector<16xf32>
        %eq3A_1031 = arith.cmpi eq, %convert_element_type3A_729, %broadcast_in_dim3A_978 : vector<16xi32>
        %or3A_1032 = arith.ori %ge3A_1030, %eq3A_1031 : vector<16xi1>
        %sub3A_1033 = arith.subf %gather3A_832, %gather3A_824 : vector<16xf32>
        %sub3A_1034 = arith.subf %gather3A_836, %gather3A_828 : vector<16xf32>
        %mul3A_1035 = arith.mulf %sub3A_1033, %sub3A_1034 : vector<16xf32>
        %min3A_1036 = arith.minimumf %gather3A_969, %gather3A_832 : vector<16xf32>
        %max3A_1037 = arith.maximumf %gather3A_961, %gather3A_824 : vector<16xf32>
        %sub3A_1038 = arith.subf %min3A_1036, %max3A_1037 : vector<16xf32>
        %max3A_1039 = arith.constant 0.000000e+00 : f32
        %max3A_1040 = vector.broadcast %max3A_1039 : f32 to vector<16xf32>
        %max3A_1041 = arith.maximumf %sub3A_1038, %max3A_1040 : vector<16xf32>
        %min3A_1042 = arith.minimumf %gather3A_973, %gather3A_836 : vector<16xf32>
        %max3A_1043 = arith.maximumf %gather3A_965, %gather3A_828 : vector<16xf32>
        %sub3A_1044 = arith.subf %min3A_1042, %max3A_1043 : vector<16xf32>
        %max3A_1045 = arith.constant 0.000000e+00 : f32
        %max3A_1046 = vector.broadcast %max3A_1045 : f32 to vector<16xf32>
        %max3A_1047 = arith.maximumf %sub3A_1044, %max3A_1046 : vector<16xf32>
        %mul3A_1048 = arith.mulf %max3A_1041, %max3A_1047 : vector<16xf32>
        %add3A_1049 = arith.addf %mul3A_976, %mul3A_1035 : vector<16xf32>
        %sub3A_1050 = arith.subf %add3A_1049, %mul3A_1048 : vector<16xf32>
        %add3A_1051 = arith.constant 9.99999993E-9 : f32
        %add3A_1052 = vector.broadcast %add3A_1051 : f32 to vector<16xf32>
        %add3A_1053 = arith.addf %sub3A_1050, %add3A_1052 : vector<16xf32>
        %div3A_1054 = arith.divf %mul3A_1048, %add3A_1053 : vector<16xf32>
        %ge3A_1055 = arith.constant 5.000000e-01 : f32
        %ge3A_1056 = vector.broadcast %ge3A_1055 : f32 to vector<16xf32>
        %ge3A_1057 = arith.cmpf oge, %div3A_1054, %ge3A_1056 : vector<16xf32>
        %eq3A_1058 = arith.cmpi eq, %convert_element_type3A_744, %broadcast_in_dim3A_978 : vector<16xi32>
        %or3A_1059 = arith.ori %ge3A_1057, %eq3A_1058 : vector<16xi1>
        %not3A_1060 = arith.constant dense<true> : vector<16xi1>
        %not3A_1061 = arith.xori %or3A, %not3A_1060 : vector<16xi1>
        %not3A_1062 = arith.constant dense<true> : vector<16xi1>
        %not3A_1063 = arith.xori %or3A_1005, %not3A_1062 : vector<16xi1>
        %and3A_1064 = arith.andi %not3A_1061, %not3A_1063 : vector<16xi1>
        %not3A_1065 = arith.constant dense<true> : vector<16xi1>
        %not3A_1066 = arith.xori %or3A_889, %not3A_1065 : vector<16xi1>
        %not3A_1067 = arith.constant dense<true> : vector<16xi1>
        %not3A_1068 = arith.xori %or3A_1032, %not3A_1067 : vector<16xi1>
        %and3A_1069 = arith.andi %not3A_1066, %not3A_1068 : vector<16xi1>
        %not3A_1070 = arith.constant dense<true> : vector<16xi1>
        %not3A_1071 = arith.xori %or3A_916, %not3A_1070 : vector<16xi1>
        %not3A_1072 = arith.constant dense<true> : vector<16xi1>
        %not3A_1073 = arith.xori %or3A_1059, %not3A_1072 : vector<16xi1>
        %and3A_1074 = arith.andi %not3A_1071, %not3A_1073 : vector<16xi1>
        %select_n3A_1075 = arith.select %and3A_1074, %gather3A_736, %broadcast_in_dim3A_3 : vector<16xi1>, vector<16xf32>
        %select_n3A_1076 = arith.select %and3A_1069, %gather3A_721, %select_n3A_1075 : vector<16xi1>, vector<16xf32>
        %select_n3A_1077 = arith.select %and3A_1064, %gather3A, %select_n3A_1076 : vector<16xi1>, vector<16xf32>
        %select_n3A_1078 = arith.select %and3A_1069, %convert_element_type3A_729, %convert_element_type3A_744 : vector<16xi1>, vector<16xi32>
        %select_n3A_1079 = arith.select %and3A_1064, %convert_element_type3A_714, %select_n3A_1078 : vector<16xi1>, vector<16xi32>
        %not3A_1080 = arith.constant dense<true> : vector<16xi1>
        %not3A_1081 = arith.xori %and3A_1064, %not3A_1080 : vector<16xi1>
        %not3A_1082 = arith.constant dense<true> : vector<16xi1>
        %not3A_1083 = arith.xori %and3A_1069, %not3A_1082 : vector<16xi1>
        %and3A_1084 = arith.andi %not3A_1081, %not3A_1083 : vector<16xi1>
        %not3A_1085 = arith.constant dense<true> : vector<16xi1>
        %not3A_1086 = arith.xori %and3A_1074, %not3A_1085 : vector<16xi1>
        %and3A_1087 = arith.andi %and3A_1084, %not3A_1086 : vector<16xi1>
        %reduce_max3A_1088 = arith.constant true
        %reduce_max3A_1089 = vector.broadcast %reduce_max3A_1088 : i1 to vector<16xi1>
        %reduce_max3A_1090 = tpu.scan <max>, %select_n3A_1077 masked %reduce_max3A_1089 : vector<16xf32>, vector<16xi1> -> vector<16xf32>
        %reduce_max3A_1091 = vector.extract %reduce_max3A_1090[15] : f32 from vector<16xf32>
        %select_n3A_1092 = arith.select %and3A_1087, %gather3A_736, %broadcast_in_dim3A_3 : vector<16xi1>, vector<16xf32>
        %reduce_max3A_1093 = arith.constant true
        %reduce_max3A_1094 = vector.broadcast %reduce_max3A_1093 : i1 to vector<16xi1>
        %reduce_max3A_1095 = tpu.scan <max>, %select_n3A_1092 masked %reduce_max3A_1094 : vector<16xf32>, vector<16xi1> -> vector<16xf32>
        %reduce_max3A_1096 = vector.extract %reduce_max3A_1095[15] : f32 from vector<16xf32>
        %eq3A_1097 = vector.broadcast %reduce_max3A_1091 : f32 to vector<16xf32>
        %eq3A_1098 = arith.cmpf oeq, %select_n3A_1077, %eq3A_1097 : vector<16xf32>
        %jit3A_1099 = arith.constant 1073741824 : i32
        %broadcast_in_dim3A_1100 = vector.broadcast %jit3A_1099 : i32 to vector<16xi32>
        %select_n3A_1101 = arith.select %eq3A_1098, %select_n3A_1079, %broadcast_in_dim3A_1100 : vector<16xi1>, vector<16xi32>
        %reduce_min3A_1102 = arith.constant true
        %reduce_min3A_1103 = vector.broadcast %reduce_min3A_1102 : i1 to vector<16xi1>
        %reduce_min3A_1104 = arith.constant -2147483648 : i32
        %reduce_min3A_1105 = vector.broadcast %reduce_min3A_1104 : i32 to vector<16xi32>
        %reduce_min3A_1106 = arith.xori %select_n3A_1101, %reduce_min3A_1105 : vector<16xi32>
        %reduce_min3A_1107 = tpu.scan <min>, %reduce_min3A_1106 masked %reduce_min3A_1103 : vector<16xi32>, vector<16xi1> -> vector<16xi32>
        %reduce_min3A_1108 = arith.xori %reduce_min3A_1107, %reduce_min3A_1105 : vector<16xi32>
        %reduce_min3A_1109 = vector.extract %reduce_min3A_1108[15] : i32 from vector<16xi32>
        %gt3A_1110 = arith.cmpf ogt, %reduce_max3A_1091, %reduce_max3A_1096 : f32
        %and3A_1111 = arith.andi %gt3A_955, %gt3A_1110 : i1
        %jit3A_1112 = arith.constant 0 : i32
        %select_n3A_1113 = arith.select %and3A_1111, %reduce_min3A_1109, %jit3A_1112 : i32
        %mul3A_1114 = arith.constant 4 : i32
        %mul3A_1115 = arith.muli %select_n3A_1113, %mul3A_1114 : i32
        %broadcast_in_dim3A_1116 = vector.broadcast %mul3A_1115 : i32 to vector<16xi32>
        %gather3A_1117 = tpu.vector_load_idx %arg5[%broadcast_in_dim3A_1116] : memref<20480xf32, #tpu.memory_space<vmem>>[vector<16xi32>], vector<16xf32>,
        %add3A_1118 = arith.constant 1 : i32
        %add3A_1119 = vector.broadcast %add3A_1118 : i32 to vector<16xi32>
        %add3A_1120 = arith.addi %broadcast_in_dim3A_1116, %add3A_1119 : vector<16xi32>
        %gather3A_1121 = tpu.vector_load_idx %arg5[%add3A_1120] : memref<20480xf32, #tpu.memory_space<vmem>>[vector<16xi32>], vector<16xf32>,
        %add3A_1122 = arith.constant 2 : i32
        %add3A_1123 = vector.broadcast %add3A_1122 : i32 to vector<16xi32>
        %add3A_1124 = arith.addi %broadcast_in_dim3A_1116, %add3A_1123 : vector<16xi32>
        %gather3A_1125 = tpu.vector_load_idx %arg5[%add3A_1124] : memref<20480xf32, #tpu.memory_space<vmem>>[vector<16xi32>], vector<16xf32>,
        %add3A_1126 = arith.constant 3 : i32
        %add3A_1127 = vector.broadcast %add3A_1126 : i32 to vector<16xi32>
        %add3A_1128 = arith.addi %broadcast_in_dim3A_1116, %add3A_1127 : vector<16xi32>
        %gather3A_1129 = tpu.vector_load_idx %arg5[%add3A_1128] : memref<20480xf32, #tpu.memory_space<vmem>>[vector<16xi32>], vector<16xf32>,
        %sub3A_1130 = arith.subf %gather3A_1125, %gather3A_1117 : vector<16xf32>
        %sub3A_1131 = arith.subf %gather3A_1129, %gather3A_1121 : vector<16xf32>
        %mul3A_1132 = arith.mulf %sub3A_1130, %sub3A_1131 : vector<16xf32>
        %broadcast_in_dim3A_1133 = vector.broadcast %and3A_1111 : i1 to vector<16xi1>
        %add3A_1134 = vector.broadcast %mul3A_2 : i32 to vector<16xi32>
        %add3A_1135 = arith.addi %iota3A, %add3A_1134 : vector<16xi32>
        %add3A_1136 = arith.constant 0 : i32
        %add3A_1137 = arith.addi %mul3A_2, %add3A_1136 : i32
        %add3A_1138 = vector.broadcast %add3A_1137 : i32 to vector<16xi32>
        %add3A_1139 = arith.addi %iota3A, %add3A_1138 : vector<16xi32>
        %mul3A_1140 = arith.constant 4 : i32
        %mul3A_1141 = vector.broadcast %mul3A_1140 : i32 to vector<16xi32>
        %mul3A_1142 = arith.muli %add3A_1139, %mul3A_1141 : vector<16xi32>
        %gather3A_1143 = tpu.vector_load_idx %arg5[%mul3A_1142] : memref<20480xf32, #tpu.memory_space<vmem>>[vector<16xi32>], vector<16xf32>,
        %add3A_1144 = arith.constant 1 : i32
        %add3A_1145 = vector.broadcast %add3A_1144 : i32 to vector<16xi32>
        %add3A_1146 = arith.addi %mul3A_1142, %add3A_1145 : vector<16xi32>
        %gather3A_1147 = tpu.vector_load_idx %arg5[%add3A_1146] : memref<20480xf32, #tpu.memory_space<vmem>>[vector<16xi32>], vector<16xf32>,
        %add3A_1148 = arith.constant 2 : i32
        %add3A_1149 = vector.broadcast %add3A_1148 : i32 to vector<16xi32>
        %add3A_1150 = arith.addi %mul3A_1142, %add3A_1149 : vector<16xi32>
        %gather3A_1151 = tpu.vector_load_idx %arg5[%add3A_1150] : memref<20480xf32, #tpu.memory_space<vmem>>[vector<16xi32>], vector<16xf32>,
        %add3A_1152 = arith.constant 3 : i32
        %add3A_1153 = vector.broadcast %add3A_1152 : i32 to vector<16xi32>
        %add3A_1154 = arith.addi %mul3A_1142, %add3A_1153 : vector<16xi32>
        %gather3A_1155 = tpu.vector_load_idx %arg5[%add3A_1154] : memref<20480xf32, #tpu.memory_space<vmem>>[vector<16xi32>], vector<16xf32>,
        %sub3A_1156 = arith.subf %gather3A_1151, %gather3A_1143 : vector<16xf32>
        %sub3A_1157 = arith.subf %gather3A_1155, %gather3A_1147 : vector<16xf32>
        %mul3A_1158 = arith.mulf %sub3A_1156, %sub3A_1157 : vector<16xf32>
        %min3A_1159 = arith.minimumf %gather3A_775, %gather3A_1151 : vector<16xf32>
        %max3A_1160 = arith.maximumf %gather3A_767, %gather3A_1143 : vector<16xf32>
        %sub3A_1161 = arith.subf %min3A_1159, %max3A_1160 : vector<16xf32>
        %max3A_1162 = arith.constant 0.000000e+00 : f32
        %max3A_1163 = vector.broadcast %max3A_1162 : f32 to vector<16xf32>
        %max3A_1164 = arith.maximumf %sub3A_1161, %max3A_1163 : vector<16xf32>
        %min3A_1165 = arith.minimumf %gather3A_779, %gather3A_1155 : vector<16xf32>
        %max3A_1166 = arith.maximumf %gather3A_771, %gather3A_1147 : vector<16xf32>
        %sub3A_1167 = arith.subf %min3A_1165, %max3A_1166 : vector<16xf32>
        %max3A_1168 = arith.constant 0.000000e+00 : f32
        %max3A_1169 = vector.broadcast %max3A_1168 : f32 to vector<16xf32>
        %max3A_1170 = arith.maximumf %sub3A_1167, %max3A_1169 : vector<16xf32>
        %mul3A_1171 = arith.mulf %max3A_1164, %max3A_1170 : vector<16xf32>
        %add3A_1172 = arith.addf %mul3A_781, %mul3A_1158 : vector<16xf32>
        %sub3A_1173 = arith.subf %add3A_1172, %mul3A_1171 : vector<16xf32>
        %add3A_1174 = arith.constant 9.99999993E-9 : f32
        %add3A_1175 = vector.broadcast %add3A_1174 : f32 to vector<16xf32>
        %add3A_1176 = arith.addf %sub3A_1173, %add3A_1175 : vector<16xf32>
        %div3A_1177 = arith.divf %mul3A_1171, %add3A_1176 : vector<16xf32>
        %ge3A_1178 = arith.constant 5.000000e-01 : f32
        %ge3A_1179 = vector.broadcast %ge3A_1178 : f32 to vector<16xf32>
        %ge3A_1180 = arith.cmpf oge, %div3A_1177, %ge3A_1179 : vector<16xf32>
        %eq3A_1181 = arith.cmpi eq, %add3A_1139, %broadcast_in_dim3A_782 : vector<16xi32>
        %or3A_1182 = arith.ori %ge3A_1180, %eq3A_1181 : vector<16xi1>
        %sub3A_1183 = arith.subf %gather3A_1151, %gather3A_1143 : vector<16xf32>
        %sub3A_1184 = arith.subf %gather3A_1155, %gather3A_1147 : vector<16xf32>
        %mul3A_1185 = arith.mulf %sub3A_1183, %sub3A_1184 : vector<16xf32>
        %min3A_1186 = arith.minimumf %gather3A_969, %gather3A_1151 : vector<16xf32>
        %max3A_1187 = arith.maximumf %gather3A_961, %gather3A_1143 : vector<16xf32>
        %sub3A_1188 = arith.subf %min3A_1186, %max3A_1187 : vector<16xf32>
        %max3A_1189 = arith.constant 0.000000e+00 : f32
        %max3A_1190 = vector.broadcast %max3A_1189 : f32 to vector<16xf32>
        %max3A_1191 = arith.maximumf %sub3A_1188, %max3A_1190 : vector<16xf32>
        %min3A_1192 = arith.minimumf %gather3A_973, %gather3A_1155 : vector<16xf32>
        %max3A_1193 = arith.maximumf %gather3A_965, %gather3A_1147 : vector<16xf32>
        %sub3A_1194 = arith.subf %min3A_1192, %max3A_1193 : vector<16xf32>
        %max3A_1195 = arith.constant 0.000000e+00 : f32
        %max3A_1196 = vector.broadcast %max3A_1195 : f32 to vector<16xf32>
        %max3A_1197 = arith.maximumf %sub3A_1194, %max3A_1196 : vector<16xf32>
        %mul3A_1198 = arith.mulf %max3A_1191, %max3A_1197 : vector<16xf32>
        %add3A_1199 = arith.addf %mul3A_976, %mul3A_1185 : vector<16xf32>
        %sub3A_1200 = arith.subf %add3A_1199, %mul3A_1198 : vector<16xf32>
        %add3A_1201 = arith.constant 9.99999993E-9 : f32
        %add3A_1202 = vector.broadcast %add3A_1201 : f32 to vector<16xf32>
        %add3A_1203 = arith.addf %sub3A_1200, %add3A_1202 : vector<16xf32>
        %div3A_1204 = arith.divf %mul3A_1198, %add3A_1203 : vector<16xf32>
        %ge3A_1205 = arith.constant 5.000000e-01 : f32
        %ge3A_1206 = vector.broadcast %ge3A_1205 : f32 to vector<16xf32>
        %ge3A_1207 = arith.cmpf oge, %div3A_1204, %ge3A_1206 : vector<16xf32>
        %eq3A_1208 = arith.cmpi eq, %add3A_1139, %broadcast_in_dim3A_978 : vector<16xi32>
        %or3A_1209 = arith.ori %ge3A_1207, %eq3A_1208 : vector<16xi1>
        %sub3A_1210 = arith.subf %gather3A_1151, %gather3A_1143 : vector<16xf32>
        %sub3A_1211 = arith.subf %gather3A_1155, %gather3A_1147 : vector<16xf32>
        %mul3A_1212 = arith.mulf %sub3A_1210, %sub3A_1211 : vector<16xf32>
        %min3A_1213 = arith.minimumf %gather3A_1125, %gather3A_1151 : vector<16xf32>
        %max3A_1214 = arith.maximumf %gather3A_1117, %gather3A_1143 : vector<16xf32>
        %sub3A_1215 = arith.subf %min3A_1213, %max3A_1214 : vector<16xf32>
        %max3A_1216 = arith.constant 0.000000e+00 : f32
        %max3A_1217 = vector.broadcast %max3A_1216 : f32 to vector<16xf32>
        %max3A_1218 = arith.maximumf %sub3A_1215, %max3A_1217 : vector<16xf32>
        %min3A_1219 = arith.minimumf %gather3A_1129, %gather3A_1155 : vector<16xf32>
        %max3A_1220 = arith.maximumf %gather3A_1121, %gather3A_1147 : vector<16xf32>
        %sub3A_1221 = arith.subf %min3A_1219, %max3A_1220 : vector<16xf32>
        %max3A_1222 = arith.constant 0.000000e+00 : f32
        %max3A_1223 = vector.broadcast %max3A_1222 : f32 to vector<16xf32>
        %max3A_1224 = arith.maximumf %sub3A_1221, %max3A_1223 : vector<16xf32>
        %mul3A_1225 = arith.mulf %max3A_1218, %max3A_1224 : vector<16xf32>
        %add3A_1226 = arith.addf %mul3A_1132, %mul3A_1212 : vector<16xf32>
        %sub3A_1227 = arith.subf %add3A_1226, %mul3A_1225 : vector<16xf32>
        %add3A_1228 = arith.constant 9.99999993E-9 : f32
        %add3A_1229 = vector.broadcast %add3A_1228 : f32 to vector<16xf32>
        %add3A_1230 = arith.addf %sub3A_1227, %add3A_1229 : vector<16xf32>
        %div3A_1231 = arith.divf %mul3A_1225, %add3A_1230 : vector<16xf32>
        %ge3A_1232 = arith.constant 5.000000e-01 : f32
        %ge3A_1233 = vector.broadcast %ge3A_1232 : f32 to vector<16xf32>
        %ge3A_1234 = arith.cmpf oge, %div3A_1231, %ge3A_1233 : vector<16xf32>
        %broadcast_in_dim3A_1235 = vector.broadcast %select_n3A_1113 : i32 to vector<16xi32>
        %eq3A_1236 = arith.cmpi eq, %add3A_1139, %broadcast_in_dim3A_1235 : vector<16xi32>
        %or3A_1237 = arith.ori %ge3A_1234, %eq3A_1236 : vector<16xi1>
        %and3A_1238 = arith.andi %broadcast_in_dim3A_977, %or3A_1209 : vector<16xi1>
        %or3A_1239 = arith.ori %or3A_1182, %and3A_1238 : vector<16xi1>
        %and3A_1240 = arith.andi %broadcast_in_dim3A_1133, %or3A_1237 : vector<16xi1>
        %or3A_1241 = arith.ori %or3A_1239, %and3A_1240 : vector<16xi1>
        %select_n3A_1242 = arith.select %or3A_1241, %broadcast_in_dim3A_3, %while3A_677 : vector<16xi1>, vector<16xf32>
        %gt3A_1243 = arith.cmpf ogt, %select_n3A_1242, %broadcast_in_dim3A_3 : vector<16xf32>
        %select_n3A_1244 = arith.select %gt3A_1243, %select_n3A_1242, %broadcast_in_dim3A_3 : vector<16xi1>, vector<16xf32>
        %select_n3A_1245 = arith.select %gt3A_1243, %add3A_1139, %add3A_1135 : vector<16xi1>, vector<16xi32>
        %select_n3A_1246 = arith.select %gt3A_1243, %broadcast_in_dim3A_3, %select_n3A_1242 : vector<16xi1>, vector<16xf32>
        %select_n3A_1247 = arith.select %gt3A_1243, %add3A_1135, %add3A_1139 : vector<16xi1>, vector<16xi32>
        %gt3A_1248 = arith.cmpf ogt, %select_n3A_1246, %broadcast_in_dim3A_3 : vector<16xf32>
        %select_n3A_1249 = arith.select %gt3A_1248, %select_n3A_1246, %broadcast_in_dim3A_3 : vector<16xi1>, vector<16xf32>
        %select_n3A_1250 = arith.select %gt3A_1248, %select_n3A_1247, %add3A_1135 : vector<16xi1>, vector<16xi32>
        %select_n3A_1251 = arith.select %gt3A_1248, %broadcast_in_dim3A_3, %select_n3A_1246 : vector<16xi1>, vector<16xf32>
        %select_n3A_1252 = arith.select %gt3A_1248, %add3A_1135, %select_n3A_1247 : vector<16xi1>, vector<16xi32>
        %gt3A_1253 = arith.cmpf ogt, %select_n3A_1251, %broadcast_in_dim3A_3 : vector<16xf32>
        %select_n3A_1254 = arith.select %gt3A_1253, %select_n3A_1251, %broadcast_in_dim3A_3 : vector<16xi1>, vector<16xf32>
        %select_n3A_1255 = arith.select %gt3A_1253, %select_n3A_1252, %add3A_1135 : vector<16xi1>, vector<16xi32>
        %add3A_1256 = arith.constant 16 : i32
        %add3A_1257 = arith.addi %mul3A_2, %add3A_1256 : i32
        %add3A_1258 = vector.broadcast %add3A_1257 : i32 to vector<16xi32>
        %add3A_1259 = arith.addi %iota3A, %add3A_1258 : vector<16xi32>
        %mul3A_1260 = arith.constant 4 : i32
        %mul3A_1261 = vector.broadcast %mul3A_1260 : i32 to vector<16xi32>
        %mul3A_1262 = arith.muli %add3A_1259, %mul3A_1261 : vector<16xi32>
        %gather3A_1263 = tpu.vector_load_idx %arg5[%mul3A_1262] : memref<20480xf32, #tpu.memory_space<vmem>>[vector<16xi32>], vector<16xf32>,
        %add3A_1264 = arith.constant 1 : i32
        %add3A_1265 = vector.broadcast %add3A_1264 : i32 to vector<16xi32>
        %add3A_1266 = arith.addi %mul3A_1262, %add3A_1265 : vector<16xi32>
        %gather3A_1267 = tpu.vector_load_idx %arg5[%add3A_1266] : memref<20480xf32, #tpu.memory_space<vmem>>[vector<16xi32>], vector<16xf32>,
        %add3A_1268 = arith.constant 2 : i32
        %add3A_1269 = vector.broadcast %add3A_1268 : i32 to vector<16xi32>
        %add3A_1270 = arith.addi %mul3A_1262, %add3A_1269 : vector<16xi32>
        %gather3A_1271 = tpu.vector_load_idx %arg5[%add3A_1270] : memref<20480xf32, #tpu.memory_space<vmem>>[vector<16xi32>], vector<16xf32>,
        %add3A_1272 = arith.constant 3 : i32
        %add3A_1273 = vector.broadcast %add3A_1272 : i32 to vector<16xi32>
        %add3A_1274 = arith.addi %mul3A_1262, %add3A_1273 : vector<16xi32>
        %gather3A_1275 = tpu.vector_load_idx %arg5[%add3A_1274] : memref<20480xf32, #tpu.memory_space<vmem>>[vector<16xi32>], vector<16xf32>,
        %sub3A_1276 = arith.subf %gather3A_1271, %gather3A_1263 : vector<16xf32>
        %sub3A_1277 = arith.subf %gather3A_1275, %gather3A_1267 : vector<16xf32>
        %mul3A_1278 = arith.mulf %sub3A_1276, %sub3A_1277 : vector<16xf32>
        %min3A_1279 = arith.minimumf %gather3A_775, %gather3A_1271 : vector<16xf32>
        %max3A_1280 = arith.maximumf %gather3A_767, %gather3A_1263 : vector<16xf32>
        %sub3A_1281 = arith.subf %min3A_1279, %max3A_1280 : vector<16xf32>
        %max3A_1282 = arith.constant 0.000000e+00 : f32
        %max3A_1283 = vector.broadcast %max3A_1282 : f32 to vector<16xf32>
        %max3A_1284 = arith.maximumf %sub3A_1281, %max3A_1283 : vector<16xf32>
        %min3A_1285 = arith.minimumf %gather3A_779, %gather3A_1275 : vector<16xf32>
        %max3A_1286 = arith.maximumf %gather3A_771, %gather3A_1267 : vector<16xf32>
        %sub3A_1287 = arith.subf %min3A_1285, %max3A_1286 : vector<16xf32>
        %max3A_1288 = arith.constant 0.000000e+00 : f32
        %max3A_1289 = vector.broadcast %max3A_1288 : f32 to vector<16xf32>
        %max3A_1290 = arith.maximumf %sub3A_1287, %max3A_1289 : vector<16xf32>
        %mul3A_1291 = arith.mulf %max3A_1284, %max3A_1290 : vector<16xf32>
        %add3A_1292 = arith.addf %mul3A_781, %mul3A_1278 : vector<16xf32>
        %sub3A_1293 = arith.subf %add3A_1292, %mul3A_1291 : vector<16xf32>
        %add3A_1294 = arith.constant 9.99999993E-9 : f32
        %add3A_1295 = vector.broadcast %add3A_1294 : f32 to vector<16xf32>
        %add3A_1296 = arith.addf %sub3A_1293, %add3A_1295 : vector<16xf32>
        %div3A_1297 = arith.divf %mul3A_1291, %add3A_1296 : vector<16xf32>
        %ge3A_1298 = arith.constant 5.000000e-01 : f32
        %ge3A_1299 = vector.broadcast %ge3A_1298 : f32 to vector<16xf32>
        %ge3A_1300 = arith.cmpf oge, %div3A_1297, %ge3A_1299 : vector<16xf32>
        %eq3A_1301 = arith.cmpi eq, %add3A_1259, %broadcast_in_dim3A_782 : vector<16xi32>
        %or3A_1302 = arith.ori %ge3A_1300, %eq3A_1301 : vector<16xi1>
        %sub3A_1303 = arith.subf %gather3A_1271, %gather3A_1263 : vector<16xf32>
        %sub3A_1304 = arith.subf %gather3A_1275, %gather3A_1267 : vector<16xf32>
        %mul3A_1305 = arith.mulf %sub3A_1303, %sub3A_1304 : vector<16xf32>
        %min3A_1306 = arith.minimumf %gather3A_969, %gather3A_1271 : vector<16xf32>
        %max3A_1307 = arith.maximumf %gather3A_961, %gather3A_1263 : vector<16xf32>
        %sub3A_1308 = arith.subf %min3A_1306, %max3A_1307 : vector<16xf32>
        %max3A_1309 = arith.constant 0.000000e+00 : f32
        %max3A_1310 = vector.broadcast %max3A_1309 : f32 to vector<16xf32>
        %max3A_1311 = arith.maximumf %sub3A_1308, %max3A_1310 : vector<16xf32>
        %min3A_1312 = arith.minimumf %gather3A_973, %gather3A_1275 : vector<16xf32>
        %max3A_1313 = arith.maximumf %gather3A_965, %gather3A_1267 : vector<16xf32>
        %sub3A_1314 = arith.subf %min3A_1312, %max3A_1313 : vector<16xf32>
        %max3A_1315 = arith.constant 0.000000e+00 : f32
        %max3A_1316 = vector.broadcast %max3A_1315 : f32 to vector<16xf32>
        %max3A_1317 = arith.maximumf %sub3A_1314, %max3A_1316 : vector<16xf32>
        %mul3A_1318 = arith.mulf %max3A_1311, %max3A_1317 : vector<16xf32>
        %add3A_1319 = arith.addf %mul3A_976, %mul3A_1305 : vector<16xf32>
        %sub3A_1320 = arith.subf %add3A_1319, %mul3A_1318 : vector<16xf32>
        %add3A_1321 = arith.constant 9.99999993E-9 : f32
        %add3A_1322 = vector.broadcast %add3A_1321 : f32 to vector<16xf32>
        %add3A_1323 = arith.addf %sub3A_1320, %add3A_1322 : vector<16xf32>
        %div3A_1324 = arith.divf %mul3A_1318, %add3A_1323 : vector<16xf32>
        %ge3A_1325 = arith.constant 5.000000e-01 : f32
        %ge3A_1326 = vector.broadcast %ge3A_1325 : f32 to vector<16xf32>
        %ge3A_1327 = arith.cmpf oge, %div3A_1324, %ge3A_1326 : vector<16xf32>
        %eq3A_1328 = arith.cmpi eq, %add3A_1259, %broadcast_in_dim3A_978 : vector<16xi32>
        %or3A_1329 = arith.ori %ge3A_1327, %eq3A_1328 : vector<16xi1>
        %sub3A_1330 = arith.subf %gather3A_1271, %gather3A_1263 : vector<16xf32>
        %sub3A_1331 = arith.subf %gather3A_1275, %gather3A_1267 : vector<16xf32>
        %mul3A_1332 = arith.mulf %sub3A_1330, %sub3A_1331 : vector<16xf32>
        %min3A_1333 = arith.minimumf %gather3A_1125, %gather3A_1271 : vector<16xf32>
        %max3A_1334 = arith.maximumf %gather3A_1117, %gather3A_1263 : vector<16xf32>
        %sub3A_1335 = arith.subf %min3A_1333, %max3A_1334 : vector<16xf32>
        %max3A_1336 = arith.constant 0.000000e+00 : f32
        %max3A_1337 = vector.broadcast %max3A_1336 : f32 to vector<16xf32>
        %max3A_1338 = arith.maximumf %sub3A_1335, %max3A_1337 : vector<16xf32>
        %min3A_1339 = arith.minimumf %gather3A_1129, %gather3A_1275 : vector<16xf32>
        %max3A_1340 = arith.maximumf %gather3A_1121, %gather3A_1267 : vector<16xf32>
        %sub3A_1341 = arith.subf %min3A_1339, %max3A_1340 : vector<16xf32>
        %max3A_1342 = arith.constant 0.000000e+00 : f32
        %max3A_1343 = vector.broadcast %max3A_1342 : f32 to vector<16xf32>
        %max3A_1344 = arith.maximumf %sub3A_1341, %max3A_1343 : vector<16xf32>
        %mul3A_1345 = arith.mulf %max3A_1338, %max3A_1344 : vector<16xf32>
        %add3A_1346 = arith.addf %mul3A_1132, %mul3A_1332 : vector<16xf32>
        %sub3A_1347 = arith.subf %add3A_1346, %mul3A_1345 : vector<16xf32>
        %add3A_1348 = arith.constant 9.99999993E-9 : f32
        %add3A_1349 = vector.broadcast %add3A_1348 : f32 to vector<16xf32>
        %add3A_1350 = arith.addf %sub3A_1347, %add3A_1349 : vector<16xf32>
        %div3A_1351 = arith.divf %mul3A_1345, %add3A_1350 : vector<16xf32>
        %ge3A_1352 = arith.constant 5.000000e-01 : f32
        %ge3A_1353 = vector.broadcast %ge3A_1352 : f32 to vector<16xf32>
        %ge3A_1354 = arith.cmpf oge, %div3A_1351, %ge3A_1353 : vector<16xf32>
        %broadcast_in_dim3A_1355 = vector.broadcast %select_n3A_1113 : i32 to vector<16xi32>
        %eq3A_1356 = arith.cmpi eq, %add3A_1259, %broadcast_in_dim3A_1355 : vector<16xi32>
        %or3A_1357 = arith.ori %ge3A_1354, %eq3A_1356 : vector<16xi1>
        %and3A_1358 = arith.andi %broadcast_in_dim3A_977, %or3A_1329 : vector<16xi1>
        %or3A_1359 = arith.ori %or3A_1302, %and3A_1358 : vector<16xi1>
        %and3A_1360 = arith.andi %broadcast_in_dim3A_1133, %or3A_1357 : vector<16xi1>
        %or3A_1361 = arith.ori %or3A_1359, %and3A_1360 : vector<16xi1>
        %select_n3A_1362 = arith.select %or3A_1361, %broadcast_in_dim3A_3, %while3A_678 : vector<16xi1>, vector<16xf32>
        %gt3A_1363 = arith.cmpf ogt, %select_n3A_1362, %select_n3A_1244 : vector<16xf32>
        %select_n3A_1364 = arith.select %gt3A_1363, %select_n3A_1362, %select_n3A_1244 : vector<16xi1>, vector<16xf32>
        %select_n3A_1365 = arith.select %gt3A_1363, %add3A_1259, %select_n3A_1245 : vector<16xi1>, vector<16xi32>
        %select_n3A_1366 = arith.select %gt3A_1363, %select_n3A_1244, %select_n3A_1362 : vector<16xi1>, vector<16xf32>
        %select_n3A_1367 = arith.select %gt3A_1363, %select_n3A_1245, %add3A_1259 : vector<16xi1>, vector<16xi32>
        %gt3A_1368 = arith.cmpf ogt, %select_n3A_1366, %select_n3A_1249 : vector<16xf32>
        %select_n3A_1369 = arith.select %gt3A_1368, %select_n3A_1366, %select_n3A_1249 : vector<16xi1>, vector<16xf32>
        %select_n3A_1370 = arith.select %gt3A_1368, %select_n3A_1367, %select_n3A_1250 : vector<16xi1>, vector<16xi32>
        %select_n3A_1371 = arith.select %gt3A_1368, %select_n3A_1249, %select_n3A_1366 : vector<16xi1>, vector<16xf32>
        %select_n3A_1372 = arith.select %gt3A_1368, %select_n3A_1250, %select_n3A_1367 : vector<16xi1>, vector<16xi32>
        %gt3A_1373 = arith.cmpf ogt, %select_n3A_1371, %select_n3A_1254 : vector<16xf32>
        %select_n3A_1374 = arith.select %gt3A_1373, %select_n3A_1371, %select_n3A_1254 : vector<16xi1>, vector<16xf32>
        %select_n3A_1375 = arith.select %gt3A_1373, %select_n3A_1372, %select_n3A_1255 : vector<16xi1>, vector<16xi32>
        %add3A_1376 = arith.constant 32 : i32
        %add3A_1377 = arith.addi %mul3A_2, %add3A_1376 : i32
        %add3A_1378 = vector.broadcast %add3A_1377 : i32 to vector<16xi32>
        %add3A_1379 = arith.addi %iota3A, %add3A_1378 : vector<16xi32>
        %mul3A_1380 = arith.constant 4 : i32
        %mul3A_1381 = vector.broadcast %mul3A_1380 : i32 to vector<16xi32>
        %mul3A_1382 = arith.muli %add3A_1379, %mul3A_1381 : vector<16xi32>
        %gather3A_1383 = tpu.vector_load_idx %arg5[%mul3A_1382] : memref<20480xf32, #tpu.memory_space<vmem>>[vector<16xi32>], vector<16xf32>,
        %add3A_1384 = arith.constant 1 : i32
        %add3A_1385 = vector.broadcast %add3A_1384 : i32 to vector<16xi32>
        %add3A_1386 = arith.addi %mul3A_1382, %add3A_1385 : vector<16xi32>
        %gather3A_1387 = tpu.vector_load_idx %arg5[%add3A_1386] : memref<20480xf32, #tpu.memory_space<vmem>>[vector<16xi32>], vector<16xf32>,
        %add3A_1388 = arith.constant 2 : i32
        %add3A_1389 = vector.broadcast %add3A_1388 : i32 to vector<16xi32>
        %add3A_1390 = arith.addi %mul3A_1382, %add3A_1389 : vector<16xi32>
        %gather3A_1391 = tpu.vector_load_idx %arg5[%add3A_1390] : memref<20480xf32, #tpu.memory_space<vmem>>[vector<16xi32>], vector<16xf32>,
        %add3A_1392 = arith.constant 3 : i32
        %add3A_1393 = vector.broadcast %add3A_1392 : i32 to vector<16xi32>
        %add3A_1394 = arith.addi %mul3A_1382, %add3A_1393 : vector<16xi32>
        %gather3A_1395 = tpu.vector_load_idx %arg5[%add3A_1394] : memref<20480xf32, #tpu.memory_space<vmem>>[vector<16xi32>], vector<16xf32>,
        %sub3A_1396 = arith.subf %gather3A_1391, %gather3A_1383 : vector<16xf32>
        %sub3A_1397 = arith.subf %gather3A_1395, %gather3A_1387 : vector<16xf32>
        %mul3A_1398 = arith.mulf %sub3A_1396, %sub3A_1397 : vector<16xf32>
        %min3A_1399 = arith.minimumf %gather3A_775, %gather3A_1391 : vector<16xf32>
        %max3A_1400 = arith.maximumf %gather3A_767, %gather3A_1383 : vector<16xf32>
        %sub3A_1401 = arith.subf %min3A_1399, %max3A_1400 : vector<16xf32>
        %max3A_1402 = arith.constant 0.000000e+00 : f32
        %max3A_1403 = vector.broadcast %max3A_1402 : f32 to vector<16xf32>
        %max3A_1404 = arith.maximumf %sub3A_1401, %max3A_1403 : vector<16xf32>
        %min3A_1405 = arith.minimumf %gather3A_779, %gather3A_1395 : vector<16xf32>
        %max3A_1406 = arith.maximumf %gather3A_771, %gather3A_1387 : vector<16xf32>
        %sub3A_1407 = arith.subf %min3A_1405, %max3A_1406 : vector<16xf32>
        %max3A_1408 = arith.constant 0.000000e+00 : f32
        %max3A_1409 = vector.broadcast %max3A_1408 : f32 to vector<16xf32>
        %max3A_1410 = arith.maximumf %sub3A_1407, %max3A_1409 : vector<16xf32>
        %mul3A_1411 = arith.mulf %max3A_1404, %max3A_1410 : vector<16xf32>
        %add3A_1412 = arith.addf %mul3A_781, %mul3A_1398 : vector<16xf32>
        %sub3A_1413 = arith.subf %add3A_1412, %mul3A_1411 : vector<16xf32>
        %add3A_1414 = arith.constant 9.99999993E-9 : f32
        %add3A_1415 = vector.broadcast %add3A_1414 : f32 to vector<16xf32>
        %add3A_1416 = arith.addf %sub3A_1413, %add3A_1415 : vector<16xf32>
        %div3A_1417 = arith.divf %mul3A_1411, %add3A_1416 : vector<16xf32>
        %ge3A_1418 = arith.constant 5.000000e-01 : f32
        %ge3A_1419 = vector.broadcast %ge3A_1418 : f32 to vector<16xf32>
        %ge3A_1420 = arith.cmpf oge, %div3A_1417, %ge3A_1419 : vector<16xf32>
        %eq3A_1421 = arith.cmpi eq, %add3A_1379, %broadcast_in_dim3A_782 : vector<16xi32>
        %or3A_1422 = arith.ori %ge3A_1420, %eq3A_1421 : vector<16xi1>
        %sub3A_1423 = arith.subf %gather3A_1391, %gather3A_1383 : vector<16xf32>
        %sub3A_1424 = arith.subf %gather3A_1395, %gather3A_1387 : vector<16xf32>
        %mul3A_1425 = arith.mulf %sub3A_1423, %sub3A_1424 : vector<16xf32>
        %min3A_1426 = arith.minimumf %gather3A_969, %gather3A_1391 : vector<16xf32>
        %max3A_1427 = arith.maximumf %gather3A_961, %gather3A_1383 : vector<16xf32>
        %sub3A_1428 = arith.subf %min3A_1426, %max3A_1427 : vector<16xf32>
        %max3A_1429 = arith.constant 0.000000e+00 : f32
        %max3A_1430 = vector.broadcast %max3A_1429 : f32 to vector<16xf32>
        %max3A_1431 = arith.maximumf %sub3A_1428, %max3A_1430 : vector<16xf32>
        %min3A_1432 = arith.minimumf %gather3A_973, %gather3A_1395 : vector<16xf32>
        %max3A_1433 = arith.maximumf %gather3A_965, %gather3A_1387 : vector<16xf32>
        %sub3A_1434 = arith.subf %min3A_1432, %max3A_1433 : vector<16xf32>
        %max3A_1435 = arith.constant 0.000000e+00 : f32
        %max3A_1436 = vector.broadcast %max3A_1435 : f32 to vector<16xf32>
        %max3A_1437 = arith.maximumf %sub3A_1434, %max3A_1436 : vector<16xf32>
        %mul3A_1438 = arith.mulf %max3A_1431, %max3A_1437 : vector<16xf32>
        %add3A_1439 = arith.addf %mul3A_976, %mul3A_1425 : vector<16xf32>
        %sub3A_1440 = arith.subf %add3A_1439, %mul3A_1438 : vector<16xf32>
        %add3A_1441 = arith.constant 9.99999993E-9 : f32
        %add3A_1442 = vector.broadcast %add3A_1441 : f32 to vector<16xf32>
        %add3A_1443 = arith.addf %sub3A_1440, %add3A_1442 : vector<16xf32>
        %div3A_1444 = arith.divf %mul3A_1438, %add3A_1443 : vector<16xf32>
        %ge3A_1445 = arith.constant 5.000000e-01 : f32
        %ge3A_1446 = vector.broadcast %ge3A_1445 : f32 to vector<16xf32>
        %ge3A_1447 = arith.cmpf oge, %div3A_1444, %ge3A_1446 : vector<16xf32>
        %eq3A_1448 = arith.cmpi eq, %add3A_1379, %broadcast_in_dim3A_978 : vector<16xi32>
        %or3A_1449 = arith.ori %ge3A_1447, %eq3A_1448 : vector<16xi1>
        %sub3A_1450 = arith.subf %gather3A_1391, %gather3A_1383 : vector<16xf32>
        %sub3A_1451 = arith.subf %gather3A_1395, %gather3A_1387 : vector<16xf32>
        %mul3A_1452 = arith.mulf %sub3A_1450, %sub3A_1451 : vector<16xf32>
        %min3A_1453 = arith.minimumf %gather3A_1125, %gather3A_1391 : vector<16xf32>
        %max3A_1454 = arith.maximumf %gather3A_1117, %gather3A_1383 : vector<16xf32>
        %sub3A_1455 = arith.subf %min3A_1453, %max3A_1454 : vector<16xf32>
        %max3A_1456 = arith.constant 0.000000e+00 : f32
        %max3A_1457 = vector.broadcast %max3A_1456 : f32 to vector<16xf32>
        %max3A_1458 = arith.maximumf %sub3A_1455, %max3A_1457 : vector<16xf32>
        %min3A_1459 = arith.minimumf %gather3A_1129, %gather3A_1395 : vector<16xf32>
        %max3A_1460 = arith.maximumf %gather3A_1121, %gather3A_1387 : vector<16xf32>
        %sub3A_1461 = arith.subf %min3A_1459, %max3A_1460 : vector<16xf32>
        %max3A_1462 = arith.constant 0.000000e+00 : f32
        %max3A_1463 = vector.broadcast %max3A_1462 : f32 to vector<16xf32>
        %max3A_1464 = arith.maximumf %sub3A_1461, %max3A_1463 : vector<16xf32>
        %mul3A_1465 = arith.mulf %max3A_1458, %max3A_1464 : vector<16xf32>
        %add3A_1466 = arith.addf %mul3A_1132, %mul3A_1452 : vector<16xf32>
        %sub3A_1467 = arith.subf %add3A_1466, %mul3A_1465 : vector<16xf32>
        %add3A_1468 = arith.constant 9.99999993E-9 : f32
        %add3A_1469 = vector.broadcast %add3A_1468 : f32 to vector<16xf32>
        %add3A_1470 = arith.addf %sub3A_1467, %add3A_1469 : vector<16xf32>
        %div3A_1471 = arith.divf %mul3A_1465, %add3A_1470 : vector<16xf32>
        %ge3A_1472 = arith.constant 5.000000e-01 : f32
        %ge3A_1473 = vector.broadcast %ge3A_1472 : f32 to vector<16xf32>
        %ge3A_1474 = arith.cmpf oge, %div3A_1471, %ge3A_1473 : vector<16xf32>
        %broadcast_in_dim3A_1475 = vector.broadcast %select_n3A_1113 : i32 to vector<16xi32>
        %eq3A_1476 = arith.cmpi eq, %add3A_1379, %broadcast_in_dim3A_1475 : vector<16xi32>
        %or3A_1477 = arith.ori %ge3A_1474, %eq3A_1476 : vector<16xi1>
        %and3A_1478 = arith.andi %broadcast_in_dim3A_977, %or3A_1449 : vector<16xi1>
        %or3A_1479 = arith.ori %or3A_1422, %and3A_1478 : vector<16xi1>
        %and3A_1480 = arith.andi %broadcast_in_dim3A_1133, %or3A_1477 : vector<16xi1>
        %or3A_1481 = arith.ori %or3A_1479, %and3A_1480 : vector<16xi1>
        %select_n3A_1482 = arith.select %or3A_1481, %broadcast_in_dim3A_3, %while3A_679 : vector<16xi1>, vector<16xf32>
        %gt3A_1483 = arith.cmpf ogt, %select_n3A_1482, %select_n3A_1364 : vector<16xf32>
        %select_n3A_1484 = arith.select %gt3A_1483, %select_n3A_1482, %select_n3A_1364 : vector<16xi1>, vector<16xf32>
        %select_n3A_1485 = arith.select %gt3A_1483, %add3A_1379, %select_n3A_1365 : vector<16xi1>, vector<16xi32>
        %select_n3A_1486 = arith.select %gt3A_1483, %select_n3A_1364, %select_n3A_1482 : vector<16xi1>, vector<16xf32>
        %select_n3A_1487 = arith.select %gt3A_1483, %select_n3A_1365, %add3A_1379 : vector<16xi1>, vector<16xi32>
        %gt3A_1488 = arith.cmpf ogt, %select_n3A_1486, %select_n3A_1369 : vector<16xf32>
        %select_n3A_1489 = arith.select %gt3A_1488, %select_n3A_1486, %select_n3A_1369 : vector<16xi1>, vector<16xf32>
        %select_n3A_1490 = arith.select %gt3A_1488, %select_n3A_1487, %select_n3A_1370 : vector<16xi1>, vector<16xi32>
        %select_n3A_1491 = arith.select %gt3A_1488, %select_n3A_1369, %select_n3A_1486 : vector<16xi1>, vector<16xf32>
        %select_n3A_1492 = arith.select %gt3A_1488, %select_n3A_1370, %select_n3A_1487 : vector<16xi1>, vector<16xi32>
        %gt3A_1493 = arith.cmpf ogt, %select_n3A_1491, %select_n3A_1374 : vector<16xf32>
        %select_n3A_1494 = arith.select %gt3A_1493, %select_n3A_1491, %select_n3A_1374 : vector<16xi1>, vector<16xf32>
        %select_n3A_1495 = arith.select %gt3A_1493, %select_n3A_1492, %select_n3A_1375 : vector<16xi1>, vector<16xi32>
        %add3A_1496 = arith.constant 48 : i32
        %add3A_1497 = arith.addi %mul3A_2, %add3A_1496 : i32
        %add3A_1498 = vector.broadcast %add3A_1497 : i32 to vector<16xi32>
        %add3A_1499 = arith.addi %iota3A, %add3A_1498 : vector<16xi32>
        %mul3A_1500 = arith.constant 4 : i32
        %mul3A_1501 = vector.broadcast %mul3A_1500 : i32 to vector<16xi32>
        %mul3A_1502 = arith.muli %add3A_1499, %mul3A_1501 : vector<16xi32>
        %gather3A_1503 = tpu.vector_load_idx %arg5[%mul3A_1502] : memref<20480xf32, #tpu.memory_space<vmem>>[vector<16xi32>], vector<16xf32>,
        %add3A_1504 = arith.constant 1 : i32
        %add3A_1505 = vector.broadcast %add3A_1504 : i32 to vector<16xi32>
        %add3A_1506 = arith.addi %mul3A_1502, %add3A_1505 : vector<16xi32>
        %gather3A_1507 = tpu.vector_load_idx %arg5[%add3A_1506] : memref<20480xf32, #tpu.memory_space<vmem>>[vector<16xi32>], vector<16xf32>,
        %add3A_1508 = arith.constant 2 : i32
        %add3A_1509 = vector.broadcast %add3A_1508 : i32 to vector<16xi32>
        %add3A_1510 = arith.addi %mul3A_1502, %add3A_1509 : vector<16xi32>
        %gather3A_1511 = tpu.vector_load_idx %arg5[%add3A_1510] : memref<20480xf32, #tpu.memory_space<vmem>>[vector<16xi32>], vector<16xf32>,
        %add3A_1512 = arith.constant 3 : i32
        %add3A_1513 = vector.broadcast %add3A_1512 : i32 to vector<16xi32>
        %add3A_1514 = arith.addi %mul3A_1502, %add3A_1513 : vector<16xi32>
        %gather3A_1515 = tpu.vector_load_idx %arg5[%add3A_1514] : memref<20480xf32, #tpu.memory_space<vmem>>[vector<16xi32>], vector<16xf32>,
        %sub3A_1516 = arith.subf %gather3A_1511, %gather3A_1503 : vector<16xf32>
        %sub3A_1517 = arith.subf %gather3A_1515, %gather3A_1507 : vector<16xf32>
        %mul3A_1518 = arith.mulf %sub3A_1516, %sub3A_1517 : vector<16xf32>
        %min3A_1519 = arith.minimumf %gather3A_775, %gather3A_1511 : vector<16xf32>
        %max3A_1520 = arith.maximumf %gather3A_767, %gather3A_1503 : vector<16xf32>
        %sub3A_1521 = arith.subf %min3A_1519, %max3A_1520 : vector<16xf32>
        %max3A_1522 = arith.constant 0.000000e+00 : f32
        %max3A_1523 = vector.broadcast %max3A_1522 : f32 to vector<16xf32>
        %max3A_1524 = arith.maximumf %sub3A_1521, %max3A_1523 : vector<16xf32>
        %min3A_1525 = arith.minimumf %gather3A_779, %gather3A_1515 : vector<16xf32>
        %max3A_1526 = arith.maximumf %gather3A_771, %gather3A_1507 : vector<16xf32>
        %sub3A_1527 = arith.subf %min3A_1525, %max3A_1526 : vector<16xf32>
        %max3A_1528 = arith.constant 0.000000e+00 : f32
        %max3A_1529 = vector.broadcast %max3A_1528 : f32 to vector<16xf32>
        %max3A_1530 = arith.maximumf %sub3A_1527, %max3A_1529 : vector<16xf32>
        %mul3A_1531 = arith.mulf %max3A_1524, %max3A_1530 : vector<16xf32>
        %add3A_1532 = arith.addf %mul3A_781, %mul3A_1518 : vector<16xf32>
        %sub3A_1533 = arith.subf %add3A_1532, %mul3A_1531 : vector<16xf32>
        %add3A_1534 = arith.constant 9.99999993E-9 : f32
        %add3A_1535 = vector.broadcast %add3A_1534 : f32 to vector<16xf32>
        %add3A_1536 = arith.addf %sub3A_1533, %add3A_1535 : vector<16xf32>
        %div3A_1537 = arith.divf %mul3A_1531, %add3A_1536 : vector<16xf32>
        %ge3A_1538 = arith.constant 5.000000e-01 : f32
        %ge3A_1539 = vector.broadcast %ge3A_1538 : f32 to vector<16xf32>
        %ge3A_1540 = arith.cmpf oge, %div3A_1537, %ge3A_1539 : vector<16xf32>
        %eq3A_1541 = arith.cmpi eq, %add3A_1499, %broadcast_in_dim3A_782 : vector<16xi32>
        %or3A_1542 = arith.ori %ge3A_1540, %eq3A_1541 : vector<16xi1>
        %sub3A_1543 = arith.subf %gather3A_1511, %gather3A_1503 : vector<16xf32>
        %sub3A_1544 = arith.subf %gather3A_1515, %gather3A_1507 : vector<16xf32>
        %mul3A_1545 = arith.mulf %sub3A_1543, %sub3A_1544 : vector<16xf32>
        %min3A_1546 = arith.minimumf %gather3A_969, %gather3A_1511 : vector<16xf32>
        %max3A_1547 = arith.maximumf %gather3A_961, %gather3A_1503 : vector<16xf32>
        %sub3A_1548 = arith.subf %min3A_1546, %max3A_1547 : vector<16xf32>
        %max3A_1549 = arith.constant 0.000000e+00 : f32
        %max3A_1550 = vector.broadcast %max3A_1549 : f32 to vector<16xf32>
        %max3A_1551 = arith.maximumf %sub3A_1548, %max3A_1550 : vector<16xf32>
        %min3A_1552 = arith.minimumf %gather3A_973, %gather3A_1515 : vector<16xf32>
        %max3A_1553 = arith.maximumf %gather3A_965, %gather3A_1507 : vector<16xf32>
        %sub3A_1554 = arith.subf %min3A_1552, %max3A_1553 : vector<16xf32>
        %max3A_1555 = arith.constant 0.000000e+00 : f32
        %max3A_1556 = vector.broadcast %max3A_1555 : f32 to vector<16xf32>
        %max3A_1557 = arith.maximumf %sub3A_1554, %max3A_1556 : vector<16xf32>
        %mul3A_1558 = arith.mulf %max3A_1551, %max3A_1557 : vector<16xf32>
        %add3A_1559 = arith.addf %mul3A_976, %mul3A_1545 : vector<16xf32>
        %sub3A_1560 = arith.subf %add3A_1559, %mul3A_1558 : vector<16xf32>
        %add3A_1561 = arith.constant 9.99999993E-9 : f32
        %add3A_1562 = vector.broadcast %add3A_1561 : f32 to vector<16xf32>
        %add3A_1563 = arith.addf %sub3A_1560, %add3A_1562 : vector<16xf32>
        %div3A_1564 = arith.divf %mul3A_1558, %add3A_1563 : vector<16xf32>
        %ge3A_1565 = arith.constant 5.000000e-01 : f32
        %ge3A_1566 = vector.broadcast %ge3A_1565 : f32 to vector<16xf32>
        %ge3A_1567 = arith.cmpf oge, %div3A_1564, %ge3A_1566 : vector<16xf32>
        %eq3A_1568 = arith.cmpi eq, %add3A_1499, %broadcast_in_dim3A_978 : vector<16xi32>
        %or3A_1569 = arith.ori %ge3A_1567, %eq3A_1568 : vector<16xi1>
        %sub3A_1570 = arith.subf %gather3A_1511, %gather3A_1503 : vector<16xf32>
        %sub3A_1571 = arith.subf %gather3A_1515, %gather3A_1507 : vector<16xf32>
        %mul3A_1572 = arith.mulf %sub3A_1570, %sub3A_1571 : vector<16xf32>
        %min3A_1573 = arith.minimumf %gather3A_1125, %gather3A_1511 : vector<16xf32>
        %max3A_1574 = arith.maximumf %gather3A_1117, %gather3A_1503 : vector<16xf32>
        %sub3A_1575 = arith.subf %min3A_1573, %max3A_1574 : vector<16xf32>
        %max3A_1576 = arith.constant 0.000000e+00 : f32
        %max3A_1577 = vector.broadcast %max3A_1576 : f32 to vector<16xf32>
        %max3A_1578 = arith.maximumf %sub3A_1575, %max3A_1577 : vector<16xf32>
        %min3A_1579 = arith.minimumf %gather3A_1129, %gather3A_1515 : vector<16xf32>
        %max3A_1580 = arith.maximumf %gather3A_1121, %gather3A_1507 : vector<16xf32>
        %sub3A_1581 = arith.subf %min3A_1579, %max3A_1580 : vector<16xf32>
        %max3A_1582 = arith.constant 0.000000e+00 : f32
        %max3A_1583 = vector.broadcast %max3A_1582 : f32 to vector<16xf32>
        %max3A_1584 = arith.maximumf %sub3A_1581, %max3A_1583 : vector<16xf32>
        %mul3A_1585 = arith.mulf %max3A_1578, %max3A_1584 : vector<16xf32>
        %add3A_1586 = arith.addf %mul3A_1132, %mul3A_1572 : vector<16xf32>
        %sub3A_1587 = arith.subf %add3A_1586, %mul3A_1585 : vector<16xf32>
        %add3A_1588 = arith.constant 9.99999993E-9 : f32
        %add3A_1589 = vector.broadcast %add3A_1588 : f32 to vector<16xf32>
        %add3A_1590 = arith.addf %sub3A_1587, %add3A_1589 : vector<16xf32>
        %div3A_1591 = arith.divf %mul3A_1585, %add3A_1590 : vector<16xf32>
        %ge3A_1592 = arith.constant 5.000000e-01 : f32
        %ge3A_1593 = vector.broadcast %ge3A_1592 : f32 to vector<16xf32>
        %ge3A_1594 = arith.cmpf oge, %div3A_1591, %ge3A_1593 : vector<16xf32>
        %broadcast_in_dim3A_1595 = vector.broadcast %select_n3A_1113 : i32 to vector<16xi32>
        %eq3A_1596 = arith.cmpi eq, %add3A_1499, %broadcast_in_dim3A_1595 : vector<16xi32>
        %or3A_1597 = arith.ori %ge3A_1594, %eq3A_1596 : vector<16xi1>
        %and3A_1598 = arith.andi %broadcast_in_dim3A_977, %or3A_1569 : vector<16xi1>
        %or3A_1599 = arith.ori %or3A_1542, %and3A_1598 : vector<16xi1>
        %and3A_1600 = arith.andi %broadcast_in_dim3A_1133, %or3A_1597 : vector<16xi1>
        %or3A_1601 = arith.ori %or3A_1599, %and3A_1600 : vector<16xi1>
        %select_n3A_1602 = arith.select %or3A_1601, %broadcast_in_dim3A_3, %while3A_680 : vector<16xi1>, vector<16xf32>
        %gt3A_1603 = arith.cmpf ogt, %select_n3A_1602, %select_n3A_1484 : vector<16xf32>
        %select_n3A_1604 = arith.select %gt3A_1603, %select_n3A_1602, %select_n3A_1484 : vector<16xi1>, vector<16xf32>
        %select_n3A_1605 = arith.select %gt3A_1603, %add3A_1499, %select_n3A_1485 : vector<16xi1>, vector<16xi32>
        %select_n3A_1606 = arith.select %gt3A_1603, %select_n3A_1484, %select_n3A_1602 : vector<16xi1>, vector<16xf32>
        %select_n3A_1607 = arith.select %gt3A_1603, %select_n3A_1485, %add3A_1499 : vector<16xi1>, vector<16xi32>
        %gt3A_1608 = arith.cmpf ogt, %select_n3A_1606, %select_n3A_1489 : vector<16xf32>
        %select_n3A_1609 = arith.select %gt3A_1608, %select_n3A_1606, %select_n3A_1489 : vector<16xi1>, vector<16xf32>
        %select_n3A_1610 = arith.select %gt3A_1608, %select_n3A_1607, %select_n3A_1490 : vector<16xi1>, vector<16xi32>
        %select_n3A_1611 = arith.select %gt3A_1608, %select_n3A_1489, %select_n3A_1606 : vector<16xi1>, vector<16xf32>
        %select_n3A_1612 = arith.select %gt3A_1608, %select_n3A_1490, %select_n3A_1607 : vector<16xi1>, vector<16xi32>
        %gt3A_1613 = arith.cmpf ogt, %select_n3A_1611, %select_n3A_1494 : vector<16xf32>
        %select_n3A_1614 = arith.select %gt3A_1613, %select_n3A_1611, %select_n3A_1494 : vector<16xi1>, vector<16xf32>
        %select_n3A_1615 = arith.select %gt3A_1613, %select_n3A_1612, %select_n3A_1495 : vector<16xi1>, vector<16xi32>
        %add3A_1616 = arith.constant 64 : i32
        %add3A_1617 = arith.addi %mul3A_2, %add3A_1616 : i32
        %add3A_1618 = vector.broadcast %add3A_1617 : i32 to vector<16xi32>
        %add3A_1619 = arith.addi %iota3A, %add3A_1618 : vector<16xi32>
        %mul3A_1620 = arith.constant 4 : i32
        %mul3A_1621 = vector.broadcast %mul3A_1620 : i32 to vector<16xi32>
        %mul3A_1622 = arith.muli %add3A_1619, %mul3A_1621 : vector<16xi32>
        %gather3A_1623 = tpu.vector_load_idx %arg5[%mul3A_1622] : memref<20480xf32, #tpu.memory_space<vmem>>[vector<16xi32>], vector<16xf32>,
        %add3A_1624 = arith.constant 1 : i32
        %add3A_1625 = vector.broadcast %add3A_1624 : i32 to vector<16xi32>
        %add3A_1626 = arith.addi %mul3A_1622, %add3A_1625 : vector<16xi32>
        %gather3A_1627 = tpu.vector_load_idx %arg5[%add3A_1626] : memref<20480xf32, #tpu.memory_space<vmem>>[vector<16xi32>], vector<16xf32>,
        %add3A_1628 = arith.constant 2 : i32
        %add3A_1629 = vector.broadcast %add3A_1628 : i32 to vector<16xi32>
        %add3A_1630 = arith.addi %mul3A_1622, %add3A_1629 : vector<16xi32>
        %gather3A_1631 = tpu.vector_load_idx %arg5[%add3A_1630] : memref<20480xf32, #tpu.memory_space<vmem>>[vector<16xi32>], vector<16xf32>,
        %add3A_1632 = arith.constant 3 : i32
        %add3A_1633 = vector.broadcast %add3A_1632 : i32 to vector<16xi32>
        %add3A_1634 = arith.addi %mul3A_1622, %add3A_1633 : vector<16xi32>
        %gather3A_1635 = tpu.vector_load_idx %arg5[%add3A_1634] : memref<20480xf32, #tpu.memory_space<vmem>>[vector<16xi32>], vector<16xf32>,
        %sub3A_1636 = arith.subf %gather3A_1631, %gather3A_1623 : vector<16xf32>
        %sub3A_1637 = arith.subf %gather3A_1635, %gather3A_1627 : vector<16xf32>
        %mul3A_1638 = arith.mulf %sub3A_1636, %sub3A_1637 : vector<16xf32>
        %min3A_1639 = arith.minimumf %gather3A_775, %gather3A_1631 : vector<16xf32>
        %max3A_1640 = arith.maximumf %gather3A_767, %gather3A_1623 : vector<16xf32>
        %sub3A_1641 = arith.subf %min3A_1639, %max3A_1640 : vector<16xf32>
        %max3A_1642 = arith.constant 0.000000e+00 : f32
        %max3A_1643 = vector.broadcast %max3A_1642 : f32 to vector<16xf32>
        %max3A_1644 = arith.maximumf %sub3A_1641, %max3A_1643 : vector<16xf32>
        %min3A_1645 = arith.minimumf %gather3A_779, %gather3A_1635 : vector<16xf32>
        %max3A_1646 = arith.maximumf %gather3A_771, %gather3A_1627 : vector<16xf32>
        %sub3A_1647 = arith.subf %min3A_1645, %max3A_1646 : vector<16xf32>
        %max3A_1648 = arith.constant 0.000000e+00 : f32
        %max3A_1649 = vector.broadcast %max3A_1648 : f32 to vector<16xf32>
        %max3A_1650 = arith.maximumf %sub3A_1647, %max3A_1649 : vector<16xf32>
        %mul3A_1651 = arith.mulf %max3A_1644, %max3A_1650 : vector<16xf32>
        %add3A_1652 = arith.addf %mul3A_781, %mul3A_1638 : vector<16xf32>
        %sub3A_1653 = arith.subf %add3A_1652, %mul3A_1651 : vector<16xf32>
        %add3A_1654 = arith.constant 9.99999993E-9 : f32
        %add3A_1655 = vector.broadcast %add3A_1654 : f32 to vector<16xf32>
        %add3A_1656 = arith.addf %sub3A_1653, %add3A_1655 : vector<16xf32>
        %div3A_1657 = arith.divf %mul3A_1651, %add3A_1656 : vector<16xf32>
        %ge3A_1658 = arith.constant 5.000000e-01 : f32
        %ge3A_1659 = vector.broadcast %ge3A_1658 : f32 to vector<16xf32>
        %ge3A_1660 = arith.cmpf oge, %div3A_1657, %ge3A_1659 : vector<16xf32>
        %eq3A_1661 = arith.cmpi eq, %add3A_1619, %broadcast_in_dim3A_782 : vector<16xi32>
        %or3A_1662 = arith.ori %ge3A_1660, %eq3A_1661 : vector<16xi1>
        %sub3A_1663 = arith.subf %gather3A_1631, %gather3A_1623 : vector<16xf32>
        %sub3A_1664 = arith.subf %gather3A_1635, %gather3A_1627 : vector<16xf32>
        %mul3A_1665 = arith.mulf %sub3A_1663, %sub3A_1664 : vector<16xf32>
        %min3A_1666 = arith.minimumf %gather3A_969, %gather3A_1631 : vector<16xf32>
        %max3A_1667 = arith.maximumf %gather3A_961, %gather3A_1623 : vector<16xf32>
        %sub3A_1668 = arith.subf %min3A_1666, %max3A_1667 : vector<16xf32>
        %max3A_1669 = arith.constant 0.000000e+00 : f32
        %max3A_1670 = vector.broadcast %max3A_1669 : f32 to vector<16xf32>
        %max3A_1671 = arith.maximumf %sub3A_1668, %max3A_1670 : vector<16xf32>
        %min3A_1672 = arith.minimumf %gather3A_973, %gather3A_1635 : vector<16xf32>
        %max3A_1673 = arith.maximumf %gather3A_965, %gather3A_1627 : vector<16xf32>
        %sub3A_1674 = arith.subf %min3A_1672, %max3A_1673 : vector<16xf32>
        %max3A_1675 = arith.constant 0.000000e+00 : f32
        %max3A_1676 = vector.broadcast %max3A_1675 : f32 to vector<16xf32>
        %max3A_1677 = arith.maximumf %sub3A_1674, %max3A_1676 : vector<16xf32>
        %mul3A_1678 = arith.mulf %max3A_1671, %max3A_1677 : vector<16xf32>
        %add3A_1679 = arith.addf %mul3A_976, %mul3A_1665 : vector<16xf32>
        %sub3A_1680 = arith.subf %add3A_1679, %mul3A_1678 : vector<16xf32>
        %add3A_1681 = arith.constant 9.99999993E-9 : f32
        %add3A_1682 = vector.broadcast %add3A_1681 : f32 to vector<16xf32>
        %add3A_1683 = arith.addf %sub3A_1680, %add3A_1682 : vector<16xf32>
        %div3A_1684 = arith.divf %mul3A_1678, %add3A_1683 : vector<16xf32>
        %ge3A_1685 = arith.constant 5.000000e-01 : f32
        %ge3A_1686 = vector.broadcast %ge3A_1685 : f32 to vector<16xf32>
        %ge3A_1687 = arith.cmpf oge, %div3A_1684, %ge3A_1686 : vector<16xf32>
        %eq3A_1688 = arith.cmpi eq, %add3A_1619, %broadcast_in_dim3A_978 : vector<16xi32>
        %or3A_1689 = arith.ori %ge3A_1687, %eq3A_1688 : vector<16xi1>
        %sub3A_1690 = arith.subf %gather3A_1631, %gather3A_1623 : vector<16xf32>
        %sub3A_1691 = arith.subf %gather3A_1635, %gather3A_1627 : vector<16xf32>
        %mul3A_1692 = arith.mulf %sub3A_1690, %sub3A_1691 : vector<16xf32>
        %min3A_1693 = arith.minimumf %gather3A_1125, %gather3A_1631 : vector<16xf32>
        %max3A_1694 = arith.maximumf %gather3A_1117, %gather3A_1623 : vector<16xf32>
        %sub3A_1695 = arith.subf %min3A_1693, %max3A_1694 : vector<16xf32>
        %max3A_1696 = arith.constant 0.000000e+00 : f32
        %max3A_1697 = vector.broadcast %max3A_1696 : f32 to vector<16xf32>
        %max3A_1698 = arith.maximumf %sub3A_1695, %max3A_1697 : vector<16xf32>
        %min3A_1699 = arith.minimumf %gather3A_1129, %gather3A_1635 : vector<16xf32>
        %max3A_1700 = arith.maximumf %gather3A_1121, %gather3A_1627 : vector<16xf32>
        %sub3A_1701 = arith.subf %min3A_1699, %max3A_1700 : vector<16xf32>
        %max3A_1702 = arith.constant 0.000000e+00 : f32
        %max3A_1703 = vector.broadcast %max3A_1702 : f32 to vector<16xf32>
        %max3A_1704 = arith.maximumf %sub3A_1701, %max3A_1703 : vector<16xf32>
        %mul3A_1705 = arith.mulf %max3A_1698, %max3A_1704 : vector<16xf32>
        %add3A_1706 = arith.addf %mul3A_1132, %mul3A_1692 : vector<16xf32>
        %sub3A_1707 = arith.subf %add3A_1706, %mul3A_1705 : vector<16xf32>
        %add3A_1708 = arith.constant 9.99999993E-9 : f32
        %add3A_1709 = vector.broadcast %add3A_1708 : f32 to vector<16xf32>
        %add3A_1710 = arith.addf %sub3A_1707, %add3A_1709 : vector<16xf32>
        %div3A_1711 = arith.divf %mul3A_1705, %add3A_1710 : vector<16xf32>
        %ge3A_1712 = arith.constant 5.000000e-01 : f32
        %ge3A_1713 = vector.broadcast %ge3A_1712 : f32 to vector<16xf32>
        %ge3A_1714 = arith.cmpf oge, %div3A_1711, %ge3A_1713 : vector<16xf32>
        %broadcast_in_dim3A_1715 = vector.broadcast %select_n3A_1113 : i32 to vector<16xi32>
        %eq3A_1716 = arith.cmpi eq, %add3A_1619, %broadcast_in_dim3A_1715 : vector<16xi32>
        %or3A_1717 = arith.ori %ge3A_1714, %eq3A_1716 : vector<16xi1>
        %and3A_1718 = arith.andi %broadcast_in_dim3A_977, %or3A_1689 : vector<16xi1>
        %or3A_1719 = arith.ori %or3A_1662, %and3A_1718 : vector<16xi1>
        %and3A_1720 = arith.andi %broadcast_in_dim3A_1133, %or3A_1717 : vector<16xi1>
        %or3A_1721 = arith.ori %or3A_1719, %and3A_1720 : vector<16xi1>
        %select_n3A_1722 = arith.select %or3A_1721, %broadcast_in_dim3A_3, %while3A_681 : vector<16xi1>, vector<16xf32>
        %gt3A_1723 = arith.cmpf ogt, %select_n3A_1722, %select_n3A_1604 : vector<16xf32>
        %select_n3A_1724 = arith.select %gt3A_1723, %select_n3A_1722, %select_n3A_1604 : vector<16xi1>, vector<16xf32>
        %select_n3A_1725 = arith.select %gt3A_1723, %add3A_1619, %select_n3A_1605 : vector<16xi1>, vector<16xi32>
        %select_n3A_1726 = arith.select %gt3A_1723, %select_n3A_1604, %select_n3A_1722 : vector<16xi1>, vector<16xf32>
        %select_n3A_1727 = arith.select %gt3A_1723, %select_n3A_1605, %add3A_1619 : vector<16xi1>, vector<16xi32>
        %gt3A_1728 = arith.cmpf ogt, %select_n3A_1726, %select_n3A_1609 : vector<16xf32>
        %select_n3A_1729 = arith.select %gt3A_1728, %select_n3A_1726, %select_n3A_1609 : vector<16xi1>, vector<16xf32>
        %select_n3A_1730 = arith.select %gt3A_1728, %select_n3A_1727, %select_n3A_1610 : vector<16xi1>, vector<16xi32>
        %select_n3A_1731 = arith.select %gt3A_1728, %select_n3A_1609, %select_n3A_1726 : vector<16xi1>, vector<16xf32>
        %select_n3A_1732 = arith.select %gt3A_1728, %select_n3A_1610, %select_n3A_1727 : vector<16xi1>, vector<16xi32>
        %gt3A_1733 = arith.cmpf ogt, %select_n3A_1731, %select_n3A_1614 : vector<16xf32>
        %select_n3A_1734 = arith.select %gt3A_1733, %select_n3A_1731, %select_n3A_1614 : vector<16xi1>, vector<16xf32>
        %select_n3A_1735 = arith.select %gt3A_1733, %select_n3A_1732, %select_n3A_1615 : vector<16xi1>, vector<16xi32>
        %add3A_1736 = arith.constant 80 : i32
        %add3A_1737 = arith.addi %mul3A_2, %add3A_1736 : i32
        %add3A_1738 = vector.broadcast %add3A_1737 : i32 to vector<16xi32>
        %add3A_1739 = arith.addi %iota3A, %add3A_1738 : vector<16xi32>
        %mul3A_1740 = arith.constant 4 : i32
        %mul3A_1741 = vector.broadcast %mul3A_1740 : i32 to vector<16xi32>
        %mul3A_1742 = arith.muli %add3A_1739, %mul3A_1741 : vector<16xi32>
        %gather3A_1743 = tpu.vector_load_idx %arg5[%mul3A_1742] : memref<20480xf32, #tpu.memory_space<vmem>>[vector<16xi32>], vector<16xf32>,
        %add3A_1744 = arith.constant 1 : i32
        %add3A_1745 = vector.broadcast %add3A_1744 : i32 to vector<16xi32>
        %add3A_1746 = arith.addi %mul3A_1742, %add3A_1745 : vector<16xi32>
        %gather3A_1747 = tpu.vector_load_idx %arg5[%add3A_1746] : memref<20480xf32, #tpu.memory_space<vmem>>[vector<16xi32>], vector<16xf32>,
        %add3A_1748 = arith.constant 2 : i32
        %add3A_1749 = vector.broadcast %add3A_1748 : i32 to vector<16xi32>
        %add3A_1750 = arith.addi %mul3A_1742, %add3A_1749 : vector<16xi32>
        %gather3A_1751 = tpu.vector_load_idx %arg5[%add3A_1750] : memref<20480xf32, #tpu.memory_space<vmem>>[vector<16xi32>], vector<16xf32>,
        %add3A_1752 = arith.constant 3 : i32
        %add3A_1753 = vector.broadcast %add3A_1752 : i32 to vector<16xi32>
        %add3A_1754 = arith.addi %mul3A_1742, %add3A_1753 : vector<16xi32>
        %gather3A_1755 = tpu.vector_load_idx %arg5[%add3A_1754] : memref<20480xf32, #tpu.memory_space<vmem>>[vector<16xi32>], vector<16xf32>,
        %sub3A_1756 = arith.subf %gather3A_1751, %gather3A_1743 : vector<16xf32>
        %sub3A_1757 = arith.subf %gather3A_1755, %gather3A_1747 : vector<16xf32>
        %mul3A_1758 = arith.mulf %sub3A_1756, %sub3A_1757 : vector<16xf32>
        %min3A_1759 = arith.minimumf %gather3A_775, %gather3A_1751 : vector<16xf32>
        %max3A_1760 = arith.maximumf %gather3A_767, %gather3A_1743 : vector<16xf32>
        %sub3A_1761 = arith.subf %min3A_1759, %max3A_1760 : vector<16xf32>
        %max3A_1762 = arith.constant 0.000000e+00 : f32
        %max3A_1763 = vector.broadcast %max3A_1762 : f32 to vector<16xf32>
        %max3A_1764 = arith.maximumf %sub3A_1761, %max3A_1763 : vector<16xf32>
        %min3A_1765 = arith.minimumf %gather3A_779, %gather3A_1755 : vector<16xf32>
        %max3A_1766 = arith.maximumf %gather3A_771, %gather3A_1747 : vector<16xf32>
        %sub3A_1767 = arith.subf %min3A_1765, %max3A_1766 : vector<16xf32>
        %max3A_1768 = arith.constant 0.000000e+00 : f32
        %max3A_1769 = vector.broadcast %max3A_1768 : f32 to vector<16xf32>
        %max3A_1770 = arith.maximumf %sub3A_1767, %max3A_1769 : vector<16xf32>
        %mul3A_1771 = arith.mulf %max3A_1764, %max3A_1770 : vector<16xf32>
        %add3A_1772 = arith.addf %mul3A_781, %mul3A_1758 : vector<16xf32>
        %sub3A_1773 = arith.subf %add3A_1772, %mul3A_1771 : vector<16xf32>
        %add3A_1774 = arith.constant 9.99999993E-9 : f32
        %add3A_1775 = vector.broadcast %add3A_1774 : f32 to vector<16xf32>
        %add3A_1776 = arith.addf %sub3A_1773, %add3A_1775 : vector<16xf32>
        %div3A_1777 = arith.divf %mul3A_1771, %add3A_1776 : vector<16xf32>
        %ge3A_1778 = arith.constant 5.000000e-01 : f32
        %ge3A_1779 = vector.broadcast %ge3A_1778 : f32 to vector<16xf32>
        %ge3A_1780 = arith.cmpf oge, %div3A_1777, %ge3A_1779 : vector<16xf32>
        %eq3A_1781 = arith.cmpi eq, %add3A_1739, %broadcast_in_dim3A_782 : vector<16xi32>
        %or3A_1782 = arith.ori %ge3A_1780, %eq3A_1781 : vector<16xi1>
        %sub3A_1783 = arith.subf %gather3A_1751, %gather3A_1743 : vector<16xf32>
        %sub3A_1784 = arith.subf %gather3A_1755, %gather3A_1747 : vector<16xf32>
        %mul3A_1785 = arith.mulf %sub3A_1783, %sub3A_1784 : vector<16xf32>
        %min3A_1786 = arith.minimumf %gather3A_969, %gather3A_1751 : vector<16xf32>
        %max3A_1787 = arith.maximumf %gather3A_961, %gather3A_1743 : vector<16xf32>
        %sub3A_1788 = arith.subf %min3A_1786, %max3A_1787 : vector<16xf32>
        %max3A_1789 = arith.constant 0.000000e+00 : f32
        %max3A_1790 = vector.broadcast %max3A_1789 : f32 to vector<16xf32>
        %max3A_1791 = arith.maximumf %sub3A_1788, %max3A_1790 : vector<16xf32>
        %min3A_1792 = arith.minimumf %gather3A_973, %gather3A_1755 : vector<16xf32>
        %max3A_1793 = arith.maximumf %gather3A_965, %gather3A_1747 : vector<16xf32>
        %sub3A_1794 = arith.subf %min3A_1792, %max3A_1793 : vector<16xf32>
        %max3A_1795 = arith.constant 0.000000e+00 : f32
        %max3A_1796 = vector.broadcast %max3A_1795 : f32 to vector<16xf32>
        %max3A_1797 = arith.maximumf %sub3A_1794, %max3A_1796 : vector<16xf32>
        %mul3A_1798 = arith.mulf %max3A_1791, %max3A_1797 : vector<16xf32>
        %add3A_1799 = arith.addf %mul3A_976, %mul3A_1785 : vector<16xf32>
        %sub3A_1800 = arith.subf %add3A_1799, %mul3A_1798 : vector<16xf32>
        %add3A_1801 = arith.constant 9.99999993E-9 : f32
        %add3A_1802 = vector.broadcast %add3A_1801 : f32 to vector<16xf32>
        %add3A_1803 = arith.addf %sub3A_1800, %add3A_1802 : vector<16xf32>
        %div3A_1804 = arith.divf %mul3A_1798, %add3A_1803 : vector<16xf32>
        %ge3A_1805 = arith.constant 5.000000e-01 : f32
        %ge3A_1806 = vector.broadcast %ge3A_1805 : f32 to vector<16xf32>
        %ge3A_1807 = arith.cmpf oge, %div3A_1804, %ge3A_1806 : vector<16xf32>
        %eq3A_1808 = arith.cmpi eq, %add3A_1739, %broadcast_in_dim3A_978 : vector<16xi32>
        %or3A_1809 = arith.ori %ge3A_1807, %eq3A_1808 : vector<16xi1>
        %sub3A_1810 = arith.subf %gather3A_1751, %gather3A_1743 : vector<16xf32>
        %sub3A_1811 = arith.subf %gather3A_1755, %gather3A_1747 : vector<16xf32>
        %mul3A_1812 = arith.mulf %sub3A_1810, %sub3A_1811 : vector<16xf32>
        %min3A_1813 = arith.minimumf %gather3A_1125, %gather3A_1751 : vector<16xf32>
        %max3A_1814 = arith.maximumf %gather3A_1117, %gather3A_1743 : vector<16xf32>
        %sub3A_1815 = arith.subf %min3A_1813, %max3A_1814 : vector<16xf32>
        %max3A_1816 = arith.constant 0.000000e+00 : f32
        %max3A_1817 = vector.broadcast %max3A_1816 : f32 to vector<16xf32>
        %max3A_1818 = arith.maximumf %sub3A_1815, %max3A_1817 : vector<16xf32>
        %min3A_1819 = arith.minimumf %gather3A_1129, %gather3A_1755 : vector<16xf32>
        %max3A_1820 = arith.maximumf %gather3A_1121, %gather3A_1747 : vector<16xf32>
        %sub3A_1821 = arith.subf %min3A_1819, %max3A_1820 : vector<16xf32>
        %max3A_1822 = arith.constant 0.000000e+00 : f32
        %max3A_1823 = vector.broadcast %max3A_1822 : f32 to vector<16xf32>
        %max3A_1824 = arith.maximumf %sub3A_1821, %max3A_1823 : vector<16xf32>
        %mul3A_1825 = arith.mulf %max3A_1818, %max3A_1824 : vector<16xf32>
        %add3A_1826 = arith.addf %mul3A_1132, %mul3A_1812 : vector<16xf32>
        %sub3A_1827 = arith.subf %add3A_1826, %mul3A_1825 : vector<16xf32>
        %add3A_1828 = arith.constant 9.99999993E-9 : f32
        %add3A_1829 = vector.broadcast %add3A_1828 : f32 to vector<16xf32>
        %add3A_1830 = arith.addf %sub3A_1827, %add3A_1829 : vector<16xf32>
        %div3A_1831 = arith.divf %mul3A_1825, %add3A_1830 : vector<16xf32>
        %ge3A_1832 = arith.constant 5.000000e-01 : f32
        %ge3A_1833 = vector.broadcast %ge3A_1832 : f32 to vector<16xf32>
        %ge3A_1834 = arith.cmpf oge, %div3A_1831, %ge3A_1833 : vector<16xf32>
        %broadcast_in_dim3A_1835 = vector.broadcast %select_n3A_1113 : i32 to vector<16xi32>
        %eq3A_1836 = arith.cmpi eq, %add3A_1739, %broadcast_in_dim3A_1835 : vector<16xi32>
        %or3A_1837 = arith.ori %ge3A_1834, %eq3A_1836 : vector<16xi1>
        %and3A_1838 = arith.andi %broadcast_in_dim3A_977, %or3A_1809 : vector<16xi1>
        %or3A_1839 = arith.ori %or3A_1782, %and3A_1838 : vector<16xi1>
        %and3A_1840 = arith.andi %broadcast_in_dim3A_1133, %or3A_1837 : vector<16xi1>
        %or3A_1841 = arith.ori %or3A_1839, %and3A_1840 : vector<16xi1>
        %select_n3A_1842 = arith.select %or3A_1841, %broadcast_in_dim3A_3, %while3A_682 : vector<16xi1>, vector<16xf32>
        %gt3A_1843 = arith.cmpf ogt, %select_n3A_1842, %select_n3A_1724 : vector<16xf32>
        %select_n3A_1844 = arith.select %gt3A_1843, %select_n3A_1842, %select_n3A_1724 : vector<16xi1>, vector<16xf32>
        %select_n3A_1845 = arith.select %gt3A_1843, %add3A_1739, %select_n3A_1725 : vector<16xi1>, vector<16xi32>
        %select_n3A_1846 = arith.select %gt3A_1843, %select_n3A_1724, %select_n3A_1842 : vector<16xi1>, vector<16xf32>
        %select_n3A_1847 = arith.select %gt3A_1843, %select_n3A_1725, %add3A_1739 : vector<16xi1>, vector<16xi32>
        %gt3A_1848 = arith.cmpf ogt, %select_n3A_1846, %select_n3A_1729 : vector<16xf32>
        %select_n3A_1849 = arith.select %gt3A_1848, %select_n3A_1846, %select_n3A_1729 : vector<16xi1>, vector<16xf32>
        %select_n3A_1850 = arith.select %gt3A_1848, %select_n3A_1847, %select_n3A_1730 : vector<16xi1>, vector<16xi32>
        %select_n3A_1851 = arith.select %gt3A_1848, %select_n3A_1729, %select_n3A_1846 : vector<16xi1>, vector<16xf32>
        %select_n3A_1852 = arith.select %gt3A_1848, %select_n3A_1730, %select_n3A_1847 : vector<16xi1>, vector<16xi32>
        %gt3A_1853 = arith.cmpf ogt, %select_n3A_1851, %select_n3A_1734 : vector<16xf32>
        %select_n3A_1854 = arith.select %gt3A_1853, %select_n3A_1851, %select_n3A_1734 : vector<16xi1>, vector<16xf32>
        %select_n3A_1855 = arith.select %gt3A_1853, %select_n3A_1852, %select_n3A_1735 : vector<16xi1>, vector<16xi32>
        %add3A_1856 = arith.constant 96 : i32
        %add3A_1857 = arith.addi %mul3A_2, %add3A_1856 : i32
        %add3A_1858 = vector.broadcast %add3A_1857 : i32 to vector<16xi32>
        %add3A_1859 = arith.addi %iota3A, %add3A_1858 : vector<16xi32>
        %mul3A_1860 = arith.constant 4 : i32
        %mul3A_1861 = vector.broadcast %mul3A_1860 : i32 to vector<16xi32>
        %mul3A_1862 = arith.muli %add3A_1859, %mul3A_1861 : vector<16xi32>
        %gather3A_1863 = tpu.vector_load_idx %arg5[%mul3A_1862] : memref<20480xf32, #tpu.memory_space<vmem>>[vector<16xi32>], vector<16xf32>,
        %add3A_1864 = arith.constant 1 : i32
        %add3A_1865 = vector.broadcast %add3A_1864 : i32 to vector<16xi32>
        %add3A_1866 = arith.addi %mul3A_1862, %add3A_1865 : vector<16xi32>
        %gather3A_1867 = tpu.vector_load_idx %arg5[%add3A_1866] : memref<20480xf32, #tpu.memory_space<vmem>>[vector<16xi32>], vector<16xf32>,
        %add3A_1868 = arith.constant 2 : i32
        %add3A_1869 = vector.broadcast %add3A_1868 : i32 to vector<16xi32>
        %add3A_1870 = arith.addi %mul3A_1862, %add3A_1869 : vector<16xi32>
        %gather3A_1871 = tpu.vector_load_idx %arg5[%add3A_1870] : memref<20480xf32, #tpu.memory_space<vmem>>[vector<16xi32>], vector<16xf32>,
        %add3A_1872 = arith.constant 3 : i32
        %add3A_1873 = vector.broadcast %add3A_1872 : i32 to vector<16xi32>
        %add3A_1874 = arith.addi %mul3A_1862, %add3A_1873 : vector<16xi32>
        %gather3A_1875 = tpu.vector_load_idx %arg5[%add3A_1874] : memref<20480xf32, #tpu.memory_space<vmem>>[vector<16xi32>], vector<16xf32>,
        %sub3A_1876 = arith.subf %gather3A_1871, %gather3A_1863 : vector<16xf32>
        %sub3A_1877 = arith.subf %gather3A_1875, %gather3A_1867 : vector<16xf32>
        %mul3A_1878 = arith.mulf %sub3A_1876, %sub3A_1877 : vector<16xf32>
        %min3A_1879 = arith.minimumf %gather3A_775, %gather3A_1871 : vector<16xf32>
        %max3A_1880 = arith.maximumf %gather3A_767, %gather3A_1863 : vector<16xf32>
        %sub3A_1881 = arith.subf %min3A_1879, %max3A_1880 : vector<16xf32>
        %max3A_1882 = arith.constant 0.000000e+00 : f32
        %max3A_1883 = vector.broadcast %max3A_1882 : f32 to vector<16xf32>
        %max3A_1884 = arith.maximumf %sub3A_1881, %max3A_1883 : vector<16xf32>
        %min3A_1885 = arith.minimumf %gather3A_779, %gather3A_1875 : vector<16xf32>
        %max3A_1886 = arith.maximumf %gather3A_771, %gather3A_1867 : vector<16xf32>
        %sub3A_1887 = arith.subf %min3A_1885, %max3A_1886 : vector<16xf32>
        %max3A_1888 = arith.constant 0.000000e+00 : f32
        %max3A_1889 = vector.broadcast %max3A_1888 : f32 to vector<16xf32>
        %max3A_1890 = arith.maximumf %sub3A_1887, %max3A_1889 : vector<16xf32>
        %mul3A_1891 = arith.mulf %max3A_1884, %max3A_1890 : vector<16xf32>
        %add3A_1892 = arith.addf %mul3A_781, %mul3A_1878 : vector<16xf32>
        %sub3A_1893 = arith.subf %add3A_1892, %mul3A_1891 : vector<16xf32>
        %add3A_1894 = arith.constant 9.99999993E-9 : f32
        %add3A_1895 = vector.broadcast %add3A_1894 : f32 to vector<16xf32>
        %add3A_1896 = arith.addf %sub3A_1893, %add3A_1895 : vector<16xf32>
        %div3A_1897 = arith.divf %mul3A_1891, %add3A_1896 : vector<16xf32>
        %ge3A_1898 = arith.constant 5.000000e-01 : f32
        %ge3A_1899 = vector.broadcast %ge3A_1898 : f32 to vector<16xf32>
        %ge3A_1900 = arith.cmpf oge, %div3A_1897, %ge3A_1899 : vector<16xf32>
        %eq3A_1901 = arith.cmpi eq, %add3A_1859, %broadcast_in_dim3A_782 : vector<16xi32>
        %or3A_1902 = arith.ori %ge3A_1900, %eq3A_1901 : vector<16xi1>
        %sub3A_1903 = arith.subf %gather3A_1871, %gather3A_1863 : vector<16xf32>
        %sub3A_1904 = arith.subf %gather3A_1875, %gather3A_1867 : vector<16xf32>
        %mul3A_1905 = arith.mulf %sub3A_1903, %sub3A_1904 : vector<16xf32>
        %min3A_1906 = arith.minimumf %gather3A_969, %gather3A_1871 : vector<16xf32>
        %max3A_1907 = arith.maximumf %gather3A_961, %gather3A_1863 : vector<16xf32>
        %sub3A_1908 = arith.subf %min3A_1906, %max3A_1907 : vector<16xf32>
        %max3A_1909 = arith.constant 0.000000e+00 : f32
        %max3A_1910 = vector.broadcast %max3A_1909 : f32 to vector<16xf32>
        %max3A_1911 = arith.maximumf %sub3A_1908, %max3A_1910 : vector<16xf32>
        %min3A_1912 = arith.minimumf %gather3A_973, %gather3A_1875 : vector<16xf32>
        %max3A_1913 = arith.maximumf %gather3A_965, %gather3A_1867 : vector<16xf32>
        %sub3A_1914 = arith.subf %min3A_1912, %max3A_1913 : vector<16xf32>
        %max3A_1915 = arith.constant 0.000000e+00 : f32
        %max3A_1916 = vector.broadcast %max3A_1915 : f32 to vector<16xf32>
        %max3A_1917 = arith.maximumf %sub3A_1914, %max3A_1916 : vector<16xf32>
        %mul3A_1918 = arith.mulf %max3A_1911, %max3A_1917 : vector<16xf32>
        %add3A_1919 = arith.addf %mul3A_976, %mul3A_1905 : vector<16xf32>
        %sub3A_1920 = arith.subf %add3A_1919, %mul3A_1918 : vector<16xf32>
        %add3A_1921 = arith.constant 9.99999993E-9 : f32
        %add3A_1922 = vector.broadcast %add3A_1921 : f32 to vector<16xf32>
        %add3A_1923 = arith.addf %sub3A_1920, %add3A_1922 : vector<16xf32>
        %div3A_1924 = arith.divf %mul3A_1918, %add3A_1923 : vector<16xf32>
        %ge3A_1925 = arith.constant 5.000000e-01 : f32
        %ge3A_1926 = vector.broadcast %ge3A_1925 : f32 to vector<16xf32>
        %ge3A_1927 = arith.cmpf oge, %div3A_1924, %ge3A_1926 : vector<16xf32>
        %eq3A_1928 = arith.cmpi eq, %add3A_1859, %broadcast_in_dim3A_978 : vector<16xi32>
        %or3A_1929 = arith.ori %ge3A_1927, %eq3A_1928 : vector<16xi1>
        %sub3A_1930 = arith.subf %gather3A_1871, %gather3A_1863 : vector<16xf32>
        %sub3A_1931 = arith.subf %gather3A_1875, %gather3A_1867 : vector<16xf32>
        %mul3A_1932 = arith.mulf %sub3A_1930, %sub3A_1931 : vector<16xf32>
        %min3A_1933 = arith.minimumf %gather3A_1125, %gather3A_1871 : vector<16xf32>
        %max3A_1934 = arith.maximumf %gather3A_1117, %gather3A_1863 : vector<16xf32>
        %sub3A_1935 = arith.subf %min3A_1933, %max3A_1934 : vector<16xf32>
        %max3A_1936 = arith.constant 0.000000e+00 : f32
        %max3A_1937 = vector.broadcast %max3A_1936 : f32 to vector<16xf32>
        %max3A_1938 = arith.maximumf %sub3A_1935, %max3A_1937 : vector<16xf32>
        %min3A_1939 = arith.minimumf %gather3A_1129, %gather3A_1875 : vector<16xf32>
        %max3A_1940 = arith.maximumf %gather3A_1121, %gather3A_1867 : vector<16xf32>
        %sub3A_1941 = arith.subf %min3A_1939, %max3A_1940 : vector<16xf32>
        %max3A_1942 = arith.constant 0.000000e+00 : f32
        %max3A_1943 = vector.broadcast %max3A_1942 : f32 to vector<16xf32>
        %max3A_1944 = arith.maximumf %sub3A_1941, %max3A_1943 : vector<16xf32>
        %mul3A_1945 = arith.mulf %max3A_1938, %max3A_1944 : vector<16xf32>
        %add3A_1946 = arith.addf %mul3A_1132, %mul3A_1932 : vector<16xf32>
        %sub3A_1947 = arith.subf %add3A_1946, %mul3A_1945 : vector<16xf32>
        %add3A_1948 = arith.constant 9.99999993E-9 : f32
        %add3A_1949 = vector.broadcast %add3A_1948 : f32 to vector<16xf32>
        %add3A_1950 = arith.addf %sub3A_1947, %add3A_1949 : vector<16xf32>
        %div3A_1951 = arith.divf %mul3A_1945, %add3A_1950 : vector<16xf32>
        %ge3A_1952 = arith.constant 5.000000e-01 : f32
        %ge3A_1953 = vector.broadcast %ge3A_1952 : f32 to vector<16xf32>
        %ge3A_1954 = arith.cmpf oge, %div3A_1951, %ge3A_1953 : vector<16xf32>
        %broadcast_in_dim3A_1955 = vector.broadcast %select_n3A_1113 : i32 to vector<16xi32>
        %eq3A_1956 = arith.cmpi eq, %add3A_1859, %broadcast_in_dim3A_1955 : vector<16xi32>
        %or3A_1957 = arith.ori %ge3A_1954, %eq3A_1956 : vector<16xi1>
        %and3A_1958 = arith.andi %broadcast_in_dim3A_977, %or3A_1929 : vector<16xi1>
        %or3A_1959 = arith.ori %or3A_1902, %and3A_1958 : vector<16xi1>
        %and3A_1960 = arith.andi %broadcast_in_dim3A_1133, %or3A_1957 : vector<16xi1>
        %or3A_1961 = arith.ori %or3A_1959, %and3A_1960 : vector<16xi1>
        %select_n3A_1962 = arith.select %or3A_1961, %broadcast_in_dim3A_3, %while3A_683 : vector<16xi1>, vector<16xf32>
        %gt3A_1963 = arith.cmpf ogt, %select_n3A_1962, %select_n3A_1844 : vector<16xf32>
        %select_n3A_1964 = arith.select %gt3A_1963, %select_n3A_1962, %select_n3A_1844 : vector<16xi1>, vector<16xf32>
        %select_n3A_1965 = arith.select %gt3A_1963, %add3A_1859, %select_n3A_1845 : vector<16xi1>, vector<16xi32>
        %select_n3A_1966 = arith.select %gt3A_1963, %select_n3A_1844, %select_n3A_1962 : vector<16xi1>, vector<16xf32>
        %select_n3A_1967 = arith.select %gt3A_1963, %select_n3A_1845, %add3A_1859 : vector<16xi1>, vector<16xi32>
        %gt3A_1968 = arith.cmpf ogt, %select_n3A_1966, %select_n3A_1849 : vector<16xf32>
        %select_n3A_1969 = arith.select %gt3A_1968, %select_n3A_1966, %select_n3A_1849 : vector<16xi1>, vector<16xf32>
        %select_n3A_1970 = arith.select %gt3A_1968, %select_n3A_1967, %select_n3A_1850 : vector<16xi1>, vector<16xi32>
        %select_n3A_1971 = arith.select %gt3A_1968, %select_n3A_1849, %select_n3A_1966 : vector<16xi1>, vector<16xf32>
        %select_n3A_1972 = arith.select %gt3A_1968, %select_n3A_1850, %select_n3A_1967 : vector<16xi1>, vector<16xi32>
        %gt3A_1973 = arith.cmpf ogt, %select_n3A_1971, %select_n3A_1854 : vector<16xf32>
        %select_n3A_1974 = arith.select %gt3A_1973, %select_n3A_1971, %select_n3A_1854 : vector<16xi1>, vector<16xf32>
        %select_n3A_1975 = arith.select %gt3A_1973, %select_n3A_1972, %select_n3A_1855 : vector<16xi1>, vector<16xi32>
        %add3A_1976 = arith.constant 112 : i32
        %add3A_1977 = arith.addi %mul3A_2, %add3A_1976 : i32
        %add3A_1978 = vector.broadcast %add3A_1977 : i32 to vector<16xi32>
        %add3A_1979 = arith.addi %iota3A, %add3A_1978 : vector<16xi32>
        %mul3A_1980 = arith.constant 4 : i32
        %mul3A_1981 = vector.broadcast %mul3A_1980 : i32 to vector<16xi32>
        %mul3A_1982 = arith.muli %add3A_1979, %mul3A_1981 : vector<16xi32>
        %gather3A_1983 = tpu.vector_load_idx %arg5[%mul3A_1982] : memref<20480xf32, #tpu.memory_space<vmem>>[vector<16xi32>], vector<16xf32>,
        %add3A_1984 = arith.constant 1 : i32
        %add3A_1985 = vector.broadcast %add3A_1984 : i32 to vector<16xi32>
        %add3A_1986 = arith.addi %mul3A_1982, %add3A_1985 : vector<16xi32>
        %gather3A_1987 = tpu.vector_load_idx %arg5[%add3A_1986] : memref<20480xf32, #tpu.memory_space<vmem>>[vector<16xi32>], vector<16xf32>,
        %add3A_1988 = arith.constant 2 : i32
        %add3A_1989 = vector.broadcast %add3A_1988 : i32 to vector<16xi32>
        %add3A_1990 = arith.addi %mul3A_1982, %add3A_1989 : vector<16xi32>
        %gather3A_1991 = tpu.vector_load_idx %arg5[%add3A_1990] : memref<20480xf32, #tpu.memory_space<vmem>>[vector<16xi32>], vector<16xf32>,
        %add3A_1992 = arith.constant 3 : i32
        %add3A_1993 = vector.broadcast %add3A_1992 : i32 to vector<16xi32>
        %add3A_1994 = arith.addi %mul3A_1982, %add3A_1993 : vector<16xi32>
        %gather3A_1995 = tpu.vector_load_idx %arg5[%add3A_1994] : memref<20480xf32, #tpu.memory_space<vmem>>[vector<16xi32>], vector<16xf32>,
        %sub3A_1996 = arith.subf %gather3A_1991, %gather3A_1983 : vector<16xf32>
        %sub3A_1997 = arith.subf %gather3A_1995, %gather3A_1987 : vector<16xf32>
        %mul3A_1998 = arith.mulf %sub3A_1996, %sub3A_1997 : vector<16xf32>
        %min3A_1999 = arith.minimumf %gather3A_775, %gather3A_1991 : vector<16xf32>
        %max3A_2000 = arith.maximumf %gather3A_767, %gather3A_1983 : vector<16xf32>
        %sub3A_2001 = arith.subf %min3A_1999, %max3A_2000 : vector<16xf32>
        %max3A_2002 = arith.constant 0.000000e+00 : f32
        %max3A_2003 = vector.broadcast %max3A_2002 : f32 to vector<16xf32>
        %max3A_2004 = arith.maximumf %sub3A_2001, %max3A_2003 : vector<16xf32>
        %min3A_2005 = arith.minimumf %gather3A_779, %gather3A_1995 : vector<16xf32>
        %max3A_2006 = arith.maximumf %gather3A_771, %gather3A_1987 : vector<16xf32>
        %sub3A_2007 = arith.subf %min3A_2005, %max3A_2006 : vector<16xf32>
        %max3A_2008 = arith.constant 0.000000e+00 : f32
        %max3A_2009 = vector.broadcast %max3A_2008 : f32 to vector<16xf32>
        %max3A_2010 = arith.maximumf %sub3A_2007, %max3A_2009 : vector<16xf32>
        %mul3A_2011 = arith.mulf %max3A_2004, %max3A_2010 : vector<16xf32>
        %add3A_2012 = arith.addf %mul3A_781, %mul3A_1998 : vector<16xf32>
        %sub3A_2013 = arith.subf %add3A_2012, %mul3A_2011 : vector<16xf32>
        %add3A_2014 = arith.constant 9.99999993E-9 : f32
        %add3A_2015 = vector.broadcast %add3A_2014 : f32 to vector<16xf32>
        %add3A_2016 = arith.addf %sub3A_2013, %add3A_2015 : vector<16xf32>
        %div3A_2017 = arith.divf %mul3A_2011, %add3A_2016 : vector<16xf32>
        %ge3A_2018 = arith.constant 5.000000e-01 : f32
        %ge3A_2019 = vector.broadcast %ge3A_2018 : f32 to vector<16xf32>
        %ge3A_2020 = arith.cmpf oge, %div3A_2017, %ge3A_2019 : vector<16xf32>
        %eq3A_2021 = arith.cmpi eq, %add3A_1979, %broadcast_in_dim3A_782 : vector<16xi32>
        %or3A_2022 = arith.ori %ge3A_2020, %eq3A_2021 : vector<16xi1>
        %sub3A_2023 = arith.subf %gather3A_1991, %gather3A_1983 : vector<16xf32>
        %sub3A_2024 = arith.subf %gather3A_1995, %gather3A_1987 : vector<16xf32>
        %mul3A_2025 = arith.mulf %sub3A_2023, %sub3A_2024 : vector<16xf32>
        %min3A_2026 = arith.minimumf %gather3A_969, %gather3A_1991 : vector<16xf32>
        %max3A_2027 = arith.maximumf %gather3A_961, %gather3A_1983 : vector<16xf32>
        %sub3A_2028 = arith.subf %min3A_2026, %max3A_2027 : vector<16xf32>
        %max3A_2029 = arith.constant 0.000000e+00 : f32
        %max3A_2030 = vector.broadcast %max3A_2029 : f32 to vector<16xf32>
        %max3A_2031 = arith.maximumf %sub3A_2028, %max3A_2030 : vector<16xf32>
        %min3A_2032 = arith.minimumf %gather3A_973, %gather3A_1995 : vector<16xf32>
        %max3A_2033 = arith.maximumf %gather3A_965, %gather3A_1987 : vector<16xf32>
        %sub3A_2034 = arith.subf %min3A_2032, %max3A_2033 : vector<16xf32>
        %max3A_2035 = arith.constant 0.000000e+00 : f32
        %max3A_2036 = vector.broadcast %max3A_2035 : f32 to vector<16xf32>
        %max3A_2037 = arith.maximumf %sub3A_2034, %max3A_2036 : vector<16xf32>
        %mul3A_2038 = arith.mulf %max3A_2031, %max3A_2037 : vector<16xf32>
        %add3A_2039 = arith.addf %mul3A_976, %mul3A_2025 : vector<16xf32>
        %sub3A_2040 = arith.subf %add3A_2039, %mul3A_2038 : vector<16xf32>
        %add3A_2041 = arith.constant 9.99999993E-9 : f32
        %add3A_2042 = vector.broadcast %add3A_2041 : f32 to vector<16xf32>
        %add3A_2043 = arith.addf %sub3A_2040, %add3A_2042 : vector<16xf32>
        %div3A_2044 = arith.divf %mul3A_2038, %add3A_2043 : vector<16xf32>
        %ge3A_2045 = arith.constant 5.000000e-01 : f32
        %ge3A_2046 = vector.broadcast %ge3A_2045 : f32 to vector<16xf32>
        %ge3A_2047 = arith.cmpf oge, %div3A_2044, %ge3A_2046 : vector<16xf32>
        %eq3A_2048 = arith.cmpi eq, %add3A_1979, %broadcast_in_dim3A_978 : vector<16xi32>
        %or3A_2049 = arith.ori %ge3A_2047, %eq3A_2048 : vector<16xi1>
        %sub3A_2050 = arith.subf %gather3A_1991, %gather3A_1983 : vector<16xf32>
        %sub3A_2051 = arith.subf %gather3A_1995, %gather3A_1987 : vector<16xf32>
        %mul3A_2052 = arith.mulf %sub3A_2050, %sub3A_2051 : vector<16xf32>
        %min3A_2053 = arith.minimumf %gather3A_1125, %gather3A_1991 : vector<16xf32>
        %max3A_2054 = arith.maximumf %gather3A_1117, %gather3A_1983 : vector<16xf32>
        %sub3A_2055 = arith.subf %min3A_2053, %max3A_2054 : vector<16xf32>
        %max3A_2056 = arith.constant 0.000000e+00 : f32
        %max3A_2057 = vector.broadcast %max3A_2056 : f32 to vector<16xf32>
        %max3A_2058 = arith.maximumf %sub3A_2055, %max3A_2057 : vector<16xf32>
        %min3A_2059 = arith.minimumf %gather3A_1129, %gather3A_1995 : vector<16xf32>
        %max3A_2060 = arith.maximumf %gather3A_1121, %gather3A_1987 : vector<16xf32>
        %sub3A_2061 = arith.subf %min3A_2059, %max3A_2060 : vector<16xf32>
        %max3A_2062 = arith.constant 0.000000e+00 : f32
        %max3A_2063 = vector.broadcast %max3A_2062 : f32 to vector<16xf32>
        %max3A_2064 = arith.maximumf %sub3A_2061, %max3A_2063 : vector<16xf32>
        %mul3A_2065 = arith.mulf %max3A_2058, %max3A_2064 : vector<16xf32>
        %add3A_2066 = arith.addf %mul3A_1132, %mul3A_2052 : vector<16xf32>
        %sub3A_2067 = arith.subf %add3A_2066, %mul3A_2065 : vector<16xf32>
        %add3A_2068 = arith.constant 9.99999993E-9 : f32
        %add3A_2069 = vector.broadcast %add3A_2068 : f32 to vector<16xf32>
        %add3A_2070 = arith.addf %sub3A_2067, %add3A_2069 : vector<16xf32>
        %div3A_2071 = arith.divf %mul3A_2065, %add3A_2070 : vector<16xf32>
        %ge3A_2072 = arith.constant 5.000000e-01 : f32
        %ge3A_2073 = vector.broadcast %ge3A_2072 : f32 to vector<16xf32>
        %ge3A_2074 = arith.cmpf oge, %div3A_2071, %ge3A_2073 : vector<16xf32>
        %broadcast_in_dim3A_2075 = vector.broadcast %select_n3A_1113 : i32 to vector<16xi32>
        %eq3A_2076 = arith.cmpi eq, %add3A_1979, %broadcast_in_dim3A_2075 : vector<16xi32>
        %or3A_2077 = arith.ori %ge3A_2074, %eq3A_2076 : vector<16xi1>
        %and3A_2078 = arith.andi %broadcast_in_dim3A_977, %or3A_2049 : vector<16xi1>
        %or3A_2079 = arith.ori %or3A_2022, %and3A_2078 : vector<16xi1>
        %and3A_2080 = arith.andi %broadcast_in_dim3A_1133, %or3A_2077 : vector<16xi1>
        %or3A_2081 = arith.ori %or3A_2079, %and3A_2080 : vector<16xi1>
        %select_n3A_2082 = arith.select %or3A_2081, %broadcast_in_dim3A_3, %while3A_684 : vector<16xi1>, vector<16xf32>
        %gt3A_2083 = arith.cmpf ogt, %select_n3A_2082, %select_n3A_1964 : vector<16xf32>
        %select_n3A_2084 = arith.select %gt3A_2083, %select_n3A_2082, %select_n3A_1964 : vector<16xi1>, vector<16xf32>
        %select_n3A_2085 = arith.select %gt3A_2083, %add3A_1979, %select_n3A_1965 : vector<16xi1>, vector<16xi32>
        %select_n3A_2086 = arith.select %gt3A_2083, %select_n3A_1964, %select_n3A_2082 : vector<16xi1>, vector<16xf32>
        %select_n3A_2087 = arith.select %gt3A_2083, %select_n3A_1965, %add3A_1979 : vector<16xi1>, vector<16xi32>
        %gt3A_2088 = arith.cmpf ogt, %select_n3A_2086, %select_n3A_1969 : vector<16xf32>
        %select_n3A_2089 = arith.select %gt3A_2088, %select_n3A_2086, %select_n3A_1969 : vector<16xi1>, vector<16xf32>
        %select_n3A_2090 = arith.select %gt3A_2088, %select_n3A_2087, %select_n3A_1970 : vector<16xi1>, vector<16xi32>
        %select_n3A_2091 = arith.select %gt3A_2088, %select_n3A_1969, %select_n3A_2086 : vector<16xi1>, vector<16xf32>
        %select_n3A_2092 = arith.select %gt3A_2088, %select_n3A_1970, %select_n3A_2087 : vector<16xi1>, vector<16xi32>
        %gt3A_2093 = arith.cmpf ogt, %select_n3A_2091, %select_n3A_1974 : vector<16xf32>
        %select_n3A_2094 = arith.select %gt3A_2093, %select_n3A_2091, %select_n3A_1974 : vector<16xi1>, vector<16xf32>
        %select_n3A_2095 = arith.select %gt3A_2093, %select_n3A_2092, %select_n3A_1975 : vector<16xi1>, vector<16xi32>
        %add3A_2096 = arith.constant 128 : i32
        %add3A_2097 = arith.addi %mul3A_2, %add3A_2096 : i32
        %add3A_2098 = vector.broadcast %add3A_2097 : i32 to vector<16xi32>
        %add3A_2099 = arith.addi %iota3A, %add3A_2098 : vector<16xi32>
        %mul3A_2100 = arith.constant 4 : i32
        %mul3A_2101 = vector.broadcast %mul3A_2100 : i32 to vector<16xi32>
        %mul3A_2102 = arith.muli %add3A_2099, %mul3A_2101 : vector<16xi32>
        %gather3A_2103 = tpu.vector_load_idx %arg5[%mul3A_2102] : memref<20480xf32, #tpu.memory_space<vmem>>[vector<16xi32>], vector<16xf32>,
        %add3A_2104 = arith.constant 1 : i32
        %add3A_2105 = vector.broadcast %add3A_2104 : i32 to vector<16xi32>
        %add3A_2106 = arith.addi %mul3A_2102, %add3A_2105 : vector<16xi32>
        %gather3A_2107 = tpu.vector_load_idx %arg5[%add3A_2106] : memref<20480xf32, #tpu.memory_space<vmem>>[vector<16xi32>], vector<16xf32>,
        %add3A_2108 = arith.constant 2 : i32
        %add3A_2109 = vector.broadcast %add3A_2108 : i32 to vector<16xi32>
        %add3A_2110 = arith.addi %mul3A_2102, %add3A_2109 : vector<16xi32>
        %gather3A_2111 = tpu.vector_load_idx %arg5[%add3A_2110] : memref<20480xf32, #tpu.memory_space<vmem>>[vector<16xi32>], vector<16xf32>,
        %add3A_2112 = arith.constant 3 : i32
        %add3A_2113 = vector.broadcast %add3A_2112 : i32 to vector<16xi32>
        %add3A_2114 = arith.addi %mul3A_2102, %add3A_2113 : vector<16xi32>
        %gather3A_2115 = tpu.vector_load_idx %arg5[%add3A_2114] : memref<20480xf32, #tpu.memory_space<vmem>>[vector<16xi32>], vector<16xf32>,
        %sub3A_2116 = arith.subf %gather3A_2111, %gather3A_2103 : vector<16xf32>
        %sub3A_2117 = arith.subf %gather3A_2115, %gather3A_2107 : vector<16xf32>
        %mul3A_2118 = arith.mulf %sub3A_2116, %sub3A_2117 : vector<16xf32>
        %min3A_2119 = arith.minimumf %gather3A_775, %gather3A_2111 : vector<16xf32>
        %max3A_2120 = arith.maximumf %gather3A_767, %gather3A_2103 : vector<16xf32>
        %sub3A_2121 = arith.subf %min3A_2119, %max3A_2120 : vector<16xf32>
        %max3A_2122 = arith.constant 0.000000e+00 : f32
        %max3A_2123 = vector.broadcast %max3A_2122 : f32 to vector<16xf32>
        %max3A_2124 = arith.maximumf %sub3A_2121, %max3A_2123 : vector<16xf32>
        %min3A_2125 = arith.minimumf %gather3A_779, %gather3A_2115 : vector<16xf32>
        %max3A_2126 = arith.maximumf %gather3A_771, %gather3A_2107 : vector<16xf32>
        %sub3A_2127 = arith.subf %min3A_2125, %max3A_2126 : vector<16xf32>
        %max3A_2128 = arith.constant 0.000000e+00 : f32
        %max3A_2129 = vector.broadcast %max3A_2128 : f32 to vector<16xf32>
        %max3A_2130 = arith.maximumf %sub3A_2127, %max3A_2129 : vector<16xf32>
        %mul3A_2131 = arith.mulf %max3A_2124, %max3A_2130 : vector<16xf32>
        %add3A_2132 = arith.addf %mul3A_781, %mul3A_2118 : vector<16xf32>
        %sub3A_2133 = arith.subf %add3A_2132, %mul3A_2131 : vector<16xf32>
        %add3A_2134 = arith.constant 9.99999993E-9 : f32
        %add3A_2135 = vector.broadcast %add3A_2134 : f32 to vector<16xf32>
        %add3A_2136 = arith.addf %sub3A_2133, %add3A_2135 : vector<16xf32>
        %div3A_2137 = arith.divf %mul3A_2131, %add3A_2136 : vector<16xf32>
        %ge3A_2138 = arith.constant 5.000000e-01 : f32
        %ge3A_2139 = vector.broadcast %ge3A_2138 : f32 to vector<16xf32>
        %ge3A_2140 = arith.cmpf oge, %div3A_2137, %ge3A_2139 : vector<16xf32>
        %eq3A_2141 = arith.cmpi eq, %add3A_2099, %broadcast_in_dim3A_782 : vector<16xi32>
        %or3A_2142 = arith.ori %ge3A_2140, %eq3A_2141 : vector<16xi1>
        %sub3A_2143 = arith.subf %gather3A_2111, %gather3A_2103 : vector<16xf32>
        %sub3A_2144 = arith.subf %gather3A_2115, %gather3A_2107 : vector<16xf32>
        %mul3A_2145 = arith.mulf %sub3A_2143, %sub3A_2144 : vector<16xf32>
        %min3A_2146 = arith.minimumf %gather3A_969, %gather3A_2111 : vector<16xf32>
        %max3A_2147 = arith.maximumf %gather3A_961, %gather3A_2103 : vector<16xf32>
        %sub3A_2148 = arith.subf %min3A_2146, %max3A_2147 : vector<16xf32>
        %max3A_2149 = arith.constant 0.000000e+00 : f32
        %max3A_2150 = vector.broadcast %max3A_2149 : f32 to vector<16xf32>
        %max3A_2151 = arith.maximumf %sub3A_2148, %max3A_2150 : vector<16xf32>
        %min3A_2152 = arith.minimumf %gather3A_973, %gather3A_2115 : vector<16xf32>
        %max3A_2153 = arith.maximumf %gather3A_965, %gather3A_2107 : vector<16xf32>
        %sub3A_2154 = arith.subf %min3A_2152, %max3A_2153 : vector<16xf32>
        %max3A_2155 = arith.constant 0.000000e+00 : f32
        %max3A_2156 = vector.broadcast %max3A_2155 : f32 to vector<16xf32>
        %max3A_2157 = arith.maximumf %sub3A_2154, %max3A_2156 : vector<16xf32>
        %mul3A_2158 = arith.mulf %max3A_2151, %max3A_2157 : vector<16xf32>
        %add3A_2159 = arith.addf %mul3A_976, %mul3A_2145 : vector<16xf32>
        %sub3A_2160 = arith.subf %add3A_2159, %mul3A_2158 : vector<16xf32>
        %add3A_2161 = arith.constant 9.99999993E-9 : f32
        %add3A_2162 = vector.broadcast %add3A_2161 : f32 to vector<16xf32>
        %add3A_2163 = arith.addf %sub3A_2160, %add3A_2162 : vector<16xf32>
        %div3A_2164 = arith.divf %mul3A_2158, %add3A_2163 : vector<16xf32>
        %ge3A_2165 = arith.constant 5.000000e-01 : f32
        %ge3A_2166 = vector.broadcast %ge3A_2165 : f32 to vector<16xf32>
        %ge3A_2167 = arith.cmpf oge, %div3A_2164, %ge3A_2166 : vector<16xf32>
        %eq3A_2168 = arith.cmpi eq, %add3A_2099, %broadcast_in_dim3A_978 : vector<16xi32>
        %or3A_2169 = arith.ori %ge3A_2167, %eq3A_2168 : vector<16xi1>
        %sub3A_2170 = arith.subf %gather3A_2111, %gather3A_2103 : vector<16xf32>
        %sub3A_2171 = arith.subf %gather3A_2115, %gather3A_2107 : vector<16xf32>
        %mul3A_2172 = arith.mulf %sub3A_2170, %sub3A_2171 : vector<16xf32>
        %min3A_2173 = arith.minimumf %gather3A_1125, %gather3A_2111 : vector<16xf32>
        %max3A_2174 = arith.maximumf %gather3A_1117, %gather3A_2103 : vector<16xf32>
        %sub3A_2175 = arith.subf %min3A_2173, %max3A_2174 : vector<16xf32>
        %max3A_2176 = arith.constant 0.000000e+00 : f32
        %max3A_2177 = vector.broadcast %max3A_2176 : f32 to vector<16xf32>
        %max3A_2178 = arith.maximumf %sub3A_2175, %max3A_2177 : vector<16xf32>
        %min3A_2179 = arith.minimumf %gather3A_1129, %gather3A_2115 : vector<16xf32>
        %max3A_2180 = arith.maximumf %gather3A_1121, %gather3A_2107 : vector<16xf32>
        %sub3A_2181 = arith.subf %min3A_2179, %max3A_2180 : vector<16xf32>
        %max3A_2182 = arith.constant 0.000000e+00 : f32
        %max3A_2183 = vector.broadcast %max3A_2182 : f32 to vector<16xf32>
        %max3A_2184 = arith.maximumf %sub3A_2181, %max3A_2183 : vector<16xf32>
        %mul3A_2185 = arith.mulf %max3A_2178, %max3A_2184 : vector<16xf32>
        %add3A_2186 = arith.addf %mul3A_1132, %mul3A_2172 : vector<16xf32>
        %sub3A_2187 = arith.subf %add3A_2186, %mul3A_2185 : vector<16xf32>
        %add3A_2188 = arith.constant 9.99999993E-9 : f32
        %add3A_2189 = vector.broadcast %add3A_2188 : f32 to vector<16xf32>
        %add3A_2190 = arith.addf %sub3A_2187, %add3A_2189 : vector<16xf32>
        %div3A_2191 = arith.divf %mul3A_2185, %add3A_2190 : vector<16xf32>
        %ge3A_2192 = arith.constant 5.000000e-01 : f32
        %ge3A_2193 = vector.broadcast %ge3A_2192 : f32 to vector<16xf32>
        %ge3A_2194 = arith.cmpf oge, %div3A_2191, %ge3A_2193 : vector<16xf32>
        %broadcast_in_dim3A_2195 = vector.broadcast %select_n3A_1113 : i32 to vector<16xi32>
        %eq3A_2196 = arith.cmpi eq, %add3A_2099, %broadcast_in_dim3A_2195 : vector<16xi32>
        %or3A_2197 = arith.ori %ge3A_2194, %eq3A_2196 : vector<16xi1>
        %and3A_2198 = arith.andi %broadcast_in_dim3A_977, %or3A_2169 : vector<16xi1>
        %or3A_2199 = arith.ori %or3A_2142, %and3A_2198 : vector<16xi1>
        %and3A_2200 = arith.andi %broadcast_in_dim3A_1133, %or3A_2197 : vector<16xi1>
        %or3A_2201 = arith.ori %or3A_2199, %and3A_2200 : vector<16xi1>
        %select_n3A_2202 = arith.select %or3A_2201, %broadcast_in_dim3A_3, %while3A_685 : vector<16xi1>, vector<16xf32>
        %gt3A_2203 = arith.cmpf ogt, %select_n3A_2202, %select_n3A_2084 : vector<16xf32>
        %select_n3A_2204 = arith.select %gt3A_2203, %select_n3A_2202, %select_n3A_2084 : vector<16xi1>, vector<16xf32>
        %select_n3A_2205 = arith.select %gt3A_2203, %add3A_2099, %select_n3A_2085 : vector<16xi1>, vector<16xi32>
        %select_n3A_2206 = arith.select %gt3A_2203, %select_n3A_2084, %select_n3A_2202 : vector<16xi1>, vector<16xf32>
        %select_n3A_2207 = arith.select %gt3A_2203, %select_n3A_2085, %add3A_2099 : vector<16xi1>, vector<16xi32>
        %gt3A_2208 = arith.cmpf ogt, %select_n3A_2206, %select_n3A_2089 : vector<16xf32>
        %select_n3A_2209 = arith.select %gt3A_2208, %select_n3A_2206, %select_n3A_2089 : vector<16xi1>, vector<16xf32>
        %select_n3A_2210 = arith.select %gt3A_2208, %select_n3A_2207, %select_n3A_2090 : vector<16xi1>, vector<16xi32>
        %select_n3A_2211 = arith.select %gt3A_2208, %select_n3A_2089, %select_n3A_2206 : vector<16xi1>, vector<16xf32>
        %select_n3A_2212 = arith.select %gt3A_2208, %select_n3A_2090, %select_n3A_2207 : vector<16xi1>, vector<16xi32>
        %gt3A_2213 = arith.cmpf ogt, %select_n3A_2211, %select_n3A_2094 : vector<16xf32>
        %select_n3A_2214 = arith.select %gt3A_2213, %select_n3A_2211, %select_n3A_2094 : vector<16xi1>, vector<16xf32>
        %select_n3A_2215 = arith.select %gt3A_2213, %select_n3A_2212, %select_n3A_2095 : vector<16xi1>, vector<16xi32>
        %add3A_2216 = arith.constant 144 : i32
        %add3A_2217 = arith.addi %mul3A_2, %add3A_2216 : i32
        %add3A_2218 = vector.broadcast %add3A_2217 : i32 to vector<16xi32>
        %add3A_2219 = arith.addi %iota3A, %add3A_2218 : vector<16xi32>
        %mul3A_2220 = arith.constant 4 : i32
        %mul3A_2221 = vector.broadcast %mul3A_2220 : i32 to vector<16xi32>
        %mul3A_2222 = arith.muli %add3A_2219, %mul3A_2221 : vector<16xi32>
        %gather3A_2223 = tpu.vector_load_idx %arg5[%mul3A_2222] : memref<20480xf32, #tpu.memory_space<vmem>>[vector<16xi32>], vector<16xf32>,
        %add3A_2224 = arith.constant 1 : i32
        %add3A_2225 = vector.broadcast %add3A_2224 : i32 to vector<16xi32>
        %add3A_2226 = arith.addi %mul3A_2222, %add3A_2225 : vector<16xi32>
        %gather3A_2227 = tpu.vector_load_idx %arg5[%add3A_2226] : memref<20480xf32, #tpu.memory_space<vmem>>[vector<16xi32>], vector<16xf32>,
        %add3A_2228 = arith.constant 2 : i32
        %add3A_2229 = vector.broadcast %add3A_2228 : i32 to vector<16xi32>
        %add3A_2230 = arith.addi %mul3A_2222, %add3A_2229 : vector<16xi32>
        %gather3A_2231 = tpu.vector_load_idx %arg5[%add3A_2230] : memref<20480xf32, #tpu.memory_space<vmem>>[vector<16xi32>], vector<16xf32>,
        %add3A_2232 = arith.constant 3 : i32
        %add3A_2233 = vector.broadcast %add3A_2232 : i32 to vector<16xi32>
        %add3A_2234 = arith.addi %mul3A_2222, %add3A_2233 : vector<16xi32>
        %gather3A_2235 = tpu.vector_load_idx %arg5[%add3A_2234] : memref<20480xf32, #tpu.memory_space<vmem>>[vector<16xi32>], vector<16xf32>,
        %sub3A_2236 = arith.subf %gather3A_2231, %gather3A_2223 : vector<16xf32>
        %sub3A_2237 = arith.subf %gather3A_2235, %gather3A_2227 : vector<16xf32>
        %mul3A_2238 = arith.mulf %sub3A_2236, %sub3A_2237 : vector<16xf32>
        %min3A_2239 = arith.minimumf %gather3A_775, %gather3A_2231 : vector<16xf32>
        %max3A_2240 = arith.maximumf %gather3A_767, %gather3A_2223 : vector<16xf32>
        %sub3A_2241 = arith.subf %min3A_2239, %max3A_2240 : vector<16xf32>
        %max3A_2242 = arith.constant 0.000000e+00 : f32
        %max3A_2243 = vector.broadcast %max3A_2242 : f32 to vector<16xf32>
        %max3A_2244 = arith.maximumf %sub3A_2241, %max3A_2243 : vector<16xf32>
        %min3A_2245 = arith.minimumf %gather3A_779, %gather3A_2235 : vector<16xf32>
        %max3A_2246 = arith.maximumf %gather3A_771, %gather3A_2227 : vector<16xf32>
        %sub3A_2247 = arith.subf %min3A_2245, %max3A_2246 : vector<16xf32>
        %max3A_2248 = arith.constant 0.000000e+00 : f32
        %max3A_2249 = vector.broadcast %max3A_2248 : f32 to vector<16xf32>
        %max3A_2250 = arith.maximumf %sub3A_2247, %max3A_2249 : vector<16xf32>
        %mul3A_2251 = arith.mulf %max3A_2244, %max3A_2250 : vector<16xf32>
        %add3A_2252 = arith.addf %mul3A_781, %mul3A_2238 : vector<16xf32>
        %sub3A_2253 = arith.subf %add3A_2252, %mul3A_2251 : vector<16xf32>
        %add3A_2254 = arith.constant 9.99999993E-9 : f32
        %add3A_2255 = vector.broadcast %add3A_2254 : f32 to vector<16xf32>
        %add3A_2256 = arith.addf %sub3A_2253, %add3A_2255 : vector<16xf32>
        %div3A_2257 = arith.divf %mul3A_2251, %add3A_2256 : vector<16xf32>
        %ge3A_2258 = arith.constant 5.000000e-01 : f32
        %ge3A_2259 = vector.broadcast %ge3A_2258 : f32 to vector<16xf32>
        %ge3A_2260 = arith.cmpf oge, %div3A_2257, %ge3A_2259 : vector<16xf32>
        %eq3A_2261 = arith.cmpi eq, %add3A_2219, %broadcast_in_dim3A_782 : vector<16xi32>
        %or3A_2262 = arith.ori %ge3A_2260, %eq3A_2261 : vector<16xi1>
        %sub3A_2263 = arith.subf %gather3A_2231, %gather3A_2223 : vector<16xf32>
        %sub3A_2264 = arith.subf %gather3A_2235, %gather3A_2227 : vector<16xf32>
        %mul3A_2265 = arith.mulf %sub3A_2263, %sub3A_2264 : vector<16xf32>
        %min3A_2266 = arith.minimumf %gather3A_969, %gather3A_2231 : vector<16xf32>
        %max3A_2267 = arith.maximumf %gather3A_961, %gather3A_2223 : vector<16xf32>
        %sub3A_2268 = arith.subf %min3A_2266, %max3A_2267 : vector<16xf32>
        %max3A_2269 = arith.constant 0.000000e+00 : f32
        %max3A_2270 = vector.broadcast %max3A_2269 : f32 to vector<16xf32>
        %max3A_2271 = arith.maximumf %sub3A_2268, %max3A_2270 : vector<16xf32>
        %min3A_2272 = arith.minimumf %gather3A_973, %gather3A_2235 : vector<16xf32>
        %max3A_2273 = arith.maximumf %gather3A_965, %gather3A_2227 : vector<16xf32>
        %sub3A_2274 = arith.subf %min3A_2272, %max3A_2273 : vector<16xf32>
        %max3A_2275 = arith.constant 0.000000e+00 : f32
        %max3A_2276 = vector.broadcast %max3A_2275 : f32 to vector<16xf32>
        %max3A_2277 = arith.maximumf %sub3A_2274, %max3A_2276 : vector<16xf32>
        %mul3A_2278 = arith.mulf %max3A_2271, %max3A_2277 : vector<16xf32>
        %add3A_2279 = arith.addf %mul3A_976, %mul3A_2265 : vector<16xf32>
        %sub3A_2280 = arith.subf %add3A_2279, %mul3A_2278 : vector<16xf32>
        %add3A_2281 = arith.constant 9.99999993E-9 : f32
        %add3A_2282 = vector.broadcast %add3A_2281 : f32 to vector<16xf32>
        %add3A_2283 = arith.addf %sub3A_2280, %add3A_2282 : vector<16xf32>
        %div3A_2284 = arith.divf %mul3A_2278, %add3A_2283 : vector<16xf32>
        %ge3A_2285 = arith.constant 5.000000e-01 : f32
        %ge3A_2286 = vector.broadcast %ge3A_2285 : f32 to vector<16xf32>
        %ge3A_2287 = arith.cmpf oge, %div3A_2284, %ge3A_2286 : vector<16xf32>
        %eq3A_2288 = arith.cmpi eq, %add3A_2219, %broadcast_in_dim3A_978 : vector<16xi32>
        %or3A_2289 = arith.ori %ge3A_2287, %eq3A_2288 : vector<16xi1>
        %sub3A_2290 = arith.subf %gather3A_2231, %gather3A_2223 : vector<16xf32>
        %sub3A_2291 = arith.subf %gather3A_2235, %gather3A_2227 : vector<16xf32>
        %mul3A_2292 = arith.mulf %sub3A_2290, %sub3A_2291 : vector<16xf32>
        %min3A_2293 = arith.minimumf %gather3A_1125, %gather3A_2231 : vector<16xf32>
        %max3A_2294 = arith.maximumf %gather3A_1117, %gather3A_2223 : vector<16xf32>
        %sub3A_2295 = arith.subf %min3A_2293, %max3A_2294 : vector<16xf32>
        %max3A_2296 = arith.constant 0.000000e+00 : f32
        %max3A_2297 = vector.broadcast %max3A_2296 : f32 to vector<16xf32>
        %max3A_2298 = arith.maximumf %sub3A_2295, %max3A_2297 : vector<16xf32>
        %min3A_2299 = arith.minimumf %gather3A_1129, %gather3A_2235 : vector<16xf32>
        %max3A_2300 = arith.maximumf %gather3A_1121, %gather3A_2227 : vector<16xf32>
        %sub3A_2301 = arith.subf %min3A_2299, %max3A_2300 : vector<16xf32>
        %max3A_2302 = arith.constant 0.000000e+00 : f32
        %max3A_2303 = vector.broadcast %max3A_2302 : f32 to vector<16xf32>
        %max3A_2304 = arith.maximumf %sub3A_2301, %max3A_2303 : vector<16xf32>
        %mul3A_2305 = arith.mulf %max3A_2298, %max3A_2304 : vector<16xf32>
        %add3A_2306 = arith.addf %mul3A_1132, %mul3A_2292 : vector<16xf32>
        %sub3A_2307 = arith.subf %add3A_2306, %mul3A_2305 : vector<16xf32>
        %add3A_2308 = arith.constant 9.99999993E-9 : f32
        %add3A_2309 = vector.broadcast %add3A_2308 : f32 to vector<16xf32>
        %add3A_2310 = arith.addf %sub3A_2307, %add3A_2309 : vector<16xf32>
        %div3A_2311 = arith.divf %mul3A_2305, %add3A_2310 : vector<16xf32>
        %ge3A_2312 = arith.constant 5.000000e-01 : f32
        %ge3A_2313 = vector.broadcast %ge3A_2312 : f32 to vector<16xf32>
        %ge3A_2314 = arith.cmpf oge, %div3A_2311, %ge3A_2313 : vector<16xf32>
        %broadcast_in_dim3A_2315 = vector.broadcast %select_n3A_1113 : i32 to vector<16xi32>
        %eq3A_2316 = arith.cmpi eq, %add3A_2219, %broadcast_in_dim3A_2315 : vector<16xi32>
        %or3A_2317 = arith.ori %ge3A_2314, %eq3A_2316 : vector<16xi1>
        %and3A_2318 = arith.andi %broadcast_in_dim3A_977, %or3A_2289 : vector<16xi1>
        %or3A_2319 = arith.ori %or3A_2262, %and3A_2318 : vector<16xi1>
        %and3A_2320 = arith.andi %broadcast_in_dim3A_1133, %or3A_2317 : vector<16xi1>
        %or3A_2321 = arith.ori %or3A_2319, %and3A_2320 : vector<16xi1>
        %select_n3A_2322 = arith.select %or3A_2321, %broadcast_in_dim3A_3, %while3A_686 : vector<16xi1>, vector<16xf32>
        %gt3A_2323 = arith.cmpf ogt, %select_n3A_2322, %select_n3A_2204 : vector<16xf32>
        %select_n3A_2324 = arith.select %gt3A_2323, %select_n3A_2322, %select_n3A_2204 : vector<16xi1>, vector<16xf32>
        %select_n3A_2325 = arith.select %gt3A_2323, %add3A_2219, %select_n3A_2205 : vector<16xi1>, vector<16xi32>
        %select_n3A_2326 = arith.select %gt3A_2323, %select_n3A_2204, %select_n3A_2322 : vector<16xi1>, vector<16xf32>
        %select_n3A_2327 = arith.select %gt3A_2323, %select_n3A_2205, %add3A_2219 : vector<16xi1>, vector<16xi32>
        %gt3A_2328 = arith.cmpf ogt, %select_n3A_2326, %select_n3A_2209 : vector<16xf32>
        %select_n3A_2329 = arith.select %gt3A_2328, %select_n3A_2326, %select_n3A_2209 : vector<16xi1>, vector<16xf32>
        %select_n3A_2330 = arith.select %gt3A_2328, %select_n3A_2327, %select_n3A_2210 : vector<16xi1>, vector<16xi32>
        %select_n3A_2331 = arith.select %gt3A_2328, %select_n3A_2209, %select_n3A_2326 : vector<16xi1>, vector<16xf32>
        %select_n3A_2332 = arith.select %gt3A_2328, %select_n3A_2210, %select_n3A_2327 : vector<16xi1>, vector<16xi32>
        %gt3A_2333 = arith.cmpf ogt, %select_n3A_2331, %select_n3A_2214 : vector<16xf32>
        %select_n3A_2334 = arith.select %gt3A_2333, %select_n3A_2331, %select_n3A_2214 : vector<16xi1>, vector<16xf32>
        %select_n3A_2335 = arith.select %gt3A_2333, %select_n3A_2332, %select_n3A_2215 : vector<16xi1>, vector<16xi32>
        %add3A_2336 = arith.constant 160 : i32
        %add3A_2337 = arith.addi %mul3A_2, %add3A_2336 : i32
        %add3A_2338 = vector.broadcast %add3A_2337 : i32 to vector<16xi32>
        %add3A_2339 = arith.addi %iota3A, %add3A_2338 : vector<16xi32>
        %mul3A_2340 = arith.constant 4 : i32
        %mul3A_2341 = vector.broadcast %mul3A_2340 : i32 to vector<16xi32>
        %mul3A_2342 = arith.muli %add3A_2339, %mul3A_2341 : vector<16xi32>
        %gather3A_2343 = tpu.vector_load_idx %arg5[%mul3A_2342] : memref<20480xf32, #tpu.memory_space<vmem>>[vector<16xi32>], vector<16xf32>,
        %add3A_2344 = arith.constant 1 : i32
        %add3A_2345 = vector.broadcast %add3A_2344 : i32 to vector<16xi32>
        %add3A_2346 = arith.addi %mul3A_2342, %add3A_2345 : vector<16xi32>
        %gather3A_2347 = tpu.vector_load_idx %arg5[%add3A_2346] : memref<20480xf32, #tpu.memory_space<vmem>>[vector<16xi32>], vector<16xf32>,
        %add3A_2348 = arith.constant 2 : i32
        %add3A_2349 = vector.broadcast %add3A_2348 : i32 to vector<16xi32>
        %add3A_2350 = arith.addi %mul3A_2342, %add3A_2349 : vector<16xi32>
        %gather3A_2351 = tpu.vector_load_idx %arg5[%add3A_2350] : memref<20480xf32, #tpu.memory_space<vmem>>[vector<16xi32>], vector<16xf32>,
        %add3A_2352 = arith.constant 3 : i32
        %add3A_2353 = vector.broadcast %add3A_2352 : i32 to vector<16xi32>
        %add3A_2354 = arith.addi %mul3A_2342, %add3A_2353 : vector<16xi32>
        %gather3A_2355 = tpu.vector_load_idx %arg5[%add3A_2354] : memref<20480xf32, #tpu.memory_space<vmem>>[vector<16xi32>], vector<16xf32>,
        %sub3A_2356 = arith.subf %gather3A_2351, %gather3A_2343 : vector<16xf32>
        %sub3A_2357 = arith.subf %gather3A_2355, %gather3A_2347 : vector<16xf32>
        %mul3A_2358 = arith.mulf %sub3A_2356, %sub3A_2357 : vector<16xf32>
        %min3A_2359 = arith.minimumf %gather3A_775, %gather3A_2351 : vector<16xf32>
        %max3A_2360 = arith.maximumf %gather3A_767, %gather3A_2343 : vector<16xf32>
        %sub3A_2361 = arith.subf %min3A_2359, %max3A_2360 : vector<16xf32>
        %max3A_2362 = arith.constant 0.000000e+00 : f32
        %max3A_2363 = vector.broadcast %max3A_2362 : f32 to vector<16xf32>
        %max3A_2364 = arith.maximumf %sub3A_2361, %max3A_2363 : vector<16xf32>
        %min3A_2365 = arith.minimumf %gather3A_779, %gather3A_2355 : vector<16xf32>
        %max3A_2366 = arith.maximumf %gather3A_771, %gather3A_2347 : vector<16xf32>
        %sub3A_2367 = arith.subf %min3A_2365, %max3A_2366 : vector<16xf32>
        %max3A_2368 = arith.constant 0.000000e+00 : f32
        %max3A_2369 = vector.broadcast %max3A_2368 : f32 to vector<16xf32>
        %max3A_2370 = arith.maximumf %sub3A_2367, %max3A_2369 : vector<16xf32>
        %mul3A_2371 = arith.mulf %max3A_2364, %max3A_2370 : vector<16xf32>
        %add3A_2372 = arith.addf %mul3A_781, %mul3A_2358 : vector<16xf32>
        %sub3A_2373 = arith.subf %add3A_2372, %mul3A_2371 : vector<16xf32>
        %add3A_2374 = arith.constant 9.99999993E-9 : f32
        %add3A_2375 = vector.broadcast %add3A_2374 : f32 to vector<16xf32>
        %add3A_2376 = arith.addf %sub3A_2373, %add3A_2375 : vector<16xf32>
        %div3A_2377 = arith.divf %mul3A_2371, %add3A_2376 : vector<16xf32>
        %ge3A_2378 = arith.constant 5.000000e-01 : f32
        %ge3A_2379 = vector.broadcast %ge3A_2378 : f32 to vector<16xf32>
        %ge3A_2380 = arith.cmpf oge, %div3A_2377, %ge3A_2379 : vector<16xf32>
        %eq3A_2381 = arith.cmpi eq, %add3A_2339, %broadcast_in_dim3A_782 : vector<16xi32>
        %or3A_2382 = arith.ori %ge3A_2380, %eq3A_2381 : vector<16xi1>
        %sub3A_2383 = arith.subf %gather3A_2351, %gather3A_2343 : vector<16xf32>
        %sub3A_2384 = arith.subf %gather3A_2355, %gather3A_2347 : vector<16xf32>
        %mul3A_2385 = arith.mulf %sub3A_2383, %sub3A_2384 : vector<16xf32>
        %min3A_2386 = arith.minimumf %gather3A_969, %gather3A_2351 : vector<16xf32>
        %max3A_2387 = arith.maximumf %gather3A_961, %gather3A_2343 : vector<16xf32>
        %sub3A_2388 = arith.subf %min3A_2386, %max3A_2387 : vector<16xf32>
        %max3A_2389 = arith.constant 0.000000e+00 : f32
        %max3A_2390 = vector.broadcast %max3A_2389 : f32 to vector<16xf32>
        %max3A_2391 = arith.maximumf %sub3A_2388, %max3A_2390 : vector<16xf32>
        %min3A_2392 = arith.minimumf %gather3A_973, %gather3A_2355 : vector<16xf32>
        %max3A_2393 = arith.maximumf %gather3A_965, %gather3A_2347 : vector<16xf32>
        %sub3A_2394 = arith.subf %min3A_2392, %max3A_2393 : vector<16xf32>
        %max3A_2395 = arith.constant 0.000000e+00 : f32
        %max3A_2396 = vector.broadcast %max3A_2395 : f32 to vector<16xf32>
        %max3A_2397 = arith.maximumf %sub3A_2394, %max3A_2396 : vector<16xf32>
        %mul3A_2398 = arith.mulf %max3A_2391, %max3A_2397 : vector<16xf32>
        %add3A_2399 = arith.addf %mul3A_976, %mul3A_2385 : vector<16xf32>
        %sub3A_2400 = arith.subf %add3A_2399, %mul3A_2398 : vector<16xf32>
        %add3A_2401 = arith.constant 9.99999993E-9 : f32
        %add3A_2402 = vector.broadcast %add3A_2401 : f32 to vector<16xf32>
        %add3A_2403 = arith.addf %sub3A_2400, %add3A_2402 : vector<16xf32>
        %div3A_2404 = arith.divf %mul3A_2398, %add3A_2403 : vector<16xf32>
        %ge3A_2405 = arith.constant 5.000000e-01 : f32
        %ge3A_2406 = vector.broadcast %ge3A_2405 : f32 to vector<16xf32>
        %ge3A_2407 = arith.cmpf oge, %div3A_2404, %ge3A_2406 : vector<16xf32>
        %eq3A_2408 = arith.cmpi eq, %add3A_2339, %broadcast_in_dim3A_978 : vector<16xi32>
        %or3A_2409 = arith.ori %ge3A_2407, %eq3A_2408 : vector<16xi1>
        %sub3A_2410 = arith.subf %gather3A_2351, %gather3A_2343 : vector<16xf32>
        %sub3A_2411 = arith.subf %gather3A_2355, %gather3A_2347 : vector<16xf32>
        %mul3A_2412 = arith.mulf %sub3A_2410, %sub3A_2411 : vector<16xf32>
        %min3A_2413 = arith.minimumf %gather3A_1125, %gather3A_2351 : vector<16xf32>
        %max3A_2414 = arith.maximumf %gather3A_1117, %gather3A_2343 : vector<16xf32>
        %sub3A_2415 = arith.subf %min3A_2413, %max3A_2414 : vector<16xf32>
        %max3A_2416 = arith.constant 0.000000e+00 : f32
        %max3A_2417 = vector.broadcast %max3A_2416 : f32 to vector<16xf32>
        %max3A_2418 = arith.maximumf %sub3A_2415, %max3A_2417 : vector<16xf32>
        %min3A_2419 = arith.minimumf %gather3A_1129, %gather3A_2355 : vector<16xf32>
        %max3A_2420 = arith.maximumf %gather3A_1121, %gather3A_2347 : vector<16xf32>
        %sub3A_2421 = arith.subf %min3A_2419, %max3A_2420 : vector<16xf32>
        %max3A_2422 = arith.constant 0.000000e+00 : f32
        %max3A_2423 = vector.broadcast %max3A_2422 : f32 to vector<16xf32>
        %max3A_2424 = arith.maximumf %sub3A_2421, %max3A_2423 : vector<16xf32>
        %mul3A_2425 = arith.mulf %max3A_2418, %max3A_2424 : vector<16xf32>
        %add3A_2426 = arith.addf %mul3A_1132, %mul3A_2412 : vector<16xf32>
        %sub3A_2427 = arith.subf %add3A_2426, %mul3A_2425 : vector<16xf32>
        %add3A_2428 = arith.constant 9.99999993E-9 : f32
        %add3A_2429 = vector.broadcast %add3A_2428 : f32 to vector<16xf32>
        %add3A_2430 = arith.addf %sub3A_2427, %add3A_2429 : vector<16xf32>
        %div3A_2431 = arith.divf %mul3A_2425, %add3A_2430 : vector<16xf32>
        %ge3A_2432 = arith.constant 5.000000e-01 : f32
        %ge3A_2433 = vector.broadcast %ge3A_2432 : f32 to vector<16xf32>
        %ge3A_2434 = arith.cmpf oge, %div3A_2431, %ge3A_2433 : vector<16xf32>
        %broadcast_in_dim3A_2435 = vector.broadcast %select_n3A_1113 : i32 to vector<16xi32>
        %eq3A_2436 = arith.cmpi eq, %add3A_2339, %broadcast_in_dim3A_2435 : vector<16xi32>
        %or3A_2437 = arith.ori %ge3A_2434, %eq3A_2436 : vector<16xi1>
        %and3A_2438 = arith.andi %broadcast_in_dim3A_977, %or3A_2409 : vector<16xi1>
        %or3A_2439 = arith.ori %or3A_2382, %and3A_2438 : vector<16xi1>
        %and3A_2440 = arith.andi %broadcast_in_dim3A_1133, %or3A_2437 : vector<16xi1>
        %or3A_2441 = arith.ori %or3A_2439, %and3A_2440 : vector<16xi1>
        %select_n3A_2442 = arith.select %or3A_2441, %broadcast_in_dim3A_3, %while3A_687 : vector<16xi1>, vector<16xf32>
        %gt3A_2443 = arith.cmpf ogt, %select_n3A_2442, %select_n3A_2324 : vector<16xf32>
        %select_n3A_2444 = arith.select %gt3A_2443, %select_n3A_2442, %select_n3A_2324 : vector<16xi1>, vector<16xf32>
        %select_n3A_2445 = arith.select %gt3A_2443, %add3A_2339, %select_n3A_2325 : vector<16xi1>, vector<16xi32>
        %select_n3A_2446 = arith.select %gt3A_2443, %select_n3A_2324, %select_n3A_2442 : vector<16xi1>, vector<16xf32>
        %select_n3A_2447 = arith.select %gt3A_2443, %select_n3A_2325, %add3A_2339 : vector<16xi1>, vector<16xi32>
        %gt3A_2448 = arith.cmpf ogt, %select_n3A_2446, %select_n3A_2329 : vector<16xf32>
        %select_n3A_2449 = arith.select %gt3A_2448, %select_n3A_2446, %select_n3A_2329 : vector<16xi1>, vector<16xf32>
        %select_n3A_2450 = arith.select %gt3A_2448, %select_n3A_2447, %select_n3A_2330 : vector<16xi1>, vector<16xi32>
        %select_n3A_2451 = arith.select %gt3A_2448, %select_n3A_2329, %select_n3A_2446 : vector<16xi1>, vector<16xf32>
        %select_n3A_2452 = arith.select %gt3A_2448, %select_n3A_2330, %select_n3A_2447 : vector<16xi1>, vector<16xi32>
        %gt3A_2453 = arith.cmpf ogt, %select_n3A_2451, %select_n3A_2334 : vector<16xf32>
        %select_n3A_2454 = arith.select %gt3A_2453, %select_n3A_2451, %select_n3A_2334 : vector<16xi1>, vector<16xf32>
        %select_n3A_2455 = arith.select %gt3A_2453, %select_n3A_2452, %select_n3A_2335 : vector<16xi1>, vector<16xi32>
        %add3A_2456 = arith.constant 176 : i32
        %add3A_2457 = arith.addi %mul3A_2, %add3A_2456 : i32
        %add3A_2458 = vector.broadcast %add3A_2457 : i32 to vector<16xi32>
        %add3A_2459 = arith.addi %iota3A, %add3A_2458 : vector<16xi32>
        %mul3A_2460 = arith.constant 4 : i32
        %mul3A_2461 = vector.broadcast %mul3A_2460 : i32 to vector<16xi32>
        %mul3A_2462 = arith.muli %add3A_2459, %mul3A_2461 : vector<16xi32>
        %gather3A_2463 = tpu.vector_load_idx %arg5[%mul3A_2462] : memref<20480xf32, #tpu.memory_space<vmem>>[vector<16xi32>], vector<16xf32>,
        %add3A_2464 = arith.constant 1 : i32
        %add3A_2465 = vector.broadcast %add3A_2464 : i32 to vector<16xi32>
        %add3A_2466 = arith.addi %mul3A_2462, %add3A_2465 : vector<16xi32>
        %gather3A_2467 = tpu.vector_load_idx %arg5[%add3A_2466] : memref<20480xf32, #tpu.memory_space<vmem>>[vector<16xi32>], vector<16xf32>,
        %add3A_2468 = arith.constant 2 : i32
        %add3A_2469 = vector.broadcast %add3A_2468 : i32 to vector<16xi32>
        %add3A_2470 = arith.addi %mul3A_2462, %add3A_2469 : vector<16xi32>
        %gather3A_2471 = tpu.vector_load_idx %arg5[%add3A_2470] : memref<20480xf32, #tpu.memory_space<vmem>>[vector<16xi32>], vector<16xf32>,
        %add3A_2472 = arith.constant 3 : i32
        %add3A_2473 = vector.broadcast %add3A_2472 : i32 to vector<16xi32>
        %add3A_2474 = arith.addi %mul3A_2462, %add3A_2473 : vector<16xi32>
        %gather3A_2475 = tpu.vector_load_idx %arg5[%add3A_2474] : memref<20480xf32, #tpu.memory_space<vmem>>[vector<16xi32>], vector<16xf32>,
        %sub3A_2476 = arith.subf %gather3A_2471, %gather3A_2463 : vector<16xf32>
        %sub3A_2477 = arith.subf %gather3A_2475, %gather3A_2467 : vector<16xf32>
        %mul3A_2478 = arith.mulf %sub3A_2476, %sub3A_2477 : vector<16xf32>
        %min3A_2479 = arith.minimumf %gather3A_775, %gather3A_2471 : vector<16xf32>
        %max3A_2480 = arith.maximumf %gather3A_767, %gather3A_2463 : vector<16xf32>
        %sub3A_2481 = arith.subf %min3A_2479, %max3A_2480 : vector<16xf32>
        %max3A_2482 = arith.constant 0.000000e+00 : f32
        %max3A_2483 = vector.broadcast %max3A_2482 : f32 to vector<16xf32>
        %max3A_2484 = arith.maximumf %sub3A_2481, %max3A_2483 : vector<16xf32>
        %min3A_2485 = arith.minimumf %gather3A_779, %gather3A_2475 : vector<16xf32>
        %max3A_2486 = arith.maximumf %gather3A_771, %gather3A_2467 : vector<16xf32>
        %sub3A_2487 = arith.subf %min3A_2485, %max3A_2486 : vector<16xf32>
        %max3A_2488 = arith.constant 0.000000e+00 : f32
        %max3A_2489 = vector.broadcast %max3A_2488 : f32 to vector<16xf32>
        %max3A_2490 = arith.maximumf %sub3A_2487, %max3A_2489 : vector<16xf32>
        %mul3A_2491 = arith.mulf %max3A_2484, %max3A_2490 : vector<16xf32>
        %add3A_2492 = arith.addf %mul3A_781, %mul3A_2478 : vector<16xf32>
        %sub3A_2493 = arith.subf %add3A_2492, %mul3A_2491 : vector<16xf32>
        %add3A_2494 = arith.constant 9.99999993E-9 : f32
        %add3A_2495 = vector.broadcast %add3A_2494 : f32 to vector<16xf32>
        %add3A_2496 = arith.addf %sub3A_2493, %add3A_2495 : vector<16xf32>
        %div3A_2497 = arith.divf %mul3A_2491, %add3A_2496 : vector<16xf32>
        %ge3A_2498 = arith.constant 5.000000e-01 : f32
        %ge3A_2499 = vector.broadcast %ge3A_2498 : f32 to vector<16xf32>
        %ge3A_2500 = arith.cmpf oge, %div3A_2497, %ge3A_2499 : vector<16xf32>
        %eq3A_2501 = arith.cmpi eq, %add3A_2459, %broadcast_in_dim3A_782 : vector<16xi32>
        %or3A_2502 = arith.ori %ge3A_2500, %eq3A_2501 : vector<16xi1>
        %sub3A_2503 = arith.subf %gather3A_2471, %gather3A_2463 : vector<16xf32>
        %sub3A_2504 = arith.subf %gather3A_2475, %gather3A_2467 : vector<16xf32>
        %mul3A_2505 = arith.mulf %sub3A_2503, %sub3A_2504 : vector<16xf32>
        %min3A_2506 = arith.minimumf %gather3A_969, %gather3A_2471 : vector<16xf32>
        %max3A_2507 = arith.maximumf %gather3A_961, %gather3A_2463 : vector<16xf32>
        %sub3A_2508 = arith.subf %min3A_2506, %max3A_2507 : vector<16xf32>
        %max3A_2509 = arith.constant 0.000000e+00 : f32
        %max3A_2510 = vector.broadcast %max3A_2509 : f32 to vector<16xf32>
        %max3A_2511 = arith.maximumf %sub3A_2508, %max3A_2510 : vector<16xf32>
        %min3A_2512 = arith.minimumf %gather3A_973, %gather3A_2475 : vector<16xf32>
        %max3A_2513 = arith.maximumf %gather3A_965, %gather3A_2467 : vector<16xf32>
        %sub3A_2514 = arith.subf %min3A_2512, %max3A_2513 : vector<16xf32>
        %max3A_2515 = arith.constant 0.000000e+00 : f32
        %max3A_2516 = vector.broadcast %max3A_2515 : f32 to vector<16xf32>
        %max3A_2517 = arith.maximumf %sub3A_2514, %max3A_2516 : vector<16xf32>
        %mul3A_2518 = arith.mulf %max3A_2511, %max3A_2517 : vector<16xf32>
        %add3A_2519 = arith.addf %mul3A_976, %mul3A_2505 : vector<16xf32>
        %sub3A_2520 = arith.subf %add3A_2519, %mul3A_2518 : vector<16xf32>
        %add3A_2521 = arith.constant 9.99999993E-9 : f32
        %add3A_2522 = vector.broadcast %add3A_2521 : f32 to vector<16xf32>
        %add3A_2523 = arith.addf %sub3A_2520, %add3A_2522 : vector<16xf32>
        %div3A_2524 = arith.divf %mul3A_2518, %add3A_2523 : vector<16xf32>
        %ge3A_2525 = arith.constant 5.000000e-01 : f32
        %ge3A_2526 = vector.broadcast %ge3A_2525 : f32 to vector<16xf32>
        %ge3A_2527 = arith.cmpf oge, %div3A_2524, %ge3A_2526 : vector<16xf32>
        %eq3A_2528 = arith.cmpi eq, %add3A_2459, %broadcast_in_dim3A_978 : vector<16xi32>
        %or3A_2529 = arith.ori %ge3A_2527, %eq3A_2528 : vector<16xi1>
        %sub3A_2530 = arith.subf %gather3A_2471, %gather3A_2463 : vector<16xf32>
        %sub3A_2531 = arith.subf %gather3A_2475, %gather3A_2467 : vector<16xf32>
        %mul3A_2532 = arith.mulf %sub3A_2530, %sub3A_2531 : vector<16xf32>
        %min3A_2533 = arith.minimumf %gather3A_1125, %gather3A_2471 : vector<16xf32>
        %max3A_2534 = arith.maximumf %gather3A_1117, %gather3A_2463 : vector<16xf32>
        %sub3A_2535 = arith.subf %min3A_2533, %max3A_2534 : vector<16xf32>
        %max3A_2536 = arith.constant 0.000000e+00 : f32
        %max3A_2537 = vector.broadcast %max3A_2536 : f32 to vector<16xf32>
        %max3A_2538 = arith.maximumf %sub3A_2535, %max3A_2537 : vector<16xf32>
        %min3A_2539 = arith.minimumf %gather3A_1129, %gather3A_2475 : vector<16xf32>
        %max3A_2540 = arith.maximumf %gather3A_1121, %gather3A_2467 : vector<16xf32>
        %sub3A_2541 = arith.subf %min3A_2539, %max3A_2540 : vector<16xf32>
        %max3A_2542 = arith.constant 0.000000e+00 : f32
        %max3A_2543 = vector.broadcast %max3A_2542 : f32 to vector<16xf32>
        %max3A_2544 = arith.maximumf %sub3A_2541, %max3A_2543 : vector<16xf32>
        %mul3A_2545 = arith.mulf %max3A_2538, %max3A_2544 : vector<16xf32>
        %add3A_2546 = arith.addf %mul3A_1132, %mul3A_2532 : vector<16xf32>
        %sub3A_2547 = arith.subf %add3A_2546, %mul3A_2545 : vector<16xf32>
        %add3A_2548 = arith.constant 9.99999993E-9 : f32
        %add3A_2549 = vector.broadcast %add3A_2548 : f32 to vector<16xf32>
        %add3A_2550 = arith.addf %sub3A_2547, %add3A_2549 : vector<16xf32>
        %div3A_2551 = arith.divf %mul3A_2545, %add3A_2550 : vector<16xf32>
        %ge3A_2552 = arith.constant 5.000000e-01 : f32
        %ge3A_2553 = vector.broadcast %ge3A_2552 : f32 to vector<16xf32>
        %ge3A_2554 = arith.cmpf oge, %div3A_2551, %ge3A_2553 : vector<16xf32>
        %broadcast_in_dim3A_2555 = vector.broadcast %select_n3A_1113 : i32 to vector<16xi32>
        %eq3A_2556 = arith.cmpi eq, %add3A_2459, %broadcast_in_dim3A_2555 : vector<16xi32>
        %or3A_2557 = arith.ori %ge3A_2554, %eq3A_2556 : vector<16xi1>
        %and3A_2558 = arith.andi %broadcast_in_dim3A_977, %or3A_2529 : vector<16xi1>
        %or3A_2559 = arith.ori %or3A_2502, %and3A_2558 : vector<16xi1>
        %and3A_2560 = arith.andi %broadcast_in_dim3A_1133, %or3A_2557 : vector<16xi1>
        %or3A_2561 = arith.ori %or3A_2559, %and3A_2560 : vector<16xi1>
        %select_n3A_2562 = arith.select %or3A_2561, %broadcast_in_dim3A_3, %while3A_688 : vector<16xi1>, vector<16xf32>
        %gt3A_2563 = arith.cmpf ogt, %select_n3A_2562, %select_n3A_2444 : vector<16xf32>
        %select_n3A_2564 = arith.select %gt3A_2563, %select_n3A_2562, %select_n3A_2444 : vector<16xi1>, vector<16xf32>
        %select_n3A_2565 = arith.select %gt3A_2563, %add3A_2459, %select_n3A_2445 : vector<16xi1>, vector<16xi32>
        %select_n3A_2566 = arith.select %gt3A_2563, %select_n3A_2444, %select_n3A_2562 : vector<16xi1>, vector<16xf32>
        %select_n3A_2567 = arith.select %gt3A_2563, %select_n3A_2445, %add3A_2459 : vector<16xi1>, vector<16xi32>
        %gt3A_2568 = arith.cmpf ogt, %select_n3A_2566, %select_n3A_2449 : vector<16xf32>
        %select_n3A_2569 = arith.select %gt3A_2568, %select_n3A_2566, %select_n3A_2449 : vector<16xi1>, vector<16xf32>
        %select_n3A_2570 = arith.select %gt3A_2568, %select_n3A_2567, %select_n3A_2450 : vector<16xi1>, vector<16xi32>
        %select_n3A_2571 = arith.select %gt3A_2568, %select_n3A_2449, %select_n3A_2566 : vector<16xi1>, vector<16xf32>
        %select_n3A_2572 = arith.select %gt3A_2568, %select_n3A_2450, %select_n3A_2567 : vector<16xi1>, vector<16xi32>
        %gt3A_2573 = arith.cmpf ogt, %select_n3A_2571, %select_n3A_2454 : vector<16xf32>
        %select_n3A_2574 = arith.select %gt3A_2573, %select_n3A_2571, %select_n3A_2454 : vector<16xi1>, vector<16xf32>
        %select_n3A_2575 = arith.select %gt3A_2573, %select_n3A_2572, %select_n3A_2455 : vector<16xi1>, vector<16xi32>
        %add3A_2576 = arith.constant 192 : i32
        %add3A_2577 = arith.addi %mul3A_2, %add3A_2576 : i32
        %add3A_2578 = vector.broadcast %add3A_2577 : i32 to vector<16xi32>
        %add3A_2579 = arith.addi %iota3A, %add3A_2578 : vector<16xi32>
        %mul3A_2580 = arith.constant 4 : i32
        %mul3A_2581 = vector.broadcast %mul3A_2580 : i32 to vector<16xi32>
        %mul3A_2582 = arith.muli %add3A_2579, %mul3A_2581 : vector<16xi32>
        %gather3A_2583 = tpu.vector_load_idx %arg5[%mul3A_2582] : memref<20480xf32, #tpu.memory_space<vmem>>[vector<16xi32>], vector<16xf32>,
        %add3A_2584 = arith.constant 1 : i32
        %add3A_2585 = vector.broadcast %add3A_2584 : i32 to vector<16xi32>
        %add3A_2586 = arith.addi %mul3A_2582, %add3A_2585 : vector<16xi32>
        %gather3A_2587 = tpu.vector_load_idx %arg5[%add3A_2586] : memref<20480xf32, #tpu.memory_space<vmem>>[vector<16xi32>], vector<16xf32>,
        %add3A_2588 = arith.constant 2 : i32
        %add3A_2589 = vector.broadcast %add3A_2588 : i32 to vector<16xi32>
        %add3A_2590 = arith.addi %mul3A_2582, %add3A_2589 : vector<16xi32>
        %gather3A_2591 = tpu.vector_load_idx %arg5[%add3A_2590] : memref<20480xf32, #tpu.memory_space<vmem>>[vector<16xi32>], vector<16xf32>,
        %add3A_2592 = arith.constant 3 : i32
        %add3A_2593 = vector.broadcast %add3A_2592 : i32 to vector<16xi32>
        %add3A_2594 = arith.addi %mul3A_2582, %add3A_2593 : vector<16xi32>
        %gather3A_2595 = tpu.vector_load_idx %arg5[%add3A_2594] : memref<20480xf32, #tpu.memory_space<vmem>>[vector<16xi32>], vector<16xf32>,
        %sub3A_2596 = arith.subf %gather3A_2591, %gather3A_2583 : vector<16xf32>
        %sub3A_2597 = arith.subf %gather3A_2595, %gather3A_2587 : vector<16xf32>
        %mul3A_2598 = arith.mulf %sub3A_2596, %sub3A_2597 : vector<16xf32>
        %min3A_2599 = arith.minimumf %gather3A_775, %gather3A_2591 : vector<16xf32>
        %max3A_2600 = arith.maximumf %gather3A_767, %gather3A_2583 : vector<16xf32>
        %sub3A_2601 = arith.subf %min3A_2599, %max3A_2600 : vector<16xf32>
        %max3A_2602 = arith.constant 0.000000e+00 : f32
        %max3A_2603 = vector.broadcast %max3A_2602 : f32 to vector<16xf32>
        %max3A_2604 = arith.maximumf %sub3A_2601, %max3A_2603 : vector<16xf32>
        %min3A_2605 = arith.minimumf %gather3A_779, %gather3A_2595 : vector<16xf32>
        %max3A_2606 = arith.maximumf %gather3A_771, %gather3A_2587 : vector<16xf32>
        %sub3A_2607 = arith.subf %min3A_2605, %max3A_2606 : vector<16xf32>
        %max3A_2608 = arith.constant 0.000000e+00 : f32
        %max3A_2609 = vector.broadcast %max3A_2608 : f32 to vector<16xf32>
        %max3A_2610 = arith.maximumf %sub3A_2607, %max3A_2609 : vector<16xf32>
        %mul3A_2611 = arith.mulf %max3A_2604, %max3A_2610 : vector<16xf32>
        %add3A_2612 = arith.addf %mul3A_781, %mul3A_2598 : vector<16xf32>
        %sub3A_2613 = arith.subf %add3A_2612, %mul3A_2611 : vector<16xf32>
        %add3A_2614 = arith.constant 9.99999993E-9 : f32
        %add3A_2615 = vector.broadcast %add3A_2614 : f32 to vector<16xf32>
        %add3A_2616 = arith.addf %sub3A_2613, %add3A_2615 : vector<16xf32>
        %div3A_2617 = arith.divf %mul3A_2611, %add3A_2616 : vector<16xf32>
        %ge3A_2618 = arith.constant 5.000000e-01 : f32
        %ge3A_2619 = vector.broadcast %ge3A_2618 : f32 to vector<16xf32>
        %ge3A_2620 = arith.cmpf oge, %div3A_2617, %ge3A_2619 : vector<16xf32>
        %eq3A_2621 = arith.cmpi eq, %add3A_2579, %broadcast_in_dim3A_782 : vector<16xi32>
        %or3A_2622 = arith.ori %ge3A_2620, %eq3A_2621 : vector<16xi1>
        %sub3A_2623 = arith.subf %gather3A_2591, %gather3A_2583 : vector<16xf32>
        %sub3A_2624 = arith.subf %gather3A_2595, %gather3A_2587 : vector<16xf32>
        %mul3A_2625 = arith.mulf %sub3A_2623, %sub3A_2624 : vector<16xf32>
        %min3A_2626 = arith.minimumf %gather3A_969, %gather3A_2591 : vector<16xf32>
        %max3A_2627 = arith.maximumf %gather3A_961, %gather3A_2583 : vector<16xf32>
        %sub3A_2628 = arith.subf %min3A_2626, %max3A_2627 : vector<16xf32>
        %max3A_2629 = arith.constant 0.000000e+00 : f32
        %max3A_2630 = vector.broadcast %max3A_2629 : f32 to vector<16xf32>
        %max3A_2631 = arith.maximumf %sub3A_2628, %max3A_2630 : vector<16xf32>
        %min3A_2632 = arith.minimumf %gather3A_973, %gather3A_2595 : vector<16xf32>
        %max3A_2633 = arith.maximumf %gather3A_965, %gather3A_2587 : vector<16xf32>
        %sub3A_2634 = arith.subf %min3A_2632, %max3A_2633 : vector<16xf32>
        %max3A_2635 = arith.constant 0.000000e+00 : f32
        %max3A_2636 = vector.broadcast %max3A_2635 : f32 to vector<16xf32>
        %max3A_2637 = arith.maximumf %sub3A_2634, %max3A_2636 : vector<16xf32>
        %mul3A_2638 = arith.mulf %max3A_2631, %max3A_2637 : vector<16xf32>
        %add3A_2639 = arith.addf %mul3A_976, %mul3A_2625 : vector<16xf32>
        %sub3A_2640 = arith.subf %add3A_2639, %mul3A_2638 : vector<16xf32>
        %add3A_2641 = arith.constant 9.99999993E-9 : f32
        %add3A_2642 = vector.broadcast %add3A_2641 : f32 to vector<16xf32>
        %add3A_2643 = arith.addf %sub3A_2640, %add3A_2642 : vector<16xf32>
        %div3A_2644 = arith.divf %mul3A_2638, %add3A_2643 : vector<16xf32>
        %ge3A_2645 = arith.constant 5.000000e-01 : f32
        %ge3A_2646 = vector.broadcast %ge3A_2645 : f32 to vector<16xf32>
        %ge3A_2647 = arith.cmpf oge, %div3A_2644, %ge3A_2646 : vector<16xf32>
        %eq3A_2648 = arith.cmpi eq, %add3A_2579, %broadcast_in_dim3A_978 : vector<16xi32>
        %or3A_2649 = arith.ori %ge3A_2647, %eq3A_2648 : vector<16xi1>
        %sub3A_2650 = arith.subf %gather3A_2591, %gather3A_2583 : vector<16xf32>
        %sub3A_2651 = arith.subf %gather3A_2595, %gather3A_2587 : vector<16xf32>
        %mul3A_2652 = arith.mulf %sub3A_2650, %sub3A_2651 : vector<16xf32>
        %min3A_2653 = arith.minimumf %gather3A_1125, %gather3A_2591 : vector<16xf32>
        %max3A_2654 = arith.maximumf %gather3A_1117, %gather3A_2583 : vector<16xf32>
        %sub3A_2655 = arith.subf %min3A_2653, %max3A_2654 : vector<16xf32>
        %max3A_2656 = arith.constant 0.000000e+00 : f32
        %max3A_2657 = vector.broadcast %max3A_2656 : f32 to vector<16xf32>
        %max3A_2658 = arith.maximumf %sub3A_2655, %max3A_2657 : vector<16xf32>
        %min3A_2659 = arith.minimumf %gather3A_1129, %gather3A_2595 : vector<16xf32>
        %max3A_2660 = arith.maximumf %gather3A_1121, %gather3A_2587 : vector<16xf32>
        %sub3A_2661 = arith.subf %min3A_2659, %max3A_2660 : vector<16xf32>
        %max3A_2662 = arith.constant 0.000000e+00 : f32
        %max3A_2663 = vector.broadcast %max3A_2662 : f32 to vector<16xf32>
        %max3A_2664 = arith.maximumf %sub3A_2661, %max3A_2663 : vector<16xf32>
        %mul3A_2665 = arith.mulf %max3A_2658, %max3A_2664 : vector<16xf32>
        %add3A_2666 = arith.addf %mul3A_1132, %mul3A_2652 : vector<16xf32>
        %sub3A_2667 = arith.subf %add3A_2666, %mul3A_2665 : vector<16xf32>
        %add3A_2668 = arith.constant 9.99999993E-9 : f32
        %add3A_2669 = vector.broadcast %add3A_2668 : f32 to vector<16xf32>
        %add3A_2670 = arith.addf %sub3A_2667, %add3A_2669 : vector<16xf32>
        %div3A_2671 = arith.divf %mul3A_2665, %add3A_2670 : vector<16xf32>
        %ge3A_2672 = arith.constant 5.000000e-01 : f32
        %ge3A_2673 = vector.broadcast %ge3A_2672 : f32 to vector<16xf32>
        %ge3A_2674 = arith.cmpf oge, %div3A_2671, %ge3A_2673 : vector<16xf32>
        %broadcast_in_dim3A_2675 = vector.broadcast %select_n3A_1113 : i32 to vector<16xi32>
        %eq3A_2676 = arith.cmpi eq, %add3A_2579, %broadcast_in_dim3A_2675 : vector<16xi32>
        %or3A_2677 = arith.ori %ge3A_2674, %eq3A_2676 : vector<16xi1>
        %and3A_2678 = arith.andi %broadcast_in_dim3A_977, %or3A_2649 : vector<16xi1>
        %or3A_2679 = arith.ori %or3A_2622, %and3A_2678 : vector<16xi1>
        %and3A_2680 = arith.andi %broadcast_in_dim3A_1133, %or3A_2677 : vector<16xi1>
        %or3A_2681 = arith.ori %or3A_2679, %and3A_2680 : vector<16xi1>
        %select_n3A_2682 = arith.select %or3A_2681, %broadcast_in_dim3A_3, %while3A_689 : vector<16xi1>, vector<16xf32>
        %gt3A_2683 = arith.cmpf ogt, %select_n3A_2682, %select_n3A_2564 : vector<16xf32>
        %select_n3A_2684 = arith.select %gt3A_2683, %select_n3A_2682, %select_n3A_2564 : vector<16xi1>, vector<16xf32>
        %select_n3A_2685 = arith.select %gt3A_2683, %add3A_2579, %select_n3A_2565 : vector<16xi1>, vector<16xi32>
        %select_n3A_2686 = arith.select %gt3A_2683, %select_n3A_2564, %select_n3A_2682 : vector<16xi1>, vector<16xf32>
        %select_n3A_2687 = arith.select %gt3A_2683, %select_n3A_2565, %add3A_2579 : vector<16xi1>, vector<16xi32>
        %gt3A_2688 = arith.cmpf ogt, %select_n3A_2686, %select_n3A_2569 : vector<16xf32>
        %select_n3A_2689 = arith.select %gt3A_2688, %select_n3A_2686, %select_n3A_2569 : vector<16xi1>, vector<16xf32>
        %select_n3A_2690 = arith.select %gt3A_2688, %select_n3A_2687, %select_n3A_2570 : vector<16xi1>, vector<16xi32>
        %select_n3A_2691 = arith.select %gt3A_2688, %select_n3A_2569, %select_n3A_2686 : vector<16xi1>, vector<16xf32>
        %select_n3A_2692 = arith.select %gt3A_2688, %select_n3A_2570, %select_n3A_2687 : vector<16xi1>, vector<16xi32>
        %gt3A_2693 = arith.cmpf ogt, %select_n3A_2691, %select_n3A_2574 : vector<16xf32>
        %select_n3A_2694 = arith.select %gt3A_2693, %select_n3A_2691, %select_n3A_2574 : vector<16xi1>, vector<16xf32>
        %select_n3A_2695 = arith.select %gt3A_2693, %select_n3A_2692, %select_n3A_2575 : vector<16xi1>, vector<16xi32>
        %add3A_2696 = arith.constant 208 : i32
        %add3A_2697 = arith.addi %mul3A_2, %add3A_2696 : i32
        %add3A_2698 = vector.broadcast %add3A_2697 : i32 to vector<16xi32>
        %add3A_2699 = arith.addi %iota3A, %add3A_2698 : vector<16xi32>
        %mul3A_2700 = arith.constant 4 : i32
        %mul3A_2701 = vector.broadcast %mul3A_2700 : i32 to vector<16xi32>
        %mul3A_2702 = arith.muli %add3A_2699, %mul3A_2701 : vector<16xi32>
        %gather3A_2703 = tpu.vector_load_idx %arg5[%mul3A_2702] : memref<20480xf32, #tpu.memory_space<vmem>>[vector<16xi32>], vector<16xf32>,
        %add3A_2704 = arith.constant 1 : i32
        %add3A_2705 = vector.broadcast %add3A_2704 : i32 to vector<16xi32>
        %add3A_2706 = arith.addi %mul3A_2702, %add3A_2705 : vector<16xi32>
        %gather3A_2707 = tpu.vector_load_idx %arg5[%add3A_2706] : memref<20480xf32, #tpu.memory_space<vmem>>[vector<16xi32>], vector<16xf32>,
        %add3A_2708 = arith.constant 2 : i32
        %add3A_2709 = vector.broadcast %add3A_2708 : i32 to vector<16xi32>
        %add3A_2710 = arith.addi %mul3A_2702, %add3A_2709 : vector<16xi32>
        %gather3A_2711 = tpu.vector_load_idx %arg5[%add3A_2710] : memref<20480xf32, #tpu.memory_space<vmem>>[vector<16xi32>], vector<16xf32>,
        %add3A_2712 = arith.constant 3 : i32
        %add3A_2713 = vector.broadcast %add3A_2712 : i32 to vector<16xi32>
        %add3A_2714 = arith.addi %mul3A_2702, %add3A_2713 : vector<16xi32>
        %gather3A_2715 = tpu.vector_load_idx %arg5[%add3A_2714] : memref<20480xf32, #tpu.memory_space<vmem>>[vector<16xi32>], vector<16xf32>,
        %sub3A_2716 = arith.subf %gather3A_2711, %gather3A_2703 : vector<16xf32>
        %sub3A_2717 = arith.subf %gather3A_2715, %gather3A_2707 : vector<16xf32>
        %mul3A_2718 = arith.mulf %sub3A_2716, %sub3A_2717 : vector<16xf32>
        %min3A_2719 = arith.minimumf %gather3A_775, %gather3A_2711 : vector<16xf32>
        %max3A_2720 = arith.maximumf %gather3A_767, %gather3A_2703 : vector<16xf32>
        %sub3A_2721 = arith.subf %min3A_2719, %max3A_2720 : vector<16xf32>
        %max3A_2722 = arith.constant 0.000000e+00 : f32
        %max3A_2723 = vector.broadcast %max3A_2722 : f32 to vector<16xf32>
        %max3A_2724 = arith.maximumf %sub3A_2721, %max3A_2723 : vector<16xf32>
        %min3A_2725 = arith.minimumf %gather3A_779, %gather3A_2715 : vector<16xf32>
        %max3A_2726 = arith.maximumf %gather3A_771, %gather3A_2707 : vector<16xf32>
        %sub3A_2727 = arith.subf %min3A_2725, %max3A_2726 : vector<16xf32>
        %max3A_2728 = arith.constant 0.000000e+00 : f32
        %max3A_2729 = vector.broadcast %max3A_2728 : f32 to vector<16xf32>
        %max3A_2730 = arith.maximumf %sub3A_2727, %max3A_2729 : vector<16xf32>
        %mul3A_2731 = arith.mulf %max3A_2724, %max3A_2730 : vector<16xf32>
        %add3A_2732 = arith.addf %mul3A_781, %mul3A_2718 : vector<16xf32>
        %sub3A_2733 = arith.subf %add3A_2732, %mul3A_2731 : vector<16xf32>
        %add3A_2734 = arith.constant 9.99999993E-9 : f32
        %add3A_2735 = vector.broadcast %add3A_2734 : f32 to vector<16xf32>
        %add3A_2736 = arith.addf %sub3A_2733, %add3A_2735 : vector<16xf32>
        %div3A_2737 = arith.divf %mul3A_2731, %add3A_2736 : vector<16xf32>
        %ge3A_2738 = arith.constant 5.000000e-01 : f32
        %ge3A_2739 = vector.broadcast %ge3A_2738 : f32 to vector<16xf32>
        %ge3A_2740 = arith.cmpf oge, %div3A_2737, %ge3A_2739 : vector<16xf32>
        %eq3A_2741 = arith.cmpi eq, %add3A_2699, %broadcast_in_dim3A_782 : vector<16xi32>
        %or3A_2742 = arith.ori %ge3A_2740, %eq3A_2741 : vector<16xi1>
        %sub3A_2743 = arith.subf %gather3A_2711, %gather3A_2703 : vector<16xf32>
        %sub3A_2744 = arith.subf %gather3A_2715, %gather3A_2707 : vector<16xf32>
        %mul3A_2745 = arith.mulf %sub3A_2743, %sub3A_2744 : vector<16xf32>
        %min3A_2746 = arith.minimumf %gather3A_969, %gather3A_2711 : vector<16xf32>
        %max3A_2747 = arith.maximumf %gather3A_961, %gather3A_2703 : vector<16xf32>
        %sub3A_2748 = arith.subf %min3A_2746, %max3A_2747 : vector<16xf32>
        %max3A_2749 = arith.constant 0.000000e+00 : f32
        %max3A_2750 = vector.broadcast %max3A_2749 : f32 to vector<16xf32>
        %max3A_2751 = arith.maximumf %sub3A_2748, %max3A_2750 : vector<16xf32>
        %min3A_2752 = arith.minimumf %gather3A_973, %gather3A_2715 : vector<16xf32>
        %max3A_2753 = arith.maximumf %gather3A_965, %gather3A_2707 : vector<16xf32>
        %sub3A_2754 = arith.subf %min3A_2752, %max3A_2753 : vector<16xf32>
        %max3A_2755 = arith.constant 0.000000e+00 : f32
        %max3A_2756 = vector.broadcast %max3A_2755 : f32 to vector<16xf32>
        %max3A_2757 = arith.maximumf %sub3A_2754, %max3A_2756 : vector<16xf32>
        %mul3A_2758 = arith.mulf %max3A_2751, %max3A_2757 : vector<16xf32>
        %add3A_2759 = arith.addf %mul3A_976, %mul3A_2745 : vector<16xf32>
        %sub3A_2760 = arith.subf %add3A_2759, %mul3A_2758 : vector<16xf32>
        %add3A_2761 = arith.constant 9.99999993E-9 : f32
        %add3A_2762 = vector.broadcast %add3A_2761 : f32 to vector<16xf32>
        %add3A_2763 = arith.addf %sub3A_2760, %add3A_2762 : vector<16xf32>
        %div3A_2764 = arith.divf %mul3A_2758, %add3A_2763 : vector<16xf32>
        %ge3A_2765 = arith.constant 5.000000e-01 : f32
        %ge3A_2766 = vector.broadcast %ge3A_2765 : f32 to vector<16xf32>
        %ge3A_2767 = arith.cmpf oge, %div3A_2764, %ge3A_2766 : vector<16xf32>
        %eq3A_2768 = arith.cmpi eq, %add3A_2699, %broadcast_in_dim3A_978 : vector<16xi32>
        %or3A_2769 = arith.ori %ge3A_2767, %eq3A_2768 : vector<16xi1>
        %sub3A_2770 = arith.subf %gather3A_2711, %gather3A_2703 : vector<16xf32>
        %sub3A_2771 = arith.subf %gather3A_2715, %gather3A_2707 : vector<16xf32>
        %mul3A_2772 = arith.mulf %sub3A_2770, %sub3A_2771 : vector<16xf32>
        %min3A_2773 = arith.minimumf %gather3A_1125, %gather3A_2711 : vector<16xf32>
        %max3A_2774 = arith.maximumf %gather3A_1117, %gather3A_2703 : vector<16xf32>
        %sub3A_2775 = arith.subf %min3A_2773, %max3A_2774 : vector<16xf32>
        %max3A_2776 = arith.constant 0.000000e+00 : f32
        %max3A_2777 = vector.broadcast %max3A_2776 : f32 to vector<16xf32>
        %max3A_2778 = arith.maximumf %sub3A_2775, %max3A_2777 : vector<16xf32>
        %min3A_2779 = arith.minimumf %gather3A_1129, %gather3A_2715 : vector<16xf32>
        %max3A_2780 = arith.maximumf %gather3A_1121, %gather3A_2707 : vector<16xf32>
        %sub3A_2781 = arith.subf %min3A_2779, %max3A_2780 : vector<16xf32>
        %max3A_2782 = arith.constant 0.000000e+00 : f32
        %max3A_2783 = vector.broadcast %max3A_2782 : f32 to vector<16xf32>
        %max3A_2784 = arith.maximumf %sub3A_2781, %max3A_2783 : vector<16xf32>
        %mul3A_2785 = arith.mulf %max3A_2778, %max3A_2784 : vector<16xf32>
        %add3A_2786 = arith.addf %mul3A_1132, %mul3A_2772 : vector<16xf32>
        %sub3A_2787 = arith.subf %add3A_2786, %mul3A_2785 : vector<16xf32>
        %add3A_2788 = arith.constant 9.99999993E-9 : f32
        %add3A_2789 = vector.broadcast %add3A_2788 : f32 to vector<16xf32>
        %add3A_2790 = arith.addf %sub3A_2787, %add3A_2789 : vector<16xf32>
        %div3A_2791 = arith.divf %mul3A_2785, %add3A_2790 : vector<16xf32>
        %ge3A_2792 = arith.constant 5.000000e-01 : f32
        %ge3A_2793 = vector.broadcast %ge3A_2792 : f32 to vector<16xf32>
        %ge3A_2794 = arith.cmpf oge, %div3A_2791, %ge3A_2793 : vector<16xf32>
        %broadcast_in_dim3A_2795 = vector.broadcast %select_n3A_1113 : i32 to vector<16xi32>
        %eq3A_2796 = arith.cmpi eq, %add3A_2699, %broadcast_in_dim3A_2795 : vector<16xi32>
        %or3A_2797 = arith.ori %ge3A_2794, %eq3A_2796 : vector<16xi1>
        %and3A_2798 = arith.andi %broadcast_in_dim3A_977, %or3A_2769 : vector<16xi1>
        %or3A_2799 = arith.ori %or3A_2742, %and3A_2798 : vector<16xi1>
        %and3A_2800 = arith.andi %broadcast_in_dim3A_1133, %or3A_2797 : vector<16xi1>
        %or3A_2801 = arith.ori %or3A_2799, %and3A_2800 : vector<16xi1>
        %select_n3A_2802 = arith.select %or3A_2801, %broadcast_in_dim3A_3, %while3A_690 : vector<16xi1>, vector<16xf32>
        %gt3A_2803 = arith.cmpf ogt, %select_n3A_2802, %select_n3A_2684 : vector<16xf32>
        %select_n3A_2804 = arith.select %gt3A_2803, %select_n3A_2802, %select_n3A_2684 : vector<16xi1>, vector<16xf32>
        %select_n3A_2805 = arith.select %gt3A_2803, %add3A_2699, %select_n3A_2685 : vector<16xi1>, vector<16xi32>
        %select_n3A_2806 = arith.select %gt3A_2803, %select_n3A_2684, %select_n3A_2802 : vector<16xi1>, vector<16xf32>
        %select_n3A_2807 = arith.select %gt3A_2803, %select_n3A_2685, %add3A_2699 : vector<16xi1>, vector<16xi32>
        %gt3A_2808 = arith.cmpf ogt, %select_n3A_2806, %select_n3A_2689 : vector<16xf32>
        %select_n3A_2809 = arith.select %gt3A_2808, %select_n3A_2806, %select_n3A_2689 : vector<16xi1>, vector<16xf32>
        %select_n3A_2810 = arith.select %gt3A_2808, %select_n3A_2807, %select_n3A_2690 : vector<16xi1>, vector<16xi32>
        %select_n3A_2811 = arith.select %gt3A_2808, %select_n3A_2689, %select_n3A_2806 : vector<16xi1>, vector<16xf32>
        %select_n3A_2812 = arith.select %gt3A_2808, %select_n3A_2690, %select_n3A_2807 : vector<16xi1>, vector<16xi32>
        %gt3A_2813 = arith.cmpf ogt, %select_n3A_2811, %select_n3A_2694 : vector<16xf32>
        %select_n3A_2814 = arith.select %gt3A_2813, %select_n3A_2811, %select_n3A_2694 : vector<16xi1>, vector<16xf32>
        %select_n3A_2815 = arith.select %gt3A_2813, %select_n3A_2812, %select_n3A_2695 : vector<16xi1>, vector<16xi32>
        %add3A_2816 = arith.constant 224 : i32
        %add3A_2817 = arith.addi %mul3A_2, %add3A_2816 : i32
        %add3A_2818 = vector.broadcast %add3A_2817 : i32 to vector<16xi32>
        %add3A_2819 = arith.addi %iota3A, %add3A_2818 : vector<16xi32>
        %mul3A_2820 = arith.constant 4 : i32
        %mul3A_2821 = vector.broadcast %mul3A_2820 : i32 to vector<16xi32>
        %mul3A_2822 = arith.muli %add3A_2819, %mul3A_2821 : vector<16xi32>
        %gather3A_2823 = tpu.vector_load_idx %arg5[%mul3A_2822] : memref<20480xf32, #tpu.memory_space<vmem>>[vector<16xi32>], vector<16xf32>,
        %add3A_2824 = arith.constant 1 : i32
        %add3A_2825 = vector.broadcast %add3A_2824 : i32 to vector<16xi32>
        %add3A_2826 = arith.addi %mul3A_2822, %add3A_2825 : vector<16xi32>
        %gather3A_2827 = tpu.vector_load_idx %arg5[%add3A_2826] : memref<20480xf32, #tpu.memory_space<vmem>>[vector<16xi32>], vector<16xf32>,
        %add3A_2828 = arith.constant 2 : i32
        %add3A_2829 = vector.broadcast %add3A_2828 : i32 to vector<16xi32>
        %add3A_2830 = arith.addi %mul3A_2822, %add3A_2829 : vector<16xi32>
        %gather3A_2831 = tpu.vector_load_idx %arg5[%add3A_2830] : memref<20480xf32, #tpu.memory_space<vmem>>[vector<16xi32>], vector<16xf32>,
        %add3A_2832 = arith.constant 3 : i32
        %add3A_2833 = vector.broadcast %add3A_2832 : i32 to vector<16xi32>
        %add3A_2834 = arith.addi %mul3A_2822, %add3A_2833 : vector<16xi32>
        %gather3A_2835 = tpu.vector_load_idx %arg5[%add3A_2834] : memref<20480xf32, #tpu.memory_space<vmem>>[vector<16xi32>], vector<16xf32>,
        %sub3A_2836 = arith.subf %gather3A_2831, %gather3A_2823 : vector<16xf32>
        %sub3A_2837 = arith.subf %gather3A_2835, %gather3A_2827 : vector<16xf32>
        %mul3A_2838 = arith.mulf %sub3A_2836, %sub3A_2837 : vector<16xf32>
        %min3A_2839 = arith.minimumf %gather3A_775, %gather3A_2831 : vector<16xf32>
        %max3A_2840 = arith.maximumf %gather3A_767, %gather3A_2823 : vector<16xf32>
        %sub3A_2841 = arith.subf %min3A_2839, %max3A_2840 : vector<16xf32>
        %max3A_2842 = arith.constant 0.000000e+00 : f32
        %max3A_2843 = vector.broadcast %max3A_2842 : f32 to vector<16xf32>
        %max3A_2844 = arith.maximumf %sub3A_2841, %max3A_2843 : vector<16xf32>
        %min3A_2845 = arith.minimumf %gather3A_779, %gather3A_2835 : vector<16xf32>
        %max3A_2846 = arith.maximumf %gather3A_771, %gather3A_2827 : vector<16xf32>
        %sub3A_2847 = arith.subf %min3A_2845, %max3A_2846 : vector<16xf32>
        %max3A_2848 = arith.constant 0.000000e+00 : f32
        %max3A_2849 = vector.broadcast %max3A_2848 : f32 to vector<16xf32>
        %max3A_2850 = arith.maximumf %sub3A_2847, %max3A_2849 : vector<16xf32>
        %mul3A_2851 = arith.mulf %max3A_2844, %max3A_2850 : vector<16xf32>
        %add3A_2852 = arith.addf %mul3A_781, %mul3A_2838 : vector<16xf32>
        %sub3A_2853 = arith.subf %add3A_2852, %mul3A_2851 : vector<16xf32>
        %add3A_2854 = arith.constant 9.99999993E-9 : f32
        %add3A_2855 = vector.broadcast %add3A_2854 : f32 to vector<16xf32>
        %add3A_2856 = arith.addf %sub3A_2853, %add3A_2855 : vector<16xf32>
        %div3A_2857 = arith.divf %mul3A_2851, %add3A_2856 : vector<16xf32>
        %ge3A_2858 = arith.constant 5.000000e-01 : f32
        %ge3A_2859 = vector.broadcast %ge3A_2858 : f32 to vector<16xf32>
        %ge3A_2860 = arith.cmpf oge, %div3A_2857, %ge3A_2859 : vector<16xf32>
        %eq3A_2861 = arith.cmpi eq, %add3A_2819, %broadcast_in_dim3A_782 : vector<16xi32>
        %or3A_2862 = arith.ori %ge3A_2860, %eq3A_2861 : vector<16xi1>
        %sub3A_2863 = arith.subf %gather3A_2831, %gather3A_2823 : vector<16xf32>
        %sub3A_2864 = arith.subf %gather3A_2835, %gather3A_2827 : vector<16xf32>
        %mul3A_2865 = arith.mulf %sub3A_2863, %sub3A_2864 : vector<16xf32>
        %min3A_2866 = arith.minimumf %gather3A_969, %gather3A_2831 : vector<16xf32>
        %max3A_2867 = arith.maximumf %gather3A_961, %gather3A_2823 : vector<16xf32>
        %sub3A_2868 = arith.subf %min3A_2866, %max3A_2867 : vector<16xf32>
        %max3A_2869 = arith.constant 0.000000e+00 : f32
        %max3A_2870 = vector.broadcast %max3A_2869 : f32 to vector<16xf32>
        %max3A_2871 = arith.maximumf %sub3A_2868, %max3A_2870 : vector<16xf32>
        %min3A_2872 = arith.minimumf %gather3A_973, %gather3A_2835 : vector<16xf32>
        %max3A_2873 = arith.maximumf %gather3A_965, %gather3A_2827 : vector<16xf32>
        %sub3A_2874 = arith.subf %min3A_2872, %max3A_2873 : vector<16xf32>
        %max3A_2875 = arith.constant 0.000000e+00 : f32
        %max3A_2876 = vector.broadcast %max3A_2875 : f32 to vector<16xf32>
        %max3A_2877 = arith.maximumf %sub3A_2874, %max3A_2876 : vector<16xf32>
        %mul3A_2878 = arith.mulf %max3A_2871, %max3A_2877 : vector<16xf32>
        %add3A_2879 = arith.addf %mul3A_976, %mul3A_2865 : vector<16xf32>
        %sub3A_2880 = arith.subf %add3A_2879, %mul3A_2878 : vector<16xf32>
        %add3A_2881 = arith.constant 9.99999993E-9 : f32
        %add3A_2882 = vector.broadcast %add3A_2881 : f32 to vector<16xf32>
        %add3A_2883 = arith.addf %sub3A_2880, %add3A_2882 : vector<16xf32>
        %div3A_2884 = arith.divf %mul3A_2878, %add3A_2883 : vector<16xf32>
        %ge3A_2885 = arith.constant 5.000000e-01 : f32
        %ge3A_2886 = vector.broadcast %ge3A_2885 : f32 to vector<16xf32>
        %ge3A_2887 = arith.cmpf oge, %div3A_2884, %ge3A_2886 : vector<16xf32>
        %eq3A_2888 = arith.cmpi eq, %add3A_2819, %broadcast_in_dim3A_978 : vector<16xi32>
        %or3A_2889 = arith.ori %ge3A_2887, %eq3A_2888 : vector<16xi1>
        %sub3A_2890 = arith.subf %gather3A_2831, %gather3A_2823 : vector<16xf32>
        %sub3A_2891 = arith.subf %gather3A_2835, %gather3A_2827 : vector<16xf32>
        %mul3A_2892 = arith.mulf %sub3A_2890, %sub3A_2891 : vector<16xf32>
        %min3A_2893 = arith.minimumf %gather3A_1125, %gather3A_2831 : vector<16xf32>
        %max3A_2894 = arith.maximumf %gather3A_1117, %gather3A_2823 : vector<16xf32>
        %sub3A_2895 = arith.subf %min3A_2893, %max3A_2894 : vector<16xf32>
        %max3A_2896 = arith.constant 0.000000e+00 : f32
        %max3A_2897 = vector.broadcast %max3A_2896 : f32 to vector<16xf32>
        %max3A_2898 = arith.maximumf %sub3A_2895, %max3A_2897 : vector<16xf32>
        %min3A_2899 = arith.minimumf %gather3A_1129, %gather3A_2835 : vector<16xf32>
        %max3A_2900 = arith.maximumf %gather3A_1121, %gather3A_2827 : vector<16xf32>
        %sub3A_2901 = arith.subf %min3A_2899, %max3A_2900 : vector<16xf32>
        %max3A_2902 = arith.constant 0.000000e+00 : f32
        %max3A_2903 = vector.broadcast %max3A_2902 : f32 to vector<16xf32>
        %max3A_2904 = arith.maximumf %sub3A_2901, %max3A_2903 : vector<16xf32>
        %mul3A_2905 = arith.mulf %max3A_2898, %max3A_2904 : vector<16xf32>
        %add3A_2906 = arith.addf %mul3A_1132, %mul3A_2892 : vector<16xf32>
        %sub3A_2907 = arith.subf %add3A_2906, %mul3A_2905 : vector<16xf32>
        %add3A_2908 = arith.constant 9.99999993E-9 : f32
        %add3A_2909 = vector.broadcast %add3A_2908 : f32 to vector<16xf32>
        %add3A_2910 = arith.addf %sub3A_2907, %add3A_2909 : vector<16xf32>
        %div3A_2911 = arith.divf %mul3A_2905, %add3A_2910 : vector<16xf32>
        %ge3A_2912 = arith.constant 5.000000e-01 : f32
        %ge3A_2913 = vector.broadcast %ge3A_2912 : f32 to vector<16xf32>
        %ge3A_2914 = arith.cmpf oge, %div3A_2911, %ge3A_2913 : vector<16xf32>
        %broadcast_in_dim3A_2915 = vector.broadcast %select_n3A_1113 : i32 to vector<16xi32>
        %eq3A_2916 = arith.cmpi eq, %add3A_2819, %broadcast_in_dim3A_2915 : vector<16xi32>
        %or3A_2917 = arith.ori %ge3A_2914, %eq3A_2916 : vector<16xi1>
        %and3A_2918 = arith.andi %broadcast_in_dim3A_977, %or3A_2889 : vector<16xi1>
        %or3A_2919 = arith.ori %or3A_2862, %and3A_2918 : vector<16xi1>
        %and3A_2920 = arith.andi %broadcast_in_dim3A_1133, %or3A_2917 : vector<16xi1>
        %or3A_2921 = arith.ori %or3A_2919, %and3A_2920 : vector<16xi1>
        %select_n3A_2922 = arith.select %or3A_2921, %broadcast_in_dim3A_3, %while3A_691 : vector<16xi1>, vector<16xf32>
        %gt3A_2923 = arith.cmpf ogt, %select_n3A_2922, %select_n3A_2804 : vector<16xf32>
        %select_n3A_2924 = arith.select %gt3A_2923, %select_n3A_2922, %select_n3A_2804 : vector<16xi1>, vector<16xf32>
        %select_n3A_2925 = arith.select %gt3A_2923, %add3A_2819, %select_n3A_2805 : vector<16xi1>, vector<16xi32>
        %select_n3A_2926 = arith.select %gt3A_2923, %select_n3A_2804, %select_n3A_2922 : vector<16xi1>, vector<16xf32>
        %select_n3A_2927 = arith.select %gt3A_2923, %select_n3A_2805, %add3A_2819 : vector<16xi1>, vector<16xi32>
        %gt3A_2928 = arith.cmpf ogt, %select_n3A_2926, %select_n3A_2809 : vector<16xf32>
        %select_n3A_2929 = arith.select %gt3A_2928, %select_n3A_2926, %select_n3A_2809 : vector<16xi1>, vector<16xf32>
        %select_n3A_2930 = arith.select %gt3A_2928, %select_n3A_2927, %select_n3A_2810 : vector<16xi1>, vector<16xi32>
        %select_n3A_2931 = arith.select %gt3A_2928, %select_n3A_2809, %select_n3A_2926 : vector<16xi1>, vector<16xf32>
        %select_n3A_2932 = arith.select %gt3A_2928, %select_n3A_2810, %select_n3A_2927 : vector<16xi1>, vector<16xi32>
        %gt3A_2933 = arith.cmpf ogt, %select_n3A_2931, %select_n3A_2814 : vector<16xf32>
        %select_n3A_2934 = arith.select %gt3A_2933, %select_n3A_2931, %select_n3A_2814 : vector<16xi1>, vector<16xf32>
        %select_n3A_2935 = arith.select %gt3A_2933, %select_n3A_2932, %select_n3A_2815 : vector<16xi1>, vector<16xi32>
        %add3A_2936 = arith.constant 240 : i32
        %add3A_2937 = arith.addi %mul3A_2, %add3A_2936 : i32
        %add3A_2938 = vector.broadcast %add3A_2937 : i32 to vector<16xi32>
        %add3A_2939 = arith.addi %iota3A, %add3A_2938 : vector<16xi32>
        %mul3A_2940 = arith.constant 4 : i32
        %mul3A_2941 = vector.broadcast %mul3A_2940 : i32 to vector<16xi32>
        %mul3A_2942 = arith.muli %add3A_2939, %mul3A_2941 : vector<16xi32>
        %gather3A_2943 = tpu.vector_load_idx %arg5[%mul3A_2942] : memref<20480xf32, #tpu.memory_space<vmem>>[vector<16xi32>], vector<16xf32>,
        %add3A_2944 = arith.constant 1 : i32
        %add3A_2945 = vector.broadcast %add3A_2944 : i32 to vector<16xi32>
        %add3A_2946 = arith.addi %mul3A_2942, %add3A_2945 : vector<16xi32>
        %gather3A_2947 = tpu.vector_load_idx %arg5[%add3A_2946] : memref<20480xf32, #tpu.memory_space<vmem>>[vector<16xi32>], vector<16xf32>,
        %add3A_2948 = arith.constant 2 : i32
        %add3A_2949 = vector.broadcast %add3A_2948 : i32 to vector<16xi32>
        %add3A_2950 = arith.addi %mul3A_2942, %add3A_2949 : vector<16xi32>
        %gather3A_2951 = tpu.vector_load_idx %arg5[%add3A_2950] : memref<20480xf32, #tpu.memory_space<vmem>>[vector<16xi32>], vector<16xf32>,
        %add3A_2952 = arith.constant 3 : i32
        %add3A_2953 = vector.broadcast %add3A_2952 : i32 to vector<16xi32>
        %add3A_2954 = arith.addi %mul3A_2942, %add3A_2953 : vector<16xi32>
        %gather3A_2955 = tpu.vector_load_idx %arg5[%add3A_2954] : memref<20480xf32, #tpu.memory_space<vmem>>[vector<16xi32>], vector<16xf32>,
        %sub3A_2956 = arith.subf %gather3A_2951, %gather3A_2943 : vector<16xf32>
        %sub3A_2957 = arith.subf %gather3A_2955, %gather3A_2947 : vector<16xf32>
        %mul3A_2958 = arith.mulf %sub3A_2956, %sub3A_2957 : vector<16xf32>
        %min3A_2959 = arith.minimumf %gather3A_775, %gather3A_2951 : vector<16xf32>
        %max3A_2960 = arith.maximumf %gather3A_767, %gather3A_2943 : vector<16xf32>
        %sub3A_2961 = arith.subf %min3A_2959, %max3A_2960 : vector<16xf32>
        %max3A_2962 = arith.constant 0.000000e+00 : f32
        %max3A_2963 = vector.broadcast %max3A_2962 : f32 to vector<16xf32>
        %max3A_2964 = arith.maximumf %sub3A_2961, %max3A_2963 : vector<16xf32>
        %min3A_2965 = arith.minimumf %gather3A_779, %gather3A_2955 : vector<16xf32>
        %max3A_2966 = arith.maximumf %gather3A_771, %gather3A_2947 : vector<16xf32>
        %sub3A_2967 = arith.subf %min3A_2965, %max3A_2966 : vector<16xf32>
        %max3A_2968 = arith.constant 0.000000e+00 : f32
        %max3A_2969 = vector.broadcast %max3A_2968 : f32 to vector<16xf32>
        %max3A_2970 = arith.maximumf %sub3A_2967, %max3A_2969 : vector<16xf32>
        %mul3A_2971 = arith.mulf %max3A_2964, %max3A_2970 : vector<16xf32>
        %add3A_2972 = arith.addf %mul3A_781, %mul3A_2958 : vector<16xf32>
        %sub3A_2973 = arith.subf %add3A_2972, %mul3A_2971 : vector<16xf32>
        %add3A_2974 = arith.constant 9.99999993E-9 : f32
        %add3A_2975 = vector.broadcast %add3A_2974 : f32 to vector<16xf32>
        %add3A_2976 = arith.addf %sub3A_2973, %add3A_2975 : vector<16xf32>
        %div3A_2977 = arith.divf %mul3A_2971, %add3A_2976 : vector<16xf32>
        %ge3A_2978 = arith.constant 5.000000e-01 : f32
        %ge3A_2979 = vector.broadcast %ge3A_2978 : f32 to vector<16xf32>
        %ge3A_2980 = arith.cmpf oge, %div3A_2977, %ge3A_2979 : vector<16xf32>
        %eq3A_2981 = arith.cmpi eq, %add3A_2939, %broadcast_in_dim3A_782 : vector<16xi32>
        %or3A_2982 = arith.ori %ge3A_2980, %eq3A_2981 : vector<16xi1>
        %sub3A_2983 = arith.subf %gather3A_2951, %gather3A_2943 : vector<16xf32>
        %sub3A_2984 = arith.subf %gather3A_2955, %gather3A_2947 : vector<16xf32>
        %mul3A_2985 = arith.mulf %sub3A_2983, %sub3A_2984 : vector<16xf32>
        %min3A_2986 = arith.minimumf %gather3A_969, %gather3A_2951 : vector<16xf32>
        %max3A_2987 = arith.maximumf %gather3A_961, %gather3A_2943 : vector<16xf32>
        %sub3A_2988 = arith.subf %min3A_2986, %max3A_2987 : vector<16xf32>
        %max3A_2989 = arith.constant 0.000000e+00 : f32
        %max3A_2990 = vector.broadcast %max3A_2989 : f32 to vector<16xf32>
        %max3A_2991 = arith.maximumf %sub3A_2988, %max3A_2990 : vector<16xf32>
        %min3A_2992 = arith.minimumf %gather3A_973, %gather3A_2955 : vector<16xf32>
        %max3A_2993 = arith.maximumf %gather3A_965, %gather3A_2947 : vector<16xf32>
        %sub3A_2994 = arith.subf %min3A_2992, %max3A_2993 : vector<16xf32>
        %max3A_2995 = arith.constant 0.000000e+00 : f32
        %max3A_2996 = vector.broadcast %max3A_2995 : f32 to vector<16xf32>
        %max3A_2997 = arith.maximumf %sub3A_2994, %max3A_2996 : vector<16xf32>
        %mul3A_2998 = arith.mulf %max3A_2991, %max3A_2997 : vector<16xf32>
        %add3A_2999 = arith.addf %mul3A_976, %mul3A_2985 : vector<16xf32>
        %sub3A_3000 = arith.subf %add3A_2999, %mul3A_2998 : vector<16xf32>
        %add3A_3001 = arith.constant 9.99999993E-9 : f32
        %add3A_3002 = vector.broadcast %add3A_3001 : f32 to vector<16xf32>
        %add3A_3003 = arith.addf %sub3A_3000, %add3A_3002 : vector<16xf32>
        %div3A_3004 = arith.divf %mul3A_2998, %add3A_3003 : vector<16xf32>
        %ge3A_3005 = arith.constant 5.000000e-01 : f32
        %ge3A_3006 = vector.broadcast %ge3A_3005 : f32 to vector<16xf32>
        %ge3A_3007 = arith.cmpf oge, %div3A_3004, %ge3A_3006 : vector<16xf32>
        %eq3A_3008 = arith.cmpi eq, %add3A_2939, %broadcast_in_dim3A_978 : vector<16xi32>
        %or3A_3009 = arith.ori %ge3A_3007, %eq3A_3008 : vector<16xi1>
        %sub3A_3010 = arith.subf %gather3A_2951, %gather3A_2943 : vector<16xf32>
        %sub3A_3011 = arith.subf %gather3A_2955, %gather3A_2947 : vector<16xf32>
        %mul3A_3012 = arith.mulf %sub3A_3010, %sub3A_3011 : vector<16xf32>
        %min3A_3013 = arith.minimumf %gather3A_1125, %gather3A_2951 : vector<16xf32>
        %max3A_3014 = arith.maximumf %gather3A_1117, %gather3A_2943 : vector<16xf32>
        %sub3A_3015 = arith.subf %min3A_3013, %max3A_3014 : vector<16xf32>
        %max3A_3016 = arith.constant 0.000000e+00 : f32
        %max3A_3017 = vector.broadcast %max3A_3016 : f32 to vector<16xf32>
        %max3A_3018 = arith.maximumf %sub3A_3015, %max3A_3017 : vector<16xf32>
        %min3A_3019 = arith.minimumf %gather3A_1129, %gather3A_2955 : vector<16xf32>
        %max3A_3020 = arith.maximumf %gather3A_1121, %gather3A_2947 : vector<16xf32>
        %sub3A_3021 = arith.subf %min3A_3019, %max3A_3020 : vector<16xf32>
        %max3A_3022 = arith.constant 0.000000e+00 : f32
        %max3A_3023 = vector.broadcast %max3A_3022 : f32 to vector<16xf32>
        %max3A_3024 = arith.maximumf %sub3A_3021, %max3A_3023 : vector<16xf32>
        %mul3A_3025 = arith.mulf %max3A_3018, %max3A_3024 : vector<16xf32>
        %add3A_3026 = arith.addf %mul3A_1132, %mul3A_3012 : vector<16xf32>
        %sub3A_3027 = arith.subf %add3A_3026, %mul3A_3025 : vector<16xf32>
        %add3A_3028 = arith.constant 9.99999993E-9 : f32
        %add3A_3029 = vector.broadcast %add3A_3028 : f32 to vector<16xf32>
        %add3A_3030 = arith.addf %sub3A_3027, %add3A_3029 : vector<16xf32>
        %div3A_3031 = arith.divf %mul3A_3025, %add3A_3030 : vector<16xf32>
        %ge3A_3032 = arith.constant 5.000000e-01 : f32
        %ge3A_3033 = vector.broadcast %ge3A_3032 : f32 to vector<16xf32>
        %ge3A_3034 = arith.cmpf oge, %div3A_3031, %ge3A_3033 : vector<16xf32>
        %broadcast_in_dim3A_3035 = vector.broadcast %select_n3A_1113 : i32 to vector<16xi32>
        %eq3A_3036 = arith.cmpi eq, %add3A_2939, %broadcast_in_dim3A_3035 : vector<16xi32>
        %or3A_3037 = arith.ori %ge3A_3034, %eq3A_3036 : vector<16xi1>
        %and3A_3038 = arith.andi %broadcast_in_dim3A_977, %or3A_3009 : vector<16xi1>
        %or3A_3039 = arith.ori %or3A_2982, %and3A_3038 : vector<16xi1>
        %and3A_3040 = arith.andi %broadcast_in_dim3A_1133, %or3A_3037 : vector<16xi1>
        %or3A_3041 = arith.ori %or3A_3039, %and3A_3040 : vector<16xi1>
        %select_n3A_3042 = arith.select %or3A_3041, %broadcast_in_dim3A_3, %while3A_692 : vector<16xi1>, vector<16xf32>
        %gt3A_3043 = arith.cmpf ogt, %select_n3A_3042, %select_n3A_2924 : vector<16xf32>
        %select_n3A_3044 = arith.select %gt3A_3043, %select_n3A_3042, %select_n3A_2924 : vector<16xi1>, vector<16xf32>
        %select_n3A_3045 = arith.select %gt3A_3043, %add3A_2939, %select_n3A_2925 : vector<16xi1>, vector<16xi32>
        %select_n3A_3046 = arith.select %gt3A_3043, %select_n3A_2924, %select_n3A_3042 : vector<16xi1>, vector<16xf32>
        %select_n3A_3047 = arith.select %gt3A_3043, %select_n3A_2925, %add3A_2939 : vector<16xi1>, vector<16xi32>
        %gt3A_3048 = arith.cmpf ogt, %select_n3A_3046, %select_n3A_2929 : vector<16xf32>
        %select_n3A_3049 = arith.select %gt3A_3048, %select_n3A_3046, %select_n3A_2929 : vector<16xi1>, vector<16xf32>
        %select_n3A_3050 = arith.select %gt3A_3048, %select_n3A_3047, %select_n3A_2930 : vector<16xi1>, vector<16xi32>
        %select_n3A_3051 = arith.select %gt3A_3048, %select_n3A_2929, %select_n3A_3046 : vector<16xi1>, vector<16xf32>
        %select_n3A_3052 = arith.select %gt3A_3048, %select_n3A_2930, %select_n3A_3047 : vector<16xi1>, vector<16xi32>
        %gt3A_3053 = arith.cmpf ogt, %select_n3A_3051, %select_n3A_2934 : vector<16xf32>
        %select_n3A_3054 = arith.select %gt3A_3053, %select_n3A_3051, %select_n3A_2934 : vector<16xi1>, vector<16xf32>
        %select_n3A_3055 = arith.select %gt3A_3053, %select_n3A_3052, %select_n3A_2935 : vector<16xi1>, vector<16xi32>
        %add3A_3056 = arith.constant 256 : i32
        %add3A_3057 = arith.addi %mul3A_2, %add3A_3056 : i32
        %add3A_3058 = vector.broadcast %add3A_3057 : i32 to vector<16xi32>
        %add3A_3059 = arith.addi %iota3A, %add3A_3058 : vector<16xi32>
        %mul3A_3060 = arith.constant 4 : i32
        %mul3A_3061 = vector.broadcast %mul3A_3060 : i32 to vector<16xi32>
        %mul3A_3062 = arith.muli %add3A_3059, %mul3A_3061 : vector<16xi32>
        %gather3A_3063 = tpu.vector_load_idx %arg5[%mul3A_3062] : memref<20480xf32, #tpu.memory_space<vmem>>[vector<16xi32>], vector<16xf32>,
        %add3A_3064 = arith.constant 1 : i32
        %add3A_3065 = vector.broadcast %add3A_3064 : i32 to vector<16xi32>
        %add3A_3066 = arith.addi %mul3A_3062, %add3A_3065 : vector<16xi32>
        %gather3A_3067 = tpu.vector_load_idx %arg5[%add3A_3066] : memref<20480xf32, #tpu.memory_space<vmem>>[vector<16xi32>], vector<16xf32>,
        %add3A_3068 = arith.constant 2 : i32
        %add3A_3069 = vector.broadcast %add3A_3068 : i32 to vector<16xi32>
        %add3A_3070 = arith.addi %mul3A_3062, %add3A_3069 : vector<16xi32>
        %gather3A_3071 = tpu.vector_load_idx %arg5[%add3A_3070] : memref<20480xf32, #tpu.memory_space<vmem>>[vector<16xi32>], vector<16xf32>,
        %add3A_3072 = arith.constant 3 : i32
        %add3A_3073 = vector.broadcast %add3A_3072 : i32 to vector<16xi32>
        %add3A_3074 = arith.addi %mul3A_3062, %add3A_3073 : vector<16xi32>
        %gather3A_3075 = tpu.vector_load_idx %arg5[%add3A_3074] : memref<20480xf32, #tpu.memory_space<vmem>>[vector<16xi32>], vector<16xf32>,
        %sub3A_3076 = arith.subf %gather3A_3071, %gather3A_3063 : vector<16xf32>
        %sub3A_3077 = arith.subf %gather3A_3075, %gather3A_3067 : vector<16xf32>
        %mul3A_3078 = arith.mulf %sub3A_3076, %sub3A_3077 : vector<16xf32>
        %min3A_3079 = arith.minimumf %gather3A_775, %gather3A_3071 : vector<16xf32>
        %max3A_3080 = arith.maximumf %gather3A_767, %gather3A_3063 : vector<16xf32>
        %sub3A_3081 = arith.subf %min3A_3079, %max3A_3080 : vector<16xf32>
        %max3A_3082 = arith.constant 0.000000e+00 : f32
        %max3A_3083 = vector.broadcast %max3A_3082 : f32 to vector<16xf32>
        %max3A_3084 = arith.maximumf %sub3A_3081, %max3A_3083 : vector<16xf32>
        %min3A_3085 = arith.minimumf %gather3A_779, %gather3A_3075 : vector<16xf32>
        %max3A_3086 = arith.maximumf %gather3A_771, %gather3A_3067 : vector<16xf32>
        %sub3A_3087 = arith.subf %min3A_3085, %max3A_3086 : vector<16xf32>
        %max3A_3088 = arith.constant 0.000000e+00 : f32
        %max3A_3089 = vector.broadcast %max3A_3088 : f32 to vector<16xf32>
        %max3A_3090 = arith.maximumf %sub3A_3087, %max3A_3089 : vector<16xf32>
        %mul3A_3091 = arith.mulf %max3A_3084, %max3A_3090 : vector<16xf32>
        %add3A_3092 = arith.addf %mul3A_781, %mul3A_3078 : vector<16xf32>
        %sub3A_3093 = arith.subf %add3A_3092, %mul3A_3091 : vector<16xf32>
        %add3A_3094 = arith.constant 9.99999993E-9 : f32
        %add3A_3095 = vector.broadcast %add3A_3094 : f32 to vector<16xf32>
        %add3A_3096 = arith.addf %sub3A_3093, %add3A_3095 : vector<16xf32>
        %div3A_3097 = arith.divf %mul3A_3091, %add3A_3096 : vector<16xf32>
        %ge3A_3098 = arith.constant 5.000000e-01 : f32
        %ge3A_3099 = vector.broadcast %ge3A_3098 : f32 to vector<16xf32>
        %ge3A_3100 = arith.cmpf oge, %div3A_3097, %ge3A_3099 : vector<16xf32>
        %eq3A_3101 = arith.cmpi eq, %add3A_3059, %broadcast_in_dim3A_782 : vector<16xi32>
        %or3A_3102 = arith.ori %ge3A_3100, %eq3A_3101 : vector<16xi1>
        %sub3A_3103 = arith.subf %gather3A_3071, %gather3A_3063 : vector<16xf32>
        %sub3A_3104 = arith.subf %gather3A_3075, %gather3A_3067 : vector<16xf32>
        %mul3A_3105 = arith.mulf %sub3A_3103, %sub3A_3104 : vector<16xf32>
        %min3A_3106 = arith.minimumf %gather3A_969, %gather3A_3071 : vector<16xf32>
        %max3A_3107 = arith.maximumf %gather3A_961, %gather3A_3063 : vector<16xf32>
        %sub3A_3108 = arith.subf %min3A_3106, %max3A_3107 : vector<16xf32>
        %max3A_3109 = arith.constant 0.000000e+00 : f32
        %max3A_3110 = vector.broadcast %max3A_3109 : f32 to vector<16xf32>
        %max3A_3111 = arith.maximumf %sub3A_3108, %max3A_3110 : vector<16xf32>
        %min3A_3112 = arith.minimumf %gather3A_973, %gather3A_3075 : vector<16xf32>
        %max3A_3113 = arith.maximumf %gather3A_965, %gather3A_3067 : vector<16xf32>
        %sub3A_3114 = arith.subf %min3A_3112, %max3A_3113 : vector<16xf32>
        %max3A_3115 = arith.constant 0.000000e+00 : f32
        %max3A_3116 = vector.broadcast %max3A_3115 : f32 to vector<16xf32>
        %max3A_3117 = arith.maximumf %sub3A_3114, %max3A_3116 : vector<16xf32>
        %mul3A_3118 = arith.mulf %max3A_3111, %max3A_3117 : vector<16xf32>
        %add3A_3119 = arith.addf %mul3A_976, %mul3A_3105 : vector<16xf32>
        %sub3A_3120 = arith.subf %add3A_3119, %mul3A_3118 : vector<16xf32>
        %add3A_3121 = arith.constant 9.99999993E-9 : f32
        %add3A_3122 = vector.broadcast %add3A_3121 : f32 to vector<16xf32>
        %add3A_3123 = arith.addf %sub3A_3120, %add3A_3122 : vector<16xf32>
        %div3A_3124 = arith.divf %mul3A_3118, %add3A_3123 : vector<16xf32>
        %ge3A_3125 = arith.constant 5.000000e-01 : f32
        %ge3A_3126 = vector.broadcast %ge3A_3125 : f32 to vector<16xf32>
        %ge3A_3127 = arith.cmpf oge, %div3A_3124, %ge3A_3126 : vector<16xf32>
        %eq3A_3128 = arith.cmpi eq, %add3A_3059, %broadcast_in_dim3A_978 : vector<16xi32>
        %or3A_3129 = arith.ori %ge3A_3127, %eq3A_3128 : vector<16xi1>
        %sub3A_3130 = arith.subf %gather3A_3071, %gather3A_3063 : vector<16xf32>
        %sub3A_3131 = arith.subf %gather3A_3075, %gather3A_3067 : vector<16xf32>
        %mul3A_3132 = arith.mulf %sub3A_3130, %sub3A_3131 : vector<16xf32>
        %min3A_3133 = arith.minimumf %gather3A_1125, %gather3A_3071 : vector<16xf32>
        %max3A_3134 = arith.maximumf %gather3A_1117, %gather3A_3063 : vector<16xf32>
        %sub3A_3135 = arith.subf %min3A_3133, %max3A_3134 : vector<16xf32>
        %max3A_3136 = arith.constant 0.000000e+00 : f32
        %max3A_3137 = vector.broadcast %max3A_3136 : f32 to vector<16xf32>
        %max3A_3138 = arith.maximumf %sub3A_3135, %max3A_3137 : vector<16xf32>
        %min3A_3139 = arith.minimumf %gather3A_1129, %gather3A_3075 : vector<16xf32>
        %max3A_3140 = arith.maximumf %gather3A_1121, %gather3A_3067 : vector<16xf32>
        %sub3A_3141 = arith.subf %min3A_3139, %max3A_3140 : vector<16xf32>
        %max3A_3142 = arith.constant 0.000000e+00 : f32
        %max3A_3143 = vector.broadcast %max3A_3142 : f32 to vector<16xf32>
        %max3A_3144 = arith.maximumf %sub3A_3141, %max3A_3143 : vector<16xf32>
        %mul3A_3145 = arith.mulf %max3A_3138, %max3A_3144 : vector<16xf32>
        %add3A_3146 = arith.addf %mul3A_1132, %mul3A_3132 : vector<16xf32>
        %sub3A_3147 = arith.subf %add3A_3146, %mul3A_3145 : vector<16xf32>
        %add3A_3148 = arith.constant 9.99999993E-9 : f32
        %add3A_3149 = vector.broadcast %add3A_3148 : f32 to vector<16xf32>
        %add3A_3150 = arith.addf %sub3A_3147, %add3A_3149 : vector<16xf32>
        %div3A_3151 = arith.divf %mul3A_3145, %add3A_3150 : vector<16xf32>
        %ge3A_3152 = arith.constant 5.000000e-01 : f32
        %ge3A_3153 = vector.broadcast %ge3A_3152 : f32 to vector<16xf32>
        %ge3A_3154 = arith.cmpf oge, %div3A_3151, %ge3A_3153 : vector<16xf32>
        %broadcast_in_dim3A_3155 = vector.broadcast %select_n3A_1113 : i32 to vector<16xi32>
        %eq3A_3156 = arith.cmpi eq, %add3A_3059, %broadcast_in_dim3A_3155 : vector<16xi32>
        %or3A_3157 = arith.ori %ge3A_3154, %eq3A_3156 : vector<16xi1>
        %and3A_3158 = arith.andi %broadcast_in_dim3A_977, %or3A_3129 : vector<16xi1>
        %or3A_3159 = arith.ori %or3A_3102, %and3A_3158 : vector<16xi1>
        %and3A_3160 = arith.andi %broadcast_in_dim3A_1133, %or3A_3157 : vector<16xi1>
        %or3A_3161 = arith.ori %or3A_3159, %and3A_3160 : vector<16xi1>
        %select_n3A_3162 = arith.select %or3A_3161, %broadcast_in_dim3A_3, %while3A_693 : vector<16xi1>, vector<16xf32>
        %gt3A_3163 = arith.cmpf ogt, %select_n3A_3162, %select_n3A_3044 : vector<16xf32>
        %select_n3A_3164 = arith.select %gt3A_3163, %select_n3A_3162, %select_n3A_3044 : vector<16xi1>, vector<16xf32>
        %select_n3A_3165 = arith.select %gt3A_3163, %add3A_3059, %select_n3A_3045 : vector<16xi1>, vector<16xi32>
        %select_n3A_3166 = arith.select %gt3A_3163, %select_n3A_3044, %select_n3A_3162 : vector<16xi1>, vector<16xf32>
        %select_n3A_3167 = arith.select %gt3A_3163, %select_n3A_3045, %add3A_3059 : vector<16xi1>, vector<16xi32>
        %gt3A_3168 = arith.cmpf ogt, %select_n3A_3166, %select_n3A_3049 : vector<16xf32>
        %select_n3A_3169 = arith.select %gt3A_3168, %select_n3A_3166, %select_n3A_3049 : vector<16xi1>, vector<16xf32>
        %select_n3A_3170 = arith.select %gt3A_3168, %select_n3A_3167, %select_n3A_3050 : vector<16xi1>, vector<16xi32>
        %select_n3A_3171 = arith.select %gt3A_3168, %select_n3A_3049, %select_n3A_3166 : vector<16xi1>, vector<16xf32>
        %select_n3A_3172 = arith.select %gt3A_3168, %select_n3A_3050, %select_n3A_3167 : vector<16xi1>, vector<16xi32>
        %gt3A_3173 = arith.cmpf ogt, %select_n3A_3171, %select_n3A_3054 : vector<16xf32>
        %select_n3A_3174 = arith.select %gt3A_3173, %select_n3A_3171, %select_n3A_3054 : vector<16xi1>, vector<16xf32>
        %select_n3A_3175 = arith.select %gt3A_3173, %select_n3A_3172, %select_n3A_3055 : vector<16xi1>, vector<16xi32>
        %add3A_3176 = arith.constant 272 : i32
        %add3A_3177 = arith.addi %mul3A_2, %add3A_3176 : i32
        %add3A_3178 = vector.broadcast %add3A_3177 : i32 to vector<16xi32>
        %add3A_3179 = arith.addi %iota3A, %add3A_3178 : vector<16xi32>
        %mul3A_3180 = arith.constant 4 : i32
        %mul3A_3181 = vector.broadcast %mul3A_3180 : i32 to vector<16xi32>
        %mul3A_3182 = arith.muli %add3A_3179, %mul3A_3181 : vector<16xi32>
        %gather3A_3183 = tpu.vector_load_idx %arg5[%mul3A_3182] : memref<20480xf32, #tpu.memory_space<vmem>>[vector<16xi32>], vector<16xf32>,
        %add3A_3184 = arith.constant 1 : i32
        %add3A_3185 = vector.broadcast %add3A_3184 : i32 to vector<16xi32>
        %add3A_3186 = arith.addi %mul3A_3182, %add3A_3185 : vector<16xi32>
        %gather3A_3187 = tpu.vector_load_idx %arg5[%add3A_3186] : memref<20480xf32, #tpu.memory_space<vmem>>[vector<16xi32>], vector<16xf32>,
        %add3A_3188 = arith.constant 2 : i32
        %add3A_3189 = vector.broadcast %add3A_3188 : i32 to vector<16xi32>
        %add3A_3190 = arith.addi %mul3A_3182, %add3A_3189 : vector<16xi32>
        %gather3A_3191 = tpu.vector_load_idx %arg5[%add3A_3190] : memref<20480xf32, #tpu.memory_space<vmem>>[vector<16xi32>], vector<16xf32>,
        %add3A_3192 = arith.constant 3 : i32
        %add3A_3193 = vector.broadcast %add3A_3192 : i32 to vector<16xi32>
        %add3A_3194 = arith.addi %mul3A_3182, %add3A_3193 : vector<16xi32>
        %gather3A_3195 = tpu.vector_load_idx %arg5[%add3A_3194] : memref<20480xf32, #tpu.memory_space<vmem>>[vector<16xi32>], vector<16xf32>,
        %sub3A_3196 = arith.subf %gather3A_3191, %gather3A_3183 : vector<16xf32>
        %sub3A_3197 = arith.subf %gather3A_3195, %gather3A_3187 : vector<16xf32>
        %mul3A_3198 = arith.mulf %sub3A_3196, %sub3A_3197 : vector<16xf32>
        %min3A_3199 = arith.minimumf %gather3A_775, %gather3A_3191 : vector<16xf32>
        %max3A_3200 = arith.maximumf %gather3A_767, %gather3A_3183 : vector<16xf32>
        %sub3A_3201 = arith.subf %min3A_3199, %max3A_3200 : vector<16xf32>
        %max3A_3202 = arith.constant 0.000000e+00 : f32
        %max3A_3203 = vector.broadcast %max3A_3202 : f32 to vector<16xf32>
        %max3A_3204 = arith.maximumf %sub3A_3201, %max3A_3203 : vector<16xf32>
        %min3A_3205 = arith.minimumf %gather3A_779, %gather3A_3195 : vector<16xf32>
        %max3A_3206 = arith.maximumf %gather3A_771, %gather3A_3187 : vector<16xf32>
        %sub3A_3207 = arith.subf %min3A_3205, %max3A_3206 : vector<16xf32>
        %max3A_3208 = arith.constant 0.000000e+00 : f32
        %max3A_3209 = vector.broadcast %max3A_3208 : f32 to vector<16xf32>
        %max3A_3210 = arith.maximumf %sub3A_3207, %max3A_3209 : vector<16xf32>
        %mul3A_3211 = arith.mulf %max3A_3204, %max3A_3210 : vector<16xf32>
        %add3A_3212 = arith.addf %mul3A_781, %mul3A_3198 : vector<16xf32>
        %sub3A_3213 = arith.subf %add3A_3212, %mul3A_3211 : vector<16xf32>
        %add3A_3214 = arith.constant 9.99999993E-9 : f32
        %add3A_3215 = vector.broadcast %add3A_3214 : f32 to vector<16xf32>
        %add3A_3216 = arith.addf %sub3A_3213, %add3A_3215 : vector<16xf32>
        %div3A_3217 = arith.divf %mul3A_3211, %add3A_3216 : vector<16xf32>
        %ge3A_3218 = arith.constant 5.000000e-01 : f32
        %ge3A_3219 = vector.broadcast %ge3A_3218 : f32 to vector<16xf32>
        %ge3A_3220 = arith.cmpf oge, %div3A_3217, %ge3A_3219 : vector<16xf32>
        %eq3A_3221 = arith.cmpi eq, %add3A_3179, %broadcast_in_dim3A_782 : vector<16xi32>
        %or3A_3222 = arith.ori %ge3A_3220, %eq3A_3221 : vector<16xi1>
        %sub3A_3223 = arith.subf %gather3A_3191, %gather3A_3183 : vector<16xf32>
        %sub3A_3224 = arith.subf %gather3A_3195, %gather3A_3187 : vector<16xf32>
        %mul3A_3225 = arith.mulf %sub3A_3223, %sub3A_3224 : vector<16xf32>
        %min3A_3226 = arith.minimumf %gather3A_969, %gather3A_3191 : vector<16xf32>
        %max3A_3227 = arith.maximumf %gather3A_961, %gather3A_3183 : vector<16xf32>
        %sub3A_3228 = arith.subf %min3A_3226, %max3A_3227 : vector<16xf32>
        %max3A_3229 = arith.constant 0.000000e+00 : f32
        %max3A_3230 = vector.broadcast %max3A_3229 : f32 to vector<16xf32>
        %max3A_3231 = arith.maximumf %sub3A_3228, %max3A_3230 : vector<16xf32>
        %min3A_3232 = arith.minimumf %gather3A_973, %gather3A_3195 : vector<16xf32>
        %max3A_3233 = arith.maximumf %gather3A_965, %gather3A_3187 : vector<16xf32>
        %sub3A_3234 = arith.subf %min3A_3232, %max3A_3233 : vector<16xf32>
        %max3A_3235 = arith.constant 0.000000e+00 : f32
        %max3A_3236 = vector.broadcast %max3A_3235 : f32 to vector<16xf32>
        %max3A_3237 = arith.maximumf %sub3A_3234, %max3A_3236 : vector<16xf32>
        %mul3A_3238 = arith.mulf %max3A_3231, %max3A_3237 : vector<16xf32>
        %add3A_3239 = arith.addf %mul3A_976, %mul3A_3225 : vector<16xf32>
        %sub3A_3240 = arith.subf %add3A_3239, %mul3A_3238 : vector<16xf32>
        %add3A_3241 = arith.constant 9.99999993E-9 : f32
        %add3A_3242 = vector.broadcast %add3A_3241 : f32 to vector<16xf32>
        %add3A_3243 = arith.addf %sub3A_3240, %add3A_3242 : vector<16xf32>
        %div3A_3244 = arith.divf %mul3A_3238, %add3A_3243 : vector<16xf32>
        %ge3A_3245 = arith.constant 5.000000e-01 : f32
        %ge3A_3246 = vector.broadcast %ge3A_3245 : f32 to vector<16xf32>
        %ge3A_3247 = arith.cmpf oge, %div3A_3244, %ge3A_3246 : vector<16xf32>
        %eq3A_3248 = arith.cmpi eq, %add3A_3179, %broadcast_in_dim3A_978 : vector<16xi32>
        %or3A_3249 = arith.ori %ge3A_3247, %eq3A_3248 : vector<16xi1>
        %sub3A_3250 = arith.subf %gather3A_3191, %gather3A_3183 : vector<16xf32>
        %sub3A_3251 = arith.subf %gather3A_3195, %gather3A_3187 : vector<16xf32>
        %mul3A_3252 = arith.mulf %sub3A_3250, %sub3A_3251 : vector<16xf32>
        %min3A_3253 = arith.minimumf %gather3A_1125, %gather3A_3191 : vector<16xf32>
        %max3A_3254 = arith.maximumf %gather3A_1117, %gather3A_3183 : vector<16xf32>
        %sub3A_3255 = arith.subf %min3A_3253, %max3A_3254 : vector<16xf32>
        %max3A_3256 = arith.constant 0.000000e+00 : f32
        %max3A_3257 = vector.broadcast %max3A_3256 : f32 to vector<16xf32>
        %max3A_3258 = arith.maximumf %sub3A_3255, %max3A_3257 : vector<16xf32>
        %min3A_3259 = arith.minimumf %gather3A_1129, %gather3A_3195 : vector<16xf32>
        %max3A_3260 = arith.maximumf %gather3A_1121, %gather3A_3187 : vector<16xf32>
        %sub3A_3261 = arith.subf %min3A_3259, %max3A_3260 : vector<16xf32>
        %max3A_3262 = arith.constant 0.000000e+00 : f32
        %max3A_3263 = vector.broadcast %max3A_3262 : f32 to vector<16xf32>
        %max3A_3264 = arith.maximumf %sub3A_3261, %max3A_3263 : vector<16xf32>
        %mul3A_3265 = arith.mulf %max3A_3258, %max3A_3264 : vector<16xf32>
        %add3A_3266 = arith.addf %mul3A_1132, %mul3A_3252 : vector<16xf32>
        %sub3A_3267 = arith.subf %add3A_3266, %mul3A_3265 : vector<16xf32>
        %add3A_3268 = arith.constant 9.99999993E-9 : f32
        %add3A_3269 = vector.broadcast %add3A_3268 : f32 to vector<16xf32>
        %add3A_3270 = arith.addf %sub3A_3267, %add3A_3269 : vector<16xf32>
        %div3A_3271 = arith.divf %mul3A_3265, %add3A_3270 : vector<16xf32>
        %ge3A_3272 = arith.constant 5.000000e-01 : f32
        %ge3A_3273 = vector.broadcast %ge3A_3272 : f32 to vector<16xf32>
        %ge3A_3274 = arith.cmpf oge, %div3A_3271, %ge3A_3273 : vector<16xf32>
        %broadcast_in_dim3A_3275 = vector.broadcast %select_n3A_1113 : i32 to vector<16xi32>
        %eq3A_3276 = arith.cmpi eq, %add3A_3179, %broadcast_in_dim3A_3275 : vector<16xi32>
        %or3A_3277 = arith.ori %ge3A_3274, %eq3A_3276 : vector<16xi1>
        %and3A_3278 = arith.andi %broadcast_in_dim3A_977, %or3A_3249 : vector<16xi1>
        %or3A_3279 = arith.ori %or3A_3222, %and3A_3278 : vector<16xi1>
        %and3A_3280 = arith.andi %broadcast_in_dim3A_1133, %or3A_3277 : vector<16xi1>
        %or3A_3281 = arith.ori %or3A_3279, %and3A_3280 : vector<16xi1>
        %select_n3A_3282 = arith.select %or3A_3281, %broadcast_in_dim3A_3, %while3A_694 : vector<16xi1>, vector<16xf32>
        %gt3A_3283 = arith.cmpf ogt, %select_n3A_3282, %select_n3A_3164 : vector<16xf32>
        %select_n3A_3284 = arith.select %gt3A_3283, %select_n3A_3282, %select_n3A_3164 : vector<16xi1>, vector<16xf32>
        %select_n3A_3285 = arith.select %gt3A_3283, %add3A_3179, %select_n3A_3165 : vector<16xi1>, vector<16xi32>
        %select_n3A_3286 = arith.select %gt3A_3283, %select_n3A_3164, %select_n3A_3282 : vector<16xi1>, vector<16xf32>
        %select_n3A_3287 = arith.select %gt3A_3283, %select_n3A_3165, %add3A_3179 : vector<16xi1>, vector<16xi32>
        %gt3A_3288 = arith.cmpf ogt, %select_n3A_3286, %select_n3A_3169 : vector<16xf32>
        %select_n3A_3289 = arith.select %gt3A_3288, %select_n3A_3286, %select_n3A_3169 : vector<16xi1>, vector<16xf32>
        %select_n3A_3290 = arith.select %gt3A_3288, %select_n3A_3287, %select_n3A_3170 : vector<16xi1>, vector<16xi32>
        %select_n3A_3291 = arith.select %gt3A_3288, %select_n3A_3169, %select_n3A_3286 : vector<16xi1>, vector<16xf32>
        %select_n3A_3292 = arith.select %gt3A_3288, %select_n3A_3170, %select_n3A_3287 : vector<16xi1>, vector<16xi32>
        %gt3A_3293 = arith.cmpf ogt, %select_n3A_3291, %select_n3A_3174 : vector<16xf32>
        %select_n3A_3294 = arith.select %gt3A_3293, %select_n3A_3291, %select_n3A_3174 : vector<16xi1>, vector<16xf32>
        %select_n3A_3295 = arith.select %gt3A_3293, %select_n3A_3292, %select_n3A_3175 : vector<16xi1>, vector<16xi32>
        %add3A_3296 = arith.constant 288 : i32
        %add3A_3297 = arith.addi %mul3A_2, %add3A_3296 : i32
        %add3A_3298 = vector.broadcast %add3A_3297 : i32 to vector<16xi32>
        %add3A_3299 = arith.addi %iota3A, %add3A_3298 : vector<16xi32>
        %mul3A_3300 = arith.constant 4 : i32
        %mul3A_3301 = vector.broadcast %mul3A_3300 : i32 to vector<16xi32>
        %mul3A_3302 = arith.muli %add3A_3299, %mul3A_3301 : vector<16xi32>
        %gather3A_3303 = tpu.vector_load_idx %arg5[%mul3A_3302] : memref<20480xf32, #tpu.memory_space<vmem>>[vector<16xi32>], vector<16xf32>,
        %add3A_3304 = arith.constant 1 : i32
        %add3A_3305 = vector.broadcast %add3A_3304 : i32 to vector<16xi32>
        %add3A_3306 = arith.addi %mul3A_3302, %add3A_3305 : vector<16xi32>
        %gather3A_3307 = tpu.vector_load_idx %arg5[%add3A_3306] : memref<20480xf32, #tpu.memory_space<vmem>>[vector<16xi32>], vector<16xf32>,
        %add3A_3308 = arith.constant 2 : i32
        %add3A_3309 = vector.broadcast %add3A_3308 : i32 to vector<16xi32>
        %add3A_3310 = arith.addi %mul3A_3302, %add3A_3309 : vector<16xi32>
        %gather3A_3311 = tpu.vector_load_idx %arg5[%add3A_3310] : memref<20480xf32, #tpu.memory_space<vmem>>[vector<16xi32>], vector<16xf32>,
        %add3A_3312 = arith.constant 3 : i32
        %add3A_3313 = vector.broadcast %add3A_3312 : i32 to vector<16xi32>
        %add3A_3314 = arith.addi %mul3A_3302, %add3A_3313 : vector<16xi32>
        %gather3A_3315 = tpu.vector_load_idx %arg5[%add3A_3314] : memref<20480xf32, #tpu.memory_space<vmem>>[vector<16xi32>], vector<16xf32>,
        %sub3A_3316 = arith.subf %gather3A_3311, %gather3A_3303 : vector<16xf32>
        %sub3A_3317 = arith.subf %gather3A_3315, %gather3A_3307 : vector<16xf32>
        %mul3A_3318 = arith.mulf %sub3A_3316, %sub3A_3317 : vector<16xf32>
        %min3A_3319 = arith.minimumf %gather3A_775, %gather3A_3311 : vector<16xf32>
        %max3A_3320 = arith.maximumf %gather3A_767, %gather3A_3303 : vector<16xf32>
        %sub3A_3321 = arith.subf %min3A_3319, %max3A_3320 : vector<16xf32>
        %max3A_3322 = arith.constant 0.000000e+00 : f32
        %max3A_3323 = vector.broadcast %max3A_3322 : f32 to vector<16xf32>
        %max3A_3324 = arith.maximumf %sub3A_3321, %max3A_3323 : vector<16xf32>
        %min3A_3325 = arith.minimumf %gather3A_779, %gather3A_3315 : vector<16xf32>
        %max3A_3326 = arith.maximumf %gather3A_771, %gather3A_3307 : vector<16xf32>
        %sub3A_3327 = arith.subf %min3A_3325, %max3A_3326 : vector<16xf32>
        %max3A_3328 = arith.constant 0.000000e+00 : f32
        %max3A_3329 = vector.broadcast %max3A_3328 : f32 to vector<16xf32>
        %max3A_3330 = arith.maximumf %sub3A_3327, %max3A_3329 : vector<16xf32>
        %mul3A_3331 = arith.mulf %max3A_3324, %max3A_3330 : vector<16xf32>
        %add3A_3332 = arith.addf %mul3A_781, %mul3A_3318 : vector<16xf32>
        %sub3A_3333 = arith.subf %add3A_3332, %mul3A_3331 : vector<16xf32>
        %add3A_3334 = arith.constant 9.99999993E-9 : f32
        %add3A_3335 = vector.broadcast %add3A_3334 : f32 to vector<16xf32>
        %add3A_3336 = arith.addf %sub3A_3333, %add3A_3335 : vector<16xf32>
        %div3A_3337 = arith.divf %mul3A_3331, %add3A_3336 : vector<16xf32>
        %ge3A_3338 = arith.constant 5.000000e-01 : f32
        %ge3A_3339 = vector.broadcast %ge3A_3338 : f32 to vector<16xf32>
        %ge3A_3340 = arith.cmpf oge, %div3A_3337, %ge3A_3339 : vector<16xf32>
        %eq3A_3341 = arith.cmpi eq, %add3A_3299, %broadcast_in_dim3A_782 : vector<16xi32>
        %or3A_3342 = arith.ori %ge3A_3340, %eq3A_3341 : vector<16xi1>
        %sub3A_3343 = arith.subf %gather3A_3311, %gather3A_3303 : vector<16xf32>
        %sub3A_3344 = arith.subf %gather3A_3315, %gather3A_3307 : vector<16xf32>
        %mul3A_3345 = arith.mulf %sub3A_3343, %sub3A_3344 : vector<16xf32>
        %min3A_3346 = arith.minimumf %gather3A_969, %gather3A_3311 : vector<16xf32>
        %max3A_3347 = arith.maximumf %gather3A_961, %gather3A_3303 : vector<16xf32>
        %sub3A_3348 = arith.subf %min3A_3346, %max3A_3347 : vector<16xf32>
        %max3A_3349 = arith.constant 0.000000e+00 : f32
        %max3A_3350 = vector.broadcast %max3A_3349 : f32 to vector<16xf32>
        %max3A_3351 = arith.maximumf %sub3A_3348, %max3A_3350 : vector<16xf32>
        %min3A_3352 = arith.minimumf %gather3A_973, %gather3A_3315 : vector<16xf32>
        %max3A_3353 = arith.maximumf %gather3A_965, %gather3A_3307 : vector<16xf32>
        %sub3A_3354 = arith.subf %min3A_3352, %max3A_3353 : vector<16xf32>
        %max3A_3355 = arith.constant 0.000000e+00 : f32
        %max3A_3356 = vector.broadcast %max3A_3355 : f32 to vector<16xf32>
        %max3A_3357 = arith.maximumf %sub3A_3354, %max3A_3356 : vector<16xf32>
        %mul3A_3358 = arith.mulf %max3A_3351, %max3A_3357 : vector<16xf32>
        %add3A_3359 = arith.addf %mul3A_976, %mul3A_3345 : vector<16xf32>
        %sub3A_3360 = arith.subf %add3A_3359, %mul3A_3358 : vector<16xf32>
        %add3A_3361 = arith.constant 9.99999993E-9 : f32
        %add3A_3362 = vector.broadcast %add3A_3361 : f32 to vector<16xf32>
        %add3A_3363 = arith.addf %sub3A_3360, %add3A_3362 : vector<16xf32>
        %div3A_3364 = arith.divf %mul3A_3358, %add3A_3363 : vector<16xf32>
        %ge3A_3365 = arith.constant 5.000000e-01 : f32
        %ge3A_3366 = vector.broadcast %ge3A_3365 : f32 to vector<16xf32>
        %ge3A_3367 = arith.cmpf oge, %div3A_3364, %ge3A_3366 : vector<16xf32>
        %eq3A_3368 = arith.cmpi eq, %add3A_3299, %broadcast_in_dim3A_978 : vector<16xi32>
        %or3A_3369 = arith.ori %ge3A_3367, %eq3A_3368 : vector<16xi1>
        %sub3A_3370 = arith.subf %gather3A_3311, %gather3A_3303 : vector<16xf32>
        %sub3A_3371 = arith.subf %gather3A_3315, %gather3A_3307 : vector<16xf32>
        %mul3A_3372 = arith.mulf %sub3A_3370, %sub3A_3371 : vector<16xf32>
        %min3A_3373 = arith.minimumf %gather3A_1125, %gather3A_3311 : vector<16xf32>
        %max3A_3374 = arith.maximumf %gather3A_1117, %gather3A_3303 : vector<16xf32>
        %sub3A_3375 = arith.subf %min3A_3373, %max3A_3374 : vector<16xf32>
        %max3A_3376 = arith.constant 0.000000e+00 : f32
        %max3A_3377 = vector.broadcast %max3A_3376 : f32 to vector<16xf32>
        %max3A_3378 = arith.maximumf %sub3A_3375, %max3A_3377 : vector<16xf32>
        %min3A_3379 = arith.minimumf %gather3A_1129, %gather3A_3315 : vector<16xf32>
        %max3A_3380 = arith.maximumf %gather3A_1121, %gather3A_3307 : vector<16xf32>
        %sub3A_3381 = arith.subf %min3A_3379, %max3A_3380 : vector<16xf32>
        %max3A_3382 = arith.constant 0.000000e+00 : f32
        %max3A_3383 = vector.broadcast %max3A_3382 : f32 to vector<16xf32>
        %max3A_3384 = arith.maximumf %sub3A_3381, %max3A_3383 : vector<16xf32>
        %mul3A_3385 = arith.mulf %max3A_3378, %max3A_3384 : vector<16xf32>
        %add3A_3386 = arith.addf %mul3A_1132, %mul3A_3372 : vector<16xf32>
        %sub3A_3387 = arith.subf %add3A_3386, %mul3A_3385 : vector<16xf32>
        %add3A_3388 = arith.constant 9.99999993E-9 : f32
        %add3A_3389 = vector.broadcast %add3A_3388 : f32 to vector<16xf32>
        %add3A_3390 = arith.addf %sub3A_3387, %add3A_3389 : vector<16xf32>
        %div3A_3391 = arith.divf %mul3A_3385, %add3A_3390 : vector<16xf32>
        %ge3A_3392 = arith.constant 5.000000e-01 : f32
        %ge3A_3393 = vector.broadcast %ge3A_3392 : f32 to vector<16xf32>
        %ge3A_3394 = arith.cmpf oge, %div3A_3391, %ge3A_3393 : vector<16xf32>
        %broadcast_in_dim3A_3395 = vector.broadcast %select_n3A_1113 : i32 to vector<16xi32>
        %eq3A_3396 = arith.cmpi eq, %add3A_3299, %broadcast_in_dim3A_3395 : vector<16xi32>
        %or3A_3397 = arith.ori %ge3A_3394, %eq3A_3396 : vector<16xi1>
        %and3A_3398 = arith.andi %broadcast_in_dim3A_977, %or3A_3369 : vector<16xi1>
        %or3A_3399 = arith.ori %or3A_3342, %and3A_3398 : vector<16xi1>
        %and3A_3400 = arith.andi %broadcast_in_dim3A_1133, %or3A_3397 : vector<16xi1>
        %or3A_3401 = arith.ori %or3A_3399, %and3A_3400 : vector<16xi1>
        %select_n3A_3402 = arith.select %or3A_3401, %broadcast_in_dim3A_3, %while3A_695 : vector<16xi1>, vector<16xf32>
        %gt3A_3403 = arith.cmpf ogt, %select_n3A_3402, %select_n3A_3284 : vector<16xf32>
        %select_n3A_3404 = arith.select %gt3A_3403, %select_n3A_3402, %select_n3A_3284 : vector<16xi1>, vector<16xf32>
        %select_n3A_3405 = arith.select %gt3A_3403, %add3A_3299, %select_n3A_3285 : vector<16xi1>, vector<16xi32>
        %select_n3A_3406 = arith.select %gt3A_3403, %select_n3A_3284, %select_n3A_3402 : vector<16xi1>, vector<16xf32>
        %select_n3A_3407 = arith.select %gt3A_3403, %select_n3A_3285, %add3A_3299 : vector<16xi1>, vector<16xi32>
        %gt3A_3408 = arith.cmpf ogt, %select_n3A_3406, %select_n3A_3289 : vector<16xf32>
        %select_n3A_3409 = arith.select %gt3A_3408, %select_n3A_3406, %select_n3A_3289 : vector<16xi1>, vector<16xf32>
        %select_n3A_3410 = arith.select %gt3A_3408, %select_n3A_3407, %select_n3A_3290 : vector<16xi1>, vector<16xi32>
        %select_n3A_3411 = arith.select %gt3A_3408, %select_n3A_3289, %select_n3A_3406 : vector<16xi1>, vector<16xf32>
        %select_n3A_3412 = arith.select %gt3A_3408, %select_n3A_3290, %select_n3A_3407 : vector<16xi1>, vector<16xi32>
        %gt3A_3413 = arith.cmpf ogt, %select_n3A_3411, %select_n3A_3294 : vector<16xf32>
        %select_n3A_3414 = arith.select %gt3A_3413, %select_n3A_3411, %select_n3A_3294 : vector<16xi1>, vector<16xf32>
        %select_n3A_3415 = arith.select %gt3A_3413, %select_n3A_3412, %select_n3A_3295 : vector<16xi1>, vector<16xi32>
        %add3A_3416 = arith.constant 304 : i32
        %add3A_3417 = arith.addi %mul3A_2, %add3A_3416 : i32
        %add3A_3418 = vector.broadcast %add3A_3417 : i32 to vector<16xi32>
        %add3A_3419 = arith.addi %iota3A, %add3A_3418 : vector<16xi32>
        %mul3A_3420 = arith.constant 4 : i32
        %mul3A_3421 = vector.broadcast %mul3A_3420 : i32 to vector<16xi32>
        %mul3A_3422 = arith.muli %add3A_3419, %mul3A_3421 : vector<16xi32>
        %gather3A_3423 = tpu.vector_load_idx %arg5[%mul3A_3422] : memref<20480xf32, #tpu.memory_space<vmem>>[vector<16xi32>], vector<16xf32>,
        %add3A_3424 = arith.constant 1 : i32
        %add3A_3425 = vector.broadcast %add3A_3424 : i32 to vector<16xi32>
        %add3A_3426 = arith.addi %mul3A_3422, %add3A_3425 : vector<16xi32>
        %gather3A_3427 = tpu.vector_load_idx %arg5[%add3A_3426] : memref<20480xf32, #tpu.memory_space<vmem>>[vector<16xi32>], vector<16xf32>,
        %add3A_3428 = arith.constant 2 : i32
        %add3A_3429 = vector.broadcast %add3A_3428 : i32 to vector<16xi32>
        %add3A_3430 = arith.addi %mul3A_3422, %add3A_3429 : vector<16xi32>
        %gather3A_3431 = tpu.vector_load_idx %arg5[%add3A_3430] : memref<20480xf32, #tpu.memory_space<vmem>>[vector<16xi32>], vector<16xf32>,
        %add3A_3432 = arith.constant 3 : i32
        %add3A_3433 = vector.broadcast %add3A_3432 : i32 to vector<16xi32>
        %add3A_3434 = arith.addi %mul3A_3422, %add3A_3433 : vector<16xi32>
        %gather3A_3435 = tpu.vector_load_idx %arg5[%add3A_3434] : memref<20480xf32, #tpu.memory_space<vmem>>[vector<16xi32>], vector<16xf32>,
        %sub3A_3436 = arith.subf %gather3A_3431, %gather3A_3423 : vector<16xf32>
        %sub3A_3437 = arith.subf %gather3A_3435, %gather3A_3427 : vector<16xf32>
        %mul3A_3438 = arith.mulf %sub3A_3436, %sub3A_3437 : vector<16xf32>
        %min3A_3439 = arith.minimumf %gather3A_775, %gather3A_3431 : vector<16xf32>
        %max3A_3440 = arith.maximumf %gather3A_767, %gather3A_3423 : vector<16xf32>
        %sub3A_3441 = arith.subf %min3A_3439, %max3A_3440 : vector<16xf32>
        %max3A_3442 = arith.constant 0.000000e+00 : f32
        %max3A_3443 = vector.broadcast %max3A_3442 : f32 to vector<16xf32>
        %max3A_3444 = arith.maximumf %sub3A_3441, %max3A_3443 : vector<16xf32>
        %min3A_3445 = arith.minimumf %gather3A_779, %gather3A_3435 : vector<16xf32>
        %max3A_3446 = arith.maximumf %gather3A_771, %gather3A_3427 : vector<16xf32>
        %sub3A_3447 = arith.subf %min3A_3445, %max3A_3446 : vector<16xf32>
        %max3A_3448 = arith.constant 0.000000e+00 : f32
        %max3A_3449 = vector.broadcast %max3A_3448 : f32 to vector<16xf32>
        %max3A_3450 = arith.maximumf %sub3A_3447, %max3A_3449 : vector<16xf32>
        %mul3A_3451 = arith.mulf %max3A_3444, %max3A_3450 : vector<16xf32>
        %add3A_3452 = arith.addf %mul3A_781, %mul3A_3438 : vector<16xf32>
        %sub3A_3453 = arith.subf %add3A_3452, %mul3A_3451 : vector<16xf32>
        %add3A_3454 = arith.constant 9.99999993E-9 : f32
        %add3A_3455 = vector.broadcast %add3A_3454 : f32 to vector<16xf32>
        %add3A_3456 = arith.addf %sub3A_3453, %add3A_3455 : vector<16xf32>
        %div3A_3457 = arith.divf %mul3A_3451, %add3A_3456 : vector<16xf32>
        %ge3A_3458 = arith.constant 5.000000e-01 : f32
        %ge3A_3459 = vector.broadcast %ge3A_3458 : f32 to vector<16xf32>
        %ge3A_3460 = arith.cmpf oge, %div3A_3457, %ge3A_3459 : vector<16xf32>
        %eq3A_3461 = arith.cmpi eq, %add3A_3419, %broadcast_in_dim3A_782 : vector<16xi32>
        %or3A_3462 = arith.ori %ge3A_3460, %eq3A_3461 : vector<16xi1>
        %sub3A_3463 = arith.subf %gather3A_3431, %gather3A_3423 : vector<16xf32>
        %sub3A_3464 = arith.subf %gather3A_3435, %gather3A_3427 : vector<16xf32>
        %mul3A_3465 = arith.mulf %sub3A_3463, %sub3A_3464 : vector<16xf32>
        %min3A_3466 = arith.minimumf %gather3A_969, %gather3A_3431 : vector<16xf32>
        %max3A_3467 = arith.maximumf %gather3A_961, %gather3A_3423 : vector<16xf32>
        %sub3A_3468 = arith.subf %min3A_3466, %max3A_3467 : vector<16xf32>
        %max3A_3469 = arith.constant 0.000000e+00 : f32
        %max3A_3470 = vector.broadcast %max3A_3469 : f32 to vector<16xf32>
        %max3A_3471 = arith.maximumf %sub3A_3468, %max3A_3470 : vector<16xf32>
        %min3A_3472 = arith.minimumf %gather3A_973, %gather3A_3435 : vector<16xf32>
        %max3A_3473 = arith.maximumf %gather3A_965, %gather3A_3427 : vector<16xf32>
        %sub3A_3474 = arith.subf %min3A_3472, %max3A_3473 : vector<16xf32>
        %max3A_3475 = arith.constant 0.000000e+00 : f32
        %max3A_3476 = vector.broadcast %max3A_3475 : f32 to vector<16xf32>
        %max3A_3477 = arith.maximumf %sub3A_3474, %max3A_3476 : vector<16xf32>
        %mul3A_3478 = arith.mulf %max3A_3471, %max3A_3477 : vector<16xf32>
        %add3A_3479 = arith.addf %mul3A_976, %mul3A_3465 : vector<16xf32>
        %sub3A_3480 = arith.subf %add3A_3479, %mul3A_3478 : vector<16xf32>
        %add3A_3481 = arith.constant 9.99999993E-9 : f32
        %add3A_3482 = vector.broadcast %add3A_3481 : f32 to vector<16xf32>
        %add3A_3483 = arith.addf %sub3A_3480, %add3A_3482 : vector<16xf32>
        %div3A_3484 = arith.divf %mul3A_3478, %add3A_3483 : vector<16xf32>
        %ge3A_3485 = arith.constant 5.000000e-01 : f32
        %ge3A_3486 = vector.broadcast %ge3A_3485 : f32 to vector<16xf32>
        %ge3A_3487 = arith.cmpf oge, %div3A_3484, %ge3A_3486 : vector<16xf32>
        %eq3A_3488 = arith.cmpi eq, %add3A_3419, %broadcast_in_dim3A_978 : vector<16xi32>
        %or3A_3489 = arith.ori %ge3A_3487, %eq3A_3488 : vector<16xi1>
        %sub3A_3490 = arith.subf %gather3A_3431, %gather3A_3423 : vector<16xf32>
        %sub3A_3491 = arith.subf %gather3A_3435, %gather3A_3427 : vector<16xf32>
        %mul3A_3492 = arith.mulf %sub3A_3490, %sub3A_3491 : vector<16xf32>
        %min3A_3493 = arith.minimumf %gather3A_1125, %gather3A_3431 : vector<16xf32>
        %max3A_3494 = arith.maximumf %gather3A_1117, %gather3A_3423 : vector<16xf32>
        %sub3A_3495 = arith.subf %min3A_3493, %max3A_3494 : vector<16xf32>
        %max3A_3496 = arith.constant 0.000000e+00 : f32
        %max3A_3497 = vector.broadcast %max3A_3496 : f32 to vector<16xf32>
        %max3A_3498 = arith.maximumf %sub3A_3495, %max3A_3497 : vector<16xf32>
        %min3A_3499 = arith.minimumf %gather3A_1129, %gather3A_3435 : vector<16xf32>
        %max3A_3500 = arith.maximumf %gather3A_1121, %gather3A_3427 : vector<16xf32>
        %sub3A_3501 = arith.subf %min3A_3499, %max3A_3500 : vector<16xf32>
        %max3A_3502 = arith.constant 0.000000e+00 : f32
        %max3A_3503 = vector.broadcast %max3A_3502 : f32 to vector<16xf32>
        %max3A_3504 = arith.maximumf %sub3A_3501, %max3A_3503 : vector<16xf32>
        %mul3A_3505 = arith.mulf %max3A_3498, %max3A_3504 : vector<16xf32>
        %add3A_3506 = arith.addf %mul3A_1132, %mul3A_3492 : vector<16xf32>
        %sub3A_3507 = arith.subf %add3A_3506, %mul3A_3505 : vector<16xf32>
        %add3A_3508 = arith.constant 9.99999993E-9 : f32
        %add3A_3509 = vector.broadcast %add3A_3508 : f32 to vector<16xf32>
        %add3A_3510 = arith.addf %sub3A_3507, %add3A_3509 : vector<16xf32>
        %div3A_3511 = arith.divf %mul3A_3505, %add3A_3510 : vector<16xf32>
        %ge3A_3512 = arith.constant 5.000000e-01 : f32
        %ge3A_3513 = vector.broadcast %ge3A_3512 : f32 to vector<16xf32>
        %ge3A_3514 = arith.cmpf oge, %div3A_3511, %ge3A_3513 : vector<16xf32>
        %broadcast_in_dim3A_3515 = vector.broadcast %select_n3A_1113 : i32 to vector<16xi32>
        %eq3A_3516 = arith.cmpi eq, %add3A_3419, %broadcast_in_dim3A_3515 : vector<16xi32>
        %or3A_3517 = arith.ori %ge3A_3514, %eq3A_3516 : vector<16xi1>
        %and3A_3518 = arith.andi %broadcast_in_dim3A_977, %or3A_3489 : vector<16xi1>
        %or3A_3519 = arith.ori %or3A_3462, %and3A_3518 : vector<16xi1>
        %and3A_3520 = arith.andi %broadcast_in_dim3A_1133, %or3A_3517 : vector<16xi1>
        %or3A_3521 = arith.ori %or3A_3519, %and3A_3520 : vector<16xi1>
        %select_n3A_3522 = arith.select %or3A_3521, %broadcast_in_dim3A_3, %while3A_696 : vector<16xi1>, vector<16xf32>
        %gt3A_3523 = arith.cmpf ogt, %select_n3A_3522, %select_n3A_3404 : vector<16xf32>
        %select_n3A_3524 = arith.select %gt3A_3523, %select_n3A_3522, %select_n3A_3404 : vector<16xi1>, vector<16xf32>
        %select_n3A_3525 = arith.select %gt3A_3523, %add3A_3419, %select_n3A_3405 : vector<16xi1>, vector<16xi32>
        %select_n3A_3526 = arith.select %gt3A_3523, %select_n3A_3404, %select_n3A_3522 : vector<16xi1>, vector<16xf32>
        %select_n3A_3527 = arith.select %gt3A_3523, %select_n3A_3405, %add3A_3419 : vector<16xi1>, vector<16xi32>
        %gt3A_3528 = arith.cmpf ogt, %select_n3A_3526, %select_n3A_3409 : vector<16xf32>
        %select_n3A_3529 = arith.select %gt3A_3528, %select_n3A_3526, %select_n3A_3409 : vector<16xi1>, vector<16xf32>
        %select_n3A_3530 = arith.select %gt3A_3528, %select_n3A_3527, %select_n3A_3410 : vector<16xi1>, vector<16xi32>
        %select_n3A_3531 = arith.select %gt3A_3528, %select_n3A_3409, %select_n3A_3526 : vector<16xi1>, vector<16xf32>
        %select_n3A_3532 = arith.select %gt3A_3528, %select_n3A_3410, %select_n3A_3527 : vector<16xi1>, vector<16xi32>
        %gt3A_3533 = arith.cmpf ogt, %select_n3A_3531, %select_n3A_3414 : vector<16xf32>
        %select_n3A_3534 = arith.select %gt3A_3533, %select_n3A_3531, %select_n3A_3414 : vector<16xi1>, vector<16xf32>
        %select_n3A_3535 = arith.select %gt3A_3533, %select_n3A_3532, %select_n3A_3415 : vector<16xi1>, vector<16xi32>
        %reduce_max3A_3536 = arith.constant true
        %reduce_max3A_3537 = vector.broadcast %reduce_max3A_3536 : i1 to vector<16xi1>
        %reduce_max3A_3538 = tpu.scan <max>, %select_n3A_3524 masked %reduce_max3A_3537 : vector<16xf32>, vector<16xi1> -> vector<16xf32>
        %reduce_max3A_3539 = vector.extract %reduce_max3A_3538[15] : f32 from vector<16xf32>
        %eq3A_3540 = vector.broadcast %reduce_max3A_3539 : f32 to vector<16xf32>
        %eq3A_3541 = arith.cmpf oeq, %select_n3A_3524, %eq3A_3540 : vector<16xf32>
        %jit3A_3542 = arith.constant 1073741824 : i32
        %broadcast_in_dim3A_3543 = vector.broadcast %jit3A_3542 : i32 to vector<16xi32>
        %select_n3A_3544 = arith.select %eq3A_3541, %select_n3A_3525, %broadcast_in_dim3A_3543 : vector<16xi1>, vector<16xi32>
        %reduce_min3A_3545 = arith.constant true
        %reduce_min3A_3546 = vector.broadcast %reduce_min3A_3545 : i1 to vector<16xi1>
        %reduce_min3A_3547 = arith.constant -2147483648 : i32
        %reduce_min3A_3548 = vector.broadcast %reduce_min3A_3547 : i32 to vector<16xi32>
        %reduce_min3A_3549 = arith.xori %select_n3A_3544, %reduce_min3A_3548 : vector<16xi32>
        %reduce_min3A_3550 = tpu.scan <min>, %reduce_min3A_3549 masked %reduce_min3A_3546 : vector<16xi32>, vector<16xi1> -> vector<16xi32>
        %reduce_min3A_3551 = arith.xori %reduce_min3A_3550, %reduce_min3A_3548 : vector<16xi32>
        %reduce_min3A_3552 = vector.extract %reduce_min3A_3551[15] : i32 from vector<16xi32>
        %eq3A_3553 = vector.broadcast %reduce_max3A_3539 : f32 to vector<16xf32>
        %eq3A_3554 = arith.cmpf oeq, %select_n3A_3524, %eq3A_3553 : vector<16xf32>
        %eq3A_3555 = vector.broadcast %reduce_min3A_3552 : i32 to vector<16xi32>
        %eq3A_3556 = arith.cmpi eq, %select_n3A_3525, %eq3A_3555 : vector<16xi32>
        %and3A_3557 = arith.andi %eq3A_3554, %eq3A_3556 : vector<16xi1>
        %select_n3A_3558 = arith.select %and3A_3557, %select_n3A_3529, %select_n3A_3524 : vector<16xi1>, vector<16xf32>
        %select_n3A_3559 = arith.select %and3A_3557, %select_n3A_3530, %select_n3A_3525 : vector<16xi1>, vector<16xi32>
        %reduce_max3A_3560 = arith.constant true
        %reduce_max3A_3561 = vector.broadcast %reduce_max3A_3560 : i1 to vector<16xi1>
        %reduce_max3A_3562 = tpu.scan <max>, %select_n3A_3558 masked %reduce_max3A_3561 : vector<16xf32>, vector<16xi1> -> vector<16xf32>
        %reduce_max3A_3563 = vector.extract %reduce_max3A_3562[15] : f32 from vector<16xf32>
        %eq3A_3564 = vector.broadcast %reduce_max3A_3563 : f32 to vector<16xf32>
        %eq3A_3565 = arith.cmpf oeq, %select_n3A_3558, %eq3A_3564 : vector<16xf32>
        %jit3A_3566 = arith.constant 1073741824 : i32
        %broadcast_in_dim3A_3567 = vector.broadcast %jit3A_3566 : i32 to vector<16xi32>
        %select_n3A_3568 = arith.select %eq3A_3565, %select_n3A_3559, %broadcast_in_dim3A_3567 : vector<16xi1>, vector<16xi32>
        %reduce_min3A_3569 = arith.constant true
        %reduce_min3A_3570 = vector.broadcast %reduce_min3A_3569 : i1 to vector<16xi1>
        %reduce_min3A_3571 = arith.constant -2147483648 : i32
        %reduce_min3A_3572 = vector.broadcast %reduce_min3A_3571 : i32 to vector<16xi32>
        %reduce_min3A_3573 = arith.xori %select_n3A_3568, %reduce_min3A_3572 : vector<16xi32>
        %reduce_min3A_3574 = tpu.scan <min>, %reduce_min3A_3573 masked %reduce_min3A_3570 : vector<16xi32>, vector<16xi1> -> vector<16xi32>
        %reduce_min3A_3575 = arith.xori %reduce_min3A_3574, %reduce_min3A_3572 : vector<16xi32>
        %reduce_min3A_3576 = vector.extract %reduce_min3A_3575[15] : i32 from vector<16xi32>
        %eq3A_3577 = vector.broadcast %reduce_max3A_3563 : f32 to vector<16xf32>
        %eq3A_3578 = arith.cmpf oeq, %select_n3A_3558, %eq3A_3577 : vector<16xf32>
        %eq3A_3579 = vector.broadcast %reduce_min3A_3576 : i32 to vector<16xi32>
        %eq3A_3580 = arith.cmpi eq, %select_n3A_3559, %eq3A_3579 : vector<16xi32>
        %and3A_3581 = arith.andi %eq3A_3578, %eq3A_3580 : vector<16xi1>
        %select_n3A_3582 = arith.select %and3A_3557, %select_n3A_3534, %select_n3A_3529 : vector<16xi1>, vector<16xf32>
        %select_n3A_3583 = arith.select %and3A_3581, %select_n3A_3582, %select_n3A_3558 : vector<16xi1>, vector<16xf32>
        %select_n3A_3584 = arith.select %and3A_3557, %select_n3A_3535, %select_n3A_3530 : vector<16xi1>, vector<16xi32>
        %select_n3A_3585 = arith.select %and3A_3581, %select_n3A_3584, %select_n3A_3559 : vector<16xi1>, vector<16xi32>
        %reduce_max3A_3586 = arith.constant true
        %reduce_max3A_3587 = vector.broadcast %reduce_max3A_3586 : i1 to vector<16xi1>
        %reduce_max3A_3588 = tpu.scan <max>, %select_n3A_3583 masked %reduce_max3A_3587 : vector<16xf32>, vector<16xi1> -> vector<16xf32>
        %reduce_max3A_3589 = vector.extract %reduce_max3A_3588[15] : f32 from vector<16xf32>
        %eq3A_3590 = vector.broadcast %reduce_max3A_3589 : f32 to vector<16xf32>
        %eq3A_3591 = arith.cmpf oeq, %select_n3A_3583, %eq3A_3590 : vector<16xf32>
        %jit3A_3592 = arith.constant 1073741824 : i32
        %broadcast_in_dim3A_3593 = vector.broadcast %jit3A_3592 : i32 to vector<16xi32>
        %select_n3A_3594 = arith.select %eq3A_3591, %select_n3A_3585, %broadcast_in_dim3A_3593 : vector<16xi1>, vector<16xi32>
        %reduce_min3A_3595 = arith.constant true
        %reduce_min3A_3596 = vector.broadcast %reduce_min3A_3595 : i1 to vector<16xi1>
        %reduce_min3A_3597 = arith.constant -2147483648 : i32
        %reduce_min3A_3598 = vector.broadcast %reduce_min3A_3597 : i32 to vector<16xi32>
        %reduce_min3A_3599 = arith.xori %select_n3A_3594, %reduce_min3A_3598 : vector<16xi32>
        %reduce_min3A_3600 = tpu.scan <min>, %reduce_min3A_3599 masked %reduce_min3A_3596 : vector<16xi32>, vector<16xi1> -> vector<16xi32>
        %reduce_min3A_3601 = arith.xori %reduce_min3A_3600, %reduce_min3A_3598 : vector<16xi32>
        %reduce_min3A_3602 = vector.extract %reduce_min3A_3601[15] : i32 from vector<16xi32>
        %min3A_3603 = arith.constant 5119 : i32
        %min3A_3604 = arith.minsi %reduce_min3A_3576, %min3A_3603 : i32
        %min3A_3605 = arith.constant 5119 : i32
        %min3A_3606 = arith.minsi %reduce_min3A_3602, %min3A_3605 : i32
        %eq3A_3607 = arith.constant 0 : i32
        %eq3A_3608 = vector.broadcast %eq3A_3607 : i32 to vector<16xi32>
        %eq3A_3609 = arith.cmpi eq, %iota3A, %eq3A_3608 : vector<16xi32>
        %broadcast_in_dim3A_3610 = vector.broadcast %reduce_max3A_3539 : f32 to vector<16xf32>
        %eq3A_3611 = arith.constant 1 : i32
        %eq3A_3612 = vector.broadcast %eq3A_3611 : i32 to vector<16xi32>
        %eq3A_3613 = arith.cmpi eq, %iota3A, %eq3A_3612 : vector<16xi32>
        %convert_element_type3A_3614 = arith.sitofp %reduce_min3A_3552 : i32 to f32
        %broadcast_in_dim3A_3615 = vector.broadcast %convert_element_type3A_3614 : f32 to vector<16xf32>
        %eq3A_3616 = arith.constant 2 : i32
        %eq3A_3617 = vector.broadcast %eq3A_3616 : i32 to vector<16xi32>
        %eq3A_3618 = arith.cmpi eq, %iota3A, %eq3A_3617 : vector<16xi32>
        %broadcast_in_dim3A_3619 = vector.broadcast %reduce_max3A_3563 : f32 to vector<16xf32>
        %eq3A_3620 = arith.constant 3 : i32
        %eq3A_3621 = vector.broadcast %eq3A_3620 : i32 to vector<16xi32>
        %eq3A_3622 = arith.cmpi eq, %iota3A, %eq3A_3621 : vector<16xi32>
        %convert_element_type3A_3623 = arith.sitofp %min3A_3604 : i32 to f32
        %broadcast_in_dim3A_3624 = vector.broadcast %convert_element_type3A_3623 : f32 to vector<16xf32>
        %eq3A_3625 = arith.constant 4 : i32
        %eq3A_3626 = vector.broadcast %eq3A_3625 : i32 to vector<16xi32>
        %eq3A_3627 = arith.cmpi eq, %iota3A, %eq3A_3626 : vector<16xi32>
        %broadcast_in_dim3A_3628 = vector.broadcast %reduce_max3A_3589 : f32 to vector<16xf32>
        %eq3A_3629 = arith.constant 5 : i32
        %eq3A_3630 = vector.broadcast %eq3A_3629 : i32 to vector<16xi32>
        %eq3A_3631 = arith.cmpi eq, %iota3A, %eq3A_3630 : vector<16xi32>
        %convert_element_type3A_3632 = arith.sitofp %min3A_3606 : i32 to f32
        %broadcast_in_dim3A_3633 = vector.broadcast %convert_element_type3A_3632 : f32 to vector<16xf32>
        %broadcast_in_dim3A_3634 = arith.constant 0.000000e+00 : f32
        %broadcast_in_dim3A_3635 = vector.broadcast %broadcast_in_dim3A_3634 : f32 to vector<16xf32>
        %select_n3A_3636 = arith.select %eq3A_3631, %broadcast_in_dim3A_3633, %broadcast_in_dim3A_3635 : vector<16xi1>, vector<16xf32>
        %select_n3A_3637 = arith.select %eq3A_3627, %broadcast_in_dim3A_3628, %select_n3A_3636 : vector<16xi1>, vector<16xf32>
        %select_n3A_3638 = arith.select %eq3A_3622, %broadcast_in_dim3A_3624, %select_n3A_3637 : vector<16xi1>, vector<16xf32>
        %select_n3A_3639 = arith.select %eq3A_3618, %broadcast_in_dim3A_3619, %select_n3A_3638 : vector<16xi1>, vector<16xf32>
        %select_n3A_3640 = arith.select %eq3A_3613, %broadcast_in_dim3A_3615, %select_n3A_3639 : vector<16xi1>, vector<16xf32>
        %select_n3A_3641 = arith.select %eq3A_3609, %broadcast_in_dim3A_3610, %select_n3A_3640 : vector<16xi1>, vector<16xf32>
        %swap3A_3642 = arith.constant 0 : index
        %swap3A_3643 = tpu.vector_load %arg7[%swap3A_3642] {strides = array<i32>} : memref<16xf32, #tpu.memory_space<vmem>>, vector<16xf32>,
        tpu.vector_store %arg7[%swap3A_3642], %select_n3A_3641 {strides = array<i32>} : memref<16xf32, #tpu.memory_space<vmem>>, vector<16xf32>,
        %mul3A_3644 = arith.constant 128 : i32
        %mul3A_3645 = arith.muli %rem3A_701, %mul3A_3644 : i32
        %mul3A_3646 = arith.constant 8 : i32
        %mul3A_3647 = arith.muli %arg1, %mul3A_3646 : i32
        %add3A_3648 = arith.addi %mul3A_3645, %mul3A_3647 : i32
        "tpu.region"() ({
          %run_scoped3A = tpu.sem_alloc : memref<!tpu.dma_semaphore, #tpu.memory_space<semaphore_mem>>
          %dma_start3A_3664 = arith.constant 0 : i32
          %dma_start3A_3665 = tpu.memref_slice %arg7[%dma_start3A_3664] : memref<16xf32, #tpu.memory_space<vmem>> -> memref<8xf32, #tpu.memory_space<vmem>>
          %dma_start3A_3666 = tpu.memref_slice %arg10[%add3A_3648] : memref<256xf32, #tpu.memory_space<vmem_shared>> -> memref<8xf32, #tpu.memory_space<vmem_shared>>
          %dma_start3A_3667 = tpu.memref_slice %arg10[%add3A_3648] : memref<256xf32, #tpu.memory_space<vmem_shared>> -> memref<8xf32, #tpu.memory_space<vmem_shared>>
          %dma_start3A_3668 = arith.constant 0 : i32
          %dma_start3A_3669 = tpu.memref_slice %arg7[%dma_start3A_3668] : memref<16xf32, #tpu.memory_space<vmem>> -> memref<8xf32, #tpu.memory_space<vmem>>
          tpu.enqueue_dma source(%dma_start3A_3669 : memref<8xf32, #tpu.memory_space<vmem>>) target(%dma_start3A_3667 : memref<8xf32, #tpu.memory_space<vmem_shared>>) target_semaphore(%run_scoped3A : memref<!tpu.dma_semaphore, #tpu.memory_space<semaphore_mem>>)
          %dma_wait3A_3670 = arith.constant 0 : i32
          %dma_wait3A_3671 = tpu.memref_slice %arg7[%dma_wait3A_3670] : memref<16xf32, #tpu.memory_space<vmem>> -> memref<8xf32, #tpu.memory_space<vmem>>
          %dma_wait3A_3672 = tpu.memref_slice %arg10[%add3A_3648] : memref<256xf32, #tpu.memory_space<vmem_shared>> -> memref<8xf32, #tpu.memory_space<vmem_shared>>
          %dma_wait3A_3673 = tpu.memref_slice %arg10[%add3A_3648] : memref<256xf32, #tpu.memory_space<vmem_shared>> -> memref<8xf32, #tpu.memory_space<vmem_shared>>
          %dma_wait3A_3674 = arith.constant 0 : i32
          %dma_wait3A_3675 = tpu.memref_slice %arg7[%dma_wait3A_3674] : memref<16xf32, #tpu.memory_space<vmem>> -> memref<8xf32, #tpu.memory_space<vmem>>
          tpu.wait_dma2 semaphore(%run_scoped3A : memref<!tpu.dma_semaphore, #tpu.memory_space<semaphore_mem>>) src(%dma_wait3A_3675 : memref<8xf32, #tpu.memory_space<vmem>>) dst(%dma_wait3A_3673 : memref<8xf32, #tpu.memory_space<vmem_shared>>)
          tpu.yield
        }) : () -> ()
        %eq3A_3649 = arith.constant 0 : i32
        %eq3A_3650 = arith.cmpi eq, %arg1, %eq3A_3649 : i32
        %and3A_3651 = arith.andi %gt3A_763, %eq3A_3650 : i1
        %convert_element_type3A_3652 = arith.extui %and3A_3651 : i1 to i32
        %cond3A_3653 = arith.constant 0 : i32
        %cond3A_3654 = arith.cmpi ne, %convert_element_type3A_3652, %cond3A_3653 : i32
        scf.if %cond3A_3654 {
          %broadcast_in_dim3A_3664 = arith.constant 0.000000e+00 : f32
          %broadcast_in_dim3A_3665 = vector.broadcast %broadcast_in_dim3A_3664 : f32 to vector<16xf32>
          %eq3A_3666 = arith.constant 0 : i32
          %eq3A_3667 = vector.broadcast %eq3A_3666 : i32 to vector<16xi32>
          %eq3A_3668 = arith.cmpi eq, %iota3A, %eq3A_3667 : vector<16xi32>
          %eq3A_3669 = arith.constant 1 : i32
          %eq3A_3670 = vector.broadcast %eq3A_3669 : i32 to vector<16xi32>
          %eq3A_3671 = arith.cmpi eq, %iota3A, %eq3A_3670 : vector<16xi32>
          %eq3A_3672 = arith.constant 2 : i32
          %eq3A_3673 = vector.broadcast %eq3A_3672 : i32 to vector<16xi32>
          %eq3A_3674 = arith.cmpi eq, %iota3A, %eq3A_3673 : vector<16xi32>
          %eq3A_3675 = arith.constant 3 : i32
          %eq3A_3676 = vector.broadcast %eq3A_3675 : i32 to vector<16xi32>
          %eq3A_3677 = arith.cmpi eq, %iota3A, %eq3A_3676 : vector<16xi32>
          %eq3A_3678 = arith.constant 4 : i32
          %eq3A_3679 = vector.broadcast %eq3A_3678 : i32 to vector<16xi32>
          %eq3A_3680 = arith.cmpi eq, %iota3A, %eq3A_3679 : vector<16xi32>
          %broadcast_in_dim3A_3681 = vector.broadcast %reduce_max3A_748 : f32 to vector<16xf32>
          %select_n3A_3682 = arith.select %eq3A_3680, %broadcast_in_dim3A_3681, %broadcast_in_dim3A_3665 : vector<16xi1>, vector<16xf32>
          %select_n3A_3683 = arith.select %eq3A_3677, %gather3A_779, %select_n3A_3682 : vector<16xi1>, vector<16xf32>
          %select_n3A_3684 = arith.select %eq3A_3674, %gather3A_775, %select_n3A_3683 : vector<16xi1>, vector<16xf32>
          %select_n3A_3685 = arith.select %eq3A_3671, %gather3A_771, %select_n3A_3684 : vector<16xi1>, vector<16xf32>
          %select_n3A_3686 = arith.select %eq3A_3668, %gather3A_767, %select_n3A_3685 : vector<16xi1>, vector<16xf32>
          %mul3A_3687 = arith.constant 16 : i32
          %mul3A_3688 = arith.muli %while3A_675, %mul3A_3687 : i32
          %swap3A_3689 = arith.index_cast %mul3A_3688 : i32 to index
          %swap3A_3690 = tpu.vector_load %arg9[%swap3A_3689] {strides = array<i32>} : memref<1024xf32, #tpu.memory_space<vmem>>, vector<16xf32>,
          tpu.vector_store %arg9[%swap3A_3689], %select_n3A_3686 {strides = array<i32>} : memref<1024xf32, #tpu.memory_space<vmem>>, vector<16xf32>,
          %convert_element_type3A_3691 = arith.extui %gt3A_955 : i1 to i32
          %cond3A_3692 = arith.constant 0 : i32
          %cond3A_3693 = arith.cmpi ne, %convert_element_type3A_3691, %cond3A_3692 : i32
          scf.if %cond3A_3693 {
            %eq3A_3697 = arith.constant 0 : i32
            %eq3A_3698 = vector.broadcast %eq3A_3697 : i32 to vector<16xi32>
            %eq3A_3699 = arith.cmpi eq, %iota3A, %eq3A_3698 : vector<16xi32>
            %eq3A_3700 = arith.constant 1 : i32
            %eq3A_3701 = vector.broadcast %eq3A_3700 : i32 to vector<16xi32>
            %eq3A_3702 = arith.cmpi eq, %iota3A, %eq3A_3701 : vector<16xi32>
            %eq3A_3703 = arith.constant 2 : i32
            %eq3A_3704 = vector.broadcast %eq3A_3703 : i32 to vector<16xi32>
            %eq3A_3705 = arith.cmpi eq, %iota3A, %eq3A_3704 : vector<16xi32>
            %eq3A_3706 = arith.constant 3 : i32
            %eq3A_3707 = vector.broadcast %eq3A_3706 : i32 to vector<16xi32>
            %eq3A_3708 = arith.cmpi eq, %iota3A, %eq3A_3707 : vector<16xi32>
            %eq3A_3709 = arith.constant 4 : i32
            %eq3A_3710 = vector.broadcast %eq3A_3709 : i32 to vector<16xi32>
            %eq3A_3711 = arith.cmpi eq, %iota3A, %eq3A_3710 : vector<16xi32>
            %broadcast_in_dim3A_3712 = vector.broadcast %reduce_max3A_936 : f32 to vector<16xf32>
            %select_n3A_3713 = arith.select %eq3A_3711, %broadcast_in_dim3A_3712, %broadcast_in_dim3A_3665 : vector<16xi1>, vector<16xf32>
            %select_n3A_3714 = arith.select %eq3A_3708, %gather3A_973, %select_n3A_3713 : vector<16xi1>, vector<16xf32>
            %select_n3A_3715 = arith.select %eq3A_3705, %gather3A_969, %select_n3A_3714 : vector<16xi1>, vector<16xf32>
            %select_n3A_3716 = arith.select %eq3A_3702, %gather3A_965, %select_n3A_3715 : vector<16xi1>, vector<16xf32>
            %select_n3A_3717 = arith.select %eq3A_3699, %gather3A_961, %select_n3A_3716 : vector<16xi1>, vector<16xf32>
            %add3A_3718 = arith.constant 1 : i32
            %add3A_3719 = arith.addi %while3A_675, %add3A_3718 : i32
            %mul3A_3720 = arith.constant 16 : i32
            %mul3A_3721 = arith.muli %add3A_3719, %mul3A_3720 : i32
            %swap3A_3722 = arith.index_cast %mul3A_3721 : i32 to index
            %swap3A_3723 = tpu.vector_load %arg9[%swap3A_3722] {strides = array<i32>} : memref<1024xf32, #tpu.memory_space<vmem>>, vector<16xf32>,
            tpu.vector_store %arg9[%swap3A_3722], %select_n3A_3717 {strides = array<i32>} : memref<1024xf32, #tpu.memory_space<vmem>>, vector<16xf32>,
          } else {
          }
          %convert_element_type3A_3694 = arith.extui %and3A_1111 : i1 to i32
          %cond3A_3695 = arith.constant 0 : i32
          %cond3A_3696 = arith.cmpi ne, %convert_element_type3A_3694, %cond3A_3695 : i32
          scf.if %cond3A_3696 {
            %eq3A_3697 = arith.constant 0 : i32
            %eq3A_3698 = vector.broadcast %eq3A_3697 : i32 to vector<16xi32>
            %eq3A_3699 = arith.cmpi eq, %iota3A, %eq3A_3698 : vector<16xi32>
            %eq3A_3700 = arith.constant 1 : i32
            %eq3A_3701 = vector.broadcast %eq3A_3700 : i32 to vector<16xi32>
            %eq3A_3702 = arith.cmpi eq, %iota3A, %eq3A_3701 : vector<16xi32>
            %eq3A_3703 = arith.constant 2 : i32
            %eq3A_3704 = vector.broadcast %eq3A_3703 : i32 to vector<16xi32>
            %eq3A_3705 = arith.cmpi eq, %iota3A, %eq3A_3704 : vector<16xi32>
            %eq3A_3706 = arith.constant 3 : i32
            %eq3A_3707 = vector.broadcast %eq3A_3706 : i32 to vector<16xi32>
            %eq3A_3708 = arith.cmpi eq, %iota3A, %eq3A_3707 : vector<16xi32>
            %eq3A_3709 = arith.constant 4 : i32
            %eq3A_3710 = vector.broadcast %eq3A_3709 : i32 to vector<16xi32>
            %eq3A_3711 = arith.cmpi eq, %iota3A, %eq3A_3710 : vector<16xi32>
            %broadcast_in_dim3A_3712 = vector.broadcast %reduce_max3A_1091 : f32 to vector<16xf32>
            %select_n3A_3713 = arith.select %eq3A_3711, %broadcast_in_dim3A_3712, %broadcast_in_dim3A_3665 : vector<16xi1>, vector<16xf32>
            %select_n3A_3714 = arith.select %eq3A_3708, %gather3A_1129, %select_n3A_3713 : vector<16xi1>, vector<16xf32>
            %select_n3A_3715 = arith.select %eq3A_3705, %gather3A_1125, %select_n3A_3714 : vector<16xi1>, vector<16xf32>
            %select_n3A_3716 = arith.select %eq3A_3702, %gather3A_1121, %select_n3A_3715 : vector<16xi1>, vector<16xf32>
            %select_n3A_3717 = arith.select %eq3A_3699, %gather3A_1117, %select_n3A_3716 : vector<16xi1>, vector<16xf32>
            %add3A_3718 = arith.constant 2 : i32
            %add3A_3719 = arith.addi %while3A_675, %add3A_3718 : i32
            %mul3A_3720 = arith.constant 16 : i32
            %mul3A_3721 = arith.muli %add3A_3719, %mul3A_3720 : i32
            %swap3A_3722 = arith.index_cast %mul3A_3721 : i32 to index
            %swap3A_3723 = tpu.vector_load %arg9[%swap3A_3722] {strides = array<i32>} : memref<1024xf32, #tpu.memory_space<vmem>>, vector<16xf32>,
            tpu.vector_store %arg9[%swap3A_3722], %select_n3A_3717 {strides = array<i32>} : memref<1024xf32, #tpu.memory_space<vmem>>, vector<16xf32>,
          } else {
          }
        } else {
        }
        %barrier3A_3655 = arith.constant 0 : index
        tpu.barrier barrier_id(%barrier3A_3655)
        %jit3A_3656 = arith.constant 2 : i32
        %jit3A_3657 = arith.constant 1 : i32
        %select_n3A_3658 = arith.select %gt3A_955, %jit3A_3656, %jit3A_3657 : i32
        %jit3A_3659 = arith.constant 3 : i32
        %select_n3A_3660 = arith.select %and3A_1111, %jit3A_3659, %select_n3A_3658 : i32
        %add3A_3661 = arith.addi %while3A_675, %select_n3A_3660 : i32
        %add3A_3662 = arith.constant 1 : i32
        %add3A_3663 = arith.addi %while3A_676, %add3A_3662 : i32
        scf.yield %add3A_3661, %add3A_3663, %select_n3A_1242, %select_n3A_1362, %select_n3A_1482, %select_n3A_1602, %select_n3A_1722, %select_n3A_1842, %select_n3A_1962, %select_n3A_2082, %select_n3A_2202, %select_n3A_2322, %select_n3A_2442, %select_n3A_2562, %select_n3A_2682, %select_n3A_2802, %select_n3A_2922, %select_n3A_3042, %select_n3A_3162, %select_n3A_3282, %select_n3A_3402, %select_n3A_3522 : i32, i32, vector<16xf32>, vector<16xf32>, vector<16xf32>, vector<16xf32>, vector<16xf32>, vector<16xf32>, vector<16xf32>, vector<16xf32>, vector<16xf32>, vector<16xf32>, vector<16xf32>, vector<16xf32>, vector<16xf32>, vector<16xf32>, vector<16xf32>, vector<16xf32>, vector<16xf32>, vector<16xf32>, vector<16xf32>, vector<16xf32>
      }
      %eq3A_670 = arith.constant 0 : i32
      %eq3A_671 = arith.cmpi eq, %arg1, %eq3A_670 : i32
      %convert_element_type3A_672 = arith.extui %eq3A_671 : i1 to i32
      %cond3A_673 = arith.constant 0 : i32
      %cond3A_674 = arith.cmpi ne, %convert_element_type3A_672, %cond3A_673 : i32
      scf.if %cond3A_674 {
        "tpu.region"() ({
          %run_scoped3A = tpu.sem_alloc : memref<!tpu.dma_semaphore, #tpu.memory_space<semaphore_mem>>
          tpu.enqueue_dma source(%arg9 : memref<1024xf32, #tpu.memory_space<vmem>>) target(%arg4 : memref<1024xf32, #tpu.memory_space<hbm>>) target_semaphore(%run_scoped3A : memref<!tpu.dma_semaphore, #tpu.memory_space<semaphore_mem>>)
          tpu.wait_dma2 semaphore(%run_scoped3A : memref<!tpu.dma_semaphore, #tpu.memory_space<semaphore_mem>>) src(%arg9 : memref<1024xf32, #tpu.memory_space<vmem>>) dst(%arg4 : memref<1024xf32, #tpu.memory_space<hbm>>)
          tpu.yield
        }) : () -> ()
      } else {
      }
    } else {
    }
    return
  }
}

</mosaic_0001>

<sc_bundles>
// kernel: kernel.3.cloned.1.call-start
scs
__scs_entry_jumppad:
0x0: {  	(pc) =	sbr.rel $0x88, $3  }
0x1: {  	(tag) =	ssettag $0x0;
	lr =	simm.s32 $0x1  }
0x2: {  	[smem:$0x3F9F] =	sst lr;
	_ =	strace $0xD0000000  }
0x3: {  	_ = 	snop  }
0x4: {  	_ = 	snop  }
0x5: {  	_ = 	snop  }
0x6: {  	_ = 	snop  }
0x7: {  	_ = 	snop  }
__scs_overlays_trampoline_lowered:
0x8: {  	[smem:$0x3FAE] =	sst s0  }
0x9: {  	[smem:$0x3FAF] =	sst s1  }
0xa: {  	[smem:$0x3FB0] =	sst s2  }
0xb: {  	[smem:$0x3FB1] =	sst s3  }
0xc: {  	[smem:$0x3FB2] =	sst s4  }
0xd: {  	[smem:$0x3FB3] =	sst s5  }
0xe: {  	[smem:$0x3FB4] =	sst s6  }
0xf: {  	[smem:$0x3FB5] =	sst s7  }
0x10: {  	[smem:$0x3FB6] =	sst s8  }
0x11: {  	[smem:$0x3FB7] =	sst s9;
	s0 =	simm.s32 @!p0 $0x0  }
0x12: {  	s1 =	sld [smem:$0x3F9D];
	s0 =	simm.s32 @p0 $0x1  }
0x13: {  	[smem:$0x3FB8] =	sst s0;
	s0 =	simm.s32 @!p1 $0x0  }
0x14: {  	s2 =	sld [smem:$0x3F9C];
	s0 =	simm.s32 @p1 $0x1  }
0x15: {  	[smem:$0x3FB9] =	sst s0;
	s0 =	simm.s32 @!p2 $0x0  }
0x16: {  	s3 =	sld [smem:$0x3FDB];
	s0 =	simm.s32 @p2 $0x1  }
0x17: {  	s4 =	simm.s32 $0x1BF5;
	[smem:$0x3FBB] =	sst s0  }
0x18: {  	s0 =	sld [smem:$0x3F9E];
	_ =	swait.ge [sflag:s4], $0x0  }
0x19: {  	s7 =	sld [smem:$0x3F9F]  }
0x1a: {  	s8 =	sadd.s32 $0xFFFFE003, lr  }
0x1b: {  	s9 =	sadd.s32 $0xFFFFFEF7, lr;
	s5 =	simm.s32 $0xFFFFFFFF;
	p2 =	slt.u32 s8, $0xFFFFF086  }
0x1c: {  	p1 =	slt.u32 s9, $0xF7A;
	s5 =	simm.s32 @!p2 $0x0  }
0x1d: {  	s5 =	simm.s32 @p1 $0x1;
	p0 =	seq.s32 s7, s2  }
0x1e: {  	s7 =	smul.u32 @!p0 $0xF7A, s2;
	p2 =	seq.s32 @!p0 s5, $0x0  }
0x1f: {  	s9 =	smul.u32 $0xF7A, s1;
	s8 =	simm.s32 @!p0 $0x1BF5;
	p2 =	por !p2, p0  }
0x20: {  	[sflag:s8] =	ssyncset.s32 @!p0 $0xFFFFF086;
	s6 =	sadd.s32 @!p0 s3, s7;
	s7 =	simm.s32 @!p0 $0x108  }
0x21: {  	s3 =	sadd.s32 s3, s9;
	s6 =	sadd.s32 @!p0 $0x88, s6;
	s7 =	simm.s32 @p2 $0x1082  }
0x22: {  	[simem:s7], [sflag:s8] =	dma.local @!p0 [hbm:s6], $0xF7A  }
0x23: {  	s9 =	sor.u32 $0xD0000000, s2;
	s6 =	simm.s32 $0x108;
	_ =	swait.ge @!p0 [sflag:s8], $0x0  }
0x24: {  	s3 =	sadd.s32 $0x88, s3;
	s6 =	simm.s32 @!p1 $0x1082;
	[sflag:s4] =	ssyncset.s32 $0xFFFFF086  }
0x25: {  	[simem:s6], [sflag:s4] =	dma.local [hbm:s3], $0xF7A  }
0x26: {  	[smem:$0x3F9F] =	sst s1;
	(tag) =	ssettag s2;
	_ =	strace s9  }
0x27: {  	s1 =	sld [smem:$0x3FAF]  }
0x28: {  	s2 =	sld [smem:$0x3FB0]  }
0x29: {  	s4 =	sld [smem:$0x3FB2]  }
0x2a: {  	p0 =	seq.s32 s5, $0x0;
	s5 =	sld [smem:$0x3FB3]  }
0x2b: {  	s6 =	sld [smem:$0x3FB4]  }
0x2c: {  	s7 =	sld [smem:$0x3FB5]  }
0x2d: {  	s3 =	simm.s32 $0x108;
	s8 =	sld [smem:$0x3FB6]  }
0x2e: {  	s3 =	simm.s32 @!p0 $0x1082;
	s9 =	sld [smem:$0x3FB7]  }
0x2f: {  	lr =	sadd.s32 s0, s3;
	s0 =	sld [smem:$0x3FAE]  }
0x30: {  	s3 =	sld [smem:$0x3FB1]  }
0x31: {  	[smem:$0x3FBA] =	sst s10  }
0x32: {  	s10 =	sld [smem:$0x3FB8];
	_ =	sdelay $0x3  }
0x33: {  	p0 =	seq.s32 s10, $0x1;
	s10 =	sld [smem:$0x3FBA];
	_ =	sdelay $0x3  }
0x34: {  	[smem:$0x3FBA] =	sst s10  }
0x35: {  	s10 =	sld [smem:$0x3FB9];
	_ =	sdelay $0x3  }
0x36: {  	p1 =	seq.s32 s10, $0x1;
	s10 =	sld [smem:$0x3FBA];
	_ =	sdelay $0x3  }
0x37: {  	[smem:$0x3FBA] =	sst s10  }
0x38: {  	s10 =	sld [smem:$0x3FBB]  }
0x39: {  	_ = 	snop;
	(pc) =	sbr.ind lr, $3  }
0x3a: {  	_ = 	snop  }
0x3b: {  	_ = 	snop  }
0x3c: {  	p2 =	seq.s32 s10, $0x1;
	s10 =	sld [smem:$0x3FBA]  }
0x3d: {  	_ =	shalt  }
0x3e: {  	_ =	shalt  }
0x3f: {  	_ =	shalt  }
0x40: {  	_ =	shalt  }
0x41: {  	_ =	shalt  }
0x42: {  	_ =	shalt  }
0x43: {  	_ =	shalt  }
0x44: {  	_ =	shalt  }
0x45: {  	_ =	shalt  }
0x46: {  	_ =	shalt  }
0x47: {  	_ =	shalt  }
0x48: {  	_ =	shalt  }
0x49: {  	_ =	shalt  }
0x4a: {  	_ =	shalt  }
0x4b: {  	_ =	shalt  }
0x4c: {  	_ =	shalt  }
0x4d: {  	_ =	shalt  }
0x4e: {  	_ =	shalt  }
0x4f: {  	_ =	shalt  }
0x50: {  	_ =	shalt  }
0x51: {  	_ =	shalt  }
0x52: {  	_ =	shalt  }
0x53: {  	_ =	shalt  }
0x54: {  	_ =	shalt  }
0x55: {  	_ =	shalt  }
0x56: {  	_ =	shalt  }
0x57: {  	_ =	shalt  }
0x58: {  	_ =	shalt  }
0x59: {  	_ =	shalt  }
0x5a: {  	_ =	shalt  }
0x5b: {  	_ =	shalt  }
0x5c: {  	_ =	shalt  }
0x5d: {  	_ =	shalt  }
0x5e: {  	_ =	shalt  }
0x5f: {  	_ =	shalt  }
0x60: {  	_ =	shalt  }
0x61: {  	_ =	shalt  }
0x62: {  	_ =	shalt  }
0x63: {  	_ =	shalt  }
0x64: {  	_ =	shalt  }
0x65: {  	_ =	shalt  }
0x66: {  	_ =	shalt  }
0x67: {  	_ =	shalt  }
0x68: {  	_ =	shalt  }
0x69: {  	_ =	shalt  }
0x6a: {  	_ =	shalt  }
0x6b: {  	_ =	shalt  }
0x6c: {  	_ =	shalt  }
0x6d: {  	_ =	shalt  }
0x6e: {  	_ =	shalt  }
0x6f: {  	_ =	shalt  }
0x70: {  	_ =	shalt  }
0x71: {  	_ =	shalt  }
0x72: {  	_ =	shalt  }
0x73: {  	_ =	shalt  }
0x74: {  	_ =	shalt  }
0x75: {  	_ =	shalt  }
0x76: {  	_ =	shalt  }
0x77: {  	_ =	shalt  }
0x78: {  	_ =	shalt  }
0x79: {  	_ =	shalt  }
0x7a: {  	_ =	shalt  }
0x7b: {  	_ =	shalt  }
0x7c: {  	_ =	shalt  }
0x7d: {  	_ =	shalt  }
0x7e: {  	_ =	shalt  }
0x7f: {  	_ =	shalt  }
0x80: {  	_ =	shalt  }
0x81: {  	_ =	shalt  }
0x82: {  	_ =	shalt  }
0x83: {  	_ =	shalt  }
0x84: {  	_ =	shalt  }
0x85: {  	_ =	shalt  }
0x86: {  	_ =	shalt  }
0x87: {  	_ =	shalt  }
.Lfunc_end0:
.L_simem_size_0:
called_computation_lowered:
.L_overlay_start_0:
0x88: {  	s2 =	sld [smem:$0x3FD9]  }
0x89: {  	s3 =	sld [smem:$0x3FFE];
	_ =	sdelay $0x1  }
0x8a: {  	s1 =	srdreg.scid  }
0x8b: {  	s0 =	sand.u32 $0x1, s1  }
0x8c: {  	s17 =	sshll.u32 s0, $0xA;
	s2 =	sadd.s32 s3, s2  }
0x8d: {  	s2 =	sadd.s32 s2, s17  }
0x8e: {  	[smem:$0x3FC6] =	sst s2  }
0x8f: {  	_ = 	snop  }
0x90: {  	s2 =	sld [smem:$0x3FC8]  }
0x91: {  	s18 =	sld [smem:$0x3FD0];
	(tm) =	ssettm $0x1  }
0x92: {  	s4 =	sld [smem:$0x3FFB];
	_ =	sdelay $0x3  }
0x93: {  	_ =	strace s4  }
0x94: {  	s4 =	sld [smem:$0x3FFC];
	_ =	sdelay $0x3  }
0x95: {  	_ =	strace s4  }
0x96: {  	s4 =	sld [smem:$0x3FFD];
	_ =	sdelay $0x3  }
0x97: {  	_ =	strace s4  }
0x98: {  	_ =	strace $0x8FFFFFFF  }
0x99: {  	s19 =	sld [smem:$0x3FDB];
	_ =	sdelay $0x1  }
0x9a: {  	s5 =	simm.s32 $_scs_section_size  }
0x9b: {  	s6 =	simm.s32 $_size__tile_overlayer_lowered;
	s7 =	simm.s32 $_tile_overlayer_lowered  }
0x9c: {  	s22 =	simm.s32 $0x1BFF;
	s21 =	sshll.u32 s7, $0x1;
	s4 =	sadd.s32 s5, s19  }
0x9d: {  	s8 =	simm.s32 $0x0;
	s20 =	sshll.u32 s6, $0x1;
	s6 =	sadd.s32 s21, s4  }
0x9e: {  	[timem:s8], [sflag:s22] =	dma.local [hbm:s6], s20  }
0x9f: {  	_ =	swait.ge [sflag:s22], s20  }
0xa0: {  	s5 =	ssub.s32 $0x0, s20;
	[sflag:s22] =	ssyncset.done $0x0  }
0xa1: {  	[sflag:s22] =	ssyncadd.s32 s5;
	_ =	sdelay $0x1  }
0xa2: {  	s23 =	simm.s32 $0x1B8B  }
0xa3: {  	_ =	swait.ge [sflag:s23], $0x1  }
0xa4: {  	[sflag:s23] =	ssyncset.done $0x0  }
0xa5: {  	s25 =	simm.s32 $0x1B8E;
	s24 =	sld [smem:$0x3FFE];
	[sflag:s23] =	ssyncadd.s32 $0xFFFFFFFF  }
0xa6: {  	s26 =	simm.s32 $execute0_lowered;
	[smem:$0x3FD2] =	sst s25  }
0xa7: {  	s6 =	sshll.u32 s26, $0x1;
	_ =	strace $0x80000046;
	[dreg:$0x1] =	wrdreg $0xFFFFFFFF  }
0xa8: {  	s28 =	simm.s32 $_size_execute0_lowered;
	s4 =	sadd.s32 s4, s6;
	[dreg:$0x0] =	wrdreg $0x0  }
0xa9: {  	s6 =	sshll.u32 s28, $0x1;
	[dreg:$0x2] =	wrdreg s4  }
0xaa: {  	[dreg:$0x3] =	wrdreg s6  }
0xab: {  	[dreg:$0x4] =	wrdreg $0xC0  }
0xac: {  	_ =	task [dreg:s8], $0x5FFFF  }
0xad: {  	[dreg:$0x1] =	wrdreg $0xFFFFFFFF  }
0xae: {  	[dreg:$0x0] =	wrdreg $0x60  }
0xaf: {  	[dreg:$0x2] =	wrdreg s24  }
0xb0: {  	[dreg:$0x3] =	wrdreg s2  }
0xb1: {  	[dreg:$0x4] =	wrdreg s18  }
0xb2: {  	[dreg:$0x5] =	wrdreg $0x56800  }
0xb3: {  	[dreg:$0x6] =	wrdreg $0x9  }
0xb4: {  	_ =	task.clear_ibuf [dreg:s8], $0x7FFFF;
	_ =	strace $0x90000046  }
0xb5: {  	s29 =	simm.s32 $0x9;
	_ =	strace $0x80000048  }
0xb6: {  	_ =	swait.ge [sflag:s29], $0x1  }
0xb7: {  	[sflag:s29] =	ssyncadd.s32 $0xFFFFFFFF  }
0xb8: {  	_ =	strace $0x90000048  }
0xb9: {  	_ =	sfence  }
0xba: {  	s30 =	sld [smem:$0x0];
	_ =	sdelay $0x2  }
0xbb: {  	s31 =	sshll.u32 s1, $0xD;
	s1 =	sshrl.u32 s1, $0x2  }
0xbc: {  	s3 =	sand.u32 $0x4000, s31;
	s1 =	sadd.s32 s1, s30  }
0xbd: {  	s0 =	sor.u32 s3, s0;
	s1 =	sshll.u32 s1, $0x11  }
0xbe: {  	s0 =	sor.u32 s1, s0  }
0xbf: {  	s0 =	sadd.s32 $0x8F2B, s0  }
0xc0: {  	[sflag:s0] =	ssyncadd.remote.s32 $0x1  }
0xc1: {  	_ =	sfence.sel $0xFFFF  }
0xc2: {  	[dreg:$0x0] =	wrdreg $0xFFFFFFFF;
	(pc) =	sbr.abs _section_cstart, $3  }
0xc3: {  	[dreg:$0x1] =	wrdreg $0xFFFFFFFF  }
0xc4: {  	_ =	task.clear_ibuf [dreg:s8], $0x2FFFF;
	_ =	strace $0x9FFFFFFF  }
0xc5: {  	(tm) =	ssettm $0x7FFFFFFF  }
tec
execute0_lowered:
.L_overlay_start_1:
0x0: {  	(tag) =	ssettag $0x1  }
0x1: {  	s2 =	srdreg.scid  }
0x2: {  	s2 =	sand.u32 $0x1, s2  }
0x3: {  	s7 =	rddreg [dreg:$0x0];
	p0 =	seq.s32 s2, $0x1  }
.Ltmp0:
0x4: {  	s5 =	rddreg [dreg:$0x1];
	(pc) =	sbr.rel @p0 .LBB2_8-.Ltmp0, $4  }
0x5: {  	s1 =	rddreg [dreg:$0x2]  }
0x6: {  	s3 =	rddreg [dreg:$0x3];
	s4 =	simm.s32 $0x0  }
0x7: {  	[smem:$0x7FF] =	sst s4  }
0x8: {  	s0 =	rddreg [dreg:$0x4];
	_ =	strace $0x80000047;
	s2 =	stileid.u32  }
0x9: {  	s6 =	smul.u32 $0x140, s2  }
0xa: {  	v0 =	vlaneseq.u32  }
0xb: {  	s8 =	sor.u32 $0x10, s6;
	s14 =	sor.u32 $0x20, s6;
	s9 =	sor.u32 $0x30, s6;
	v16 =	vor.u32 s6, v0  }
0xc: {  	s10 =	sadd.s32 $0x40, s6;
	s15 =	sadd.s32 $0x50, s6;
	s16 =	sadd.s32 $0x60, s6;
	v1 =	vor.u32 s8, v0;
	v2 =	vor.u32 s14, v0;
	v45 =	vor.u32 s9, v0  }
0xd: {  	s17 =	sadd.s32 $0x70, s6;
	s18 =	sadd.s32 $0x80, s6;
	s19 =	sadd.s32 $0x90, s6;
	v4 =	vor.u32 s10, v0;
	v5 =	vor.u32 s15, v0;
	v35 =	vor.u32 s16, v0  }
0xe: {  	s20 =	sadd.s32 $0xA0, s6;
	s21 =	sadd.s32 $0xB0, s6;
	s22 =	sadd.s32 $0xC0, s6;
	v33 =	vor.u32 s17, v0;
	v8 =	vor.u32 s18, v0;
	v9 =	vor.u32 s19, v0  }
0xf: {  	s23 =	sadd.s32 $0xD0, s6;
	s24 =	sadd.s32 $0xE0, s6;
	s25 =	sadd.s32 $0xF0, s6;
	v34 =	vor.u32 s20, v0;
	v11 =	vor.u32 s21, v0;
	v12 =	vor.u32 s22, v0  }
0x10: {  	s26 =	sadd.s32 $0x100, s6;
	s28 =	sadd.s32 $0x110, s6;
	s29 =	sadd.s32 $0x120, s6;
	v13 =	vor.u32 s23, v0;
	v14 =	vor.u32 s24, v0;
	v15 =	vor.u32 s25, v0  }
0x11: {  	s7 =	sadd.s32 $0x400, s7;
	s30 =	sadd.s32 $0x130, s6;
	v17 =	vor.u32 s26, v0;
	v19 =	vor.u32 s28, v0;
	v20 =	vor.u32 s29, v0  }
0x12: {  	[tilespmem:s4], [sflag:$0x1] =	stream.linear.gather [hbm4b:s7+s4], $0x4E20, $0x38;
	v18 =	vor.u32 s30, v0;
	v57 =	vmovc v16;
	v16 =	vshll.u32 v16, $0x2;
	v40 =	vshll.u32 v1, $0x2;
	[tilespmem:$0x5690] =	vst v63  }
0x13: {  	p0 =	sne.s32 s2, $0xF;
	v38 =	vshll.u32 v2, $0x2;
	v42 =	vshll.u32 v45, $0x2;
	v43 =	vshll.u32 v4, $0x2;
	[tilespmem:$0x1FFA0] =	vst v17  }
.Ltmp1:
0x14: {  	v44 =	vshll.u32 v5, $0x2;
	v61 =	vshll.u32 v35, $0x2;
	v28 =	vshll.u32 v33, $0x2;
	[tilespmem:$0x1FFB0] =	vst v19;
	(pc) =	sbr.rel @p0 .LBB2_3-.Ltmp1, $4  }
0x15: {  	v48 =	vshll.u32 v8, $0x2;
	v55 =	vshll.u32 v9, $0x2;
	v49 =	vshll.u32 v34, $0x2;
	[tilespmem:$0x1FFC0] =	vst v20  }
0x16: {  	v50 =	vshll.u32 v11, $0x2;
	v30 =	vshll.u32 v12, $0x2;
	v62 =	vshll.u32 v20, $0x2;
	[tilespmem:$0x1FFE0] =	vst v18  }
0x17: {  	s31 =	sshll.u32 s2, $0x3;
	v51 =	vmovc v1;
	v52 =	vshll.u32 v13, $0x2;
	v54 =	vshll.u32 v14, $0x2;
	v63 =	vshll.u32 v18, $0x2;
	[tilespmem:$0x1FFD0] =	vst v62  }
0x18: {  	s4 =	sadd.s32 s31, s3;
	v59 =	vmovc v2;
	v31 =	vmovc v12;
	v53 =	vshll.u32 v15, $0x2;
	v56 =	vshll.u32 v17, $0x2;
	v58 =	vshll.u32 v19, $0x2;
	[tilespmem:$0x1FFF0] =	vst v63  }
0x19: {  	s5 =	sadd.s32 $0x258, s5;
	s6 =	simm.s32 $0x0  }
.Ltmp2:
0x1a: {  	s7 =	simm.s32 $0x5000;
	s31 =	simm.s32 $0x2;
	(pc) =	sbr.rel .LBB2_5-.Ltmp2, $4  }
0x1b: {  	[tilespmem:s7], [sflag:$0x2] =	stream.linear.gather [hbm4b:s5+s6], $0xC8, $0x38;
	[tilespmem:$0x5690] =	vst v63  }
0x1c: {  	_ =	swait.ge [sflag:s31], $0xC8  }
0x1d: {  	[sflag:s31] =	ssyncset.done $0x0  }
0x1e: {  	p1 =	por $0x0, $0x0;
	[sflag:s31] =	ssyncadd.s32 $0xFFFFFF38  }
.LBB2_3:
0x1f: {  	s6 =	sshrl.u32 s6, $0x3  }
0x20: {  	s30 =	simm.s32 $0x0;
	s7 =	simm.s32 $0x5000;
	p0 =	sne.s32 s2, $0x0  }
.Ltmp3:
0x21: {  	s31 =	simm.s32 $0x2;
	s5 =	sadd.s32 s5, s6;
	(pc) =	sbr.rel @p0 .LBB2_5-.Ltmp3, $4  }
0x22: {  	[tilespmem:s7], [sflag:$0x2] =	stream.linear.gather [hbm4b:s5+s30], $0x140, $0x38;
	[tilespmem:$0x5690] =	vst v63  }
0x23: {  	_ =	swait.ge [sflag:s31], $0x140  }
0x24: {  	[sflag:s31] =	ssyncset.done $0x0  }
0x25: {  	p1 =	por $0x0, $0x0;
	[sflag:s31] =	ssyncadd.s32 $0xFFFFFEC0  }
0x26: {  	v0 =	vimm.f32 $0.0e+00  }
0x27: {  	[tilespmem:$0x5280] =	vst v0  }
0x28: {  	[tilespmem:$0x5290] =	vst v0  }
0x29: {  	[tilespmem:$0x52A0] =	vst v0  }
0x2a: {  	[tilespmem:$0x52B0] =	vst v0  }
0x2b: {  	[tilespmem:$0x52C0] =	vst v0  }
0x2c: {  	[tilespmem:$0x52D0] =	vst v0  }
0x2d: {  	[tilespmem:$0x52E0] =	vst v0  }
0x2e: {  	[tilespmem:$0x52F0] =	vst v0  }
0x2f: {  	[tilespmem:$0x5300] =	vst v0  }
0x30: {  	[tilespmem:$0x5310] =	vst v0  }
0x31: {  	[tilespmem:$0x5320] =	vst v0  }
0x32: {  	[tilespmem:$0x5330] =	vst v0  }
0x33: {  	[tilespmem:$0x5340] =	vst v0  }
0x34: {  	[tilespmem:$0x5350] =	vst v0  }
0x35: {  	[tilespmem:$0x5360] =	vst v0  }
0x36: {  	[tilespmem:$0x5370] =	vst v0  }
0x37: {  	[tilespmem:$0x5380] =	vst v0  }
0x38: {  	[tilespmem:$0x5390] =	vst v0  }
0x39: {  	[tilespmem:$0x53A0] =	vst v0  }
0x3a: {  	[tilespmem:$0x53B0] =	vst v0  }
0x3b: {  	[tilespmem:$0x53C0] =	vst v0  }
0x3c: {  	[tilespmem:$0x53D0] =	vst v0  }
0x3d: {  	[tilespmem:$0x53E0] =	vst v0  }
0x3e: {  	[tilespmem:$0x53F0] =	vst v0  }
0x3f: {  	[tilespmem:$0x5400] =	vst v0  }
0x40: {  	[tilespmem:$0x5410] =	vst v0  }
0x41: {  	[tilespmem:$0x5420] =	vst v0  }
0x42: {  	[tilespmem:$0x5430] =	vst v0  }
0x43: {  	[tilespmem:$0x5440] =	vst v0  }
0x44: {  	[tilespmem:$0x5450] =	vst v0  }
0x45: {  	[tilespmem:$0x5460] =	vst v0  }
0x46: {  	[tilespmem:$0x5470] =	vst v0  }
0x47: {  	[tilespmem:$0x5480] =	vst v0  }
0x48: {  	[tilespmem:$0x5490] =	vst v0  }
0x49: {  	[tilespmem:$0x54A0] =	vst v0  }
0x4a: {  	[tilespmem:$0x54B0] =	vst v0  }
0x4b: {  	[tilespmem:$0x54C0] =	vst v0  }
0x4c: {  	[tilespmem:$0x54D0] =	vst v0  }
0x4d: {  	[tilespmem:$0x54E0] =	vst v0  }
0x4e: {  	[tilespmem:$0x54F0] =	vst v0  }
0x4f: {  	[tilespmem:$0x5500] =	vst v0  }
0x50: {  	[tilespmem:$0x5510] =	vst v0  }
0x51: {  	[tilespmem:$0x5520] =	vst v0  }
0x52: {  	[tilespmem:$0x5530] =	vst v0  }
0x53: {  	[tilespmem:$0x5540] =	vst v0  }
0x54: {  	[tilespmem:$0x5550] =	vst v0  }
0x55: {  	[tilespmem:$0x5560] =	vst v0  }
0x56: {  	[tilespmem:$0x5570] =	vst v0  }
0x57: {  	[tilespmem:$0x5580] =	vst v0  }
0x58: {  	[tilespmem:$0x5590] =	vst v0  }
0x59: {  	[tilespmem:$0x55A0] =	vst v0  }
0x5a: {  	[tilespmem:$0x55B0] =	vst v0  }
0x5b: {  	[tilespmem:$0x55C0] =	vst v0  }
0x5c: {  	[tilespmem:$0x55D0] =	vst v0  }
0x5d: {  	[tilespmem:$0x55E0] =	vst v0  }
0x5e: {  	[tilespmem:$0x55F0] =	vst v0  }
0x5f: {  	[tilespmem:$0x5600] =	vst v0  }
0x60: {  	[tilespmem:$0x5610] =	vst v0  }
0x61: {  	[tilespmem:$0x5620] =	vst v0  }
0x62: {  	[tilespmem:$0x5630] =	vst v0  }
0x63: {  	[tilespmem:$0x5640] =	vst v0  }
0x64: {  	[tilespmem:$0x5650] =	vst v0  }
0x65: {  	[tilespmem:$0x5660] =	vst v0  }
0x66: {  	p1 =	por $0x1, $0x1;
	[tilespmem:$0x5670] =	vst v0  }
.LBB2_5:
0x67: {  	v0 =	vld [tilespmem:$0x5000];
	_ =	sdelay $0x1  }
0x68: {  	v1 =	vld [tilespmem:$0x5010];
	_ =	sdelay $0x1  }
0x69: {  	vm0 =	vlt.u32 v57, $0x1388  }
0x6a: {  	v47 =	vld [tilespmem:$0x5020];
	v20 =	vnsel vm0, $0xFF800000, v0  }
0x6b: {  	vm8 =	vlt.u32 v51, $0x1388;
	vm1 =	vgt.f32 v20, $-Inf  }
0x6c: {  	v60 =	vld [tilespmem:$0x5030];
	v62 =	vnsel vm8, $0xFF800000, v1;
	v36 =	vnsel vm1, $0xFF800000, v20  }
0x6d: {  	vm0 =	vgt.f32 v62, v36  }
0x6e: {  	vm9 =	vlt.u32 v59, $0x1388;
	v21 =	vld [tilespmem:$0x5040];
	vm13 =	vmneg vm0  }
0x6f: {  	v2 =	vnsel vm9, $0xFF800000, v47;
	v39 =	vsel vm13, v36, v62  }
0x70: {  	vm10 =	vlt.u32 v45, $0x1388;
	v22 =	vld [tilespmem:$0x5050];
	vm12 =	vgt.f32 v2, v39  }
0x71: {  	v3 =	vnsel vm10, $0xFF800000, v60;
	v0 =	vsel vm12, v2, v39  }
0x72: {  	[tilespmem:$0x1F7F0] =	vst v57;
	vm11 =	vlt.u32 v4, $0x1388;
	v23 =	vld [tilespmem:$0x5060];
	vm7 =	vgt.f32 v3, v0  }
0x73: {  	[tilespmem:$0x1F420] =	vst v4;
	v24 =	vld [tilespmem:$0x5070];
	v47 =	vmov v4;
	v4 =	vnsel vm11, $0xFF800000, v21;
	v46 =	vsel vm7, v3, v0  }
0x74: {  	vm14 =	vlt.u32 v5, $0x1388;
	[tilespmem:$0x1F470] =	vst v5;
	v25 =	vld [tilespmem:$0x5080];
	vm9 =	vgt.f32 v4, v46  }
0x75: {  	v12 =	vmov v5;
	v5 =	vnsel vm14, $0xFF800000, v22;
	[tilespmem:$0x1F270] =	vst v0;
	v0 =	vsel vm9, v4, v46  }
0x76: {  	vm15 =	vlt.u32 v35, $0x1388;
	[tilespmem:$0x1F500] =	vst v8;
	vm4 =	vgt.f32 v5, v0  }
0x77: {  	vm5 =	vlt.u32 v33, $0x1388;
	v6 =	vnsel vm15, $0xFF800000, v23;
	[tilespmem:$0x1F2A0] =	vst v0;
	v0 =	vsel vm4, v5, v0  }
0x78: {  	v26 =	vld [tilespmem:$0x5090];
	vm6 =	vlt.u32 v8, $0x1388;
	[tilespmem:$0x1F520] =	vst v9;
	v7 =	vnsel vm5, $0xFF800000, v24;
	vm11 =	vgt.f32 v6, v0  }
0x79: {  	v23 =	vimm.s32 $0x0;
	[tilespmem:$0x1F210] =	vst v20;
	v20 =	vmovc v8;
	v8 =	vnsel vm6, $0xFF800000, v25;
	v63 =	vsel vm11, v6, v0  }
0x7a: {  	v27 =	vld [tilespmem:$0x50A0];
	v25 =	vimm.s32 $0x0;
	[tilespmem:$0x1F2D0] =	vst v0;
	v0 =	vsel vm11, $0xFFFFFFFF, v23;
	vm2 =	vgt.f32 v7, v63  }
0x7b: {  	v24 =	vimm.s32 $0x0;
	[tilespmem:$0x1F2C0] =	vst v0;
	v18 =	vsel vm2, v7, v63  }
0x7c: {  	vm8 =	vlt.u32 v9, $0x1388;
	v1 =	vld [tilespmem:$0x50B0];
	[tilespmem:$0x1F2F0] =	vst v63;
	v0 =	vsel vm2, $0xFFFFFFFF, v24;
	vm10 =	vgt.f32 v8, v18  }
0x7d: {  	[tilespmem:$0x1F300] =	vst v0;
	v0 =	vsel vm10, $0xFFFFFFFF, v25;
	v25 =	vmovc v9;
	v9 =	vnsel vm8, $0xFF800000, v26;
	v63 =	vsel vm10, v8, v18  }
0x7e: {  	[tilespmem:$0x1F390] =	vst v59;
	v29 =	vld [tilespmem:$0x50C0];
	vm14 =	vlt.u32 v34, $0x1388;
	vm6 =	vgt.f32 v9, v63  }
0x7f: {  	[tilespmem:$0x1F3F0] =	vst v45;
	v10 =	vnsel vm14, $0xFF800000, v27;
	v27 =	vsel vm6, v9, v63  }
0x80: {  	[tilespmem:$0x1F490] =	vst v35;
	v37 =	vld [tilespmem:$0x50D0];
	vm15 =	vlt.u32 v11, $0x1388;
	vm5 =	vgt.f32 v10, v27  }
0x81: {  	v32 =	vimm.s32 $0x0;
	[tilespmem:$0x1F570] =	vst v11;
	v24 =	vmovc v11;
	v11 =	vnsel vm15, $0xFF800000, v1;
	v60 =	vsel vm5, v10, v27  }
0x82: {  	v41 =	vimm.s32 $0x0;
	v1 =	vmovc v31;
	[tilespmem:$0x1F320] =	vst v18;
	vm8 =	vlt.u32 v31, $0x1388;
	v31 =	vld [tilespmem:$0x50E0];
	vm1 =	vgt.f32 v11, v60  }
0x83: {  	[tilespmem:$0x1F220] =	vst v0;
	v18 =	vnsel vm8, $0xFF800000, v29;
	v0 =	vsel vm6, $0xFFFFFFFF, v32;
	v29 =	vsel vm1, v11, v60  }
0x84: {  	vm10 =	vlt.u32 v13, $0x1388;
	[tilespmem:$0x1F340] =	vst v0;
	v0 =	vsel vm5, $0xFFFFFFFF, v41;
	vm14 =	vgt.f32 v18, v29  }
0x85: {  	v17 =	vimm.s32 $0x0;
	v23 =	vld [tilespmem:$0x1FFA0];
	v26 =	vmovc v13;
	v13 =	vnsel vm10, $0xFF800000, v37;
	[tilespmem:$0x1F240] =	vst v0;
	v0 =	vsel vm14, v18, v29  }
0x86: {  	vm5 =	vlt.u32 v14, $0x1388;
	v41 =	vld [tilespmem:$0x1F7F0];
	[tilespmem:$0x1F3C0] =	vst v60;
	v17 =	vsel vm1, $0xFFFFFFFF, v17;
	vm8 =	vgt.f32 v13, v0  }
0x87: {  	v32 =	vld [tilespmem:$0x50F0];
	v19 =	vnsel vm5, $0xFF800000, v31;
	[tilespmem:$0x1F3D0] =	vst v17;
	v22 =	vsel vm8, v13, v0  }
0x88: {  	v17 =	vimm.s32 $0x0;
	[tilespmem:$0x1F460] =	vst v0;
	vm5 =	vgt.f32 v19, v22  }
0x89: {  	v37 =	vimm.s32 $0x0;
	v60 =	vld [tilespmem:$0x5100];
	[tilespmem:$0x1F4E0] =	vst v22;
	v17 =	vsel vm5, $0xFFFFFFFF, v17  }
0x8a: {  	v0 =	vsel vm13, $0xFFFFFFFF, v37;
	[tilespmem:$0x1F4F0] =	vst v17;
	v17 =	vimm.s32 $0x0  }
0x8b: {  	vm10 =	vlt.u32 v15, $0x1388;
	[tilespmem:$0x1F350] =	vst v0;
	v0 =	vsel vm13, v41, v51;
	v41 =	vld [tilespmem:$0x1FFB0];
	v17 =	vsel vm12, $0xFFFFFFFF, v17  }
0x8c: {  	vm15 =	vlt.u32 v23, $0x1388;
	v31 =	vld [tilespmem:$0x5110];
	v21 =	vnsel vm10, $0xFF800000, v32;
	[tilespmem:$0x1F3A0] =	vst v17;
	v17 =	vimm.s32 $0x0  }
0x8d: {  	[tilespmem:$0x1F380] =	vst v0;
	v37 =	vsel vm5, v19, v22;
	v0 =	vsel vm12, v59, v0;
	v17 =	vsel vm7, $0xFFFFFFFF, v17  }
0x8e: {  	v22 =	vnsel vm15, $0xFF800000, v60;
	[tilespmem:$0x1F400] =	vst v0;
	vm15 =	vgt.f32 v21, v37;
	v60 =	vmovc v37;
	v0 =	vsel vm7, v45, v0  }
0x8f: {  	vm1 =	vmmov vm13;
	[tilespmem:$0x1F430] =	vst v0;
	v45 =	vsel vm15, v21, v60;
	v60 =	vimm.s32 $0x0  }
0x90: {  	v0 =	vsel vm9, v47, v0;
	vm13 =	vlt.u32 v41, $0x1388;
	[tilespmem:$0x1F410] =	vst v17;
	v17 =	vmovc v23;
	v23 =	vsel vm9, $0xFFFFFFFF, v60  }
0x91: {  	v31 =	vnsel vm13, $0xFF800000, v31;
	vm13 =	vgt.f32 v22, v45;
	[tilespmem:$0x1F440] =	vst v23;
	v23 =	vimm.s32 $0x0  }
0x92: {  	[tilespmem:$0x1F480] =	vst v0;
	v0 =	vsel vm4, v12, v0;
	v12 =	vsel vm13, $0xFFFFFFFF, v23;
	v23 =	vld [tilespmem:$0x1FFC0]  }
0x93: {  	[tilespmem:$0x1F4B0] =	vst v33;
	v32 =	vld [tilespmem:$0x5120]  }
0x94: {  	[tilespmem:$0x1F530] =	vst v34  }
0x95: {  	[tilespmem:$0x1F560] =	vst v37  }
0x96: {  	[tilespmem:$0x1F4A0] =	vst v0;
	v0 =	vsel vm11, v35, v0  }
0x97: {  	vm3 =	vmmov vm9;
	v37 =	vld [tilespmem:$0x5130];
	[tilespmem:$0x1F4C0] =	vst v0;
	v47 =	vsel vm13, v22, v45;
	vm9 =	vlt.u32 v23, $0x1388  }
0x98: {  	vm11 =	vgt.f32 v31, v47;
	[tilespmem:$0x1F5A0] =	vst v12;
	v12 =	vnsel vm9, $0xFF800000, v32;
	v32 =	vmov v23;
	v23 =	vld [tilespmem:$0x1FFE0]  }
0x99: {  	v0 =	vsel vm2, v33, v0;
	[tilespmem:$0x1F5E0] =	vst v47;
	v33 =	vsel vm11, v31, v47;
	v47 =	vld [tilespmem:$0x1F220]  }
0x9a: {  	[tilespmem:$0x1F5F0] =	vst v14  }
0x9b: {  	[tilespmem:$0x1F230] =	vst v62  }
0x9c: {  	[tilespmem:$0x1F250] =	vst v2  }
0x9d: {  	[tilespmem:$0x1F260] =	vst v3;
	vm10 =	vlt.u32 v23, $0x1388  }
0x9e: {  	[tilespmem:$0x1F510] =	vst v0;
	vm9 =	vgt.f32 v12, v33;
	v37 =	vnsel vm10, $0xFF800000, v37;
	vm10 =	vnez.u8 v47;
	v47 =	vld [tilespmem:$0x1F3D0]  }
0x9f: {  	[tilespmem:$0x1F620] =	vst v33;
	v0 =	vsel vm10, v20, v0;
	v20 =	vsel vm1, v62, v36;
	v62 =	vsel vm9, v12, v33;
	v33 =	vld [tilespmem:$0x1F240]  }
0xa0: {  	[tilespmem:$0x1F280] =	vst v4  }
0xa1: {  	[tilespmem:$0x1F290] =	vst v5;
	v35 =	vimm.s32 $0x0;
	v25 =	vsel vm6, v25, v0  }
0xa2: {  	[tilespmem:$0x1F2B0] =	vst v6;
	vm1 =	vlt.f32 v20, $-Inf;
	vm6 =	vgt.f32 v20, $-Inf;
	vm0 =	vgt.f32 v37, v62  }
0xa3: {  	[tilespmem:$0x1F580] =	vst v1;
	v60 =	vmov v1;
	vm2 =	vmor vm6, vm1;
	v1 =	vsel vm0, $0xFFFFFFFF, v35  }
0xa4: {  	[tilespmem:$0x1F650] =	vst v1;
	v1 =	vsel vm12, v39, v2;
	vm12 =	vnez.u8 v47;
	v47 =	vld [tilespmem:$0x1F270];
	vm6 =	vnez.u8 v33  }
0xa5: {  	[tilespmem:$0x1F2E0] =	vst v7;
	v36 =	vmov v0;
	v0 =	vsel vm6, v34, v25  }
0xa6: {  	[tilespmem:$0x1F540] =	vst v25;
	v20 =	vnsel vm2, $0xFF800000, v20;
	v25 =	vsel vm0, v37, v62;
	v35 =	vsel vm12, v24, v0  }
0xa7: {  	[tilespmem:$0x1F310] =	vst v8;
	v34 =	vimm.s32 $0x0;
	vm12 =	vgt.f32 v1, v20;
	v60 =	vsel vm14, v60, v35  }
0xa8: {  	v39 =	vmovc v0;
	v0 =	vsel vm12, $0xFFFFFFFF, v34;
	v24 =	vsel vm12, v1, v20;
	[tilespmem:$0x1F5C0] =	vst v60;
	v60 =	vsel vm8, v26, v60  }
0xa9: {  	v33 =	vsel vm7, v47, v3;
	[tilespmem:$0x1F600] =	vst v60;
	v34 =	vsel vm5, v14, v60;
	v60 =	vsel vm3, v46, v4;
	v46 =	vld [tilespmem:$0x1F2A0]  }
0xaa: {  	(xrf0) =	vmax.scan.msk.f32 $0xffff, v25;
	[tilespmem:$0x1F6A0] =	vst v25;
	vm1 =	vgt.f32 v33, v24;
	v14 =	vimm.s32 $0x0  }
0xab: {  	[tilespmem:$0x1F7C0] =	vst v0;
	v0 =	vsel vm1, $0xFFFFFFFF, v14;
	v47 =	vsel vm15, v15, v34  }
0xac: {  	[tilespmem:$0x1F810] =	vst v0;
	v3 =	vsel vm13, v17, v47  }
0xad: {  	[tilespmem:$0x1F6D0] =	vst v3;
	v3 =	vsel vm11, v41, v3  }
0xae: {  	[tilespmem:$0x1F690] =	vst v47;
	v4 =	vsel vm4, v46, v5;
	v5 =	vsel vm9, v32, v3;
	v32 =	vld [tilespmem:$0x1F2C0]  }
0xaf: {  	v2 =	vsel vm1, v33, v24;
	v17 =	vmov v41;
	v41 =	vld [tilespmem:$0x1F2D0];
	[tilespmem:$0x1F6F0] =	vst v3;
	v3 =	vimm.s32 $0x0  }
0xb0: {  	v14 =	vimm.s32 $0x0;
	[tilespmem:$0x1F6E0] =	vst v2;
	vm1 =	vgt.f32 v60, v2;
	v47, _, _ =	vpop (xrf0);
	v3 =	vsel vm9, $0xFFFFFFFF, v3  }
0xb1: {  	v0 =	vsel vm1, $0xFFFFFFFF, v14;
	[tilespmem:$0x1F700] =	vst v3;
	v3 =	vbroadcast v47, $0xF  }
0xb2: {  	v2 =	vsel vm1, v60, v2;
	v14 =	vimm.s32 $0x0;
	[tilespmem:$0x1F850] =	vst v0  }
0xb3: {  	vm1 =	vgt.f32 v4, v2;
	[tilespmem:$0x1FC40] =	vst v3;
	vm13 =	veq.f32 v25, v3;
	v3 =	vld [tilespmem:$0x1F300];
	vm12 =	vnez.u8 v32  }
0xb4: {  	[tilespmem:$0x1F720] =	vst v2;
	v0 =	vsel vm1, $0xFFFFFFFF, v14;
	v14 =	vsel vm1, v4, v2;
	v32 =	vld [tilespmem:$0x1F2F0];
	v41 =	vsel vm12, v41, v6  }
0xb5: {  	[tilespmem:$0x1F710] =	vst v4;
	v47 =	vimm.s32 $0x0;
	vm1 =	vgt.f32 v41, v14  }
0xb6: {  	[tilespmem:$0x1F730] =	vst v5;
	v46 =	vsel vm0, v23, v5;
	v2 =	vsel vm1, $0xFFFFFFFF, v47;
	v47 =	vld [tilespmem:$0x1F320]  }
0xb7: {  	[tilespmem:$0x1F670] =	vst v46;
	v25 =	vimm.s32 $0x0  }
0xb8: {  	[tilespmem:$0x1F8D0] =	vst v2;
	v2 =	vsel vm13, $0xFFFFFFFF, v25;
	vm3 =	vnez.u8 v3;
	v25 =	vld [tilespmem:$0x1F340]  }
0xb9: {  	[tilespmem:$0x1F8A0] =	vst v0;
	v0 =	vxor.u32 $0x80000000, v46;
	v3 =	vsel vm3, v32, v7;
	v7 =	vsel vm1, v41, v14  }
0xba: {  	vm5 =	vmmov vm4;
	[tilespmem:$0x1F740] =	vst v14;
	v0 =	vnsel vm13, $0xC0000000, v0;
	vm4 =	vgt.f32 v3, v7  }
0xbb: {  	v46 =	vimm.s32 $0x0;
	(xrf0) =	vmin.scan.msk.u32 $0xffff, v0;
	v4 =	vsel vm4, v3, v7;
	v8 =	vsel vm10, v47, v8  }
0xbc: {  	[tilespmem:$0x1F680] =	vst v2;
	v14 =	vimm.s32 $0x0;
	v0 =	vsel vm4, $0xFFFFFFFF, v46;
	vm0 =	vgt.f32 v8, v4  }
0xbd: {  	[tilespmem:$0x1F910] =	vst v0;
	vm13 =	vnez.u8 v25;
	v0 =	vsel vm0, $0xFFFFFFFF, v14  }
0xbe: {  	v5 =	vld [tilespmem:$0x1F390];
	v2 =	vsel vm0, v8, v4;
	[tilespmem:$0x1F660] =	vst v0;
	v0 =	vsel vm13, v63, v9  }
0xbf: {  	v6 =	vld [tilespmem:$0x1F3A0];
	[tilespmem:$0x1F750] =	vst v3;
	v3 =	vimm.s32 $0x0;
	vm7 =	vgt.f32 v0, v2  }
0xc0: {  	v32 =	vld [tilespmem:$0x1F7F0];
	v3 =	vsel vm7, $0xFFFFFFFF, v3  }
0xc1: {  	[tilespmem:$0x1F980] =	vst v3;
	v3 =	vld [tilespmem:$0x1F350]  }
0xc2: {  	[tilespmem:$0x1F370] =	vst v51;
	v47 =	vld [tilespmem:$0x1F380]  }
0xc3: {  	v46 =	vld [tilespmem:$0x1F370];
	_ =	sdelay $0x2  }
0xc4: {  	vm4 =	vnez.u8 v3;
	v3 =	vsel vm7, v0, v2;
	vm7 =	vnez.u8 v6  }
0xc5: {  	[tilespmem:$0x1F770] =	vst v4;
	v4 =	vsel vm6, v27, v10;
	vm0 =	vmand vm4, vm2;
	v25 =	vsel vm7, v47, v5  }
0xc6: {  	[tilespmem:$0x1F780] =	vst v2;
	v5 =	vimm.s32 $0x0;
	v2 =	vsel vm0, v46, v32;
	vm0 =	vgt.f32 v4, v3  }
0xc7: {  	[tilespmem:$0x1F7B0] =	vst v3;
	v5 =	vsel vm0, $0xFFFFFFFF, v5;
	v46 =	vsel vm0, v4, v3;
	v3 =	vld [tilespmem:$0x1F7C0]  }
0xc8: {  	[tilespmem:$0x1F9B0] =	vst v5;
	v5 =	vld [tilespmem:$0x1F3D0]  }
0xc9: {  	[tilespmem:$0x1F760] =	vst v8;
	v8 =	vld [tilespmem:$0x1F3C0];
	_ =	sdelay $0x2  }
0xca: {  	[tilespmem:$0x1F3B0] =	vst v11;
	v14 =	vld [tilespmem:$0x1F400]  }
0xcb: {  	[tilespmem:$0x1F330] =	vst v9;
	v6 =	vld [tilespmem:$0x1F410];
	vm7 =	vnez.u8 v3;
	vm4 =	vnez.u8 v5  }
0xcc: {  	v9 =	vimm.s32 $0x0;
	[tilespmem:$0x1F790] =	vst v0;
	v5 =	vsel vm7, v20, v1;
	v0 =	vsel vm4, v8, v11;
	v11 =	vld [tilespmem:$0x1F3F0]  }
0xcd: {  	[tilespmem:$0x1F360] =	vst v10;
	v3 =	vsel vm14, v29, v18;
	vm1 =	vgt.f32 v5, $-Inf;
	vm0 =	vgt.f32 v0, v46  }
0xce: {  	[tilespmem:$0x1F7A0] =	vst v4;
	v1 =	vsel vm0, $0xFFFFFFFF, v9;
	v4 =	vsel vm0, v0, v46;
	vm0 =	vlt.f32 v5, $-Inf  }
0xcf: {  	v10 =	vimm.s32 $0x0;
	v63, _, _ =	vpop (xrf0);
	[tilespmem:$0x1F830] =	vst v3;
	vm0 =	vmor vm1, vm0  }
0xd0: {  	(v2sf) =	vpush v63, $0xF;
	v63 =	vld [tilespmem:$0x1F440];
	[tilespmem:$0x1F7E0] =	vst v0;
	v0 =	vsel vm0, $0xFFFFFFFF, v10;
	vm0 =	vnez.u8 v6  }
0xd1: {  	v32 =	vimm.s32 $0x0;
	[tilespmem:$0x1F9E0] =	vst v1;
	v10 =	vld [tilespmem:$0x1F470];
	v1 =	vsel vm0, v14, v11;
	vm0 =	vgt.f32 v3, v4  }
0xd2: {  	[tilespmem:$0x1F6B0] =	vst v0;
	v0 =	vsel vm0, $0xFFFFFFFF, v32;
	v32 =	vsel vm0, v3, v4;
	v3 =	vld [tilespmem:$0x1F480];
	_ =	sdelay $0x3  }
0xd3: {  	v11 =	vld [tilespmem:$0x1F490]  }
0xd4: {  	vm1 =	vnez.u8 v63;
	v63 =	vsel vm5, v3, v10;
	v3 =	vld [tilespmem:$0x1F4A0];
	_ =	sdelay $0x3  }
0xd5: {  	v14 =	vld [tilespmem:$0x1F4B0]  }
0xd6: {  	[tilespmem:$0x1F3E0] =	vst v18;
	v18 =	vsel vm12, v3, v11;
	v3 =	vld [tilespmem:$0x1F4C0]  }
0xd7: {  	v47 =	vld [tilespmem:$0x1F420]  }
0xd8: {  	v9 =	vld [tilespmem:$0x1F460]  }
0xd9: {  	v6 =	vld [tilespmem:$0x1F430];
	_ =	sdelay $0x1  }
0xda: {  	v14 =	vsel vm3, v3, v14;
	v3 =	vld [tilespmem:$0x1F4F0];
	_ =	sdelay $0x2  }
0xdb: {  	v47 =	vsel vm1, v6, v47;
	v6 =	vsel vm8, v9, v13;
	v9 =	vld [tilespmem:$0x1F500]  }
0xdc: {  	v10 =	vld [tilespmem:$0x1F520]  }
0xdd: {  	vm12 =	vnez.u8 v3;
	v3 =	vld [tilespmem:$0x1F510];
	_ =	sdelay $0x2  }
0xde: {  	[tilespmem:$0x1F450] =	vst v13;
	v8 =	vld [tilespmem:$0x1F4E0];
	v13 =	vimm.s32 $0x0;
	vm0 =	vgt.f32 v6, v32  }
0xdf: {  	[tilespmem:$0x1F6C0] =	vst v0;
	v0 =	vsel vm0, $0xFFFFFFFF, v13;
	v13 =	vsel vm13, v36, v10;
	v36 =	vld [tilespmem:$0x1F530]  }
0xe0: {  	v20 =	vsel vm10, v3, v9;
	v3 =	vld [tilespmem:$0x1F540]  }
0xe1: {  	v9 =	vld [tilespmem:$0x1F560];
	_ =	sdelay $0x2  }
0xe2: {  	[tilespmem:$0x1F870] =	vst v6;
	v6 =	vsel vm0, v6, v32;
	v8 =	vsel vm12, v8, v19  }
0xe3: {  	[tilespmem:$0x1F550] =	vst v21;
	v11 =	vimm.s32 $0x0;
	vm0 =	vgt.f32 v8, v6  }
0xe4: {  	[tilespmem:$0x1F860] =	vst v0;
	v0 =	vsel vm0, $0xFFFFFFFF, v11;
	v11 =	vsel vm6, v3, v36;
	v36 =	vsel vm15, v9, v21;
	v21 =	vld [tilespmem:$0x1F580];
	_ =	sdelay $0x4  }
0xe5: {  	v9 =	vsel vm14, v35, v21;
	v21 =	vld [tilespmem:$0x1F5A0];
	_ =	sdelay $0x4  }
0xe6: {  	vm6 =	vnez.u8 v21  }
0xe7: {  	[tilespmem:$0x1F590] =	vst v22;
	v29 =	vsel vm6, v45, v22;
	v22 =	vld [tilespmem:$0x1F5C0]  }
0xe8: {  	v10 =	vld [tilespmem:$0x1F570];
	_ =	sdelay $0x3  }
0xe9: {  	[tilespmem:$0x1F5B0] =	vst v26;
	v27 =	vsel vm0, v8, v6;
	v3 =	vsel vm8, v22, v26;
	v26 =	vld [tilespmem:$0x1F810]  }
0xea: {  	v10 =	vsel vm4, v39, v10;
	vm0 =	vgt.f32 v36, v27  }
0xeb: {  	[tilespmem:$0x1F4D0] =	vst v19;
	v39 =	vimm.s32 $0x0;
	v19 =	vmovc v25;
	v21 =	vsel vm7, v25, v2;
	v25 =	vsel vm0, v36, v27  }
0xec: {  	[tilespmem:$0x1FA50] =	vst v0;
	v0 =	vsel vm0, $0xFFFFFFFF, v39;
	v35 =	vimm.s32 $0x0;
	v45 =	vld [tilespmem:$0x1F5E0];
	vm0 =	vgt.f32 v29, v25  }
0xed: {  	[tilespmem:$0x1F8E0] =	vst v0;
	v0 =	vsel vm0, $0xFFFFFFFF, v35;
	v35 =	vld [tilespmem:$0x1F600]  }
0xee: {  	vm3 =	vnez.u8 v26;
	v26 =	vld [tilespmem:$0x1F5F0];
	_ =	sdelay $0x2  }
0xef: {  	v22 =	vld [tilespmem:$0x1F850]  }
0xf0: {  	[tilespmem:$0x1F820] =	vst v4;
	v4 =	vsel vm11, v45, v31;
	v45 =	vld [tilespmem:$0x1F8A0]  }
0xf1: {  	[tilespmem:$0x1F5D0] =	vst v31;
	v31 =	vsel vm12, v35, v26;
	v26 =	vld [tilespmem:$0x1F620]  }
0xf2: {  	v35 =	vld [tilespmem:$0x1F8D0];
	_ =	sdelay $0x1  }
0xf3: {  	vm8 =	vnez.u8 v22;
	v39 =	vsel vm3, v1, v21  }
0xf4: {  	[tilespmem:$0x1F920] =	vst v0;
	vm1 =	vnez.u8 v45;
	v0 =	vsel vm8, v47, v39  }
0xf5: {  	v45 =	vmov v63;
	[tilespmem:$0x1F890] =	vst v0;
	v0 =	vsel vm1, v63, v0;
	v63 =	vsel vm9, v26, v12;
	v26 =	vld [tilespmem:$0x1F910]  }
0xf6: {  	vm2 =	vnez.u8 v35;
	v35 =	vsel vm15, v34, v15;
	v34 =	vld [tilespmem:$0x1F650];
	_ =	sdelay $0x3  }
0xf7: {  	[tilespmem:$0x1F900] =	vst v14  }
0xf8: {  	[tilespmem:$0x1F8B0] =	vst v0;
	v0 =	vsel vm2, v18, v0;
	vm4 =	vnez.u8 v26;
	vm15 =	vnez.u8 v34  }
0xf9: {  	[tilespmem:$0x1F8F0] =	vst v0;
	v0 =	vsel vm4, v14, v0;
	v14 =	vsel vm15, v62, v37;
	v62 =	vld [tilespmem:$0x1F660];
	_ =	sdelay $0x1  }
0xfa: {  	v26 =	vld [tilespmem:$0x1F980]  }
0xfb: {  	[tilespmem:$0x1F610] =	vst v12;
	v34 =	vld [tilespmem:$0x1F680]  }
0xfc: {  	[tilespmem:$0x1F640] =	vst v37  }
0xfd: {  	[tilespmem:$0x1F7D0] =	vst v2;
	v22 =	vsel vm0, v29, v25;
	vm12 =	vnez.u8 v62;
	v62 =	vld [tilespmem:$0x1F9B0]  }
0xfe: {  	[tilespmem:$0x1F800] =	vst v1;
	v2 =	vld [tilespmem:$0x1F670];
	vm14 =	vgt.f32 v4, v22;
	v12 =	vimm.s32 $0x0  }
0xff: {  	[tilespmem:$0x1F8C0] =	vst v18;
	v1 =	vsel vm14, $0xFFFFFFFF, v12  }
0x100: {  	[tilespmem:$0x1F950] =	vst v1;
	vm7 =	vnez.u8 v26;
	vm13 =	vnez.u8 v34;
	v34 =	vld [tilespmem:$0x1F690];
	v1 =	vsel vm12, v20, v0  }
0x101: {  	s5 =	spop (v2sf);
	[tilespmem:$0x1F970] =	vst v13;
	v18 =	vsel vm14, v4, v22;
	v37 =	vsel vm7, v13, v1;
	v13 =	vld [tilespmem:$0x1FFA0]  }
0x102: {  	[tilespmem:$0x1F630] =	vst v15;
	s5 =	sxor.u32 $0x80000000, s5;
	vm9 =	vgt.f32 v63, v18;
	vm5 =	vnez.u8 v62;
	v62 =	vld [tilespmem:$0x1F6A0]  }
0x103: {  	[tilespmem:$0x1F940] =	vst v20;
	vm0 =	veq.s32 v2, s5;
	v12 =	vimm.s32 $0x0;
	v20 =	vsel vm9, v63, v18  }
0x104: {  	[tilespmem:$0x1F930] =	vst v0;
	v0 =	vsel vm9, $0xFFFFFFFF, v12;
	v12 =	vimm.s32 $0x0;
	vm10 =	vgt.f32 v14, v20  }
0x105: {  	vm0 =	vmand vm13, vm0;
	[tilespmem:$0x1F990] =	vst v0;
	v0 =	vsel vm10, $0xFFFFFFFF, v12;
	v12 =	vld [tilespmem:$0x1F9E0]  }
0x106: {  	[tilespmem:$0x1F9A0] =	vst v11;
	v15 =	vsel vm5, v11, v37;
	v11 =	vsel vm10, v14, v20;
	v34 =	vsel vm6, v34, v13;
	v13 =	vld [tilespmem:$0x1F6B0]  }
0x107: {  	v26 =	vsel vm0, v11, v62;
	v62 =	vld [tilespmem:$0x1F6C0];
	_ =	sdelay $0x3  }
0x108: {  	v24 =	vsel vm3, v24, v33;
	vm6 =	vnez.u8 v12;
	vm13 =	vnez.u8 v13  }
0x109: {  	v12 =	vsel vm6, v10, v15;
	v33 =	vnsel vm13, $0xFF800000, v5;
	v5 =	vld [tilespmem:$0x1F6D0];
	vm3 =	vnez.u8 v62  }
0x10a: {  	[tilespmem:$0x1F9F0] =	vst v9;
	v13 =	vsel vm3, v9, v12;
	v9 =	vld [tilespmem:$0x1F860];
	_ =	sdelay $0x4  }
0x10b: {  	[tilespmem:$0x1FA20] =	vst v11;
	v11 =	vimm.s32 $0x0;
	v62 =	vsel vm11, v5, v17;
	vm11 =	vnez.u8 v9  }
0x10c: {  	[tilespmem:$0x1F9C0] =	vst v0;
	v0 =	vsel vm0, $0xFFFFFFFF, v11;
	v11 =	vsel vm11, v3, v13;
	vm11 =	vgt.f32 v24, v33  }
0x10d: {  	[tilespmem:$0x1F960] =	vst v1;
	v1 =	vsel vm11, v24, v33;
	v24 =	vld [tilespmem:$0x1F6E0]  }
0x10e: {  	v33 =	vld [tilespmem:$0x1FA50];
	_ =	sdelay $0x3  }
0x10f: {  	v5 =	vld [tilespmem:$0x1F6F0]  }
0x110: {  	v24 =	vsel vm8, v24, v60;
	vm8 =	vnez.u8 v33;
	v33 =	vld [tilespmem:$0x1F700]  }
0x111: {  	v60 =	vld [tilespmem:$0x1FFC0];
	_ =	sdelay $0x2  }
0x112: {  	[tilespmem:$0x1F9D0] =	vst v10;
	v10 =	vimm.s32 $0x0  }
0x113: {  	[tilespmem:$0x1FA10] =	vst v0;
	v0 =	vsel vm11, $0xFFFFFFFF, v10;
	vm11 =	vnez.u8 v33;
	v33 =	vld [tilespmem:$0x1F710]  }
0x114: {  	v17 =	vsel vm11, v5, v60;
	v60 =	vld [tilespmem:$0x1F8E0]  }
0x115: {  	v5 =	vld [tilespmem:$0x1F720];
	_ =	sdelay $0x3  }
0x116: {  	[tilespmem:$0x1FA30] =	vst v3;
	v3 =	vsel vm8, v31, v11;
	vm11 =	vnez.u8 v60  }
0x117: {  	[tilespmem:$0x1FA60] =	vst v35;
	v10 =	vsel vm11, v35, v3;
	v35 =	vsel vm1, v5, v33;
	v33 =	vld [tilespmem:$0x1F920];
	_ =	sdelay $0x3  }
0x118: {  	v9 =	vimm.s32 $0x0;
	vm11 =	vgt.f32 v24, v1  }
0x119: {  	[tilespmem:$0x1F840] =	vst v0;
	v0 =	vsel vm11, $0xFFFFFFFF, v9;
	v1 =	vsel vm11, v24, v1;
	vm11 =	vnez.u8 v33  }
0x11a: {  	[tilespmem:$0x1FA70] =	vst v34;
	v5 =	vsel vm11, v34, v10;
	v34 =	vld [tilespmem:$0x1F730];
	_ =	sdelay $0x4  }
0x11b: {  	v9 =	vsel vm15, v34, v23;
	vm15 =	vgt.f32 v35, v1  }
0x11c: {  	v24 =	vsel vm15, v35, v1;
	v35 =	vld [tilespmem:$0x1F740];
	_ =	sdelay $0x4  }
0x11d: {  	v34 =	vsel vm2, v35, v41;
	v35 =	vld [tilespmem:$0x1F750];
	_ =	sdelay $0x1  }
0x11e: {  	(xrf0) =	vmax.scan.msk.f32 $0xffff, v26;
	_ =	sdelay $0x1  }
0x11f: {  	vm1 =	vgt.f32 v34, v24  }
0x120: {  	v24 =	vsel vm1, v34, v24;
	v35 =	vsel vm4, v7, v35  }
0x121: {  	v7 =	vld [tilespmem:$0x1F770];
	vm4 =	vgt.f32 v35, v24  }
0x122: {  	v24 =	vsel vm4, v35, v24;
	v35 =	vld [tilespmem:$0x1F760]  }
0x123: {  	v60 =	vsel vm14, v62, v5;
	v23, _, _ =	vpop (xrf0)  }
0x124: {  	v1 =	vsel vm9, v17, v60;
	v41 =	vmov v17;
	v17 =	vbroadcast v23, $0xF;
	_ =	sdelay $0x1  }
0x125: {  	v33 =	vsel vm10, v9, v1;
	v23 =	vimm.s32 $0x0;
	vm11 =	veq.f32 v26, v17  }
0x126: {  	v34 =	vsel vm0, v33, v2;
	v2 =	vsel vm11, $0xFFFFFFFF, v23;
	v23 =	vsel vm12, v7, v35;
	v35 =	vld [tilespmem:$0x1F780]  }
0x127: {  	v7 =	vld [tilespmem:$0x1F790];
	_ =	sdelay $0x1  }
0x128: {  	[tilespmem:$0x1F880] =	vst v0;
	v0 =	vxor.u32 $0x80000000, v34  }
0x129: {  	v0 =	vnsel vm11, $0xC0000000, v0;
	vm11 =	vgt.f32 v23, v24  }
0x12a: {  	(xrf0) =	vmin.scan.msk.u32 $0xffff, v0;
	v0 =	vsel vm11, v23, v24;
	v24 =	vld [tilespmem:$0x1F7A0]  }
0x12b: {  	v23 =	vsel vm7, v35, v7;
	v7 =	vld [tilespmem:$0x1F7B0];
	_ =	sdelay $0x3  }
0x12c: {  	vm9 =	vgt.f32 v23, v0  }
0x12d: {  	v35 =	vld [tilespmem:$0x1F7C0];
	v0 =	vsel vm9, v23, v0;
	v24 =	vsel vm5, v7, v24  }
0x12e: {  	v23 =	vld [tilespmem:$0x1F7D0];
	vm5 =	vgt.f32 v24, v0  }
0x12f: {  	v0 =	vsel vm5, v24, v0;
	v24 =	vld [tilespmem:$0x1F7E0];
	_ =	sdelay $0x2  }
0x130: {  	vm14 =	vnez.u8 v35;
	v7 =	vld [tilespmem:$0x1F810]  }
0x131: {  	v35 =	vsel vm14, v23, v19;
	v23 =	vld [tilespmem:$0x1F7F0]  }
0x132: {  	v24 =	vsel vm6, v46, v24;
	v46 =	vld [tilespmem:$0x1F800];
	_ =	sdelay $0x2  }
0x133: {  	vm7 =	vnez.u8 v7;
	v7 =	vld [tilespmem:$0x1F830]  }
0x134: {  	[tilespmem:$0x1FA40] =	vst v31;
	v31, _, _ =	vpop (xrf0);
	v35 =	vsel vm13, v35, v23;
	v23 =	vld [tilespmem:$0x1F840]  }
0x135: {  	(v2sf) =	vpush v31, $0xF;
	v31 =	vsel vm7, v21, v46;
	v21 =	vld [tilespmem:$0x1F820];
	_ =	sdelay $0x1  }
0x136: {  	v46 =	vld [tilespmem:$0x1F850];
	_ =	sdelay $0x1  }
0x137: {  	vm2 =	vmmov vm12;
	vm12 =	vgt.f32 v24, v0;
	vm10 =	vnez.u8 v23;
	v23 =	vld [tilespmem:$0x1F860]  }
0x138: {  	v0 =	vsel vm12, v24, v0;
	v24 =	vsel vm3, v21, v7;
	v7 =	vld [tilespmem:$0x1F8A0]  }
0x139: {  	v31 =	vsel vm10, v31, v35;
	v35 =	vld [tilespmem:$0x1F8D0]  }
0x13a: {  	vm13 =	vnez.u8 v46;
	v46 =	vld [tilespmem:$0x1F880]  }
0x13b: {  	v21 =	vsel vm13, v39, v47;
	v47 =	vld [tilespmem:$0x1F890]  }
0x13c: {  	vm13 =	vnez.u8 v23;
	v23 =	vsel vm8, v6, v8;
	v6 =	vld [tilespmem:$0x1F8B0]  }
0x13d: {  	vm7 =	vnez.u8 v7;
	v7 =	vld [tilespmem:$0x1F8C0];
	_ =	sdelay $0x2  }
0x13e: {  	vm14 =	vnez.u8 v46  }
0x13f: {  	vm10 =	vnez.u8 v35;
	v31 =	vsel vm14, v21, v31;
	v21 =	vsel vm7, v47, v45  }
0x140: {  	[tilespmem:$0x1FA00] =	vst v2;
	v2 =	vsel vm15, v21, v31;
	v31 =	vsel vm10, v6, v7;
	v6 =	vld [tilespmem:$0x1F8E0]  }
0x141: {  	vm6 =	vgt.f32 v24, v0  }
0x142: {  	v0 =	vsel vm6, v24, v0;
	v24 =	vld [tilespmem:$0x1F870]  }
0x143: {  	v45 =	vld [tilespmem:$0x1F8F0]  }
0x144: {  	v7 =	vld [tilespmem:$0x1F910]  }
0x145: {  	vm7 =	vnez.u8 v6;
	v6 =	vld [tilespmem:$0x1F900];
	_ =	sdelay $0x1  }
0x146: {  	v39 =	vsel vm13, v32, v24  }
0x147: {  	vm14 =	vgt.f32 v39, v0  }
0x148: {  	v0 =	vsel vm14, v39, v0;
	vm15 =	vnez.u8 v7  }
0x149: {  	v39 =	vsel vm7, v27, v36;
	v27 =	vsel vm1, v31, v2;
	v2 =	vsel vm15, v45, v6;
	v6 =	vld [tilespmem:$0x1F920];
	_ =	sdelay $0x2  }
0x14a: {  	v32 =	vld [tilespmem:$0x1F950];
	vm8 =	vgt.f32 v23, v0  }
0x14b: {  	v0 =	vsel vm8, v23, v0;
	v23 =	vld [tilespmem:$0x1F930]  }
0x14c: {  	vm1 =	vnez.u8 v6;
	v6 =	vld [tilespmem:$0x1F940];
	_ =	sdelay $0x2  }
0x14d: {  	v36 =	vld [tilespmem:$0x1F960]  }
0x14e: {  	v45 =	vld [tilespmem:$0x1F990]  }
0x14f: {  	v47 =	vsel vm4, v2, v27;
	v27 =	vsel vm2, v23, v6;
	vm2 =	vnez.u8 v32;
	v6 =	vld [tilespmem:$0x1F980]  }
0x150: {  	v22 =	vsel vm2, v22, v4;
	v4 =	vld [tilespmem:$0x1F970];
	_ =	sdelay $0x2  }
0x151: {  	vm10 =	vgt.f32 v39, v0  }
0x152: {  	v0 =	vsel vm10, v39, v0;
	v46 =	vsel vm1, v25, v29;
	vm15 =	vnez.u8 v6  }
0x153: {  	vm4 =	vnez.u8 v45;
	vm0 =	vgt.f32 v46, v0;
	v39 =	vsel vm15, v36, v4;
	v4 =	vld [tilespmem:$0x1F9B0]  }
0x154: {  	v0 =	vsel vm0, v46, v0;
	v46 =	vsel vm4, v18, v63;
	v63 =	vld [tilespmem:$0x1F9A0]  }
0x155: {  	v45 =	vld [tilespmem:$0x1FA10]  }
0x156: {  	v25 =	vld [tilespmem:$0x1F9C0];
	v35 =	vsel vm11, v27, v47  }
0x157: {  	v47 =	vsel vm9, v39, v35;
	v35 =	vld [tilespmem:$0x1F9D0]  }
0x158: {  	vm15 =	vnez.u8 v4;
	v4 =	vld [tilespmem:$0x1F9E0]  }
0x159: {  	vm11 =	vgt.f32 v22, v0;
	v39 =	vld [tilespmem:$0x1FA00];
	v8 =	vsel vm15, v37, v63  }
0x15a: {  	v0 =	vsel vm11, v22, v0;
	v32 =	vsel vm5, v8, v47;
	v47 =	vld [tilespmem:$0x1FA30]  }
0x15b: {  	vm9 =	vgt.f32 v46, v0;
	v37 =	vld [tilespmem:$0x1F9F0]  }
0x15c: {  	v0 =	vsel vm9, v46, v0;
	v46 =	vld [tilespmem:$0x1FA20];
	vm15 =	vnez.u8 v25  }
0x15d: {  	v20 =	vsel vm15, v20, v14;
	vm5 =	vnez.u8 v4;
	v4 =	vld [tilespmem:$0x1FA50]  }
0x15e: {  	s6 =	spop (v2sf);
	v8 =	vld [tilespmem:$0x1FA40];
	v36 =	vsel vm5, v15, v35;
	vm5 =	vgt.f32 v20, v0  }
0x15f: {  	s6 =	sxor.u32 $0x80000000, s6;
	v21 =	vsel vm12, v36, v32;
	v0 =	vsel vm5, v20, v0;
	v63 =	vsel vm13, v13, v47;
	v13 =	vld [tilespmem:$0x1FA60]  }
0x160: {  	v24 =	vld [tilespmem:$0x1FA70];
	vm12 =	veq.s32 v34, s6;
	v20 =	vsel vm3, v12, v37;
	vm3 =	vnez.u8 v39  }
0x161: {  	vm3 =	vmand vm3, vm12;
	v20 =	vsel vm6, v20, v21  }
0x162: {  	vm12 =	vnez.u8 v45;
	v20 =	vsel vm14, v63, v20;
	vm14 =	vnez.u8 v4  }
0x163: {  	v0 =	vsel vm12, v0, v46;
	v12 =	vsel vm14, v11, v8  }
0x164: {  	v0 =	vsel vm3, v0, v26;
	v20 =	vsel vm8, v12, v20;
	v14 =	vsel vm7, v3, v13  }
0x165: {  	v25 =	vsel vm1, v10, v24;
	(xrf0) =	vmax.scan.msk.f32 $0xffff, v0;
	v20 =	vsel vm10, v14, v20  }
0x166: {  	v26 =	vsel vm2, v5, v62;
	v20 =	vsel vm0, v25, v20  }
0x167: {  	v32 =	vsel vm4, v60, v41;
	v20 =	vsel vm11, v26, v20  }
0x168: {  	v20 =	vsel vm9, v32, v20;
	_ =	sdelay $0x1  }
0x169: {  	v23 =	vor.u32 $0x2, v61;
	v1 =	vsel vm15, v1, v9  }
0x16a: {  	[tilespmem:$0x1FBB0] =	vst v23;
	v22 =	vor.u32 $0x1, v61;
	v1 =	vsel vm5, v1, v20;
	v20, _, _ =	vpop (xrf0)  }
0x16b: {  	[tilespmem:$0x1FBA0] =	vst v22;
	v10 =	vor.u32 $0x3, v43;
	v1 =	vsel vm12, v1, v33;
	v20 =	vbroadcast v20, $0xF  }
0x16c: {  	v9 =	vor.u32 $0x2, v43;
	[tilespmem:$0x1FB60] =	vst v10;
	v1 =	vsel vm3, v1, v34  }
0x16d: {  	v10 =	vor.u32 $0x3, v50;
	[tilespmem:$0x1FB50] =	vst v9;
	v33 =	vxor.u32 $0x80000000, v1;
	vm8 =	veq.f32 v0, v20  }
0x16e: {  	v9 =	vor.u32 $0x2, v50;
	[tilespmem:$0x1FCF0] =	vst v10;
	v0 =	vnsel vm8, $0xC0000000, v33  }
0x16f: {  	[tilespmem:$0x1FCE0] =	vst v9;
	v35 =	vor.u32 $0x2, v16;
	(xrf0) =	vmin.scan.msk.u32 $0xffff, v0  }
0x170: {  	[tilespmem:$0x1FA90] =	vst v35;
	v36 =	vor.u32 $0x3, v16  }
0x171: {  	v37 =	vor.u32 $0x1, v40;
	[tilespmem:$0x1FAA0] =	vst v36  }
0x172: {  	v39 =	vor.u32 $0x2, v40;
	[tilespmem:$0x1FAB0] =	vst v37  }
0x173: {  	v41 =	vor.u32 $0x3, v40;
	[tilespmem:$0x1FAC0] =	vst v39  }
0x174: {  	v47 =	vor.u32 $0x3, v38;
	[tilespmem:$0x1FAD0] =	vst v41  }
0x175: {  	v60 =	vor.u32 $0x1, v42;
	[tilespmem:$0x1FB00] =	vst v47;
	v0, _, _ =	vpop (xrf0)  }
0x176: {  	v35 =	vor.u32 $0x1, v48;
	[tilespmem:$0x1FB10] =	vst v60;
	(v2sf) =	vpush v0, $0xF  }
0x177: {  	v45 =	vor.u32 $0x1, v38;
	[tilespmem:$0x1FC20] =	vst v35  }
0x178: {  	v21 =	vor.u32 $0x3, v44;
	[tilespmem:$0x1FAE0] =	vst v45  }
0x179: {  	v39 =	vor.u32 $0x2, v48;
	[tilespmem:$0x1FB90] =	vst v21  }
0x17a: {  	v41 =	vor.u32 $0x3, v48;
	[tilespmem:$0x1FC50] =	vst v39  }
0x17b: {  	v47 =	vor.u32 $0x3, v55;
	[tilespmem:$0x1FC60] =	vst v41  }
0x17c: {  	v60 =	vor.u32 $0x1, v49;
	[tilespmem:$0x1FC90] =	vst v47  }
0x17d: {  	v46 =	vor.u32 $0x2, v38;
	[tilespmem:$0x1FCA0] =	vst v60  }
0x17e: {  	v63 =	vor.u32 $0x3, v42;
	[tilespmem:$0x1FAF0] =	vst v46  }
0x17f: {  	v45 =	vor.u32 $0x1, v55;
	[tilespmem:$0x1FB30] =	vst v63  }
0x180: {  	v62 =	vor.u32 $0x2, v42;
	[tilespmem:$0x1FC70] =	vst v45  }
0x181: {  	v46 =	vor.u32 $0x2, v55;
	[tilespmem:$0x1FB20] =	vst v62  }
0x182: {  	v63 =	vor.u32 $0x3, v49;
	[tilespmem:$0x1FC80] =	vst v46  }
0x183: {  	v8 =	vor.u32 $0x1, v43;
	[tilespmem:$0x1FCC0] =	vst v63  }
0x184: {  	v11 =	vor.u32 $0x1, v44;
	[tilespmem:$0x1FB40] =	vst v8  }
0x185: {  	v62 =	vor.u32 $0x2, v49;
	[tilespmem:$0x1FB70] =	vst v11;
	s7 =	spop (v2sf)  }
0x186: {  	v12 =	vor.u32 $0x2, v44;
	[tilespmem:$0x1FCB0] =	vst v62;
	s7 =	sxor.u32 $0x80000000, s7  }
0x187: {  	v8 =	vor.u32 $0x1, v50;
	[tilespmem:$0x1FB80] =	vst v12;
	p0 =	slt.s32 s7, $0x13FF  }
0x188: {  	v24 =	vimm.s32 $0x0;
	vm15 =	vmmov $0x1;
	v11 =	vor.u32 $0x1, v30;
	[tilespmem:$0x1FCD0] =	vst v8;
	s7 =	simm.s32 @!p0 $0x13FF  }
0x189: {  	vm13 =	vcmask $0xB08;
	v14 =	vlaneseq.u32;
	[tilespmem:$0x1FD00] =	vst v11;
	v25 =	vor.u32 $0x3, v61;
	s7 =	scvt.s32.f32 s7  }
0x18a: {  	vm10 =	vcmask $0x1310;
	vm14 =	veq.s32 v14, $0x1;
	[tilespmem:$0x1FBD0] =	vst v25;
	v26 =	vor.u32 $0x1, v28;
	p0 =	slt.s32 s6, $0x13FF  }
0x18b: {  	vm9 =	vcmask $0x1714;
	[tilespmem:$0x1FBE0] =	vst v26;
	v32 =	vor.u32 $0x2, v28;
	s6 =	simm.s32 @!p0 $0x13FF;
	v13 =	vmov s7  }
0x18c: {  	v37 =	vld [tilespmem:$0x1FC40];
	[tilespmem:$0x1FBF0] =	vst v32;
	vm12 =	veq.s32 v14, $0x3;
	v34 =	vor.u32 $0x1, v16;
	s6 =	scvt.s32.f32 s6;
	v0 =	vnsel vm9, $0x0, v13  }
0x18d: {  	vm11 =	veq.s32 v14, $0x3;
	v2 =	vsel vm12, $0xFFFFFFFF, v24;
	[tilespmem:$0x1FA80] =	vst v34;
	v0 =	vsel vm10, v20, v0  }
0x18e: {  	s5 =	scvt.s32.f32 s5;
	[tilespmem:$0x1FBC0] =	vst v2;
	v34 =	vor.u32 $0x3, v28;
	v33 =	vimm.s32 $0x0;
	v0 =	vsel vm11, s6, v0  }
0x18f: {  	v36 =	vimm.s32 $0x0;
	[tilespmem:$0x1FC10] =	vst v34;
	v1 =	vsel vm14, $0xFFFFFFFF, v33;
	v0 =	vsel vm13, v17, v0  }
0x190: {  	[tilespmem:$0x1FC00] =	vst v1;
	v1 =	vsel vm15, $0xFFFFFFFF, v36;
	v0 =	vsel vm14, s5, v0  }
0x191: {  	[tilespmem:$0x1FC30] =	vst v1;
	v0 =	vsel vm15, v37, v0  }
0x192: {  	s6 =	simm.s32 $0x2;
	s5 =	simm.s32 $0x5180;
	[tilespmem:$0x5180] =	vst v0  }
0x193: {  	[spmem:s4] =	stream.linear.scatter [tilespmem:s5], [sflag:$0x2], $0x8, $0x38;
	[tilespmem:$0x5690] =	vst v63  }
0x194: {  	v12 =	vor.u32 $0x2, v30;
	_ =	swait.ge [sflag:s6], $0x8  }
0x195: {  	v13 =	vor.u32 $0x3, v30;
	[tilespmem:$0x1FD10] =	vst v12  }
0x196: {  	v14 =	vor.u32 $0x1, v52;
	[tilespmem:$0x1FD20] =	vst v13  }
0x197: {  	v21 =	vor.u32 $0x2, v52;
	[tilespmem:$0x1FD30] =	vst v14  }
0x198: {  	v22 =	vor.u32 $0x3, v52;
	[tilespmem:$0x1FD40] =	vst v21  }
0x199: {  	v23 =	vor.u32 $0x1, v54;
	[sflag:s6] =	ssyncset.done $0x0;
	[tilespmem:$0x1FD50] =	vst v22  }
0x19a: {  	s7 =	simm.s32 $0x1;
	[tilespmem:$0x1FD60] =	vst v23;
	[sflag:s6] =	ssyncadd.s32 $0xFFFFFFF8  }
0x19b: {  	v24 =	vor.u32 $0x2, v54;
	_ =	swait.ge [sflag:s7], $0x4E20  }
0x19c: {  	v25 =	vor.u32 $0x3, v54;
	[tilespmem:$0x1FD70] =	vst v24  }
0x19d: {  	v26 =	vor.u32 $0x1, v53;
	[tilespmem:$0x1FD80] =	vst v25  }
0x19e: {  	v32 =	vor.u32 $0x2, v53;
	[tilespmem:$0x1FD90] =	vst v26  }
0x19f: {  	v33 =	vor.u32 $0x3, v53;
	[tilespmem:$0x1FDA0] =	vst v32  }
0x1a0: {  	v34 =	vor.u32 $0x1, v56;
	[tilespmem:$0x1FDB0] =	vst v33  }
0x1a1: {  	v35 =	vor.u32 $0x2, v56;
	[tilespmem:$0x1FDC0] =	vst v34  }
0x1a2: {  	v36 =	vor.u32 $0x3, v56;
	[sflag:s7] =	ssyncset.done $0x0;
	[tilespmem:$0x1FDD0] =	vst v35  }
0x1a3: {  	[tilespmem:$0x1FDE0] =	vst v36;
	[sflag:s7] =	ssyncadd.s32 $0xFFFFB1E0  }
0x1a4: {  	v37 =	vor.u32 $0x1, v58;
	[bflag:$0x0] =	sbarrier.arrive $0xFFFF  }
0x1a5: {  	v39 =	vor.u32 $0x2, v58;
	[tilespmem:$0x1FDF0] =	vst v37  }
0x1a6: {  	v41 =	vor.u32 $0x3, v58;
	[tilespmem:$0x1FE00] =	vst v39  }
0x1a7: {  	[tilespmem:$0x1FE10] =	vst v41  }
0x1a8: {  	[tilespmem:$0x1FE80] =	vst v16  }
0x1a9: {  	[tilespmem:$0x1FE90] =	vst v40  }
0x1aa: {  	[tilespmem:$0x1FEA0] =	vst v38  }
0x1ab: {  	[tilespmem:$0x1FEB0] =	vst v42  }
0x1ac: {  	[tilespmem:$0x1FEC0] =	vst v43  }
0x1ad: {  	[tilespmem:$0x1FED0] =	vst v44  }
0x1ae: {  	[tilespmem:$0x1FEE0] =	vst v61  }
0x1af: {  	[tilespmem:$0x1FEF0] =	vst v28  }
0x1b0: {  	[tilespmem:$0x1FF00] =	vst v48  }
0x1b1: {  	[tilespmem:$0x1FF10] =	vst v55  }
0x1b2: {  	[tilespmem:$0x1FF20] =	vst v49  }
0x1b3: {  	[tilespmem:$0x1FF30] =	vst v50  }
0x1b4: {  	v18 =	vld [tilespmem:$0x1FFD0];
	[tilespmem:$0x1FF40] =	vst v30  }
0x1b5: {  	[tilespmem:$0x1FF50] =	vst v52  }
0x1b6: {  	[tilespmem:$0x1FF60] =	vst v54  }
0x1b7: {  	v4 =	vld [tilespmem:$0x1FFF0];
	[tilespmem:$0x1FF70] =	vst v53  }
0x1b8: {  	[tilespmem:$0x1FF80] =	vst v56  }
0x1b9: {  	[tilespmem:$0x1FF90] =	vst v58;
	v45 =	vor.u32 $0x1, v18  }
0x1ba: {  	v46 =	vor.u32 $0x2, v18;
	[tilespmem:$0x1FE20] =	vst v45  }
0x1bb: {  	v47 =	vor.u32 $0x3, v18;
	[tilespmem:$0x1FE30] =	vst v46  }
0x1bc: {  	s11 =	simm.s32 @!p1 $0x0;
	v60 =	vor.u32 $0x1, v4;
	[tilespmem:$0x1FE40] =	vst v47  }
0x1bd: {  	s8 =	simm.s32 $0x0;
	s11 =	simm.s32 @p1 $0x1;
	v62 =	vor.u32 $0x2, v4;
	[tilespmem:$0x1FE50] =	vst v60  }
0x1be: {  	s9 =	simm.s32 $0x5200;
	s10 =	simm.s32 $0x3;
	[smem:$0x7FD] =	sst s11;
	v63 =	vor.u32 $0x3, v4;
	[tilespmem:$0x1FE60] =	vst v62  }
0x1bf: {  	p1 =	por !p1, !p1;
	[dreg:$0x5] =	wrdreg s10;
	s10 =	simm.s32 $0x0;
	[tilespmem:$0x1FE70] =	vst v63  }
.LBB2_6:
0x1c0: {  	s11 =	sadd.s32 $0xFFFFFFFF, s7  }
0x1c1: {  	s12 =	sshrl.u32 s11, $0x1F  }
0x1c2: {  	s12 =	sadd.s32 s12, s11  }
0x1c3: {  	s12 =	sand.u32 $0x7FFFFE, s12  }
0x1c4: {  	s11 =	ssub.s32 s11, s12  }
0x1c5: {  	v0 =	vlaneseq.u32;
	s11 =	sshll.u32 s11, $0x9  }
0x1c6: {  	v26 =	vmul.u32 $0x8, v0;
	s11 =	sshra.s32 s11, $0x2  }
0x1c7: {  	s11 =	sadd.s32 s11, s3  }
0x1c8: {  	[tilespmem:s9], [sflag:$0x2] =	stream.linear.gather [spmem:s11], $0x80, $0x38;
	[tilespmem:$0x5690] =	vst v63  }
0x1c9: {  	_ =	swait.ge [sflag:s6], $0x80  }
0x1ca: {  	[sflag:s6] =	ssyncset.done $0x0  }
0x1cb: {  	[sflag:s6] =	ssyncadd.s32 $0xFFFFFF80  }
0x1cc: {  	v1 =	vld.idx.msk [tilespmem:v26+s9+$0x0], $0xffff  }
0x1cd: {  	v0 =	vor.u32 $0x1, v26;
	_ =	sdelay $0x3  }
0x1ce: {  	(xrf0) =	vmax.scan.msk.f32 $0xffff, v1  }
0x1cf: {  	v0 =	vld.idx.msk [tilespmem:v0+s9+$0x0], $0xffff;
	_ =	sdelay $0x4  }
0x1d0: {  	v0 =	vtrunc.f32 v0;
	v20, _, _ =	vpop (xrf0)  }
0x1d1: {  	v0 =	vcvt.f32.s32 v0;
	v2 =	vbroadcast v20, $0xF;
	_ =	sdelay $0x1  }
0x1d2: {  	v21 =	vxor.u32 $0x80000000, v0;
	vm0 =	veq.f32 v1, v2  }
0x1d3: {  	v21 =	vnsel vm0, $0xC0000000, v21  }
0x1d4: {  	(xrf0) =	vmin.scan.msk.u32 $0xffff, v21;
	_ =	sdelay $0x5  }
0x1d5: {  	(v2sf) =	vpush v20, $0xF;
	v20, _, _ =	vpop (xrf0)  }
0x1d6: {  	(v2sf) =	vpush v20, $0xF;
	_ =	sdelay $0x2  }
0x1d7: {  	v20 =	vor.u32 $0x3, v26;
	_ =	sdelay $0x4  }
0x1d8: {  	v20 =	vld.idx.msk [tilespmem:v20+s9+$0x0], $0xffff;
	_ =	sdelay $0x3  }
0x1d9: {  	v60 =	vor.u32 $0x5, v26;
	v29 =	vshll.u32 v0, $0x2  }
0x1da: {  	v47 =	vmov v61;
	v61 =	vor.u32 $0x2, v29;
	v20 =	vtrunc.f32 v20  }
0x1db: {  	v34 =	vor.u32 $0x3, v29;
	s20 =	spop (v2sf);
	v21 =	vcvt.f32.s32 v20  }
0x1dc: {  	s21 =	spop (v2sf)  }
0x1dd: {  	v62 =	vshll.u32 v21, $0x2;
	s13 =	sshll.u32 s21, $0x2  }
0x1de: {  	v27 =	vld.idx.msk [tilespmem:v60+s9+$0x0], $0xffff;
	v22 =	vmov s13  }
0x1df: {  	v41 =	vmov v38;
	v38 =	vld.idx.msk [tilespmem:v61+s8+$0x0], $0xffff;
	v23 =	vor.u32 $0x1, v22  }
0x1e0: {  	v34 =	vld.idx.msk [tilespmem:v34+s8+$0x0], $0xffff;
	v24 =	vor.u32 $0x2, v22  }
0x1e1: {  	v20 =	vld.idx.msk [tilespmem:v29+s8+$0x0], $0xffff;
	v25 =	vor.u32 $0x3, v22  }
0x1e2: {  	v33 =	vor.u32 $0x1, v29;
	v39 =	vld.idx.msk [tilespmem:v62+s8+$0x0], $0xffff  }
0x1e3: {  	v63 =	vtrunc.f32 v27;
	v27 =	vor.u32 $0x1, v62;
	v10 =	vld.idx.msk [tilespmem:v22+s8+$0x0], $0xffff  }
0x1e4: {  	v29 =	vor.u32 $0x2, v62;
	v22 =	vcvt.f32.s32 v63;
	v9 =	vld.idx.msk [tilespmem:v23+s8+$0x0], $0xffff  }
0x1e5: {  	[tilespmem:$0x1F110] =	vst v2;
	v2 =	vor.u32 $0x3, v62;
	v11 =	vld.idx.msk [tilespmem:v24+s8+$0x0], $0xffff  }
0x1e6: {  	v12 =	vld.idx.msk [tilespmem:v25+s8+$0x0], $0xffff;
	v35 =	vshll.u32 v22, $0x2  }
0x1e7: {  	v24 =	vld.idx.msk [tilespmem:v33+s8+$0x0], $0xffff;
	v36 =	vor.u32 $0x1, v35  }
0x1e8: {  	v23 =	vld.idx.msk [tilespmem:v27+s8+$0x0], $0xffff;
	v27 =	vor.u32 $0x2, v35  }
0x1e9: {  	v46 =	vmov v56;
	v29 =	vld.idx.msk [tilespmem:v29+s8+$0x0], $0xffff;
	v37 =	vor.u32 $0x3, v35  }
0x1ea: {  	v19 =	vmovc v53;
	v14 =	vmovc v54;
	v53 =	vmov v30;
	v30 =	vmov v4;
	v62 =	vld.idx.msk [tilespmem:v2+s8+$0x0], $0xffff;
	v33 =	vsub.f32 v38, v20  }
0x1eb: {  	v63 =	vmax.f32 v10, v20;
	v60 =	vsub.f32 v11, v10;
	v8 =	vsub.f32 v12, v9;
	v25 =	vld.idx.msk [tilespmem:v35+s8+$0x0], $0xffff  }
0x1ec: {  	v13 =	vmin.f32 v11, v38;
	v54 =	vsub.f32 v34, v24;
	v56 =	vmin.f32 v12, v34;
	v2 =	vld.idx.msk [tilespmem:v36+s8+$0x0], $0xffff  }
0x1ed: {  	v35 =	vsub.f32 v13, v63;
	v63 =	vmul.f32 v8, v60;
	v27 =	vld.idx.msk [tilespmem:v27+s8+$0x0], $0xffff;
	v8 =	vmax.f32 v9, v24  }
0x1ee: {  	v3 =	vld.idx.msk [tilespmem:v37+s8+$0x0], $0xffff;
	v4 =	vmul.f32 v54, v33;
	v36 =	vsub.f32 v29, v39;
	v54 =	vmin.f32 v11, v29  }
0x1ef: {  	v13 =	vsub.f32 v56, v8;
	v56 =	vmax.f32 v10, v39;
	v8 =	vsub.f32 v62, v23  }
0x1f0: {  	v32 =	vmax.f32 v9, v23;
	v33 =	vmax.f32 v35, $0.0e+00;
	v37 =	vsub.f32 v54, v56  }
0x1f1: {  	v35 =	vmax.f32 v13, $0.0e+00;
	v13 =	vmin.f32 v12, v62;
	v61 =	vmul.f32 v8, v36  }
0x1f2: {  	v33 =	vmul.f32 v35, v33;
	v54 =	vmax.f32 v37, $0.0e+00;
	v35 =	vsub.f32 v13, v32  }
0x1f3: {  	v6 =	vmax.f32 v10, v25;
	v56 =	vsub.f32 v27, v25;
	v13 =	vsub.f32 v3, v2  }
0x1f4: {  	v5 =	vmin.f32 v11, v27;
	v7 =	vmin.f32 v12, v3;
	v8 =	vmax.f32 v9, v2  }
0x1f5: {  	v35 =	vmax.f32 v35, $0.0e+00;
	v5 =	vsub.f32 v5, v6;
	v6 =	vsub.f32 v7, v8  }
0x1f6: {  	v7 =	vadd.f32 v4, v63;
	v54 =	vmul.f32 v35, v54;
	v60 =	vmul.f32 v13, v56  }
0x1f7: {  	v56 =	vadd.f32 v61, v63;
	v5 =	vmax.f32 v5, $0.0e+00;
	v6 =	vmax.f32 v6, $0.0e+00  }
0x1f8: {  	v7 =	vsub.f32 v7, v33;
	v5 =	vmul.f32 v6, v5;
	v6 =	vadd.f32 v60, v63  }
0x1f9: {  	v35 =	vsub.f32 v56, v54  }
0x1fa: {  	v7 =	vadd.f32 $9.999999930e-09, v7;
	v6 =	vsub.f32 v6, v5  }
0x1fb: {  	v35 =	vadd.f32 $9.999999930e-09, v35  }
0x1fc: {  	(erf) = vrcp.f32 v7;
	v6 =	vadd.f32 $9.999999930e-09, v6  }
0x1fd: {  	(erf) = vrcp.f32 v35  }
0x1fe: {  	(erf) = vrcp.f32 v6;
	_ =	sdelay $0x3  }
0x1ff: {  	v6 =	vor.u32 $0x4, v26  }
0x200: {  	v7 =	vor.u32 $0x2, v26;
	_ =	sdelay $0x1  }
0x201: {  	v13 =	vpop (erf)  }
0x202: {  	v35 =	vpop (erf)  }
0x203: {  	s14 =	sxor.u32 $0x80000000, s21;
	v6 =	vld.idx.msk [tilespmem:v6+s9+$0x0], $0xffff;
	v32 =	vpop (erf)  }
0x204: {  	v36 =	vmov s14;
	v7 =	vld.idx.msk [tilespmem:v7+s9+$0x0], $0xffff;
	v5 =	vmul.f32 v32, v5  }
0x205: {  	vm2 =	veq.s32 v36, v22;
	v8 =	vmul.f32 v35, v54  }
0x206: {  	vm4 =	veq.s32 v36, v21;
	v26 =	vmul.f32 v13, v33;
	vm1 =	vge.f32 v5, $5.000000000e-01  }
0x207: {  	vm5 =	veq.s32 v36, v0;
	vm3 =	vge.f32 v8, $5.000000000e-01;
	vm2 =	vmor vm2, vm1  }
0x208: {  	vm9 =	vge.f32 v26, $5.000000000e-01;
	vm10 =	vmor vm4, vm3;
	v5 =	vsel vm2, $0xFF800000, v6  }
0x209: {  	vm0 =	vmor vm5, vm9;
	v5 =	vsel vm10, v5, v7  }
0x20a: {  	v5 =	vsel vm0, v5, v1  }
0x20b: {  	(xrf0) =	vmax.scan.msk.f32 $0xffff, v5;
	_ =	sdelay $0x5  }
0x20c: {  	v37, _, _ =	vpop (xrf0)  }
0x20d: {  	v54 =	vsel vm10, v22, v21;
	vm3 =	vmand vm0, vm10;
	v13 =	vbroadcast v37, $0xF  }
0x20e: {  	v26 =	vsel vm0, v54, v0;
	vm3 =	vmand vm3, vm2  }
0x20f: {  	v56 =	vnsel vm3, $0xFF800000, v6;
	vm11 =	veq.f32 v5, v13;
	v5 =	vxor.u32 $0x80000000, v26  }
0x210: {  	(xrf0) =	vmax.scan.msk.f32 $0xffff, v56;
	v5 =	vnsel vm11, $0xC0000000, v5  }
0x211: {  	(xrf0) =	vmin.scan.msk.u32 $0xffff, v5;
	_ =	sdelay $0x4  }
0x212: {  	(v2sf) =	vpush v37, $0xF;
	v5, _, _ =	vpop (xrf0)  }
0x213: {  	(v2sf) =	vpush v5, $0xF;
	v5, _, _ =	vpop (xrf0)  }
0x214: {  	(v2sf) =	vpush v5, $0xF;
	_ =	sdelay $0xc  }
0x215: {  	s12 =	spop (v2sf)  }
0x216: {  	s13 =	spop (v2sf)  }
0x217: {  	p2 =	sgt.f32 s12, s13;
	s15 =	spop (v2sf)  }
0x218: {  	s15 =	sxor.u32 $0x80000000, s15  }
0x219: {  	s15 =	simm.s32 @!p2 $0x0  }
0x21a: {  	s16 =	sshll.u32 s15, $0x2  }
0x21b: {  	v5 =	vmov s16  }
0x21c: {  	v32 =	vor.u32 $0x1, v5  }
0x21d: {  	v33 =	vor.u32 $0x2, v5  }
0x21e: {  	v35 =	vor.u32 $0x3, v5;
	_ =	sdelay $0x1  }
0x21f: {  	[tilespmem:$0x1F160] =	vst v13;
	v13 =	vld.idx.msk [tilespmem:v5+s8+$0x0], $0xffff  }
0x220: {  	v15 =	vld.idx.msk [tilespmem:v32+s8+$0x0], $0xffff  }
0x221: {  	v17 =	vld.idx.msk [tilespmem:v33+s8+$0x0], $0xffff  }
0x222: {  	v31 =	vld.idx.msk [tilespmem:v35+s8+$0x0], $0xffff;
	_ =	sdelay $0x2  }
0x223: {  	v20 =	vmax.f32 v13, v20  }
0x224: {  	v39 =	vmax.f32 v13, v39;
	v25 =	vmax.f32 v13, v25;
	v5 =	vsub.f32 v17, v13  }
0x225: {  	v8 =	vsub.f32 v31, v15;
	v26 =	vmin.f32 v17, v38;
	v24 =	vmax.f32 v15, v24  }
0x226: {  	v29 =	vmin.f32 v17, v29;
	v56 =	vmin.f32 v31, v62;
	v23 =	vmax.f32 v15, v23  }
0x227: {  	v62 =	vmin.f32 v17, v27;
	v3 =	vmin.f32 v31, v3;
	v26 =	vsub.f32 v26, v20  }
0x228: {  	v20 =	vmin.f32 v31, v34;
	v54 =	vsub.f32 v29, v39;
	v23 =	vsub.f32 v56, v23  }
0x229: {  	v2 =	vmax.f32 v15, v2;
	v25 =	vsub.f32 v62, v25;
	v24 =	vsub.f32 v20, v24  }
0x22a: {  	v2 =	vsub.f32 v3, v2;
	v20 =	vmul.f32 v8, v5;
	v5 =	vmax.f32 v26, $0.0e+00  }
0x22b: {  	v8 =	vmax.f32 v54, $0.0e+00;
	v23 =	vmax.f32 v23, $0.0e+00;
	v24 =	vmax.f32 v24, $0.0e+00  }
0x22c: {  	v26 =	vmax.f32 v25, $0.0e+00;
	v4 =	vadd.f32 v20, v4;
	v3 =	vmul.f32 v24, v5  }
0x22d: {  	v2 =	vmax.f32 v2, $0.0e+00;
	v5 =	vmul.f32 v23, v8;
	v24 =	vadd.f32 v20, v61  }
0x22e: {  	v2 =	vmul.f32 v2, v26;
	v32 =	vadd.f32 v20, v60;
	v4 =	vsub.f32 v4, v3  }
0x22f: {  	v8 =	vsub.f32 v24, v5  }
0x230: {  	v23 =	vsub.f32 v32, v2;
	v4 =	vadd.f32 $9.999999930e-09, v4  }
0x231: {  	v8 =	vadd.f32 $9.999999930e-09, v8  }
0x232: {  	(erf) = vrcp.f32 v4;
	v4 =	vadd.f32 $9.999999930e-09, v23  }
0x233: {  	(erf) = vrcp.f32 v8  }
0x234: {  	(erf) = vrcp.f32 v4;
	_ =	sdelay $0x6  }
0x235: {  	v4 =	vpop (erf)  }
0x236: {  	v8 =	vpop (erf)  }
0x237: {  	v33 =	vpop (erf)  }
0x238: {  	v2 =	vmul.f32 v33, v2  }
0x239: {  	v3 =	vmul.f32 v4, v3;
	v4 =	vmov s15;
	v5 =	vmul.f32 v8, v5  }
0x23a: {  	vm14 =	veq.s32 v4, v22;
	vm7 =	veq.s32 v4, v21;
	vm13 =	vge.f32 v2, $5.000000000e-01  }
0x23b: {  	vm15 =	veq.s32 v4, v0;
	vm6 =	vge.f32 v5, $5.000000000e-01;
	vm4 =	vmor vm13, vm14  }
0x23c: {  	vm12 =	vge.f32 v3, $5.000000000e-01;
	vm6 =	vmor vm6, vm7;
	vm2 =	vmor vm2, vm4  }
0x23d: {  	vm3 =	vmor vm12, vm15;
	vm1 =	vmor vm10, vm6;
	v34 =	vsel vm2, $0xFF800000, v6  }
0x23e: {  	vm0 =	vmor vm0, vm3;
	v2 =	vsel vm1, v34, v7  }
0x23f: {  	v1 =	vsel vm0, v2, v1  }
0x240: {  	(xrf0) =	vmax.scan.msk.f32 $0xffff, v1;
	_ =	sdelay $0x4  }
0x241: {  	vm3 =	vmand vm0, vm1  }
0x242: {  	vm2 =	vmand vm2, vm3;
	v35, _, _ =	vpop (xrf0)  }
0x243: {  	v3 =	vsel vm1, v22, v21;
	v4 =	vnsel vm2, $0xFF800000, v6;
	v5 =	vbroadcast v35, $0xF  }
0x244: {  	v0 =	vsel vm0, v3, v0;
	(xrf0) =	vmax.scan.msk.f32 $0xffff, v4  }
0x245: {  	v0 =	vxor.u32 $0x80000000, v0;
	vm8 =	veq.f32 v1, v5  }
0x246: {  	v0 =	vnsel vm8, $0xC0000000, v0  }
0x247: {  	(xrf0) =	vmin.scan.msk.u32 $0xffff, v0;
	_ =	sdelay $0x2  }
0x248: {  	v36, _, _ =	vpop (xrf0);
	(v2sf) =	vpush v35, $0xF  }
0x249: {  	(v2sf) =	vpush v36, $0xF;
	_ =	sdelay $0x1  }
0x24a: {  	v37, _, _ =	vpop (xrf0)  }
0x24b: {  	(v2sf) =	vpush v37, $0xF;
	_ =	sdelay $0x8  }
0x24c: {  	v3 =	vld [tilespmem:$0x1FA90]  }
0x24d: {  	v38 =	vld [tilespmem:$0x1FA80]  }
0x24e: {  	s22 =	spop (v2sf)  }
0x24f: {  	[tilespmem:$0x1F1A0] =	vst v5;
	v5 =	vld [tilespmem:$0x1FAA0];
	s17 =	spop (v2sf)  }
0x250: {  	p3 =	sgt.f32 s22, s17;
	_ =	sdelay $0x1  }
0x251: {  	p0 =	por !p2, !p3;
	s23 =	spop (v2sf)  }
0x252: {  	p4 =	por !p0, !p0;
	s16 =	sxor.u32 $0x80000000, s23  }
0x253: {  	v3 =	vld.idx.msk [tilespmem:v3+s8+$0x0], $0xffff;
	s16 =	simm.s32 @!p4 $0x0  }
0x254: {  	v1 =	vld.idx.msk [tilespmem:v38+s8+$0x0], $0xffff;
	s24 =	sshll.u32 s16, $0x2  }
0x255: {  	v0 =	vld.idx.msk [tilespmem:v16+s8+$0x0], $0xffff;
	v39 =	vmov s24  }
0x256: {  	v5 =	vld.idx.msk [tilespmem:v5+s8+$0x0], $0xffff;
	v4 =	vor.u32 $0x1, v39  }
0x257: {  	v6 =	vor.u32 $0x2, v39  }
0x258: {  	v7 =	vor.u32 $0x3, v39;
	_ =	sdelay $0x1  }
0x259: {  	v56 =	vmin.f32 v11, v3;
	v62 =	vmax.f32 v9, v1;
	v16 =	vld.idx.msk [tilespmem:v39+s8+$0x0], $0xffff  }
0x25a: {  	v32 =	vmax.f32 v15, v1;
	v54 =	vsub.f32 v3, v0;
	v33 =	vld.idx.msk [tilespmem:v4+s8+$0x0], $0xffff;
	v4 =	vsub.f32 v5, v1  }
0x25b: {  	v60 =	vmax.f32 v10, v0;
	v61 =	vmin.f32 v12, v5;
	v26 =	vmin.f32 v31, v5;
	v34 =	vld.idx.msk [tilespmem:v6+s8+$0x0], $0xffff  }
0x25c: {  	v6 =	vsub.f32 v56, v60;
	v35 =	vld.idx.msk [tilespmem:v7+s8+$0x0], $0xffff;
	v2 =	vmul.f32 v4, v54;
	v4 =	vsub.f32 v61, v62  }
0x25d: {  	v24 =	vmin.f32 v17, v3;
	v36 =	vsub.f32 v26, v32  }
0x25e: {  	v25 =	vmax.f32 v13, v0;
	v6 =	vmax.f32 v6, $0.0e+00;
	v4 =	vmax.f32 v4, $0.0e+00  }
0x25f: {  	v8 =	vmax.f32 v36, $0.0e+00;
	v4 =	vmul.f32 v4, v6;
	v6 =	vsub.f32 v24, v25  }
0x260: {  	v7 =	vadd.f32 v2, v63;
	v39 =	vadd.f32 v2, v20;
	v0 =	vmax.f32 v16, v0  }
0x261: {  	v3 =	vmin.f32 v34, v3;
	v5 =	vmin.f32 v35, v5;
	v6 =	vmax.f32 v6, $0.0e+00  }
0x262: {  	v1 =	vmax.f32 v33, v1;
	v7 =	vsub.f32 v7, v4;
	v6 =	vmul.f32 v8, v6  }
0x263: {  	v0 =	vsub.f32 v3, v0;
	v1 =	vsub.f32 v5, v1  }
0x264: {  	v5 =	vadd.f32 $9.999999930e-09, v7;
	v3 =	vsub.f32 v39, v6  }
0x265: {  	v54 =	vld [tilespmem:$0x1FAB0];
	v37 =	vsub.f32 v34, v16  }
0x266: {  	v38 =	vsub.f32 v35, v33;
	(erf) = vrcp.f32 v5;
	v5 =	vld [tilespmem:$0x1FAC0];
	v3 =	vadd.f32 $9.999999930e-09, v3;
	_ =	sdelay $0x1  }
0x267: {  	v21 =	vmul.f32 v38, v37;
	(erf) = vrcp.f32 v3;
	v3 =	vld [tilespmem:$0x1FAD0]  }
0x268: {  	v0 =	vmax.f32 v0, $0.0e+00;
	v1 =	vmax.f32 v1, $0.0e+00  }
0x269: {  	v7 =	vld.idx.msk [tilespmem:v40+s8+$0x0], $0xffff;
	v0 =	vmul.f32 v1, v0;
	v40 =	vadd.f32 v2, v21;
	_ =	sdelay $0x1  }
0x26a: {  	v1 =	vsub.f32 v40, v0  }
0x26b: {  	v2 =	vld.idx.msk [tilespmem:v54+s8+$0x0], $0xffff  }
0x26c: {  	v1 =	vadd.f32 $9.999999930e-09, v1;
	v5 =	vld.idx.msk [tilespmem:v5+s8+$0x0], $0xffff;
	_ =	sdelay $0x1  }
0x26d: {  	(erf) = vrcp.f32 v1;
	v3 =	vld.idx.msk [tilespmem:v3+s8+$0x0], $0xffff  }
0x26e: {  	v40 =	vpop (erf)  }
0x26f: {  	v62 =	vmax.f32 v10, v7;
	v38 =	vmax.f32 v9, v2;
	v54 =	vpop (erf)  }
0x270: {  	v4 =	vmul.f32 v40, v4;
	v61 =	vmin.f32 v11, v5;
	v6 =	vmul.f32 v54, v6  }
0x271: {  	v56 =	vsub.f32 v5, v7;
	v22 =	vsub.f32 v61, v62;
	v62 =	vmax.f32 v15, v2  }
0x272: {  	vm11 =	vge.f32 v6, $5.000000000e-01;
	v60 =	vsub.f32 v3, v2;
	v32 =	vmin.f32 v12, v3  }
0x273: {  	v37 =	vld [tilespmem:$0x1FAE0];
	v61 =	vmin.f32 v31, v3;
	v3 =	vmin.f32 v35, v3;
	v2 =	vmax.f32 v33, v2  }
0x274: {  	v6 =	vmin.f32 v17, v5;
	v5 =	vmin.f32 v34, v5;
	v2 =	vsub.f32 v3, v2  }
0x275: {  	v36 =	vmovc v12;
	v3 =	vld [tilespmem:$0x1FAF0];
	v1 =	vmul.f32 v60, v56;
	v60 =	vmax.f32 v13, v7;
	v7 =	vmax.f32 v16, v7  }
0x276: {  	v12 =	vmov v9;
	v9 =	vpop (erf);
	v39 =	vsub.f32 v32, v38;
	v38 =	vsub.f32 v5, v7;
	v7 =	vld [tilespmem:$0x1FB00]  }
0x277: {  	v0 =	vmul.f32 v9, v0  }
0x278: {  	vm9 =	vge.f32 v4, $5.000000000e-01;
	v22 =	vmax.f32 v22, $0.0e+00;
	v26 =	vsub.f32 v61, v62  }
0x279: {  	v23 =	vmax.f32 v39, $0.0e+00;
	v6 =	vsub.f32 v6, v60;
	vm14 =	vge.f32 v0, $5.000000000e-01  }
0x27a: {  	v2 =	vmax.f32 v2, $0.0e+00;
	v8 =	vmul.f32 v23, v22;
	v56 =	vadd.f32 v1, v63  }
0x27b: {  	v24 =	vld.idx.msk [tilespmem:v37+s8+$0x0], $0xffff;
	v22 =	vmax.f32 v26, $0.0e+00;
	v32 =	vadd.f32 v1, v20;
	v6 =	vmax.f32 v6, $0.0e+00  }
0x27c: {  	v23 =	vld.idx.msk [tilespmem:v41+s8+$0x0], $0xffff;
	v0 =	vmax.f32 v38, $0.0e+00;
	v4 =	vsub.f32 v56, v8;
	v6 =	vmul.f32 v22, v6  }
0x27d: {  	v1 =	vadd.f32 v1, v21;
	v0 =	vmul.f32 v2, v0;
	v3 =	vld.idx.msk [tilespmem:v3+s8+$0x0], $0xffff  }
0x27e: {  	vm12 =	veq.s32 v57, s15;
	v4 =	vadd.f32 $9.999999930e-09, v4;
	v5 =	vsub.f32 v32, v6;
	v7 =	vld.idx.msk [tilespmem:v7+s8+$0x0], $0xffff  }
0x27f: {  	vm10 =	veq.s32 v57, s14;
	vm15 =	veq.s32 v57, s16;
	v1 =	vsub.f32 v1, v0  }
0x280: {  	v27 =	vmax.f32 v15, v24;
	(erf) = vrcp.f32 v4;
	v4 =	vadd.f32 $9.999999930e-09, v5  }
0x281: {  	vm0 =	vmor vm10, vm9;
	v41 =	vmax.f32 v12, v24;
	v1 =	vadd.f32 $9.999999930e-09, v1  }
0x282: {  	v40 =	vmax.f32 v10, v23;
	v56 =	vmax.f32 v13, v23;
	(erf) = vrcp.f32 v4  }
0x283: {  	(erf) = vrcp.f32 v1;
	v39 =	vsub.f32 v3, v23;
	v4 =	vsub.f32 v7, v24  }
0x284: {  	v38 =	vld [tilespmem:$0x1FB10];
	v5 =	vmin.f32 v11, v3;
	v54 =	vmin.f32 v17, v3;
	v3 =	vmin.f32 v34, v3  }
0x285: {  	v5 =	vsub.f32 v5, v40;
	v2 =	vmul.f32 v4, v39;
	v4 =	vmin.f32 v36, v7;
	v39 =	vld [tilespmem:$0x1FB20]  }
0x286: {  	v23 =	vmax.f32 v16, v23;
	v22 =	vsub.f32 v54, v56;
	v4 =	vsub.f32 v4, v41;
	v41 =	vld [tilespmem:$0x1FB30]  }
0x287: {  	v45 =	vmovc v57;
	v3 =	vsub.f32 v3, v23;
	v57 =	vmin.f32 v31, v7;
	v24 =	vmax.f32 v33, v24  }
0x288: {  	v5 =	vmax.f32 v5, $0.0e+00;
	v60 =	vsub.f32 v57, v27;
	v4 =	vmax.f32 v4, $0.0e+00  }
0x289: {  	v26 =	vld.idx.msk [tilespmem:v42+s8+$0x0], $0xffff;
	v61 =	vmax.f32 v22, $0.0e+00;
	v29 =	vpop (erf);
	v4 =	vmul.f32 v4, v5;
	v5 =	vadd.f32 v2, v63  }
0x28a: {  	v7 =	vmin.f32 v35, v7;
	v62 =	vmax.f32 v60, $0.0e+00;
	v8 =	vmul.f32 v29, v8  }
0x28b: {  	v1 =	vmul.f32 v62, v61;
	v32 =	vadd.f32 v2, v20;
	v9 =	vpop (erf);
	v5 =	vsub.f32 v5, v4  }
0x28c: {  	v7 =	vsub.f32 v7, v24;
	vm10 =	vge.f32 v8, $5.000000000e-01;
	v6 =	vmul.f32 v9, v6;
	v8 =	vld.idx.msk [tilespmem:v38+s8+$0x0], $0xffff  }
0x28d: {  	vm13 =	vmor vm11, vm12;
	v22 =	vsub.f32 v32, v1;
	v5 =	vadd.f32 $9.999999930e-09, v5;
	v40 =	vld.idx.msk [tilespmem:v39+s8+$0x0], $0xffff  }
0x28e: {  	v54 =	vmax.f32 v10, v26;
	v3 =	vmax.f32 v3, $0.0e+00;
	vm12 =	vge.f32 v6, $5.000000000e-01;
	v27 =	vld.idx.msk [tilespmem:v41+s8+$0x0], $0xffff  }
0x28f: {  	v6 =	vmax.f32 v7, $0.0e+00;
	(erf) = vrcp.f32 v5;
	v5 =	vadd.f32 $9.999999930e-09, v22  }
0x290: {  	v2 =	vadd.f32 v2, v21;
	v3 =	vmul.f32 v6, v3;
	v39 =	vmax.f32 v16, v26  }
0x291: {  	v29 =	vmax.f32 v12, v8;
	v32 =	vmax.f32 v15, v8;
	(erf) = vrcp.f32 v5  }
0x292: {  	v6 =	vsub.f32 v40, v26;
	v42 =	vmin.f32 v11, v40;
	v60 =	vmin.f32 v17, v40  }
0x293: {  	v38 =	vmin.f32 v34, v40;
	v7 =	vsub.f32 v27, v8;
	v22 =	vsub.f32 v42, v54  }
0x294: {  	v57 =	vmin.f32 v36, v27;
	v9 =	vmin.f32 v31, v27;
	v40 =	vmin.f32 v35, v27  }
0x295: {  	v8 =	vmax.f32 v33, v8;
	v24 =	vsub.f32 v38, v39;
	v5 =	vsub.f32 v57, v29  }
0x296: {  	v61 =	vmax.f32 v13, v26;
	v23 =	vsub.f32 v9, v32;
	v8 =	vsub.f32 v40, v8  }
0x297: {  	v6 =	vmul.f32 v7, v6;
	v7 =	vmax.f32 v22, $0.0e+00;
	v5 =	vmax.f32 v5, $0.0e+00  }
0x298: {  	v2 =	vsub.f32 v2, v3;
	v5 =	vmul.f32 v5, v7;
	v7 =	vsub.f32 v60, v61  }
0x299: {  	v42 =	vmax.f32 v24, $0.0e+00;
	v23 =	vmax.f32 v23, $0.0e+00;
	v8 =	vmax.f32 v8, $0.0e+00  }
0x29a: {  	v62 =	vadd.f32 v6, v63;
	v8 =	vmul.f32 v8, v42;
	v7 =	vmax.f32 v7, $0.0e+00  }
0x29b: {  	v41 =	vmul.f32 v23, v7;
	v7 =	vadd.f32 v6, v20;
	v6 =	vadd.f32 v6, v21  }
0x29c: {  	v2 =	vadd.f32 $9.999999930e-09, v2;
	v22 =	vsub.f32 v62, v5  }
0x29d: {  	vm6 =	vmxor vm6, vm6;
	v56 =	vpop (erf);
	v7 =	vsub.f32 v7, v41;
	v6 =	vsub.f32 v6, v8  }
0x29e: {  	vm3 =	vmmov vm6;
	v0 =	vmul.f32 v56, v0;
	v54 =	vadd.f32 $9.999999930e-09, v22  }
0x29f: {  	(erf) = vrcp.f32 v2;
	v7 =	vadd.f32 $9.999999930e-09, v7;
	v56 =	vadd.f32 $9.999999930e-09, v6;
	v6 =	vld [tilespmem:$0x1F210]  }
0x2a0: {  	vm3 =	vmneg @p2 vm3;
	vm6 =	vmneg @p4 vm6;
	(erf) = vrcp.f32 v54  }
0x2a1: {  	vm1 =	vmand vm3, vm13;
	vm2 =	vmor vm14, vm15;
	(erf) = vrcp.f32 v7  }
0x2a2: {  	vm0 =	vmor vm0, vm1;
	vm9 =	vmand vm6, vm2  }
0x2a3: {  	vm0 =	vmor vm0, vm9  }
0x2a4: {  	v6 =	vsel vm0, $0xFF800000, v6  }
0x2a5: {  	vm13 =	veq.s32 v51, s15  }
0x2a6: {  	vm2 =	vmor vm12, vm13;
	v57 =	vpop (erf);
	vm12 =	vgt.f32 v6, $-Inf  }
0x2a7: {  	[tilespmem:$0x1F210] =	vst v6;
	v22 =	vnsel vm12, $0xFF800000, v6;
	v6 =	vpop (erf)  }
0x2a8: {  	v37 =	vmov v17;
	vm14 =	vge.f32 v0, $5.000000000e-01;
	v17 =	vld [tilespmem:$0x1F230];
	v0 =	vmul.f32 v57, v4;
	v4 =	vpop (erf)  }
0x2a9: {  	v60 =	vmul.f32 v4, v3;
	v61 =	vpop (erf);
	v4 =	vld [tilespmem:$0x1FB40]  }
0x2aa: {  	vm13 =	vge.f32 v0, $5.000000000e-01;
	(erf) = vrcp.f32 v56;
	v0 =	vmul.f32 v61, v5;
	v3 =	vpop (erf);
	v5 =	vld [tilespmem:$0x1FB60]  }
0x2ab: {  	vm11 =	veq.s32 v51, s14;
	vm15 =	veq.s32 v51, s16;
	v2 =	vmul.f32 v3, v41;
	v3 =	vld [tilespmem:$0x1FB50]  }
0x2ac: {  	vm1 =	vmor vm11, vm10;
	vm9 =	vmor vm14, vm15;
	vm2 =	vmand vm3, vm2  }
0x2ad: {  	vm10 =	vmor vm1, vm2;
	vm11 =	vmand vm6, vm9  }
0x2ae: {  	v62 =	vld.idx.msk [tilespmem:v43+s8+$0x0], $0xffff;
	vm0 =	vmor vm10, vm11  }
0x2af: {  	v17 =	vsel vm0, $0xFF800000, v17  }
0x2b0: {  	vm8 =	veq.s32 v59, s15;
	vm0 =	vgt.f32 v17, v22;
	v1 =	vmul.f32 v6, v1;
	v6 =	vld [tilespmem:$0x1F3F0]  }
0x2b1: {  	vm14 =	veq.s32 v59, s14;
	vm12 =	veq.s32 v59, s16;
	vm9 =	vmneg vm0;
	v4 =	vld.idx.msk [tilespmem:v4+s8+$0x0], $0xffff  }
0x2b2: {  	vm0 =	vmor vm14, vm13;
	v23 =	vsel vm9, v22, v17;
	vm15 =	vge.f32 v1, $5.000000000e-01;
	v5 =	vld.idx.msk [tilespmem:v5+s8+$0x0], $0xffff  }
0x2b3: {  	v1 =	vmax.f32 v16, v62;
	vm10 =	vmor vm8, vm15;
	vm11 =	vge.f32 v60, $5.000000000e-01;
	v32 =	vpop (erf);
	v3 =	vld.idx.msk [tilespmem:v3+s8+$0x0], $0xffff  }
0x2b4: {  	vm1 =	vmand vm3, vm10;
	vm14 =	vge.f32 v0, $5.000000000e-01;
	v0 =	vmul.f32 v32, v8  }
0x2b5: {  	vm2 =	vmor vm11, vm12;
	vm15 =	veq.s32 v6, s14;
	vm10 =	vge.f32 v2, $5.000000000e-01  }
0x2b6: {  	vm11 =	veq.s32 v6, s15;
	vm12 =	vmor vm15, vm14;
	vm14 =	vge.f32 v0, $5.000000000e-01  }
0x2b7: {  	vm15 =	veq.s32 v6, s16;
	v6 =	vmax.f32 v10, v62;
	v7 =	vmax.f32 v12, v4  }
0x2b8: {  	v60 =	vmax.f32 v15, v4;
	v54 =	vsub.f32 v5, v4;
	v56 =	vmin.f32 v11, v3  }
0x2b9: {  	v51 =	vsub.f32 v3, v62;
	v2 =	vsub.f32 v56, v6;
	v6 =	vmin.f32 v36, v5  }
0x2ba: {  	v59 =	vmin.f32 v31, v5;
	v4 =	vmax.f32 v33, v4;
	v6 =	vsub.f32 v6, v7  }
0x2bb: {  	v26 =	vld.idx.msk [tilespmem:v44+s8+$0x0], $0xffff;
	v8 =	vsub.f32 v59, v60;
	v5 =	vmin.f32 v35, v5;
	v0 =	vmul.f32 v54, v51  }
0x2bc: {  	v38 =	vld [tilespmem:$0x1F250];
	[tilespmem:$0x1ED30] =	vst v23;
	v7 =	vmin.f32 v37, v3;
	v2 =	vmax.f32 v2, $0.0e+00;
	v6 =	vmax.f32 v6, $0.0e+00  }
0x2bd: {  	v9 =	vld [tilespmem:$0x1FB70];
	v3 =	vmin.f32 v34, v3;
	v2 =	vmul.f32 v6, v2;
	v6 =	vadd.f32 v0, v63  }
0x2be: {  	v57 =	vmax.f32 v13, v62;
	v1 =	vsub.f32 v3, v1;
	v3 =	vsub.f32 v5, v4;
	v4 =	vld [tilespmem:$0x1FB80]  }
0x2bf: {  	v7 =	vsub.f32 v7, v57;
	v5 =	vsub.f32 v6, v2;
	v6 =	vld [tilespmem:$0x1FB90]  }
0x2c0: {  	vm0 =	vmor vm0, vm1  }
0x2c1: {  	vm13 =	vmand vm6, vm2;
	v8 =	vmax.f32 v8, $0.0e+00;
	v7 =	vmax.f32 v7, $0.0e+00  }
0x2c2: {  	vm0 =	vmor vm0, vm13;
	vm13 =	vmor vm11, vm10;
	v7 =	vmul.f32 v8, v7;
	v8 =	vld [tilespmem:$0x1F260]  }
0x2c3: {  	vm2 =	vmand vm3, vm13;
	vm8 =	vmor vm14, vm15  }
0x2c4: {  	v40 =	vsel vm0, $0xFF800000, v38;
	vm1 =	vmor vm12, vm2;
	vm0 =	vmand vm6, vm8  }
0x2c5: {  	v27 =	vld.idx.msk [tilespmem:v9+s8+$0x0], $0xffff;
	v61 =	vadd.f32 v0, v20;
	v1 =	vmax.f32 v1, $0.0e+00;
	v3 =	vmax.f32 v3, $0.0e+00  }
0x2c6: {  	vm0 =	vmor vm1, vm0;
	v0 =	vadd.f32 v0, v21;
	v1 =	vmul.f32 v3, v1;
	v4 =	vld.idx.msk [tilespmem:v4+s8+$0x0], $0xffff  }
0x2c7: {  	v29 =	vmax.f32 v10, v26;
	v42 =	vsel vm0, $0xFF800000, v8;
	v8 =	vsub.f32 v61, v7;
	v6 =	vld.idx.msk [tilespmem:v6+s8+$0x0], $0xffff  }
0x2c8: {  	vm11 =	vgt.f32 v40, v23;
	v0 =	vsub.f32 v0, v1;
	v5 =	vadd.f32 $9.999999930e-09, v5  }
0x2c9: {  	v62 =	vsel vm11, v40, v23;
	v60 =	vmax.f32 v13, v26;
	v3 =	vadd.f32 $9.999999930e-09, v8  }
0x2ca: {  	v56 =	vmax.f32 v12, v27;
	v0 =	vadd.f32 $9.999999930e-09, v0;
	(erf) = vrcp.f32 v5  }
0x2cb: {  	vm12 =	vgt.f32 v42, v62;
	(erf) = vrcp.f32 v3;
	v51 =	vmin.f32 v11, v4  }
0x2cc: {  	v5 =	vsub.f32 v4, v26;
	v29 =	vsub.f32 v51, v29;
	v54 =	vmin.f32 v36, v6  }
0x2cd: {  	v41 =	vmovc v11;
	v11 =	vsel vm12, v42, v62;
	(erf) = vrcp.f32 v0;
	v3 =	vsub.f32 v54, v56  }
0x2ce: {  	v32 =	vmovc v34;
	[tilespmem:$0x1ED50] =	vst v62;
	v62 =	vmax.f32 v15, v27;
	v26 =	vmax.f32 v16, v26;
	v59 =	vmax.f32 v29, $0.0e+00  }
0x2cf: {  	v29 =	vmin.f32 v37, v4;
	v4 =	vmin.f32 v32, v4;
	v3 =	vmax.f32 v3, $0.0e+00  }
0x2d0: {  	v34 =	vld [tilespmem:$0x1FBD0];
	v23 =	vsub.f32 v6, v27;
	v27 =	vmax.f32 v33, v27;
	v0 =	vmul.f32 v3, v59  }
0x2d1: {  	v3 =	vsub.f32 v29, v60;
	v29 =	vmin.f32 v31, v6;
	v6 =	vmin.f32 v35, v6  }
0x2d2: {  	v4 =	vsub.f32 v4, v26;
	v6 =	vsub.f32 v6, v27;
	_ =	sdelay $0x1  }
0x2d3: {  	v25 =	vld [tilespmem:$0x1FBB0];
	v4 =	vmax.f32 v4, $0.0e+00;
	v6 =	vmax.f32 v6, $0.0e+00  }
0x2d4: {  	v4 =	vmul.f32 v6, v4;
	v6 =	vld [tilespmem:$0x1FBA0]  }
0x2d5: {  	v9 =	vpop (erf);
	v5 =	vmul.f32 v23, v5;
	v29 =	vsub.f32 v29, v62  }
0x2d6: {  	v2 =	vmul.f32 v9, v2  }
0x2d7: {  	v34 =	vld.idx.msk [tilespmem:v34+s8+$0x0], $0xffff;
	v61 =	vadd.f32 v5, v63;
	v3 =	vmax.f32 v3, $0.0e+00;
	v29 =	vmax.f32 v29, $0.0e+00  }
0x2d8: {  	v23 =	vadd.f32 v5, v20;
	v3 =	vmul.f32 v29, v3  }
0x2d9: {  	v44 =	vmov v35;
	vm10 =	vge.f32 v2, $5.000000000e-01;
	v35 =	vld [tilespmem:$0x1F420];
	v24 =	vpop (erf);
	v8 =	vsub.f32 v61, v0  }
0x2da: {  	v5 =	vadd.f32 v5, v21;
	v27 =	vld.idx.msk [tilespmem:v47+s8+$0x0], $0xffff;
	v2 =	vmul.f32 v24, v7;
	v7 =	vpop (erf);
	v26 =	vsub.f32 v23, v3  }
0x2db: {  	v57 =	vmov v36;
	v1 =	vmul.f32 v7, v1;
	v8 =	vadd.f32 $9.999999930e-09, v8;
	v29 =	vld.idx.msk [tilespmem:v25+s8+$0x0], $0xffff  }
0x2dc: {  	v54 =	vmin.f32 v57, v34;
	v5 =	vsub.f32 v5, v4;
	v26 =	vadd.f32 $9.999999930e-09, v26;
	v6 =	vld.idx.msk [tilespmem:v6+s8+$0x0], $0xffff  }
0x2dd: {  	vm14 =	vge.f32 v2, $5.000000000e-01;
	vm8 =	vge.f32 v1, $5.000000000e-01;
	(erf) = vrcp.f32 v8  }
0x2de: {  	vm13 =	veq.s32 v35, s14;
	v38 =	vadd.f32 $9.999999930e-09, v5;
	(erf) = vrcp.f32 v26  }
0x2df: {  	vm15 =	veq.s32 v35, s15;
	vm0 =	vmor vm13, vm10;
	vm10 =	veq.s32 v35, s16  }
0x2e0: {  	vm1 =	vmor vm15, vm14;
	v7 =	vmax.f32 v10, v27;
	(erf) = vrcp.f32 v38  }
0x2e1: {  	v60 =	vld [tilespmem:$0x1F280];
	v62 =	vmax.f32 v13, v27;
	v5 =	vmin.f32 v41, v29;
	v56 =	vmax.f32 v12, v6  }
0x2e2: {  	vm13 =	vmor vm8, vm10;
	v5 =	vsub.f32 v5, v7;
	v7 =	vsub.f32 v54, v56  }
0x2e3: {  	vm1 =	vmand vm3, vm1;
	v47 =	vsub.f32 v29, v27;
	v51 =	vsub.f32 v34, v6  }
0x2e4: {  	v23 =	vmin.f32 v31, v34;
	vm0 =	vmor vm0, vm1;
	vm14 =	vmand vm6, vm13  }
0x2e5: {  	v43 =	vmovc v12;
	vm0 =	vmor vm0, vm14;
	v59 =	vmax.f32 v5, $0.0e+00;
	v1 =	vmul.f32 v51, v47  }
0x2e6: {  	v12 =	vsel vm0, $0xFF800000, v60;
	v24 =	vmax.f32 v15, v6;
	v5 =	vmax.f32 v7, $0.0e+00;
	v7 =	vpop (erf)  }
0x2e7: {  	v2 =	vmul.f32 v5, v59;
	v5 =	vadd.f32 v1, v63;
	v0 =	vmul.f32 v7, v0;
	v7 =	vpop (erf)  }
0x2e8: {  	v26 =	vsub.f32 v23, v24;
	v3 =	vmul.f32 v7, v3;
	v7 =	vmin.f32 v37, v29  }
0x2e9: {  	v47 =	vmax.f32 v16, v27;
	v5 =	vsub.f32 v5, v2;
	v25 =	vpop (erf);
	v7 =	vsub.f32 v7, v62  }
0x2ea: {  	vm0 =	vge.f32 v0, $5.000000000e-01;
	v0 =	vmul.f32 v25, v4;
	vm2 =	vge.f32 v3, $5.000000000e-01  }
0x2eb: {  	v3 =	vadd.f32 $9.999999930e-09, v5;
	v5 =	vmax.f32 v26, $0.0e+00;
	v4 =	vmax.f32 v7, $0.0e+00  }
0x2ec: {  	v51 =	vld [tilespmem:$0x1FBE0];
	v7 =	vmin.f32 v32, v29;
	v4 =	vmul.f32 v5, v4;
	v5 =	vadd.f32 v1, v20  }
0x2ed: {  	(erf) = vrcp.f32 v3;
	v3 =	vsub.f32 v7, v47;
	v7 =	vld [tilespmem:$0x1FBF0]  }
0x2ee: {  	v54 =	vsub.f32 v5, v4;
	v5 =	vld [tilespmem:$0x1FC10];
	_ =	sdelay $0x2  }
0x2ef: {  	v61 =	vimm.s32 $0x0;
	v38 =	vld [tilespmem:$0x1F470];
	vm10 =	vgt.f32 v12, v11  }
0x2f0: {  	v8 =	vsel vm10, $0xFFFFFFFF, v61  }
0x2f1: {  	[tilespmem:$0x1ECE0] =	vst v8;
	v8 =	vld.idx.msk [tilespmem:v28+s8+$0x0], $0xffff  }
0x2f2: {  	v6 =	vmax.f32 v33, v6;
	v27 =	vmin.f32 v44, v34;
	v29 =	vld.idx.msk [tilespmem:v51+s8+$0x0], $0xffff  }
0x2f3: {  	v6 =	vsub.f32 v27, v6;
	v7 =	vld.idx.msk [tilespmem:v7+s8+$0x0], $0xffff  }
0x2f4: {  	vm1 =	veq.s32 v38, s14;
	vm15 =	veq.s32 v38, s15;
	v5 =	vld.idx.msk [tilespmem:v5+s8+$0x0], $0xffff  }
0x2f5: {  	v39 =	vmovc v10;
	vm14 =	veq.s32 v38, s16;
	v6 =	vmax.f32 v6, $0.0e+00;
	v3 =	vmax.f32 v3, $0.0e+00  }
0x2f6: {  	v27 =	vmax.f32 v39, v8;
	v1 =	vadd.f32 v1, v21;
	v3 =	vmul.f32 v6, v3  }
0x2f7: {  	vm0 =	vmor vm1, vm0;
	vm13 =	vge.f32 v0, $5.000000000e-01;
	v0 =	vadd.f32 $9.999999930e-09, v54  }
0x2f8: {  	v62 =	vmax.f32 v43, v29;
	v56 =	vsub.f32 v1, v3;
	v59 =	vsub.f32 v7, v8  }
0x2f9: {  	v60 =	vmin.f32 v41, v7;
	v6 =	vsub.f32 v5, v29;
	v61 =	vmin.f32 v57, v5  }
0x2fa: {  	(erf) = vrcp.f32 v0;
	v26 =	vsub.f32 v60, v27;
	v27 =	vsub.f32 v61, v62  }
0x2fb: {  	vm15 =	vmor vm15, vm2;
	v0 =	vadd.f32 $9.999999930e-09, v56;
	v1 =	vmul.f32 v6, v59  }
0x2fc: {  	vm1 =	vmand vm3, vm15;
	v54 =	vld [tilespmem:$0x1F490];
	v6 =	vmax.f32 v26, $0.0e+00;
	v10 =	vmax.f32 v27, $0.0e+00  }
0x2fd: {  	(erf) = vrcp.f32 v0;
	v0 =	vmul.f32 v10, v6;
	v6 =	vadd.f32 v1, v63  }
0x2fe: {  	vm4 =	vmor vm13, vm14;
	vm0 =	vmor vm0, vm1;
	v9 =	vpop (erf)  }
0x2ff: {  	v24 =	vld [tilespmem:$0x1FC60];
	vm5 =	vmand vm6, vm4;
	v2 =	vmul.f32 v9, v2;
	v23 =	vsub.f32 v6, v0  }
0x300: {  	[tilespmem:$0x1F280] =	vst v12;
	v12 =	vsel vm10, v12, v11;
	vm0 =	vmor vm0, vm5;
	v62 =	vld [tilespmem:$0x1FC20]  }
0x301: {  	vm8 =	veq.s32 v54, s14;
	vm7 =	vge.f32 v2, $5.000000000e-01;
	v2 =	vadd.f32 $9.999999930e-09, v23;
	v23 =	vld [tilespmem:$0x1FC50]  }
0x302: {  	v51 =	vmax.f32 v15, v29;
	vm14 =	veq.s32 v54, s15;
	vm10 =	vmor vm8, vm7  }
0x303: {  	v47 =	vmin.f32 v31, v5;
	v56 =	vpop (erf);
	v27 =	vmax.f32 v13, v8;
	v6 =	vmin.f32 v37, v7  }
0x304: {  	v4 =	vmul.f32 v56, v4;
	v6 =	vsub.f32 v6, v27;
	v27 =	vsub.f32 v47, v51  }
0x305: {  	v5 =	vmin.f32 v44, v5;
	v8 =	vmax.f32 v16, v8;
	v61 =	vadd.f32 v1, v20  }
0x306: {  	v34 =	vld.idx.msk [tilespmem:v48+s8+$0x0], $0xffff;
	v1 =	vadd.f32 v1, v21;
	v6 =	vmax.f32 v6, $0.0e+00;
	v60 =	vmax.f32 v27, $0.0e+00  }
0x307: {  	v9 =	vld.idx.msk [tilespmem:v24+s8+$0x0], $0xffff;
	v7 =	vmin.f32 v32, v7;
	v27 =	vmax.f32 v33, v29;
	v6 =	vmul.f32 v60, v6  }
0x308: {  	vm13 =	vge.f32 v4, $5.000000000e-01;
	v4 =	vpop (erf);
	v7 =	vsub.f32 v7, v8;
	v29 =	vld.idx.msk [tilespmem:v62+s8+$0x0], $0xffff;
	v5 =	vsub.f32 v5, v27  }
0x309: {  	vm1 =	vmor vm14, vm13;
	v3 =	vmul.f32 v4, v3;
	v4 =	vsub.f32 v61, v6;
	v8 =	vld.idx.msk [tilespmem:v23+s8+$0x0], $0xffff  }
0x30a: {  	v59 =	vld [tilespmem:$0x1F290];
	v25 =	vmax.f32 v7, $0.0e+00;
	(erf) = vrcp.f32 v2;
	v5 =	vmax.f32 v5, $0.0e+00  }
0x30b: {  	vm1 =	vmand vm3, vm1;
	v2 =	vmul.f32 v5, v25;
	v4 =	vadd.f32 $9.999999930e-09, v4  }
0x30c: {  	vm15 =	vge.f32 v3, $5.000000000e-01;
	v7 =	vmax.f32 v39, v34;
	v27 =	vmin.f32 v57, v9  }
0x30d: {  	v26 =	vmax.f32 v43, v29;
	v1 =	vsub.f32 v1, v2;
	(erf) = vrcp.f32 v4  }
0x30e: {  	v4 =	vsub.f32 v9, v29;
	v3 =	vsub.f32 v8, v34;
	v5 =	vmin.f32 v41, v8  }
0x30f: {  	v36 =	vmovc v13;
	v13 =	vsel vm0, $0xFF800000, v59;
	v5 =	vsub.f32 v5, v7;
	v7 =	vsub.f32 v27, v26  }
0x310: {  	v48 =	vld [tilespmem:$0x1F2B0];
	vm8 =	veq.s32 v54, s16;
	vm0 =	vmor vm10, vm1;
	vm13 =	vgt.f32 v13, v12  }
0x311: {  	vm2 =	vmor vm8, vm15;
	v1 =	vadd.f32 $9.999999930e-09, v1;
	v3 =	vmul.f32 v4, v3  }
0x312: {  	vm10 =	vmand vm6, vm2;
	v4 =	vmax.f32 v5, $0.0e+00;
	v5 =	vmax.f32 v7, $0.0e+00  }
0x313: {  	v38 =	vmul.f32 v5, v4;
	v4 =	vadd.f32 v3, v63;
	v7 =	vpop (erf);
	(erf) = vrcp.f32 v1  }
0x314: {  	v47 =	vsel vm13, v13, v12;
	vm0 =	vmor vm10, vm0;
	v5 =	vimm.s32 $0x0  }
0x315: {  	v56 =	vsel vm0, $0xFF800000, v48;
	v5 =	vsel vm13, $0xFFFFFFFF, v5;
	v4 =	vsub.f32 v4, v38  }
0x316: {  	vm5 =	vgt.f32 v56, v47;
	[tilespmem:$0x1ECF0] =	vst v5;
	v0 =	vmul.f32 v7, v0;
	v5 =	vimm.s32 $0x0  }
0x317: {  	v51 =	vpop (erf);
	v7 =	vmax.f32 v36, v34;
	v5 =	vsel vm5, $0xFFFFFFFF, v5;
	v4 =	vadd.f32 $9.999999930e-09, v4  }
0x318: {  	[tilespmem:$0x1ED00] =	vst v5;
	vm14 =	vge.f32 v0, $5.000000000e-01;
	v5 =	vmin.f32 v37, v8;
	v0 =	vmul.f32 v51, v6  }
0x319: {  	v6 =	vmax.f32 v15, v29;
	(erf) = vrcp.f32 v4;
	v4 =	vmin.f32 v31, v9  }
0x31a: {  	[tilespmem:$0x1ED80] =	vst v12;
	v12 =	vld [tilespmem:$0x1FC90];
	v5 =	vsub.f32 v5, v7;
	v4 =	vsub.f32 v4, v6;
	_ =	sdelay $0x1  }
0x31b: {  	v59 =	vmax.f32 v33, v29;
	v5 =	vmax.f32 v5, $0.0e+00;
	v4 =	vmax.f32 v4, $0.0e+00;
	v29 =	vpop (erf)  }
0x31c: {  	v61 =	vmul.f32 v29, v2;
	v2 =	vmul.f32 v4, v5;
	v4 =	vadd.f32 v3, v20  }
0x31d: {  	v54 =	vmin.f32 v44, v9;
	v60 =	vld [tilespmem:$0x1F4B0]  }
0x31e: {  	v7 =	vmax.f32 v16, v34;
	v6 =	vmin.f32 v32, v8;
	v62 =	vsub.f32 v4, v2;
	v4 =	vld [tilespmem:$0x1FC80]  }
0x31f: {  	v6 =	vsub.f32 v6, v7;
	v7 =	vsub.f32 v54, v59;
	_ =	sdelay $0x1  }
0x320: {  	v8 =	vld.idx.msk [tilespmem:v12+s8+$0x0], $0xffff;
	v5 =	vmax.f32 v6, $0.0e+00;
	v6 =	vmax.f32 v7, $0.0e+00  }
0x321: {  	v5 =	vmul.f32 v6, v5;
	v6 =	vld [tilespmem:$0x1FC70]  }
0x322: {  	vm15 =	veq.s32 v60, s14;
	vm7 =	veq.s32 v60, s15;
	vm4 =	vge.f32 v0, $5.000000000e-01  }
0x323: {  	vm10 =	veq.s32 v60, s16;
	vm0 =	vmor vm15, vm14;
	vm1 =	vmor vm7, vm4;
	v7 =	vld.idx.msk [tilespmem:v55+s8+$0x0], $0xffff  }
0x324: {  	v23 =	vld [tilespmem:$0x1F2E0];
	v0 =	vsel vm5, v56, v47;
	vm1 =	vmand vm3, vm1;
	v3 =	vadd.f32 v3, v21  }
0x325: {  	vm0 =	vmor vm0, vm1;
	v26 =	vmin.f32 v57, v8;
	vm8 =	vge.f32 v61, $5.000000000e-01;
	v4 =	vld.idx.msk [tilespmem:v4+s8+$0x0], $0xffff  }
0x326: {  	[tilespmem:$0x1F290] =	vst v13;
	v55 =	vmin.f32 v31, v8;
	v3 =	vsub.f32 v3, v5;
	vm2 =	vmor vm10, vm8;
	v13 =	vpop (erf)  }
0x327: {  	v29 =	vadd.f32 $9.999999930e-09, v62;
	vm13 =	vmand vm6, vm2;
	v1 =	vmul.f32 v13, v38  }
0x328: {  	v61 =	vld [tilespmem:$0x1F500];
	v3 =	vadd.f32 $9.999999930e-09, v3;
	vm0 =	vmor vm13, vm0;
	v51 =	vmax.f32 v36, v7  }
0x329: {  	(erf) = vrcp.f32 v29;
	v54 =	vsel vm0, $0xFF800000, v23;
	v29 =	vmax.f32 v39, v7;
	v6 =	vld.idx.msk [tilespmem:v6+s8+$0x0], $0xffff  }
0x32a: {  	vm14 =	vge.f32 v1, $5.000000000e-01;
	v24 =	vsub.f32 v4, v7;
	v25 =	vmin.f32 v41, v4  }
0x32b: {  	v48 =	vmin.f32 v37, v4;
	v4 =	vmin.f32 v32, v4;
	v7 =	vmax.f32 v16, v7  }
0x32c: {  	(erf) = vrcp.f32 v3;
	v34 =	vsub.f32 v48, v51;
	v4 =	vsub.f32 v4, v7;
	v7 =	vld [tilespmem:$0x1FCB0]  }
0x32d: {  	vm15 =	veq.s32 v61, s14;
	vm7 =	vgt.f32 v54, v0;
	vm13 =	veq.s32 v61, s15;
	v48 =	vld [tilespmem:$0x1FCC0]  }
0x32e: {  	[tilespmem:$0x1ED90] =	vst v47;
	v3 =	vsub.f32 v8, v6;
	v47 =	vmax.f32 v43, v6;
	v12 =	vmax.f32 v34, $0.0e+00;
	v34 =	vld [tilespmem:$0x1FCA0]  }
0x32f: {  	vm0 =	vmor vm15, vm14;
	v9 =	vsub.f32 v25, v29;
	v29 =	vsub.f32 v26, v47  }
0x330: {  	v59 =	vmax.f32 v15, v6;
	v8 =	vmin.f32 v44, v8;
	v1 =	vmul.f32 v3, v24  }
0x331: {  	v6 =	vmax.f32 v33, v6;
	v3 =	vmax.f32 v9, $0.0e+00;
	v62 =	vmax.f32 v29, $0.0e+00  }
0x332: {  	v38 =	vld.idx.msk [tilespmem:v49+s8+$0x0], $0xffff;
	v10 =	vsub.f32 v55, v59;
	v23 =	vpop (erf);
	v3 =	vmul.f32 v62, v3;
	v29 =	vadd.f32 v1, v63  }
0x333: {  	vm15 =	veq.s32 v61, s16;
	v6 =	vsub.f32 v8, v6;
	v2 =	vmul.f32 v23, v2  }
0x334: {  	v25 =	vimm.s32 $0x0;
	v10 =	vmax.f32 v10, $0.0e+00;
	v26 =	vsub.f32 v29, v3;
	v7 =	vld.idx.msk [tilespmem:v7+s8+$0x0], $0xffff  }
0x335: {  	v47 =	vpop (erf);
	vm10 =	vge.f32 v2, $5.000000000e-01;
	v9 =	vmul.f32 v10, v12;
	v12 =	vsel vm7, $0xFFFFFFFF, v25;
	v8 =	vld.idx.msk [tilespmem:v48+s8+$0x0], $0xffff  }
0x336: {  	v2 =	vmul.f32 v47, v5;
	v24 =	vadd.f32 v1, v20;
	[tilespmem:$0x1ED10] =	vst v12;
	v5 =	vadd.f32 $9.999999930e-09, v26;
	v12 =	vld.idx.msk [tilespmem:v34+s8+$0x0], $0xffff  }
0x337: {  	v55 =	vmax.f32 v39, v38;
	v6 =	vmax.f32 v6, $0.0e+00;
	v4 =	vmax.f32 v4, $0.0e+00  }
0x338: {  	v4 =	vmul.f32 v6, v4;
	v10 =	vsub.f32 v24, v9;
	(erf) = vrcp.f32 v5  }
0x339: {  	v1 =	vadd.f32 v1, v21;
	vm1 =	vmor vm13, vm10;
	vm14 =	vge.f32 v2, $5.000000000e-01  }
0x33a: {  	v10 =	vadd.f32 $9.999999930e-09, v10;
	v51 =	vsub.f32 v7, v38;
	v6 =	vmin.f32 v41, v7  }
0x33b: {  	v59 =	vmin.f32 v57, v8;
	v5 =	vsub.f32 v8, v12;
	v29 =	vmax.f32 v43, v12  }
0x33c: {  	v49 =	vmovc v61;
	(erf) = vrcp.f32 v10;
	v10 =	vld [tilespmem:$0x1F310];
	v6 =	vsub.f32 v6, v55;
	v61 =	vsub.f32 v59, v29  }
0x33d: {  	vm1 =	vmand vm3, vm1;
	vm4 =	vmor vm15, vm14;
	v2 =	vmul.f32 v5, v51  }
0x33e: {  	vm0 =	vmor vm0, vm1;
	v5 =	vmax.f32 v6, $0.0e+00;
	v6 =	vmax.f32 v61, $0.0e+00  }
0x33f: {  	vm5 =	vmand vm6, vm4;
	v5 =	vmul.f32 v6, v5;
	v6 =	vadd.f32 v2, v63  }
0x340: {  	v23 =	vimm.s32 $0x0;
	v1 =	vsub.f32 v1, v4;
	vm0 =	vmor vm5, vm0  }
0x341: {  	v62 =	vsel vm7, v54, v0;
	v55 =	vsel vm0, $0xFF800000, v10;
	v13 =	vpop (erf);
	v6 =	vsub.f32 v6, v5  }
0x342: {  	v1 =	vadd.f32 $9.999999930e-09, v1;
	vm0 =	vgt.f32 v55, v62;
	v3 =	vmul.f32 v13, v3  }
0x343: {  	[tilespmem:$0x1EDA0] =	vst v0;
	v26 =	vmax.f32 v36, v38;
	v0 =	vsel vm0, $0xFFFFFFFF, v23;
	v6 =	vadd.f32 $9.999999930e-09, v6  }
0x344: {  	v48 =	vsel vm0, v55, v62;
	(erf) = vrcp.f32 v1;
	vm0 =	vge.f32 v3, $5.000000000e-01  }
0x345: {  	v24 =	vpop (erf);
	v3 =	vmin.f32 v31, v8;
	(erf) = vrcp.f32 v6;
	v6 =	vmax.f32 v15, v12  }
0x346: {  	v25 =	vmin.f32 v37, v7;
	v8 =	vmin.f32 v44, v8;
	v3 =	vsub.f32 v3, v6  }
0x347: {  	v6 =	vmin.f32 v32, v7;
	v7 =	vmax.f32 v16, v38;
	v38 =	vmax.f32 v33, v12  }
0x348: {  	v51 =	vld [tilespmem:$0x1FCE0];
	v6 =	vsub.f32 v6, v7;
	v7 =	vsub.f32 v8, v38  }
0x349: {  	v8 =	vld.idx.msk [tilespmem:v50+s8+$0x0], $0xffff  }
0x34a: {  	v50 =	vld [tilespmem:$0x1FCD0];
	v6 =	vmax.f32 v6, $0.0e+00;
	v7 =	vmax.f32 v7, $0.0e+00  }
0x34b: {  	v6 =	vmul.f32 v7, v6;
	v7 =	vld [tilespmem:$0x1FCF0];
	_ =	sdelay $0x2  }
0x34c: {  	v34 =	vsub.f32 v25, v26;
	v1 =	vmul.f32 v24, v9  }
0x34d: {  	v61 =	vld [tilespmem:$0x1F520]  }
0x34e: {  	vm8 =	vge.f32 v1, $5.000000000e-01;
	v1 =	vmax.f32 v34, $0.0e+00;
	v9 =	vld.idx.msk [tilespmem:v51+s8+$0x0], $0xffff;
	v3 =	vmax.f32 v3, $0.0e+00  }
0x34f: {  	v47 =	vpop (erf);
	v1 =	vmul.f32 v3, v1;
	v3 =	vadd.f32 v2, v20  }
0x350: {  	v4 =	vmul.f32 v47, v4;
	v10 =	vld.idx.msk [tilespmem:v50+s8+$0x0], $0xffff  }
0x351: {  	v3 =	vsub.f32 v3, v1;
	v7 =	vld.idx.msk [tilespmem:v7+s8+$0x0], $0xffff  }
0x352: {  	[tilespmem:$0x1EDC0] =	vst v62;
	vm10 =	veq.s32 v61, s15;
	v2 =	vadd.f32 v2, v21  }
0x353: {  	[tilespmem:$0x1EDB0] =	vst v0;
	v62 =	vmin.f32 v41, v9;
	v0 =	vmax.f32 v39, v8;
	v3 =	vadd.f32 $9.999999930e-09, v3  }
0x354: {  	vm14 =	vge.f32 v4, $5.000000000e-01;
	v2 =	vsub.f32 v2, v6;
	v13 =	vsub.f32 v62, v0;
	v4 =	vpop (erf)  }
0x355: {  	(erf) = vrcp.f32 v3;
	v3 =	vsub.f32 v9, v8;
	v4 =	vmul.f32 v4, v5  }
0x356: {  	v23 =	vmax.f32 v43, v10;
	v59 =	vsub.f32 v7, v10;
	v5 =	vmin.f32 v57, v7  }
0x357: {  	vm13 =	veq.s32 v61, s14;
	v2 =	vadd.f32 $9.999999930e-09, v2;
	v5 =	vsub.f32 v5, v23  }
0x358: {  	vm2 =	vmor vm10, vm8;
	vm10 =	vmor vm13, vm0;
	v3 =	vmul.f32 v59, v3  }
0x359: {  	(erf) = vrcp.f32 v2;
	v2 =	vmax.f32 v13, $0.0e+00;
	v5 =	vmax.f32 v5, $0.0e+00  }
0x35a: {  	vm13 =	vge.f32 v4, $5.000000000e-01;
	v2 =	vmul.f32 v5, v2;
	v4 =	vadd.f32 v3, v63;
	_ =	sdelay $0x1  }
0x35b: {  	v4 =	vsub.f32 v4, v2  }
0x35c: {  	v12 =	vld.idx.msk [tilespmem:v53+s8+$0x0], $0xffff  }
0x35d: {  	v53 =	vld [tilespmem:$0x1FD00];
	v4 =	vadd.f32 $9.999999930e-09, v4  }
0x35e: {  	v0 =	vld [tilespmem:$0x1FD10]  }
0x35f: {  	v24 =	vmin.f32 v37, v9;
	v50 =	vpop (erf);
	(erf) = vrcp.f32 v4;
	v4 =	vld [tilespmem:$0x1FD20]  }
0x360: {  	v25 =	vmax.f32 v36, v8;
	v34 =	vmax.f32 v15, v10;
	v26 =	vmin.f32 v31, v7  }
0x361: {  	[tilespmem:$0x1ED70] =	vst v11;
	v11 =	vsub.f32 v24, v25;
	v38 =	vsub.f32 v26, v34  }
0x362: {  	v9 =	vmin.f32 v32, v9;
	v8 =	vmax.f32 v16, v8  }
0x363: {  	v7 =	vmin.f32 v44, v7;
	v47 =	vmax.f32 v38, $0.0e+00;
	v5 =	vmax.f32 v11, $0.0e+00  }
0x364: {  	v62 =	vld [tilespmem:$0x1F530];
	v10 =	vmax.f32 v33, v10;
	v51 =	vadd.f32 v3, v20;
	v5 =	vmul.f32 v47, v5  }
0x365: {  	v13 =	vld.idx.msk [tilespmem:v53+s8+$0x0], $0xffff;
	v8 =	vsub.f32 v9, v8;
	v7 =	vsub.f32 v7, v10  }
0x366: {  	v9 =	vld.idx.msk [tilespmem:v0+s8+$0x0], $0xffff;
	v1 =	vmul.f32 v50, v1;
	v11 =	vsub.f32 v51, v5  }
0x367: {  	vm15 =	veq.s32 v61, s16;
	v8 =	vmax.f32 v8, $0.0e+00;
	v7 =	vmax.f32 v7, $0.0e+00;
	v59 =	vpop (erf);
	v4 =	vld.idx.msk [tilespmem:v4+s8+$0x0], $0xffff  }
0x368: {  	vm8 =	vge.f32 v1, $5.000000000e-01;
	v1 =	vmul.f32 v59, v6;
	v6 =	vadd.f32 $9.999999930e-09, v11  }
0x369: {  	vm0 =	vmor vm15, vm14;
	v7 =	vmul.f32 v7, v8;
	v3 =	vadd.f32 v3, v21  }
0x36a: {  	v25 =	vmax.f32 v39, v12;
	vm14 =	veq.s32 v62, s14;
	(erf) = vrcp.f32 v6  }
0x36b: {  	v34 =	vmax.f32 v43, v13;
	v24 =	vmin.f32 v41, v9;
	v23 =	vsub.f32 v3, v7  }
0x36c: {  	v3 =	vsub.f32 v9, v12;
	v6 =	vsub.f32 v4, v13;
	v26 =	vmin.f32 v57, v4  }
0x36d: {  	vm15 =	vmor vm14, vm13;
	v8 =	vsub.f32 v24, v25;
	v47 =	vsub.f32 v26, v34  }
0x36e: {  	vm13 =	vge.f32 v1, $5.000000000e-01;
	v1 =	vadd.f32 $9.999999930e-09, v23;
	v3 =	vmul.f32 v6, v3  }
0x36f: {  	v6 =	vmax.f32 v8, $0.0e+00;
	v50 =	vmax.f32 v47, $0.0e+00  }
0x370: {  	v51 =	vpop (erf);
	(erf) = vrcp.f32 v1;
	v1 =	vmul.f32 v50, v6;
	v6 =	vadd.f32 v3, v63;
	_ =	sdelay $0x1  }
0x371: {  	v6 =	vsub.f32 v6, v1  }
0x372: {  	v38 =	vmax.f32 v33, v13;
	v24 =	vmax.f32 v36, v12;
	v0 =	vpop (erf)  }
0x373: {  	v23 =	vmul.f32 v0, v5;
	v5 =	vadd.f32 $9.999999930e-09, v6;
	v6 =	vmin.f32 v37, v9  }
0x374: {  	v2 =	vmul.f32 v51, v2;
	v26 =	vmax.f32 v16, v12;
	v25 =	vsub.f32 v6, v24  }
0x375: {  	v6 =	vmax.f32 v15, v13;
	(erf) = vrcp.f32 v5;
	v5 =	vmin.f32 v31, v4  }
0x376: {  	v4 =	vmin.f32 v44, v4;
	v5 =	vsub.f32 v5, v6;
	v6 =	vmin.f32 v32, v9  }
0x377: {  	v8 =	vld.idx.msk [tilespmem:v52+s8+$0x0], $0xffff;
	v4 =	vsub.f32 v4, v38;
	v6 =	vsub.f32 v6, v26  }
0x378: {  	vm7 =	vge.f32 v2, $5.000000000e-01;
	v52 =	vld [tilespmem:$0x1FD40];
	v2 =	vmax.f32 v25, $0.0e+00;
	v5 =	vmax.f32 v5, $0.0e+00  }
0x379: {  	v4 =	vmax.f32 v4, $0.0e+00;
	v2 =	vmul.f32 v5, v2;
	v5 =	vld [tilespmem:$0x1FD30];
	v6 =	vmax.f32 v6, $0.0e+00  }
0x37a: {  	v4 =	vmul.f32 v4, v6;
	v6 =	vld [tilespmem:$0x1FD50]  }
0x37b: {  	vm2 =	vmand vm3, vm2  }
0x37c: {  	vm1 =	vmor vm10, vm2;
	v53 =	vld [tilespmem:$0x1F330];
	vm10 =	veq.s32 v62, s15  }
0x37d: {  	vm0 =	vmand vm6, vm0;
	vm4 =	vmor vm10, vm8;
	v59 =	vld [tilespmem:$0x1F360]  }
0x37e: {  	vm0 =	vmor vm0, vm1;
	vm14 =	veq.s32 v62, s16;
	vm4 =	vmand vm3, vm4;
	v47 =	vld [tilespmem:$0x1F570];
	v50 =	vpop (erf)  }
0x37f: {  	vm5 =	vmor vm14, vm13;
	v51 =	vadd.f32 v3, v20;
	v7 =	vmul.f32 v50, v7  }
0x380: {  	vm2 =	vmor vm15, vm4;
	vm15 =	vmand vm6, vm5;
	v3 =	vadd.f32 v3, v21;
	v10 =	vld.idx.msk [tilespmem:v52+s8+$0x0], $0xffff  }
0x381: {  	vm5 =	vmor vm15, vm2;
	vm14 =	vge.f32 v7, $5.000000000e-01;
	v7 =	vsub.f32 v51, v2;
	v5 =	vld.idx.msk [tilespmem:v5+s8+$0x0], $0xffff  }
0x382: {  	vm10 =	vge.f32 v23, $5.000000000e-01;
	v34 =	vsel vm0, $0xFF800000, v53;
	v3 =	vsub.f32 v3, v4;
	v6 =	vld.idx.msk [tilespmem:v6+s8+$0x0], $0xffff  }
0x383: {  	v53 =	vsel vm5, $0xFF800000, v59;
	vm8 =	veq.s32 v47, s14;
	v7 =	vadd.f32 $9.999999930e-09, v7  }
0x384: {  	v23 =	vmax.f32 v36, v8;
	vm0 =	vmor vm8, vm7;
	v59 =	vpop (erf);
	v3 =	vadd.f32 $9.999999930e-09, v3  }
0x385: {  	v13 =	vmin.f32 v37, v10;
	v1 =	vmul.f32 v59, v1;
	(erf) = vrcp.f32 v7  }
0x386: {  	v9 =	vsub.f32 v13, v23;
	v7 =	vsub.f32 v10, v8;
	(erf) = vrcp.f32 v3  }
0x387: {  	v3 =	vmin.f32 v41, v10;
	vm8 =	vge.f32 v1, $5.000000000e-01;
	v0 =	vsub.f32 v6, v5  }
0x388: {  	v12 =	vmax.f32 v43, v5;
	v26 =	vmax.f32 v15, v5;
	v25 =	vmin.f32 v31, v6  }
0x389: {  	v59 =	vld [tilespmem:$0x1FD60];
	v5 =	vmax.f32 v33, v5;
	v1 =	vmul.f32 v0, v7;
	v7 =	vmax.f32 v39, v8  }
0x38a: {  	v23 =	vld [tilespmem:$0x1FD80];
	v3 =	vsub.f32 v3, v7;
	v7 =	vmin.f32 v57, v6;
	v6 =	vmin.f32 v44, v6  }
0x38b: {  	vm13 =	veq.s32 v47, s15;
	v5 =	vsub.f32 v6, v5;
	v6 =	vld [tilespmem:$0x1FD70]  }
0x38c: {  	vm1 =	vmor vm13, vm10  }
0x38d: {  	vm15 =	veq.s32 v47, s16;
	vm1 =	vmand vm3, vm1  }
0x38e: {  	vm2 =	vmor vm15, vm14;
	vm0 =	vmor vm0, vm1  }
0x38f: {  	vm7 =	vmand vm6, vm2;
	v11 =	vsub.f32 v25, v26;
	v7 =	vsub.f32 v7, v12  }
0x390: {  	v13 =	vld.idx.msk [tilespmem:v14+s8+$0x0], $0xffff;
	v9 =	vmax.f32 v9, $0.0e+00;
	v10 =	vmin.f32 v32, v10;
	v8 =	vmax.f32 v16, v8  }
0x391: {  	v38 =	vld.idx.msk [tilespmem:v59+s8+$0x0], $0xffff;
	v11 =	vmax.f32 v11, $0.0e+00;
	v3 =	vmax.f32 v3, $0.0e+00;
	v7 =	vmax.f32 v7, $0.0e+00  }
0x392: {  	v8 =	vsub.f32 v10, v8;
	v10 =	vld.idx.msk [tilespmem:v23+s8+$0x0], $0xffff;
	v3 =	vmul.f32 v7, v3;
	v7 =	vadd.f32 v1, v63  }
0x393: {  	vm0 =	vmor vm7, vm0;
	v51 =	vadd.f32 v1, v20;
	v0 =	vpop (erf);
	v9 =	vmul.f32 v11, v9;
	v6 =	vld.idx.msk [tilespmem:v6+s8+$0x0], $0xffff  }
0x394: {  	v2 =	vmul.f32 v0, v2;
	v5 =	vmax.f32 v5, $0.0e+00;
	v7 =	vsub.f32 v7, v3  }
0x395: {  	v59 =	vmax.f32 v39, v13;
	v8 =	vmax.f32 v8, $0.0e+00;
	v11 =	vsub.f32 v51, v9  }
0x396: {  	v50 =	vmovc v37;
	v37 =	vmovc v15;
	v15 =	vmax.f32 v43, v38;
	vm13 =	vge.f32 v2, $5.000000000e-01;
	v7 =	vadd.f32 $9.999999930e-09, v7  }
0x397: {  	v2 =	vmul.f32 v5, v8;
	v25 =	vadd.f32 $9.999999930e-09, v11;
	v26 =	vsub.f32 v10, v38;
	v5 =	vpop (erf)  }
0x398: {  	v4 =	vmul.f32 v5, v4;
	(erf) = vrcp.f32 v7;
	v5 =	vsub.f32 v6, v13  }
0x399: {  	v1 =	vadd.f32 v1, v21;
	(erf) = vrcp.f32 v25;
	v51 =	vmin.f32 v41, v6  }
0x39a: {  	v24 =	vld [tilespmem:$0x1F580];
	v25 =	vmin.f32 v50, v6;
	v5 =	vmul.f32 v26, v5;
	v26 =	vmax.f32 v36, v13  }
0x39b: {  	v52 =	vmovc v31;
	v0 =	vmin.f32 v57, v10;
	v12 =	vsub.f32 v51, v59;
	v51 =	vsub.f32 v25, v26  }
0x39c: {  	v31 =	vmovc v16;
	v16 =	vmax.f32 v37, v38;
	v1 =	vsub.f32 v1, v2;
	v7 =	vsub.f32 v0, v15  }
0x39d: {  	vm15 =	vge.f32 v4, $5.000000000e-01;
	v15 =	vmin.f32 v52, v10;
	v4 =	vmax.f32 v51, $0.0e+00;
	v51 =	vld [tilespmem:$0x1F3B0]  }
0x39e: {  	v7 =	vmax.f32 v7, $0.0e+00;
	v59 =	vsub.f32 v15, v16;
	v23 =	vmax.f32 v12, $0.0e+00  }
0x39f: {  	vm10 =	veq.s32 v24, s14;
	v11 =	vadd.f32 v5, v63;
	v7 =	vmul.f32 v7, v23  }
0x3a0: {  	v1 =	vadd.f32 $9.999999930e-09, v1;
	v25 =	vmax.f32 v59, $0.0e+00;
	v12 =	vld [tilespmem:$0x1FDA0];
	v26 =	vadd.f32 v5, v20  }
0x3a1: {  	v23 =	vsub.f32 v11, v7;
	v4 =	vmul.f32 v25, v4;
	v25 =	vmax.f32 v31, v13;
	v13 =	vld [tilespmem:$0x1FDB0]  }
0x3a2: {  	vm14 =	veq.s32 v24, s15;
	(erf) = vrcp.f32 v1;
	v59 =	vsel vm0, $0xFF800000, v51;
	v51 =	vld [tilespmem:$0x1FD90]  }
0x3a3: {  	vm2 =	vmor vm14, vm13;
	v1 =	vadd.f32 $9.999999930e-09, v23;
	v8 =	vsub.f32 v26, v4  }
0x3a4: {  	vm1 =	vmor vm10, vm8;
	vm8 =	veq.s32 v24, s16;
	vm2 =	vmand vm3, vm2  }
0x3a5: {  	vm4 =	vmor vm8, vm15;
	v11 =	vpop (erf);
	(erf) = vrcp.f32 v1;
	v8 =	vadd.f32 $9.999999930e-09, v8  }
0x3a6: {  	v28 =	vld [tilespmem:$0x1F3E0];
	v10 =	vmin.f32 v44, v10;
	v6 =	vmin.f32 v32, v6;
	v26 =	vmax.f32 v33, v38  }
0x3a7: {  	v6 =	vsub.f32 v6, v25;
	v0 =	vpop (erf);
	v38 =	vsub.f32 v10, v26;
	v10 =	vld.idx.msk [tilespmem:v19+s8+$0x0], $0xffff;
	(erf) = vrcp.f32 v8  }
0x3a8: {  	vm1 =	vmor vm1, vm2;
	vm10 =	vmand vm6, vm4;
	v3 =	vmul.f32 v11, v3;
	v11 =	vld.idx.msk [tilespmem:v12+s8+$0x0], $0xffff  }
0x3a9: {  	v6 =	vmax.f32 v6, $0.0e+00;
	v23 =	vmul.f32 v0, v9;
	v9 =	vmax.f32 v38, $0.0e+00;
	v8 =	vld.idx.msk [tilespmem:v13+s8+$0x0], $0xffff  }
0x3aa: {  	vm13 =	vmor vm10, vm1;
	v5 =	vadd.f32 v5, v21;
	v6 =	vmul.f32 v9, v6;
	v1 =	vld.idx.msk [tilespmem:v51+s8+$0x0], $0xffff  }
0x3ab: {  	v28 =	vsel vm13, $0xFF800000, v28;
	v0 =	vpop (erf);
	v51 =	vld [tilespmem:$0x1F5B0]  }
0x3ac: {  	v2 =	vmul.f32 v0, v2;
	vm8 =	vge.f32 v3, $5.000000000e-01;
	v14 =	vsub.f32 v5, v6  }
0x3ad: {  	vm14 =	vge.f32 v23, $5.000000000e-01;
	v25 =	vmax.f32 v39, v10;
	v23 =	vmin.f32 v41, v11  }
0x3ae: {  	vm13 =	vge.f32 v2, $5.000000000e-01;
	v2 =	vadd.f32 $9.999999930e-09, v14;
	v12 =	vsub.f32 v23, v25;
	v25 =	vld [tilespmem:$0x1F5F0];
	v3 =	vpop (erf)  }
0x3af: {  	v5 =	vsub.f32 v11, v10;
	v26 =	vmin.f32 v57, v8;
	v3 =	vmul.f32 v3, v7  }
0x3b0: {  	v15 =	vpop (erf);
	(erf) = vrcp.f32 v2;
	v2 =	vmax.f32 v12, $0.0e+00;
	vm15 =	veq.s32 v51, s15  }
0x3b1: {  	v29 =	vld [tilespmem:$0x1F630];
	vm10 =	veq.s32 v51, s14;
	v7 =	vsub.f32 v8, v1;
	v38 =	vmax.f32 v43, v1  }
0x3b2: {  	v0 =	vld [tilespmem:$0x1FDD0];
	vm0 =	vmor vm15, vm14;
	vm14 =	veq.s32 v51, s16;
	v23 =	vsub.f32 v26, v38  }
0x3b3: {  	vm2 =	vmor vm10, vm8;
	vm15 =	vge.f32 v3, $5.000000000e-01;
	vm10 =	veq.s32 v25, s14  }
0x3b4: {  	v3 =	vmul.f32 v15, v4;
	v4 =	vmul.f32 v7, v5;
	v5 =	vmax.f32 v23, $0.0e+00  }
0x3b5: {  	v7 =	vmax.f32 v36, v10;
	v23 =	vld [tilespmem:$0x1FDE0];
	v2 =	vmul.f32 v5, v2;
	v5 =	vmin.f32 v50, v11  }
0x3b6: {  	v26 =	vmin.f32 v52, v8;
	v38 =	vmax.f32 v37, v1;
	v5 =	vsub.f32 v5, v7;
	v7 =	vld.idx.msk [tilespmem:v46+s8+$0x0], $0xffff  }
0x3b7: {  	v8 =	vmin.f32 v44, v8;
	v1 =	vmax.f32 v33, v1;
	vm8 =	veq.s32 v29, s15;
	v46 =	vld [tilespmem:$0x1FDC0]  }
0x3b8: {  	vm1 =	vmor vm14, vm13;
	vm0 =	vmand vm3, vm0;
	vm14 =	veq.s32 v25, s15  }
0x3b9: {  	v9 =	vsub.f32 v26, v38;
	v10 =	vmax.f32 v31, v10;
	v1 =	vsub.f32 v8, v1  }
0x3ba: {  	v12 =	vld.idx.msk [tilespmem:v0+s8+$0x0], $0xffff;
	vm13 =	vge.f32 v3, $5.000000000e-01;
	v3 =	vadd.f32 v4, v63;
	v11 =	vmin.f32 v32, v11  }
0x3bb: {  	v9 =	vmax.f32 v9, $0.0e+00;
	v10 =	vsub.f32 v11, v10;
	v5 =	vmax.f32 v5, $0.0e+00  }
0x3bc: {  	v26 =	vadd.f32 v4, v20;
	v3 =	vsub.f32 v3, v2;
	v5 =	vmul.f32 v9, v5  }
0x3bd: {  	v1 =	vmax.f32 v1, $0.0e+00;
	v4 =	vadd.f32 v4, v21;
	v38 =	vmax.f32 v10, $0.0e+00  }
0x3be: {  	v3 =	vadd.f32 $9.999999930e-09, v3;
	v1 =	vmul.f32 v1, v38;
	v8 =	vsub.f32 v26, v5;
	v14 =	vld.idx.msk [tilespmem:v23+s8+$0x0], $0xffff  }
0x3bf: {  	vm0 =	vmor vm2, vm0;
	vm2 =	vmor vm10, vm15;
	v0 =	vmin.f32 v41, v12;
	v13 =	vld.idx.msk [tilespmem:v46+s8+$0x0], $0xffff  }
0x3c0: {  	v15 =	vpop (erf);
	(erf) = vrcp.f32 v3;
	v4 =	vsub.f32 v4, v1;
	v3 =	vadd.f32 $9.999999930e-09, v8  }
0x3c1: {  	vm1 =	vmand vm6, vm1;
	v6 =	vmul.f32 v15, v6;
	v9 =	vsub.f32 v12, v7  }
0x3c2: {  	v15 =	vmax.f32 v39, v7;
	(erf) = vrcp.f32 v3;
	v3 =	vadd.f32 $9.999999930e-09, v4  }
0x3c3: {  	vm15 =	vge.f32 v6, $5.000000000e-01;
	v6 =	vsub.f32 v0, v15;
	v16 =	vmin.f32 v57, v14  }
0x3c4: {  	(erf) = vrcp.f32 v3;
	v46 =	vsub.f32 v14, v13;
	v23 =	vmax.f32 v43, v13  }
0x3c5: {  	v0 =	vmax.f32 v36, v7;
	v6 =	vmax.f32 v6, $0.0e+00;
	v26 =	vsub.f32 v16, v23  }
0x3c6: {  	v23 =	vmin.f32 v52, v14;
	v8 =	vmul.f32 v46, v9;
	v46 =	vmin.f32 v50, v12  }
0x3c7: {  	v38 =	vmax.f32 v26, $0.0e+00;
	v3 =	vsub.f32 v46, v0;
	v26 =	vmax.f32 v37, v13  }
0x3c8: {  	v46 =	vmin.f32 v44, v14;
	v0 =	vmax.f32 v33, v13;
	v4 =	vmul.f32 v38, v6  }
0x3c9: {  	v6 =	vadd.f32 v8, v63;
	v9 =	vsub.f32 v23, v26;
	v38 =	vmin.f32 v32, v12  }
0x3ca: {  	vm5 =	vmor vm14, vm13;
	v7 =	vmax.f32 v31, v7;
	v12 =	vsub.f32 v46, v0  }
0x3cb: {  	v3 =	vmax.f32 v3, $0.0e+00;
	v6 =	vsub.f32 v6, v4;
	v9 =	vmax.f32 v9, $0.0e+00;
	v26 =	vpop (erf)  }
0x3cc: {  	v13 =	vadd.f32 v8, v20;
	v7 =	vsub.f32 v38, v7;
	v3 =	vmul.f32 v9, v3;
	v38 =	vpop (erf)  }
0x3cd: {  	v11 =	vld [tilespmem:$0x1FE10];
	v10 =	vmax.f32 v12, $0.0e+00;
	v6 =	vadd.f32 $9.999999930e-09, v6;
	v46 =	vmul.f32 v38, v5;
	v5 =	vpop (erf)  }
0x3ce: {  	v7 =	vmax.f32 v7, $0.0e+00;
	v23 =	vsub.f32 v13, v3;
	v1 =	vmul.f32 v5, v1;
	v5 =	vld [tilespmem:$0x1FDF0]  }
0x3cf: {  	(erf) = vrcp.f32 v6;
	v6 =	vmul.f32 v10, v7;
	v7 =	vadd.f32 v8, v21;
	v10 =	vld [tilespmem:$0x1FE00]  }
0x3d0: {  	vm10 =	veq.s32 v25, s16;
	vm0 =	vmor vm1, vm0;
	vm5 =	vmand vm3, vm5  }
0x3d1: {  	vm4 =	vmor vm10, vm15;
	v8 =	vadd.f32 $9.999999930e-09, v23;
	v7 =	vsub.f32 v7, v6  }
0x3d2: {  	v27 =	vld [tilespmem:$0x1FFA0];
	vm14 =	veq.s32 v29, s14;
	vm2 =	vmor vm2, vm5;
	vm4 =	vmand vm6, vm4  }
0x3d3: {  	v2 =	vmul.f32 v26, v2;
	v13 =	vld [tilespmem:$0x1F450];
	(erf) = vrcp.f32 v8;
	v7 =	vadd.f32 $9.999999930e-09, v7  }
0x3d4: {  	vm10 =	vgt.f32 v34, v48;
	vm1 =	vmor vm4, vm2;
	v14 =	vimm.s32 $0x0;
	v8 =	vld.idx.msk [tilespmem:v58+s8+$0x0], $0xffff  }
0x3d5: {  	v0 =	vsel vm10, $0xFFFFFFFF, v14;
	vm13 =	vge.f32 v2, $5.000000000e-01;
	(erf) = vrcp.f32 v7;
	v7 =	vld.idx.msk [tilespmem:v11+s8+$0x0], $0xffff  }
0x3d6: {  	v38 =	vsel vm10, v34, v48;
	vm2 =	vmor vm14, vm13;
	vm15 =	vge.f32 v46, $5.000000000e-01;
	v5 =	vld.idx.msk [tilespmem:v5+s8+$0x0], $0xffff  }
0x3d7: {  	vm14 =	veq.s32 v29, s16;
	vm4 =	vmor vm8, vm15;
	vm13 =	vge.f32 v1, $5.000000000e-01;
	v2 =	vld.idx.msk [tilespmem:v10+s8+$0x0], $0xffff  }
0x3d8: {  	vm5 =	vmor vm14, vm13;
	vm4 =	vmand vm3, vm4;
	vm14 =	veq.s32 v27, s15;
	v12 =	vpop (erf)  }
0x3d9: {  	vm2 =	vmor vm2, vm4;
	vm15 =	vmand vm6, vm5;
	v1 =	vmul.f32 v12, v4  }
0x3da: {  	[tilespmem:$0x1EDE0] =	vst v48;
	v48 =	vsel vm0, $0xFF800000, v13;
	vm0 =	vmor vm15, vm2;
	v26 =	vmax.f32 v39, v8  }
0x3db: {  	v58 =	vmin.f32 v57, v7;
	vm8 =	vge.f32 v1, $5.000000000e-01;
	v4 =	vsub.f32 v7, v5  }
0x3dc: {  	[tilespmem:$0x1EDD0] =	vst v0;
	v11 =	vpop (erf);
	v0 =	vmax.f32 v43, v5;
	v1 =	vsub.f32 v2, v8;
	v23 =	vmin.f32 v41, v2  }
0x3dd: {  	v3 =	vmul.f32 v11, v3;
	v9 =	vsub.f32 v23, v26;
	v26 =	vsub.f32 v58, v0  }
0x3de: {  	v58 =	vmin.f32 v50, v2;
	v0 =	vmax.f32 v36, v8;
	v4 =	vmul.f32 v4, v1  }
0x3df: {  	v58 =	vsub.f32 v58, v0;
	vm13 =	vge.f32 v3, $5.000000000e-01;
	v9 =	vmax.f32 v9, $0.0e+00  }
0x3e0: {  	v23 =	vpop (erf);
	v1 =	vmax.f32 v26, $0.0e+00;
	v26 =	vmax.f32 v37, v5;
	vm2 =	vmor vm14, vm13  }
0x3e1: {  	vm14 =	vgt.f32 v53, v38;
	v6 =	vmul.f32 v23, v6;
	v23 =	vmin.f32 v52, v7  }
0x3e2: {  	[tilespmem:$0x1F360] =	vst v53;
	v9 =	vmul.f32 v1, v9;
	v1 =	vmax.f32 v58, $0.0e+00;
	v58 =	vsel vm14, v53, v38;
	v53 =	vld [tilespmem:$0x1FE40]  }
0x3e3: {  	v12 =	vsub.f32 v23, v26;
	v23 =	vld [tilespmem:$0x1FE20]  }
0x3e4: {  	v2 =	vmin.f32 v32, v2;
	v10 =	vadd.f32 v4, v63;
	v26 =	vld [tilespmem:$0x1FE30]  }
0x3e5: {  	v8 =	vmax.f32 v31, v8;
	vm15 =	vge.f32 v6, $5.000000000e-01;
	v6 =	vmax.f32 v12, $0.0e+00  }
0x3e6: {  	v14 =	vld [tilespmem:$0x1F4D0];
	v13 =	vadd.f32 v4, v20;
	v3 =	vsub.f32 v10, v9;
	v6 =	vmul.f32 v6, v1  }
0x3e7: {  	v2 =	vsub.f32 v2, v8  }
0x3e8: {  	v8 =	vld [tilespmem:$0x1F550];
	v3 =	vadd.f32 $9.999999930e-09, v3;
	v11 =	vsub.f32 v13, v6  }
0x3e9: {  	v10 =	vld.idx.msk [tilespmem:v18+s8+$0x0], $0xffff  }
0x3ea: {  	vm10 =	veq.s32 v27, s14;
	(erf) = vrcp.f32 v3;
	v3 =	vadd.f32 $9.999999930e-09, v11;
	v11 =	vld.idx.msk [tilespmem:v53+s8+$0x0], $0xffff  }
0x3eb: {  	v46 =	vsel vm1, $0xFF800000, v14;
	v14 =	vimm.s32 $0x0;
	vm1 =	vmor vm10, vm8;
	v12 =	vld.idx.msk [tilespmem:v23+s8+$0x0], $0xffff  }
0x3ec: {  	vm10 =	veq.s32 v27, s16;
	v5 =	vmax.f32 v33, v5;
	v7 =	vmin.f32 v44, v7;
	v13 =	vld.idx.msk [tilespmem:v26+s8+$0x0], $0xffff  }
0x3ed: {  	v0 =	vsel vm14, $0xFFFFFFFF, v14;
	vm2 =	vmand vm3, vm2;
	v5 =	vsub.f32 v7, v5  }
0x3ee: {  	v2 =	vmax.f32 v2, $0.0e+00;
	vm1 =	vmor vm1, vm2;
	vm13 =	vmor vm10, vm15  }
0x3ef: {  	[tilespmem:$0x1ED20] =	vst v0;
	v0 =	vsel vm0, $0xFF800000, v8;
	(erf) = vrcp.f32 v3;
	v3 =	vmax.f32 v5, $0.0e+00  }
0x3f0: {  	v26 =	vmax.f32 v39, v10;
	v2 =	vmul.f32 v3, v2;
	v3 =	vadd.f32 v4, v21  }
0x3f1: {  	v14 =	vld [tilespmem:$0x1F590];
	v5 =	vsub.f32 v13, v10;
	v7 =	vsub.f32 v11, v12;
	v23 =	vmin.f32 v41, v13  }
0x3f2: {  	v15 =	vmin.f32 v52, v11;
	v16 =	vmax.f32 v37, v12;
	v4 =	vsub.f32 v23, v26  }
0x3f3: {  	v23 =	vmax.f32 v43, v12;
	v5 =	vmul.f32 v7, v5;
	v7 =	vmin.f32 v57, v11  }
0x3f4: {  	vm15 =	vmand vm6, vm13;
	v7 =	vsub.f32 v7, v23;
	v23 =	vsub.f32 v15, v16  }
0x3f5: {  	vm1 =	vmor vm15, vm1;
	v1 =	vmax.f32 v36, v10;
	v26 =	vmin.f32 v50, v13  }
0x3f6: {  	v53 =	vsel vm1, $0xFF800000, v14;
	v8 =	vsub.f32 v26, v1;
	v14 =	vmax.f32 v23, $0.0e+00;
	v23 =	vld [tilespmem:$0x1FE50];
	_ =	sdelay $0x1  }
0x3f7: {  	v8 =	vmax.f32 v8, $0.0e+00  }
0x3f8: {  	v26 =	vadd.f32 v5, v20;
	v8 =	vmul.f32 v14, v8;
	_ =	sdelay $0x1  }
0x3f9: {  	v18 =	vpop (erf);
	v14 =	vsub.f32 v26, v8;
	v26 =	vld [tilespmem:$0x1FE60]  }
0x3fa: {  	v9 =	vmul.f32 v18, v9  }
0x3fb: {  	v3 =	vsub.f32 v3, v2;
	v15 =	vld.idx.msk [tilespmem:v30+s8+$0x0], $0xffff  }
0x3fc: {  	vm4 =	vge.f32 v9, $5.000000000e-01;
	v9 =	vld.idx.msk [tilespmem:v23+s8+$0x0], $0xffff  }
0x3fd: {  	v10 =	vmax.f32 v31, v10;
	v3 =	vadd.f32 $9.999999930e-09, v3;
	v23 =	vld [tilespmem:$0x1FE70]  }
0x3fe: {  	v13 =	vmin.f32 v32, v13;
	v12 =	vmax.f32 v33, v12;
	v4 =	vmax.f32 v4, $0.0e+00;
	v30 =	vld [tilespmem:$0x1FFB0]  }
0x3ff: {  	(erf) = vrcp.f32 v3;
	v3 =	vsub.f32 v13, v10;
	v7 =	vmax.f32 v7, $0.0e+00  }
0x400: {  	v11 =	vmin.f32 v44, v11;
	v4 =	vmul.f32 v7, v4;
	v7 =	vadd.f32 v5, v63  }
0x401: {  	v19 =	vpop (erf);
	v3 =	vmax.f32 v3, $0.0e+00;
	v16 =	vld.idx.msk [tilespmem:v26+s8+$0x0], $0xffff;
	v26 =	vsub.f32 v11, v12  }
0x402: {  	v6 =	vmul.f32 v19, v6;
	v5 =	vadd.f32 v5, v21;
	v7 =	vsub.f32 v7, v4  }
0x403: {  	[tilespmem:$0x1F180] =	vst v39;
	vm5 =	veq.s32 v30, s14;
	v39 =	vmax.f32 v39, v15;
	v10 =	vmax.f32 v26, $0.0e+00  }
0x404: {  	vm7 =	vge.f32 v6, $5.000000000e-01;
	vm8 =	veq.s32 v30, s15;
	v3 =	vmul.f32 v10, v3  }
0x405: {  	vm13 =	veq.s32 v30, s16;
	vm1 =	vmor vm8, vm7;
	v7 =	vadd.f32 $9.999999930e-09, v7;
	v18 =	vld.idx.msk [tilespmem:v23+s8+$0x0], $0xffff  }
0x406: {  	vm0 =	vmor vm5, vm4;
	vm1 =	vmand vm3, vm1;
	v5 =	vsub.f32 v5, v3  }
0x407: {  	vm0 =	vmor vm0, vm1;
	(erf) = vrcp.f32 v7;
	v7 =	vadd.f32 $9.999999930e-09, v14  }
0x408: {  	v14 =	vimm.s32 $0x0;
	v26 =	vmin.f32 v41, v16;
	v5 =	vadd.f32 $9.999999930e-09, v5  }
0x409: {  	[tilespmem:$0x1F140] =	vst v41;
	(erf) = vrcp.f32 v7;
	v1 =	vsub.f32 v16, v15;
	v12 =	vsub.f32 v26, v39  }
0x40a: {  	[tilespmem:$0x1F150] =	vst v43;
	v26 =	vmax.f32 v36, v15;
	(erf) = vrcp.f32 v5;
	v23 =	vsub.f32 v18, v9  }
0x40b: {  	[tilespmem:$0x1F130] =	vst v57;
	v41 =	vmin.f32 v57, v18;
	v57 =	vmax.f32 v43, v9;
	v43 =	vmax.f32 v37, v9  }
0x40c: {  	v9 =	vmax.f32 v33, v9;
	v6 =	vsub.f32 v41, v57;
	v41 =	vmin.f32 v52, v18  }
0x40d: {  	[tilespmem:$0x1F170] =	vst v52;
	v52 =	vmax.f32 v31, v15;
	v15 =	vmin.f32 v44, v18;
	v7 =	vmul.f32 v23, v1  }
0x40e: {  	v1 =	vmax.f32 v12, $0.0e+00;
	v23 =	vmin.f32 v50, v16;
	v12 =	vsub.f32 v41, v43  }
0x40f: {  	[tilespmem:$0x1F190] =	vst v50;
	v50 =	vmin.f32 v32, v16;
	v9 =	vsub.f32 v15, v9;
	v6 =	vmax.f32 v6, $0.0e+00  }
0x410: {  	[tilespmem:$0x1F1E0] =	vst v36;
	v36 =	vsub.f32 v23, v26;
	v6 =	vmul.f32 v6, v1;
	v39 =	vadd.f32 v7, v63  }
0x411: {  	v13 =	vsub.f32 v50, v52;
	v12 =	vmax.f32 v12, $0.0e+00;
	v57 =	vadd.f32 v7, v20  }
0x412: {  	v9 =	vmax.f32 v9, $0.0e+00;
	v10 =	vmax.f32 v36, $0.0e+00;
	v5 =	vsub.f32 v39, v6  }
0x413: {  	v7 =	vadd.f32 v7, v21;
	v63 =	vmax.f32 v13, $0.0e+00;
	v1 =	vpop (erf);
	v10 =	vmul.f32 v12, v10  }
0x414: {  	[tilespmem:$0x1F1F0] =	vst v33;
	v9 =	vmul.f32 v9, v63;
	v2 =	vmul.f32 v1, v2;
	v5 =	vadd.f32 $9.999999930e-09, v5  }
0x415: {  	[tilespmem:$0x1F1B0] =	vst v37;
	v33 =	vimm.s32 $0x0;
	v37 =	vimm.s32 $0x0;
	v39 =	vld [tilespmem:$0x1FFC0];
	v11 =	vsub.f32 v57, v10  }
0x416: {  	vm10 =	vge.f32 v2, $5.000000000e-01;
	(erf) = vrcp.f32 v5;
	v5 =	vsub.f32 v7, v9  }
0x417: {  	[tilespmem:$0x1F1C0] =	vst v44;
	v44 =	vimm.s32 $0x0;
	vm2 =	vmor vm13, vm10;
	v23 =	vadd.f32 $9.999999930e-09, v11;
	v7 =	vpop (erf)  }
0x418: {  	vm14 =	vmand vm6, vm2;
	v4 =	vmul.f32 v7, v4;
	v7 =	vpop (erf);
	v5 =	vadd.f32 $9.999999930e-09, v5  }
0x419: {  	v41 =	vimm.s32 $0x0;
	vm0 =	vmor vm14, vm0;
	v26 =	vmul.f32 v7, v8  }
0x41a: {  	vm8 =	veq.s32 v39, s14;
	vm13 =	veq.s32 v39, s15;
	(erf) = vrcp.f32 v23  }
0x41b: {  	v7 =	vld [tilespmem:$0x1FFE0];
	vm15 =	vge.f32 v4, $5.000000000e-01;
	(erf) = vrcp.f32 v5;
	vm10 =	vge.f32 v26, $5.000000000e-01  }
0x41c: {  	vm1 =	vmor vm8, vm15;
	vm15 =	vgt.f32 v59, v58;
	vm14 =	vmor vm13, vm10;
	v5 =	vpop (erf)  }
0x41d: {  	[tilespmem:$0x1F1D0] =	vst v32;
	v1 =	vsel vm15, $0xFFFFFFFF, v33;
	v11 =	vsel vm15, v59, v58;
	v32 =	vmul.f32 v5, v3  }
0x41e: {  	vm13 =	veq.s32 v39, s16;
	vm2 =	vmand vm3, vm14;
	vm15 =	vgt.f32 v28, v11;
	v3 =	vld [tilespmem:$0x1F5D0]  }
0x41f: {  	[tilespmem:$0x1ED40] =	vst v1;
	vm1 =	vmor vm1, vm2;
	v1 =	vsel vm15, $0xFFFFFFFF, v37;
	vm10 =	vge.f32 v32, $5.000000000e-01  }
0x420: {  	v26 =	vsel vm15, v28, v11;
	vm8 =	veq.s32 v7, s14;
	v36 =	vpop (erf);
	vm4 =	vmor vm13, vm10  }
0x421: {  	v63 =	vld [tilespmem:$0x1ED00];
	v2 =	vmul.f32 v36, v6;
	vm10 =	vgt.f32 v48, v26;
	vm13 =	vmmov vm9  }
0x422: {  	v4 =	vld [tilespmem:$0x1F610];
	[tilespmem:$0x1EE10] =	vst v1;
	v6 =	vimm.s32 $0x0;
	vm14 =	vmand vm6, vm4;
	v1 =	vsel vm10, $0xFFFFFFFF, v41  }
0x423: {  	v5 =	vpop (erf);
	v6 =	vsel vm9, $0xFFFFFFFF, v6;
	v18 =	vsel vm13, v17, v22;
	v3 =	vsel vm0, $0xFF800000, v3  }
0x424: {  	v50 =	vld [tilespmem:$0x1ECE0];
	vm5 =	vmor vm14, vm1;
	vm7 =	vge.f32 v2, $5.000000000e-01;
	v43 =	vmul.f32 v5, v10  }
0x425: {  	[tilespmem:$0x1F450] =	vst v48;
	v52 =	vld [tilespmem:$0x1ECF0];
	v10 =	vsel vm10, v48, v26;
	vm0 =	veq.s32 v7, s15;
	v2 =	vsel vm11, $0xFFFFFFFF, v44  }
0x426: {  	v13 =	vld [tilespmem:$0x1ED10];
	[tilespmem:$0x1EDF0] =	vst v6;
	v6 =	vimm.s32 $0x0;
	v48 =	vimm.s32 $0x0;
	vm10 =	vnez.u8 v63  }
0x427: {  	v41 =	vld [tilespmem:$0x1EDD0];
	v4 =	vsel vm5, $0xFF800000, v4;
	vm1 =	vmor vm8, vm7;
	v5 =	vpop (erf);
	vm15 =	vgt.f32 v46, v10  }
0x428: {  	[tilespmem:$0x1ED60] =	vst v1;
	v1 =	vld [tilespmem:$0x1F370];
	vm5 =	veq.s32 v7, s16;
	v5 =	vmul.f32 v5, v9;
	vm14 =	vge.f32 v43, $5.000000000e-01  }
0x429: {  	[tilespmem:$0x1F3E0] =	vst v28;
	v28 =	vld [tilespmem:$0x1F390];
	v8 =	vsel vm15, v46, v10;
	v6 =	vsel vm15, $0xFFFFFFFF, v6;
	v43 =	vimm.s32 $0x0  }
0x42a: {  	[tilespmem:$0x1F200] =	vst v31;
	v23 =	vld [tilespmem:$0x1F3F0];
	vm4 =	vmor vm0, vm14;
	vm7 =	vgt.f32 v0, v8;
	vm0 =	vnez.u8 v50  }
0x42b: {  	[tilespmem:$0x1F4D0] =	vst v46;
	v31 =	vld [tilespmem:$0x1F490];
	vm14 =	vnez.u8 v13;
	vm8 =	vge.f32 v5, $5.000000000e-01;
	v9 =	vsel vm7, v0, v8  }
0x42c: {  	[tilespmem:$0x1F550] =	vst v0;
	v46 =	vld [tilespmem:$0x1F470];
	v0 =	vsel vm7, $0xFFFFFFFF, v48;
	vm3 =	vmand vm3, vm4;
	vm13 =	vnez.u8 v41  }
0x42d: {  	v33 =	vld [tilespmem:$0x1EDB0];
	v57 =	vsel vm9, v45, v1;
	vm8 =	vmor vm5, vm8;
	vm2 =	vgt.f32 v53, v9  }
0x42e: {  	[tilespmem:$0x1F590] =	vst v53;
	v21 =	vld [tilespmem:$0x1F640];
	vm3 =	vmor vm1, vm3;
	vm9 =	vnez.u8 v52;
	v45 =	vsel vm11, v28, v57  }
0x42f: {  	v44 =	vld [tilespmem:$0x1ED20];
	v12 =	vsel vm2, v53, v9;
	v53 =	vimm.s32 $0x0;
	[tilespmem:$0x1EE20] =	vst v45;
	v45 =	vsel vm12, v23, v45  }
0x430: {  	v13 =	vld [tilespmem:$0x1EE10];
	[tilespmem:$0x1EE50] =	vst v0;
	vm6 =	vmand vm6, vm8;
	v0 =	vsel vm2, $0xFFFFFFFF, v53;
	v48 =	vsel vm0, v35, v45  }
0x431: {  	vm4 =	vgt.f32 v3, v12;
	vm3 =	vmor vm6, vm3;
	v53 =	vld [tilespmem:$0x1ED40];
	v37 =	vsel vm9, v46, v48  }
0x432: {  	v52 =	vld [tilespmem:$0x1ED30];
	vm6 =	vnez.u8 v33;
	v15 =	vsel vm4, v3, v12;
	v32 =	vsel vm10, v31, v37  }
0x433: {  	[tilespmem:$0x1EE60] =	vst v0;
	v0 =	vsel vm4, $0xFFFFFFFF, v14;
	vm8 =	vgt.f32 v4, v15;
	v36 =	vsel vm14, v60, v32  }
0x434: {  	[tilespmem:$0x1EE00] =	vst v2;
	v2 =	vsel vm3, $0xFF800000, v21;
	v21 =	vsel vm8, v4, v15;
	v33 =	vsel vm6, v49, v36  }
0x435: {  	[tilespmem:$0x1EE70] =	vst v0;
	v0 =	vsel vm8, $0xFFFFFFFF, v43;
	vm6 =	vnez.u8 v44;
	v16 =	vsel vm13, v61, v33  }
0x436: {  	[tilespmem:$0x1F230] =	vst v17;
	vm13 =	vmmov vm8;
	vm8 =	vnez.u8 v53;
	v19 =	vsel vm6, v62, v16  }
0x437: {  	[tilespmem:$0x1F250] =	vst v40;
	v22 =	vsel vm11, v52, v40;
	vm11 =	vnez.u8 v13;
	v43 =	vld [tilespmem:$0x1ED60];
	v17 =	vsel vm8, v47, v19  }
0x438: {  	[tilespmem:$0x1EE40] =	vst v6;
	v6 =	vmov v24;
	v40 =	vsel vm11, v24, v17;
	v24 =	vld [tilespmem:$0x1ED50]  }
0x439: {  	v50 =	vimm.s32 $0x0  }
0x43a: {  	v20 =	vld [tilespmem:$0x1F280];
	vm5 =	vgt.f32 v18, $-Inf;
	vm3 =	vlt.f32 v18, $-Inf;
	vm1 =	vgt.f32 v2, v21  }
0x43b: {  	v5 =	vimm.s32 $0x0;
	vm3 =	vmor vm5, vm3;
	[tilespmem:$0x1EE80] =	vst v0;
	v0 =	vsel vm1, $0xFFFFFFFF, v50;
	v50 =	vld [tilespmem:$0x1ED70]  }
0x43c: {  	v5 =	vsel vm12, $0xFFFFFFFF, v5;
	v14 =	vimm.s32 $0x0;
	v18 =	vnsel vm3, $0xFF800000, v18  }
0x43d: {  	[tilespmem:$0x1F260] =	vst v42;
	vm11 =	vgt.f32 v22, v18;
	v24 =	vsel vm12, v24, v42;
	vm12 =	vnez.u8 v43  }
0x43e: {  	[tilespmem:$0x1EE30] =	vst v5;
	v5 =	vld [tilespmem:$0x1F290];
	v44 =	vimm.s32 $0x0;
	v41 =	vsel vm11, v22, v18;
	v42 =	vsel vm12, v51, v40  }
0x43f: {  	v13 =	vld [tilespmem:$0x1ED80];
	[tilespmem:$0x1EE90] =	vst v0;
	v0 =	vsel vm11, $0xFFFFFFFF, v14;
	vm5 =	vgt.f32 v24, v41;
	v43 =	vsel vm15, v25, v42  }
0x440: {  	[tilespmem:$0x1EF10] =	vst v0;
	v0 =	vsel vm5, $0xFFFFFFFF, v44;
	v44 =	vsel vm5, v24, v41;
	v25 =	vsel vm0, v50, v20  }
0x441: {  	v53 =	vimm.s32 $0x0;
	vm11 =	vgt.f32 v25, v44  }
0x442: {  	[tilespmem:$0x1EF20] =	vst v0;
	v0 =	vsel vm11, $0xFFFFFFFF, v53;
	v53 =	vld [tilespmem:$0x1ED90];
	_ =	sdelay $0x1  }
0x443: {  	v13 =	vsel vm9, v13, v5;
	v52 =	vsel vm7, v29, v43  }
0x444: {  	[tilespmem:$0x1F2B0] =	vst v56;
	vm15 =	vmmov vm0;
	v20 =	vsel vm2, v27, v52;
	v14 =	vsel vm11, v25, v44  }
0x445: {  	[tilespmem:$0x1EEB0] =	vst v52;
	v52 =	vimm.s32 $0x0;
	v50 =	vsel vm4, v30, v20;
	vm0 =	vgt.f32 v13, v14  }
0x446: {  	[tilespmem:$0x1EEE0] =	vst v50;
	v5 =	vsel vm13, v39, v50;
	v50 =	vsel vm0, v13, v14;
	v27 =	vsel vm10, v53, v56  }
0x447: {  	[tilespmem:$0x1EF50] =	vst v0;
	v0 =	vsel vm0, $0xFFFFFFFF, v52;
	v56 =	vimm.s32 $0x0;
	vm0 =	vgt.f32 v27, v50  }
0x448: {  	[tilespmem:$0x1EF90] =	vst v0;
	v0 =	vsel vm0, $0xFFFFFFFF, v56;
	v56 =	vld [tilespmem:$0x1EDA0];
	_ =	sdelay $0x4  }
0x449: {  	[tilespmem:$0x1F2E0] =	vst v54;
	v54 =	vsel vm14, v56, v54;
	v56 =	vld [tilespmem:$0x1EDB0]  }
0x44a: {  	v63 =	vsel vm1, v2, v21  }
0x44b: {  	(xrf0) =	vmax.scan.msk.f32 $0xffff, v63;
	_ =	sdelay $0x2  }
0x44c: {  	v30 =	vsel vm1, v7, v5;
	vm1 =	vnez.u8 v56;
	v56 =	vld [tilespmem:$0x1EDC0];
	_ =	sdelay $0x2  }
0x44d: {  	[tilespmem:$0x1EED0] =	vst v20;
	v20, _, _ =	vpop (xrf0)  }
0x44e: {  	v20 =	vbroadcast v20, $0xF  }
0x44f: {  	v29 =	vsel vm1, v56, v55;
	v56 =	vld [tilespmem:$0x1EDD0]  }
0x450: {  	v53 =	vimm.s32 $0x0;
	vm13 =	veq.f32 v63, v20  }
0x451: {  	v52 =	vxor.u32 $0x80000000, v30;
	[tilespmem:$0x1EFC0] =	vst v0;
	v0 =	vsel vm13, $0xFFFFFFFF, v53;
	v53 =	vsel vm0, v27, v50  }
0x452: {  	vm5 =	vmmov vm14;
	v52 =	vnsel vm13, $0xC0000000, v52;
	vm14 =	vgt.f32 v54, v53  }
0x453: {  	vm11 =	vmmov vm9;
	vm9 =	vmmov vm10;
	(xrf0) =	vmin.scan.msk.u32 $0xffff, v52;
	v52 =	vsel vm14, v54, v53  }
0x454: {  	[tilespmem:$0x1F310] =	vst v55;
	v55 =	vimm.s32 $0x0;
	vm10 =	vgt.f32 v29, v52;
	vm4 =	vnez.u8 v56;
	v56 =	vld [tilespmem:$0x1EDE0]  }
0x455: {  	[tilespmem:$0x1EEA0] =	vst v0;
	v0 =	vsel vm10, $0xFFFFFFFF, v55  }
0x456: {  	[tilespmem:$0x1F010] =	vst v0;
	v0 =	vld [tilespmem:$0x1F360];
	_ =	sdelay $0x2  }
0x457: {  	[tilespmem:$0x1F330] =	vst v34;
	v34 =	vsel vm4, v56, v34;
	v56 =	vld [tilespmem:$0x1EDF0];
	_ =	sdelay $0x1  }
0x458: {  	v38 =	vsel vm6, v38, v0;
	v0 =	vld [tilespmem:$0x1F7F0];
	_ =	sdelay $0x2  }
0x459: {  	vm13 =	vnez.u8 v56  }
0x45a: {  	vm3 =	vmand vm13, vm3  }
0x45b: {  	[tilespmem:$0x1EEF0] =	vst v5;
	v5 =	vsel vm3, v1, v0;
	v0 =	vld [tilespmem:$0x1EE00];
	_ =	sdelay $0x4  }
0x45c: {  	v55 =	vsel vm10, v29, v52;
	vm10 =	vnez.u8 v0  }
0x45d: {  	v1 =	vsel vm10, v57, v28;
	v57, _, _ =	vpop (xrf0)  }
0x45e: {  	vm7 =	vgt.f32 v34, v55;
	(v2sf) =	vpush v57, $0xF;
	v57 =	vld [tilespmem:$0x1EF10]  }
0x45f: {  	v56 =	vsel vm7, v34, v55  }
0x460: {  	[tilespmem:$0x1F120] =	vst v20;
	v20 =	vimm.s32 $0x0;
	vm13 =	vgt.f32 v38, v56  }
0x461: {  	v20 =	vsel vm13, $0xFFFFFFFF, v20  }
0x462: {  	[tilespmem:$0x1F050] =	vst v20;
	v20 =	vld [tilespmem:$0x1EE10]  }
0x463: {  	vm0 =	vnez.u8 v57;
	v57 =	vld [tilespmem:$0x1F3E0];
	_ =	sdelay $0x3  }
0x464: {  	vm2 =	vnez.u8 v20;
	v20 =	vld [tilespmem:$0x1EE30]  }
0x465: {  	v28 =	vsel vm2, v11, v57;
	v57 =	vld [tilespmem:$0x1EE20];
	_ =	sdelay $0x1  }
0x466: {  	[tilespmem:$0x1F3B0] =	vst v59;
	v58 =	vsel vm8, v58, v59;
	v59 =	vsel vm13, v38, v56  }
0x467: {  	vm10 =	vmmov vm8;
	vm8 =	vgt.f32 v58, v59;
	v11 =	vimm.s32 $0x0  }
0x468: {  	v0 =	vsel vm8, $0xFFFFFFFF, v11;
	v11 =	vsel vm8, v58, v59;
	vm8 =	vnez.u8 v20  }
0x469: {  	v57 =	vsel vm8, v57, v23;
	v23 =	vld [tilespmem:$0x1F450]  }
0x46a: {  	v18 =	vsel vm0, v18, v22  }
0x46b: {  	v35 =	vsel vm15, v45, v35;
	vm3 =	vlt.f32 v18, $-Inf;
	vm13 =	vgt.f32 v18, $-Inf  }
0x46c: {  	v45 =	vsel vm11, v48, v46;
	v22 =	vimm.s32 $0x0;
	vm3 =	vmor vm13, vm3  }
0x46d: {  	[tilespmem:$0x1F090] =	vst v0;
	v0 =	vsel vm3, $0xFFFFFFFF, v22;
	vm13 =	vgt.f32 v28, v11;
	v22 =	vimm.s32 $0x0  }
0x46e: {  	v20 =	vld [tilespmem:$0x1EE40];
	[tilespmem:$0x1EEC0] =	vst v0;
	v0 =	vsel vm13, $0xFFFFFFFF, v22;
	v22 =	vsel vm13, v28, v11;
	v23 =	vsel vm12, v26, v23  }
0x46f: {  	v31 =	vsel vm9, v37, v31;
	v37 =	vimm.s32 $0x0;
	v46 =	vld [tilespmem:$0x1F4D0];
	vm3 =	vgt.f32 v23, v22  }
0x470: {  	[tilespmem:$0x1EF30] =	vst v0;
	v0 =	vsel vm3, $0xFFFFFFFF, v37  }
0x471: {  	[tilespmem:$0x1EF60] =	vst v0;
	v0 =	vsel vm1, v36, v49;
	v36 =	vsel vm6, v16, v62;
	v16 =	vld [tilespmem:$0x1EE50]  }
0x472: {  	v49 =	vld [tilespmem:$0x1F550]  }
0x473: {  	v32 =	vsel vm5, v32, v60;
	vm5 =	vnez.u8 v20  }
0x474: {  	v26 =	vsel vm5, v10, v46;
	v20 =	vsel vm3, v23, v22  }
0x475: {  	v48 =	vimm.s32 $0x0;
	v33 =	vsel vm4, v33, v61;
	vm15 =	vgt.f32 v26, v20;
	v62 =	vld [tilespmem:$0x1EE70]  }
0x476: {  	v60 =	vld [tilespmem:$0x1EE60];
	vm8 =	vmmov vm12;
	v10 =	vsel vm15, $0xFFFFFFFF, v48;
	vm4 =	vnez.u8 v16  }
0x477: {  	v48 =	vsel vm8, v40, v51;
	v40 =	vld [tilespmem:$0x1F5F0];
	v16 =	vsel vm4, v8, v49;
	v8 =	vsel vm15, v26, v20  }
0x478: {  	v46 =	vsel vm2, v17, v6;
	v6 =	vimm.s32 $0x0;
	vm1 =	vgt.f32 v16, v8  }
0x479: {  	v61 =	vld [tilespmem:$0x1EF20];
	v6 =	vsel vm1, $0xFFFFFFFF, v6  }
0x47a: {  	vm8 =	vnez.u8 v62;
	[tilespmem:$0x1F100] =	vst v6;
	v6 =	vld [tilespmem:$0x1F590]  }
0x47b: {  	[tilespmem:$0x1F5D0] =	vst v3;
	v12 =	vsel vm8, v12, v3;
	v3 =	vld [tilespmem:$0x1EF50]  }
0x47c: {  	vm12 =	vnez.u8 v60;
	v60 =	vsel vm5, v42, v40;
	v42 =	vld [tilespmem:$0x1EF90];
	_ =	sdelay $0x1  }
0x47d: {  	v37 =	vsel vm10, v19, v47  }
0x47e: {  	vm6 =	vnez.u8 v61;
	v17 =	vsel vm12, v9, v6;
	v6 =	vsel vm0, v1, v5  }
0x47f: {  	[tilespmem:$0x1EFA0] =	vst v10;
	v10 =	vmovc v1;
	v19 =	vsel vm1, v16, v8;
	vm1 =	vnez.u8 v3;
	v1 =	vsel vm6, v57, v6  }
0x480: {  	vm2 =	vnez.u8 v42;
	v3 =	vsel vm1, v35, v1  }
0x481: {  	[tilespmem:$0x1EF80] =	vst v45;
	v62 =	vsel vm2, v45, v3;
	v45 =	vld [tilespmem:$0x1EE80];
	_ =	sdelay $0x4  }
0x482: {  	vm10 =	vnez.u8 v45  }
0x483: {  	[tilespmem:$0x1F610] =	vst v4;
	v15 =	vsel vm10, v15, v4;
	v4 =	vld [tilespmem:$0x1EFC0];
	_ =	sdelay $0x3  }
0x484: {  	v51 =	vld [tilespmem:$0x1EE90]  }
0x485: {  	vm3 =	vnez.u8 v4;
	v4 =	vld [tilespmem:$0x1F630];
	_ =	sdelay $0x1  }
0x486: {  	[tilespmem:$0x1EF40] =	vst v35;
	vm13 =	vgt.f32 v17, v19;
	v35 =	vimm.s32 $0x0  }
0x487: {  	[tilespmem:$0x1F640] =	vst v2;
	v49 =	vimm.s32 $0x0;
	v9 =	vsel vm13, $0xFFFFFFFF, v35;
	v35 =	vld [tilespmem:$0x1F010]  }
0x488: {  	[tilespmem:$0x1EFD0] =	vst v32;
	vm9 =	vnez.u8 v51;
	vm5 =	vmmov vm7;
	v47 =	vsel vm13, v17, v19  }
0x489: {  	[tilespmem:$0x1EFB0] =	vst v31;
	v40 =	vimm.s32 $0x0;
	vm15 =	vgt.f32 v12, v47;
	v4 =	vsel vm4, v43, v4;
	v43 =	vld [tilespmem:$0x1EEA0]  }
0x48a: {  	[tilespmem:$0x1EFF0] =	vst v9;
	v9 =	vsel vm15, v12, v47;
	v45 =	vld [tilespmem:$0x1F050];
	v61 =	vsel vm3, v31, v62;
	v31 =	vimm.s32 $0x0  }
0x48b: {  	[tilespmem:$0x1F000] =	vst v0;
	v21 =	vsel vm9, v21, v2;
	vm0 =	vgt.f32 v15, v9;
	v31 =	vsel vm14, $0xFFFFFFFF, v31  }
0x48c: {  	s25 =	spop (v2sf);
	[tilespmem:$0x1EFE0] =	vst v31;
	v31 =	vsel vm14, v32, v61;
	v32 =	vsel vm0, $0xFFFFFFFF, v49;
	vm4 =	vnez.u8 v35  }
0x48d: {  	s14 =	sxor.u32 $0x80000000, s25;
	v51 =	vld [tilespmem:$0x1FFA0];
	v2 =	vsel vm7, $0xFFFFFFFF, v40;
	[tilespmem:$0x1EF00] =	vst v32;
	v32 =	vsel vm4, v0, v31;
	v0 =	vsel vm0, v15, v9  }
0x48e: {  	v49 =	vld [tilespmem:$0x1EEB0];
	vm0 =	veq.s32 v30, s14;
	v40 =	vsel vm7, v33, v32;
	vm7 =	vnez.u8 v43  }
0x48f: {  	[tilespmem:$0x1F020] =	vst v33;
	vm0 =	vmand vm7, vm0;
	vm7 =	vnez.u8 v45  }
0x490: {  	[tilespmem:$0x1F040] =	vst v36;
	v33 =	vsel vm7, v36, v40;
	v36 =	vld [tilespmem:$0x1F090]  }
0x491: {  	v43 =	vld [tilespmem:$0x1EF30]  }
0x492: {  	v24 =	vsel vm6, v41, v24;
	v41 =	vld [tilespmem:$0x1EEC0]  }
0x493: {  	v45 =	vsel vm12, v49, v51;
	v51 =	vld [tilespmem:$0x1EF60]  }
0x494: {  	v42 =	vimm.s32 $0x0;
	vm11 =	vgt.f32 v21, v0  }
0x495: {  	[tilespmem:$0x1F030] =	vst v2;
	v2 =	vsel vm11, $0xFFFFFFFF, v42;
	v42 =	vsel vm11, v21, v0;
	vm11 =	vnez.u8 v36  }
0x496: {  	v49 =	vld [tilespmem:$0x1FFB0];
	vm6 =	vnez.u8 v43;
	v36 =	vsel vm11, v37, v33  }
0x497: {  	[tilespmem:$0x1F0A0] =	vst v46;
	v35 =	vimm.s32 $0x0;
	vm12 =	vnez.u8 v41;
	v41 =	vsel vm6, v46, v36;
	v46 =	vld [tilespmem:$0x1EED0]  }
0x498: {  	[tilespmem:$0x1F060] =	vst v2;
	v2 =	vsel vm0, $0xFFFFFFFF, v35;
	v35 =	vsel vm1, v44, v25;
	v44 =	vld [tilespmem:$0x1EFA0];
	vm6 =	vnez.u8 v51  }
0x499: {  	[tilespmem:$0x1F0E0] =	vst v48;
	v43 =	vsel vm6, v48, v41;
	v48 =	vld [tilespmem:$0x1EEE0];
	_ =	sdelay $0x1  }
0x49a: {  	v18 =	vnsel vm12, $0xFF800000, v18  }
0x49b: {  	v46 =	vsel vm8, v46, v49;
	vm8 =	vgt.f32 v24, v18  }
0x49c: {  	v51 =	vimm.s32 $0x0;
	v18 =	vsel vm8, v24, v18  }
0x49d: {  	vm6 =	vnez.u8 v44;
	v44 =	vsel vm10, v48, v39;
	vm10 =	vgt.f32 v35, v18  }
0x49e: {  	[tilespmem:$0x1F0C0] =	vst v2;
	v2 =	vsel vm10, $0xFFFFFFFF, v51;
	v51 =	vld [tilespmem:$0x1EEF0]  }
0x49f: {  	v63 =	vsel vm0, v42, v63;
	v49 =	vld [tilespmem:$0x1F100]  }
0x4a0: {  	v14 =	vsel vm2, v14, v13;
	(xrf0) =	vmax.scan.msk.f32 $0xffff, v63;
	v18 =	vsel vm10, v35, v18  }
0x4a1: {  	[tilespmem:$0x1F080] =	vst v37;
	v37 =	vsel vm6, v60, v43;
	vm6 =	vgt.f32 v14, v18  }
0x4a2: {  	v18 =	vsel vm6, v14, v18;
	v14 =	vld [tilespmem:$0x1EF00]  }
0x4a3: {  	v39 =	vsel vm9, v51, v7;
	v51 =	vld [tilespmem:$0x1F060]  }
0x4a4: {  	vm1 =	vnez.u8 v49  }
0x4a5: {  	v48 =	vsel vm1, v4, v37  }
0x4a6: {  	v13 =	vsel vm3, v50, v27;
	v25, _, _ =	vpop (xrf0);
	v35 =	vsel vm13, v45, v48  }
0x4a7: {  	v50 =	vbroadcast v25, $0xF;
	v49 =	vsel vm15, v46, v35;
	vm3 =	vnez.u8 v14  }
0x4a8: {  	vm2 =	vgt.f32 v13, v18;
	v27 =	vsel vm3, v44, v49;
	vm13 =	vnez.u8 v51  }
0x4a9: {  	v18 =	vsel vm2, v13, v18;
	v51 =	vsel vm14, v53, v54;
	v25 =	vsel vm13, v39, v27  }
0x4aa: {  	v24 =	vsel vm0, v25, v30;
	vm0 =	vgt.f32 v51, v18  }
0x4ab: {  	v29 =	vsel vm4, v52, v29;
	vm9 =	veq.f32 v63, v50;
	v18 =	vsel vm0, v51, v18  }
0x4ac: {  	v14 =	vimm.s32 $0x0;
	v13 =	vxor.u32 $0x80000000, v24;
	vm4 =	vgt.f32 v29, v18  }
0x4ad: {  	v53 =	vnsel vm9, $0xC0000000, v13;
	v18 =	vsel vm4, v29, v18;
	v29 =	vsel vm5, v55, v34;
	v55 =	vld [tilespmem:$0x1EF10]  }
0x4ae: {  	[tilespmem:$0x1EF70] =	vst v2;
	v2 =	vsel vm9, $0xFFFFFFFF, v14;
	v14 =	vld [tilespmem:$0x1EF20];
	(xrf0) =	vmin.scan.msk.u32 $0xffff, v53  }
0x4af: {  	[tilespmem:$0x1F0F0] =	vst v4;
	v4 =	vld [tilespmem:$0x1F7F0];
	vm14 =	vgt.f32 v29, v18  }
0x4b0: {  	v18 =	vsel vm14, v29, v18;
	v29 =	vsel vm7, v56, v38  }
0x4b1: {  	vm7 =	vgt.f32 v29, v18  }
0x4b2: {  	v18 =	vsel vm7, v29, v18;
	vm10 =	vnez.u8 v55  }
0x4b3: {  	v38 =	vld [tilespmem:$0x1EF40];
	v29 =	vsel vm11, v59, v58;
	vm11 =	vnez.u8 v14;
	v34 =	vsel vm10, v5, v10  }
0x4b4: {  	v55 =	vsel vm11, v6, v57;
	v57 =	vmov v4;
	v10, _, _ =	vpop (xrf0);
	v34 =	vsel vm12, v34, v4;
	v4 =	vld [tilespmem:$0x1EF50]  }
0x4b5: {  	(v2sf) =	vpush v10, $0xF;
	v10 =	vld [tilespmem:$0x1EF60]  }
0x4b6: {  	v14 =	vld [tilespmem:$0x1EF30];
	_ =	sdelay $0x2  }
0x4b7: {  	vm9 =	vnez.u8 v4  }
0x4b8: {  	v13 =	vsel vm8, v55, v34;
	v55 =	vsel vm9, v1, v38;
	vm9 =	vnez.u8 v10  }
0x4b9: {  	vm11 =	vgt.f32 v29, v18;
	vm10 =	vnez.u8 v14;
	v6 =	vsel vm9, v22, v23;
	v22 =	vld [tilespmem:$0x1EF70]  }
0x4ba: {  	v51 =	vimm.s32 $0x0;
	v18 =	vsel vm11, v29, v18;
	v11 =	vsel vm10, v11, v28  }
0x4bb: {  	[tilespmem:$0x1F0B0] =	vst v2;
	v2 =	vsel vm7, $0xFFFFFFFF, v51;
	v34 =	vimm.s32 $0x0;
	vm13 =	vgt.f32 v11, v18  }
0x4bc: {  	[tilespmem:$0x1F070] =	vst v2;
	v2 =	vsel vm13, $0xFFFFFFFF, v34;
	v34 =	vld [tilespmem:$0x1EF80]  }
0x4bd: {  	v38 =	vld [tilespmem:$0x1EF90]  }
0x4be: {  	vm12 =	vnez.u8 v22;
	v22 =	vld [tilespmem:$0x1EFA0];
	_ =	sdelay $0x3  }
0x4bf: {  	v11 =	vsel vm13, v11, v18;
	vm13 =	vnez.u8 v38  }
0x4c0: {  	v23 =	vsel vm12, v55, v13;
	v55 =	vsel vm13, v3, v34;
	vm13 =	vnez.u8 v22  }
0x4c1: {  	v5 =	vsel vm13, v20, v26;
	v26 =	vld [tilespmem:$0x1EFC0]  }
0x4c2: {  	v7 =	vsel vm6, v55, v23;
	v23 =	vld [tilespmem:$0x1EFB0];
	_ =	sdelay $0x2  }
0x4c3: {  	v38 =	vld [tilespmem:$0x1EFD0]  }
0x4c4: {  	vm12 =	vgt.f32 v6, v11;
	v55 =	vld [tilespmem:$0x1EFE0];
	vm5 =	vnez.u8 v26  }
0x4c5: {  	v6 =	vsel vm12, v6, v11;
	v34 =	vsel vm5, v62, v23;
	v62 =	vld [tilespmem:$0x1EFF0]  }
0x4c6: {  	v10 =	vld [tilespmem:$0x1F010];
	vm8 =	vgt.f32 v5, v6  }
0x4c7: {  	v4 =	vsel vm1, v8, v16;
	v8 =	vld [tilespmem:$0x1F000];
	v5 =	vsel vm8, v5, v6  }
0x4c8: {  	vm7 =	vgt.f32 v4, v5  }
0x4c9: {  	vm6 =	vnez.u8 v55;
	v4 =	vsel vm7, v4, v5  }
0x4ca: {  	v6 =	vsel vm2, v34, v7;
	v7 =	vsel vm6, v61, v38;
	vm5 =	vnez.u8 v62  }
0x4cb: {  	v5 =	vsel vm0, v7, v6;
	vm0 =	vnez.u8 v10;
	v3 =	vsel vm5, v19, v17  }
0x4cc: {  	v6 =	vsel vm0, v31, v8;
	vm6 =	vgt.f32 v3, v4  }
0x4cd: {  	v3 =	vsel vm6, v3, v4;
	v4 =	vsel vm4, v6, v5;
	v5 =	vld [tilespmem:$0x1F030]  }
0x4ce: {  	v11 =	vsel vm15, v47, v12;
	v12 =	vld [tilespmem:$0x1F020];
	_ =	sdelay $0x3  }
0x4cf: {  	vm4 =	vnez.u8 v5  }
0x4d0: {  	v22 =	vld [tilespmem:$0x1F070];
	vm1 =	vgt.f32 v11, v3;
	v5 =	vsel vm4, v32, v12  }
0x4d1: {  	[tilespmem:$0x1F0D0] =	vst v2;
	v2 =	vsel vm1, v11, v3;
	v3 =	vsel vm14, v5, v4;
	v5 =	vld [tilespmem:$0x1F050]  }
0x4d2: {  	v4 =	vld [tilespmem:$0x1F040];
	_ =	sdelay $0x2  }
0x4d3: {  	v13 =	vsel vm3, v9, v15  }
0x4d4: {  	vm2 =	vmmov vm15;
	vm0 =	vmmov vm3;
	vm15 =	vnez.u8 v5  }
0x4d5: {  	vm3 =	vgt.f32 v13, v2;
	vm14 =	vnez.u8 v22;
	v4 =	vsel vm15, v40, v4  }
0x4d6: {  	v1 =	vsel vm3, v13, v2;
	v2 =	vsel vm14, v4, v3;
	v4 =	vld [tilespmem:$0x1F090]  }
0x4d7: {  	v3 =	vld [tilespmem:$0x1F080];
	_ =	sdelay $0x3  }
0x4d8: {  	vm14 =	vnez.u8 v4  }
0x4d9: {  	v3 =	vsel vm14, v33, v3  }
0x4da: {  	v2 =	vsel vm11, v3, v2;
	v3 =	vld [tilespmem:$0x1F0B0];
	_ =	sdelay $0x1  }
0x4db: {  	v14 =	vld [tilespmem:$0x1F060];
	_ =	sdelay $0x1  }
0x4dc: {  	v23 =	vld [tilespmem:$0x1F0A0]  }
0x4dd: {  	vm14 =	vnez.u8 v3;
	v3 =	vld [tilespmem:$0x1F0C0];
	_ =	sdelay $0x1  }
0x4de: {  	vm15 =	vnez.u8 v14  }
0x4df: {  	v0 =	vsel vm15, v0, v21  }
0x4e0: {  	vm4 =	vgt.f32 v0, v1  }
0x4e1: {  	v0 =	vsel vm4, v0, v1;
	v1 =	vsel vm10, v36, v23;
	vm10 =	vnez.u8 v3;
	v3 =	vld [tilespmem:$0x1F0D0];
	_ =	sdelay $0x1  }
0x4e2: {  	s26 =	spop (v2sf)  }
0x4e3: {  	s15 =	sxor.u32 $0x80000000, s26  }
0x4e4: {  	v26 =	vld [tilespmem:$0x1F0E0];
	vm11 =	veq.s32 v24, s15  }
0x4e5: {  	vm11 =	vmand vm14, vm11;
	vm14 =	vnez.u8 v3;
	v3 =	vld [tilespmem:$0x1F100]  }
0x4e6: {  	v33 =	vld [tilespmem:$0x1F0F0];
	_ =	sdelay $0x1  }
0x4e7: {  	v0 =	vsel vm10, v0, v42  }
0x4e8: {  	v0 =	vsel vm11, v0, v63;
	v1 =	vsel vm14, v1, v2;
	v2 =	vsel vm9, v41, v26  }
0x4e9: {  	v32 =	vsel vm13, v43, v60;
	(xrf0) =	vmax.scan.msk.f32 $0xffff, v0;
	v1 =	vsel vm12, v2, v1;
	vm14 =	vnez.u8 v3  }
0x4ea: {  	v1 =	vsel vm8, v32, v1;
	v2 =	vsel vm14, v37, v33  }
0x4eb: {  	v34 =	vsel vm5, v48, v45;
	v1 =	vsel vm7, v2, v1  }
0x4ec: {  	v36 =	vsel vm2, v35, v46;
	v1 =	vsel vm6, v34, v1  }
0x4ed: {  	v37 =	vsel vm0, v49, v44;
	v1 =	vsel vm1, v36, v1  }
0x4ee: {  	v39 =	vsel vm15, v27, v39;
	v1 =	vsel vm3, v37, v1  }
0x4ef: {  	v41, _, _ =	vpop (xrf0);
	v1 =	vsel vm4, v39, v1  }
0x4f0: {  	v2 =	vbroadcast v41, $0xF;
	v1 =	vsel vm10, v1, v25  }
0x4f1: {  	v1 =	vsel vm11, v1, v24  }
0x4f2: {  	vm9 =	veq.f32 v0, v2;
	v45 =	vxor.u32 $0x80000000, v1  }
0x4f3: {  	v0 =	vnsel vm9, $0xC0000000, v45  }
0x4f4: {  	(xrf0) =	vmin.scan.msk.u32 $0xffff, v0;
	_ =	sdelay $0x5  }
0x4f5: {  	v0, _, _ =	vpop (xrf0)  }
0x4f6: {  	(v2sf) =	vpush v0, $0xF;
	_ =	sdelay $0xe  }
0x4f7: {  	s28 =	spop (v2sf)  }
0x4f8: {  	v52 =	vld [tilespmem:$0x1FF50];
	s16 =	sxor.u32 $0x80000000, s28  }
0x4f9: {  	v54 =	vld [tilespmem:$0x1FF60];
	p0 =	slt.s32 s16, $0x13FF  }
0x4fa: {  	v30 =	vld [tilespmem:$0x1FF40];
	s16 =	simm.s32 @!p0 $0x13FF  }
0x4fb: {  	v53 =	vld [tilespmem:$0x1FF70];
	s16 =	scvt.s32.f32 s16  }
0x4fc: {  	v56 =	vld [tilespmem:$0x1FF80]  }
0x4fd: {  	p5 =	sgt.f32 s20, $-Inf;
	v51 =	vld [tilespmem:$0x1F370];
	vm10 =	vcmask $0x1714;
	p0 =	slt.f32 s20, $-Inf;
	v46 =	vmov s16  }
0x4fe: {  	vm11 =	vcmask $0x1310;
	v1 =	vld [tilespmem:$0x1F110];
	v0 =	vnsel vm10, $0x0, v46  }
0x4ff: {  	p0 =	por p5, p0;
	v0 =	vsel vm11, v2, v0;
	v2 =	vld [tilespmem:$0x1F130]  }
0x500: {  	v58 =	vld [tilespmem:$0x1FF90];
	p0 =	por !p0, !p0  }
0x501: {  	v59 =	vld [tilespmem:$0x1F390];
	p5 =	por p1, p0  }
0x502: {  	v28 =	vld [tilespmem:$0x1FEF0];
	vm0 =	vcmask @!p5 $0x3F14  }
0x503: {  	v16 =	vld [tilespmem:$0x1FE80];
	v1 =	vsel @!p5 vm0, $0x0, v1;
	vm0 =	vcmask @!p5 $0x3F10  }
0x504: {  	v1 =	vsel @!p5 vm0, v1, v2;
	v2 =	vld [tilespmem:$0x1F140]  }
0x505: {  	v47 =	vld [tilespmem:$0x1FBC0]  }
0x506: {  	v62 =	vld [tilespmem:$0x1FC30]  }
0x507: {  	p6 =	slt.s32 s15, $0x13FF;
	v60 =	vld [tilespmem:$0x1FC00]  }
0x508: {  	s15 =	simm.s32 @!p6 $0x13FF;
	v63 =	vld [tilespmem:$0x1F120];
	vm0 =	vcmask @!p5 $0x3F0C  }
0x509: {  	s29 =	scvt.s32.f32 s15;
	v1 =	vsel @!p5 vm0, v1, v2;
	v2 =	vld [tilespmem:$0x1F150]  }
0x50a: {  	v18 =	vld [tilespmem:$0x1FFD0];
	vm12 =	vnez.u8 v47  }
0x50b: {  	s14 =	scvt.s32.f32 s14;
	v55 =	vld [tilespmem:$0x1FF10];
	vm13 =	vcmask $0xB08;
	v0 =	vsel vm12, s29, v0  }
0x50c: {  	v38 =	vld [tilespmem:$0x1FEA0];
	vm14 =	vnez.u8 v60;
	v0 =	vsel vm13, v50, v0  }
0x50d: {  	v61 =	vld [tilespmem:$0x1FEE0];
	vm15 =	vnez.u8 v62;
	v0 =	vsel vm14, s14, v0;
	vm0 =	vcmask @!p5 $0x3F08  }
0x50e: {  	v0 =	vsel vm15, v63, v0;
	v1 =	vsel @!p5 vm0, v1, v2;
	v2 =	vld [tilespmem:$0x1F160]  }
0x50f: {  	p0 =	sgt.f32 @!p5 s12, s13;
	[tilespmem:$0x5180] =	vst v0;
	v0 =	vld [tilespmem:$0x1F170]  }
0x510: {  	v48 =	vld [tilespmem:$0x1FF00]  }
0x511: {  	s30 =	sshrl.u32 s7, $0x1F;
	v43 =	vld [tilespmem:$0x1FEC0];
	p6 =	por !p0, p5  }
0x512: {  	s31 =	sadd.s32 s30, s7;
	v40 =	vld [tilespmem:$0x1FE90];
	vm1 =	vcmask @!p6 $0x3F14  }
0x513: {  	s11 =	sand.u32 $0x7FFFFE, s31;
	v4 =	vld [tilespmem:$0x1FFF0];
	vm0 =	vcmask @!p6 $0x3F10;
	v2 =	vsel @!p6 vm1, $0x0, v2  }
0x514: {  	s11 =	ssub.s32 s7, s11;
	v0 =	vsel @!p6 vm0, v2, v0;
	v2 =	vld [tilespmem:$0x1F180]  }
0x515: {  	s11 =	sshll.u32 s11, $0x9;
	v42 =	vld [tilespmem:$0x1FEB0]  }
0x516: {  	s11 =	sshra.s32 s11, $0x2;
	v49 =	vld [tilespmem:$0x1FF20]  }
0x517: {  	s11 =	sadd.s32 s11, s4;
	v44 =	vld [tilespmem:$0x1FED0]  }
0x518: {  	v50 =	vld [tilespmem:$0x1FF30];
	[spmem:s11] =	stream.linear.scatter [tilespmem:s5], [sflag:$0x2], $0x8, $0x38;
	vm0 =	vmmov @!p5 $0x1  }
0x519: {  	v1 =	vsel @!p5 vm0, v2, v1;
	v2 =	vld [tilespmem:$0x1F190];
	_ =	swait.ge [sflag:s6], $0x8  }
0x51a: {  	v3 =	vld [tilespmem:$0x1F1B0];
	_ =	sdelay $0x2  }
0x51b: {  	vm1 =	vcmask @!p6 $0x3F0C  }
0x51c: {  	v0 =	vsel @!p6 vm1, v0, v2;
	vm1 =	vcmask @!p6 $0x3F08;
	v2 =	vld [tilespmem:$0x1F1A0]  }
0x51d: {  	v0 =	vsel @!p6 vm1, v0, v3;
	v3 =	vld [tilespmem:$0x1F1C0]  }
0x51e: {  	p0 =	por @!p5 !p4, !p0  }
0x51f: {  	p4 =	por p0, p5  }
0x520: {  	vm0 =	vcmask @!p4 $0x3F14  }
0x521: {  	s11 =	sshll.u32 @!p5 s10, $0x4;
	[sflag:s6] =	ssyncset.done $0x0;
	v2 =	vsel @!p4 vm0, $0x0, v2;
	vm0 =	vcmask @!p4 $0x3F10  }
0x522: {  	s11 =	sand.u32 @!p5 $0x3FFFFFF0, s11;
	[sflag:s6] =	ssyncadd.s32 $0xFFFFFFF8;
	v2 =	vsel @!p4 vm0, v2, v3;
	v3 =	vld [tilespmem:$0x1F1D0]  }
0x523: {  	[tilespmem:s11+$0x5280] =	vst @!p5 v1;
	v1 =	vld [tilespmem:$0x1F1E0];
	_ =	sdelay $0x2  }
0x524: {  	vm0 =	vcmask @!p4 $0x3F0C  }
0x525: {  	v2 =	vsel @!p4 vm0, v2, v3;
	vm0 =	vmmov @!p6 $0x1  }
0x526: {  	v0 =	vsel @!p6 vm0, v1, v0;
	v1 =	vld [tilespmem:$0x1F1F0]  }
0x527: {  	[tilespmem:s11+$0x5290] =	vst @!p6 v0;
	v0 =	vld [tilespmem:$0x1F200];
	_ =	sdelay $0x2  }
0x528: {  	vm1 =	vcmask @!p4 $0x3F08  }
0x529: {  	vm0 =	vmmov @!p4 $0x1;
	v1 =	vsel @!p4 vm1, v2, v1  }
0x52a: {  	v0 =	vsel @!p4 vm0, v0, v1  }
0x52b: {  	[tilespmem:s11+$0x52A0] =	vst @!p4 v0  }
0x52c: {  	[bflag:$0x0] =	sbarrier.arrive $0xFFFF  }
0x52d: {  	s11 =	rddreg [dreg:$0x5]  }
0x52e: {  	s11 =	simm.s32 @!p3 $0x2  }
0x52f: {  	s11 =	simm.s32 @!p2 $0x1  }
0x530: {  	s10 =	sadd.s32 s10, s11  }
0x531: {  	p0 =	slt.u32 s10, $0x32  }
.Ltmp4:
0x532: {  	_ = 	snop;
	(pc) =	sbr.rel @p0 .LBB2_6-.Ltmp4, $2  }
0x533: {  	_ =	sdelay $0x2  }
0x534: {  	s7 =	sadd.s32 $0x1, s7  }
0x535: {  	s3 =	sld [smem:$0x7FD];
	_ =	sdelay $0x2  }
0x536: {  	p0 =	seq.s32 s3, $0x1  }
0x537: {  	s3 =	simm.s32 @p0 $0x0;
	s4 =	simm.s32 @p0 $0x5280  }
0x538: {  	[hbm4b:s1+s3] =	stream.linear.scatter @p0 [tilespmem:s4], [sflag:$0x2], $0x400, $0x38;
	[tilespmem:$0x5690] =	vst v63  }
0x539: {  	s1 =	simm.s32 @p0 $0x2  }
0x53a: {  	_ =	swait.ge @p0 [sflag:s1], $0x400  }
0x53b: {  	[sflag:s1] =	ssyncset.done @p0 $0x0  }
0x53c: {  	[sflag:s1] =	ssyncadd.s32 @p0 $0xFFFFFC00  }
.LBB2_8:
0x53d: {  	_ =	sfence.sel $0x180000  }
0x53e: {  	[bflag:$0x0] =	sbarrier.arrive $0xFFFF  }
0x53f: {  	p0 =	sne.s32 s2, $0x0;
	_ =	strace $0x90000047  }
0x540: {  	s0 =	sadd.s32 @!p0 $0x100000, s0;
	[bflag:$0x2] =	sbarrier.arrive $0xFFFF  }
0x541: {  	[sflag:s0] =	ssyncadd.tile.s32 @!p0 $0x1;
	_ =	shalt  }
.Lfunc_end2:
_tile_overlayer_lowered:
.L_overlay_start_2:
0x542: {  	(tag) =	ssettag $0x2  }
0x543: {  	s0 =	rddreg [dreg:$0x0];
	s2 =	stileid.u32  }
0x544: {  	s1 =	rddreg [dreg:$0x1];
	p0 =	sne.s32 s2, $0x0  }
0x545: {  	s3 =	rddreg [dreg:$0x2];
	[bflag:$0x3] =	sbarrier.arrive $0xFFFF;
	s2 =	simm.s32 @!p0 $0x1C02  }
0x546: {  	[timem:s3], [sflag:s2] =	dma.local @!p0 [hbm:s0], s1  }
0x547: {  	s0 =	simm.s32 @!p0 $0x2  }
0x548: {  	_ =	swait.ge @!p0 [sflag:s0], s1  }
0x549: {  	s1 =	ssub.s32 @!p0 $0x0, s1;
	[sflag:s0] =	ssyncset.done @!p0 $0x0  }
0x54a: {  	[sflag:s0] =	ssyncadd.s32 @!p0 s1  }
0x54b: {  	[bflag:$0x3] =	sbarrier.arrive $0xFFFF  }
0x54c: {  	_ =	shalt  }

</sc_bundles>
